<compile_context>
chip_gen: v7x
topology: tpu7x:2x2x1
jax: 0.10.2.dev20260603
libtpu: 0.0.44.dev20260713+nightly
codegen_flags: <defaults>
</compile_context>

<pallas_src>
import functools

import jax
import jax.numpy as jnp
from jax import lax
from jax.experimental import pallas as pl
from jax.experimental.pallas import tpu as pltpu
from jax.experimental.pallas import tpu_sc as plsc

N = 10000
D = 128
E = 320000
NC, NS, L = 2, 16, 16
NW = NC * NS
EPW = E // NW
C = 80
NCH = EPW // C
G = C // L
NBUF = 5
NO = NCH // NBUF
EPS = 1e-6


def _normalize_body(z_ref, out_ref):
    z = z_ref[...]
    n = jnp.sqrt(jnp.sum(z * z, axis=1, keepdims=True))
    out_ref[...] = z / n


def _normalize(z):
    blk = N // 10
    return pl.pallas_call(
        _normalize_body,
        out_shape=jax.ShapeDtypeStruct((N, D), jnp.float32),
        grid=(10,),
        in_specs=[pl.BlockSpec((blk, D), lambda i: (i, 0))],
        out_specs=pl.BlockSpec((blk, D), lambda i: (i, 0)),
    )(z)


def _rsqrt_newton(x):
    xi = plsc.bitcast(x, jnp.int32)
    yi = jnp.int32(0x5F3759DF) - (xi >> 1)
    y = plsc.bitcast(yi, jnp.float32)
    for _ in range(3):
        y = y * (1.5 - 0.5 * x * y * y)
    return y


def _edge_body(zn_hbm, src_hbm, dst_hbm, out_hbm, si_v, di_v, a_bufs, b_bufs,
               o_v, sems, o_sem):
    wid = lax.axis_index("s") * NC + lax.axis_index("c")
    base = pl.multiple_of(wid * EPW, 8)
    pltpu.sync_copy(src_hbm.at[pl.ds(base, EPW)], si_v)
    pltpu.sync_copy(dst_hbm.at[pl.ds(base, EPW)], di_v)

    row16 = lax.iota(jnp.int32, 16)

    def fire(j, b):
        off = pl.multiple_of(j * C, 8)
        pltpu.async_copy(zn_hbm.at[si_v.at[pl.ds(off, C)]], a_bufs[b], sems[b])
        pltpu.async_copy(zn_hbm.at[di_v.at[pl.ds(off, C)]], b_bufs[b], sems[b])

    def drain(b):
        pltpu.make_async_copy(
            zn_hbm.at[si_v.at[pl.ds(0, C)]], a_bufs[b], sems[b]).wait()
        pltpu.make_async_copy(
            zn_hbm.at[di_v.at[pl.ds(0, C)]], b_bufs[b], sems[b]).wait()

    def o_dst(t):
        return out_hbm.at[pl.ds(pl.multiple_of(base + t * (NBUF * C), 8),
                                NBUF * C)]

    def compute(b):
        a_v, b_v = a_bufs[b], b_bufs[b]

        def gbody(g, carry):
            def quad(qq, x):
                for u4 in range(4):
                    u = qq * 4 + u4
                    e = g * L + u
                    acc = None
                    for kk in range(8):
                        va = a_v[e, pl.ds(kk * L, L)]
                        vb = b_v[e, pl.ds(kk * L, L)]
                        t = va - vb + EPS
                        p = t * t
                        acc = p if acc is None else acc + p
                    x = jnp.where(row16 == u, jnp.sum(acc), x)
                return x

            x = lax.fori_loop(0, 4, quad, jnp.zeros((16,), jnp.float32))
            d = x * _rsqrt_newton(x)
            o = 1.0 / (1.0 + jnp.exp(d - 1.0))
            o_v[pl.ds(b * C + g * L, L)] = o
            return carry

        lax.fori_loop(0, G, gbody, 0)

    for b in range(NBUF):
        fire(b, b)

    def outer(t, carry):
        @pl.when(t > 0)
        def _():
            pltpu.make_async_copy(o_v, o_dst(0), o_sem).wait()

        for b in range(NBUF):
            j = t * NBUF + b
            drain(b)
            compute(b)

            @pl.when(j + NBUF < NCH)
            def _():
                fire(j + NBUF, b)

        pltpu.async_copy(o_v, o_dst(t), o_sem)
        return carry

    lax.fori_loop(0, NO, outer, 0)
    pltpu.make_async_copy(o_v, o_dst(0), o_sem).wait()


_edge_kernel = functools.partial(
    pl.kernel,
    out_type=jax.ShapeDtypeStruct((E,), jnp.float32),
    mesh=plsc.VectorSubcoreMesh(
        core_axis_name="c", subcore_axis_name="s", num_cores=NC, num_subcores=NS
    ),
    scratch_types=[
        pltpu.VMEM((EPW,), jnp.int32),
        pltpu.VMEM((EPW,), jnp.int32),
        [pltpu.VMEM((C, D), jnp.float32) for _ in range(NBUF)],
        [pltpu.VMEM((C, D), jnp.float32) for _ in range(NBUF)],
        pltpu.VMEM((NBUF * C,), jnp.float32),
        [pltpu.SemaphoreType.DMA for _ in range(NBUF)],
        pltpu.SemaphoreType.DMA,
    ],
    compiler_params=pltpu.CompilerParams(needs_layout_passes=False),
)(_edge_body)


@jax.jit
def kernel(z, edge_index):
    zn = _normalize(z)
    return _edge_kernel(zn, edge_index[0], edge_index[1])

# --- scband reference (transcript-rebuilt; emitter-appended) ---
"""Pipeline reference for scband-euclidean-distance-hash-decoder-74105365725424 (READ-ONLY COPY).

The authoritative reference and input builder live on the scoring server;
editing this copy changes nothing except your own understanding.
"""

import jax, jax.numpy as jnp
import numpy as np


def setup_inputs(seed: int = 0) -> dict:
    key = jax.random.key(seed)
    k1, k2 = jax.random.split(key)
    z = jax.random.normal(k1, (10000, 128), dtype=jnp.float32)
    edge_index = jax.random.randint(k2, (2, 320000), 0, 10000, dtype=jnp.int32)
    return {"z": z, "edge_index": edge_index}


def reference(z, edge_index):
    # Gather endpoint embeddings (memory-bound gathers)
    a = jnp.take(z, edge_index[0], axis=0)
    b = jnp.take(z, edge_index[1], axis=0)
    # _norm_batch: row-normalize to unit norm (default normalize=True)
    a = a / jnp.linalg.norm(a, axis=1)[:, None]
    b = b / jnp.linalg.norm(b, axis=1)[:, None]
    # F.pairwise_distance(a, b, p=2) with default eps=1e-6
    distance = jnp.linalg.norm(a - b + 1e-6, axis=1)
    value = 1.0 - distance
    # default sigmoid=True
    return jax.nn.sigmoid(value)

if __name__ == "__main__":
    import jax
    _d = setup_inputs()
    print(jax.jit(kernel)(*tuple(_d.values())))

</pallas_src>

<mosaic_0001>
#map = affine_map<(d0, d1) -> (0, 0)>
#map1 = affine_map<(d0, d1) -> (0)>
module attributes {stable_mosaic.version = 14 : i64} {
  func.func @_edge_body(%arg0: i32, %arg1: i32, %arg2: memref<10000x128xf32, #tpu.memory_space<hbm>>, %arg3: memref<320000xi32, #tpu.memory_space<hbm>>, %arg4: memref<320000xi32, #tpu.memory_space<hbm>>, %arg5: memref<320000xf32, #tpu.memory_space<hbm>>, %arg6: memref<10000xi32, #tpu.memory_space<vmem>>, %arg7: memref<10000xi32, #tpu.memory_space<vmem>>, %arg8: memref<80x128xf32, #tpu.memory_space<vmem>>, %arg9: memref<80x128xf32, #tpu.memory_space<vmem>>, %arg10: memref<80x128xf32, #tpu.memory_space<vmem>>, %arg11: memref<80x128xf32, #tpu.memory_space<vmem>>, %arg12: memref<80x128xf32, #tpu.memory_space<vmem>>, %arg13: memref<80x128xf32, #tpu.memory_space<vmem>>, %arg14: memref<80x128xf32, #tpu.memory_space<vmem>>, %arg15: memref<80x128xf32, #tpu.memory_space<vmem>>, %arg16: memref<80x128xf32, #tpu.memory_space<vmem>>, %arg17: memref<80x128xf32, #tpu.memory_space<vmem>>, %arg18: memref<400xf32, #tpu.memory_space<vmem>>, %arg19: memref<!tpu.dma_semaphore, #tpu.memory_space<semaphore_mem>>, %arg20: memref<!tpu.dma_semaphore, #tpu.memory_space<semaphore_mem>>, %arg21: memref<!tpu.dma_semaphore, #tpu.memory_space<semaphore_mem>>, %arg22: memref<!tpu.dma_semaphore, #tpu.memory_space<semaphore_mem>>, %arg23: memref<!tpu.dma_semaphore, #tpu.memory_space<semaphore_mem>>, %arg24: memref<!tpu.dma_semaphore, #tpu.memory_space<semaphore_mem>>) attributes {dimension_semantics = [#tpu.dimension_semantics<core_parallel>, #tpu.dimension_semantics<subcore_parallel>], iteration_bounds = array<i64: 2, 16>, scalar_prefetch = 0 : i64, scratch_operands = 19 : i64, tpu.core_type = #tpu.core_type<sc_vector_subcore>, window_params = [{transform_indices = #map}, {transform_indices = #map1}, {transform_indices = #map1}, {transform_indices = #map1}]} {
    %mul3A = arith.constant 2 : i32
    %mul3A_0 = arith.muli %arg1, %mul3A : i32
    %add3A = arith.addi %mul3A_0, %arg0 : i32
    %mul3A_1 = arith.constant 10000 : i32
    %mul3A_2 = arith.muli %add3A, %mul3A_1 : i32
    %multiple_of3A = tpu.assume_multiple %mul3A_2, 8 : i32
    "tpu.region"() ({
      %run_scoped3A = tpu.sem_alloc : memref<!tpu.dma_semaphore, #tpu.memory_space<semaphore_mem>>
      %dma_start3A_61 = tpu.memref_slice %arg3[%multiple_of3A] : memref<320000xi32, #tpu.memory_space<hbm>> -> memref<10000xi32, #tpu.memory_space<hbm>>
      %dma_start3A_62 = tpu.memref_slice %arg3[%multiple_of3A] : memref<320000xi32, #tpu.memory_space<hbm>> -> memref<10000xi32, #tpu.memory_space<hbm>>
      tpu.enqueue_dma source(%dma_start3A_62 : memref<10000xi32, #tpu.memory_space<hbm>>) target(%arg6 : memref<10000xi32, #tpu.memory_space<vmem>>) target_semaphore(%run_scoped3A : memref<!tpu.dma_semaphore, #tpu.memory_space<semaphore_mem>>)
      %dma_wait3A_63 = tpu.memref_slice %arg3[%multiple_of3A] : memref<320000xi32, #tpu.memory_space<hbm>> -> memref<10000xi32, #tpu.memory_space<hbm>>
      %dma_wait3A_64 = tpu.memref_slice %arg3[%multiple_of3A] : memref<320000xi32, #tpu.memory_space<hbm>> -> memref<10000xi32, #tpu.memory_space<hbm>>
      tpu.wait_dma2 semaphore(%run_scoped3A : memref<!tpu.dma_semaphore, #tpu.memory_space<semaphore_mem>>) src(%dma_wait3A_64 : memref<10000xi32, #tpu.memory_space<hbm>>) dst(%arg6 : memref<10000xi32, #tpu.memory_space<vmem>>)
      tpu.yield
    }) : () -> ()
    "tpu.region"() ({
      %run_scoped3A = tpu.sem_alloc : memref<!tpu.dma_semaphore, #tpu.memory_space<semaphore_mem>>
      %dma_start3A_61 = tpu.memref_slice %arg4[%multiple_of3A] : memref<320000xi32, #tpu.memory_space<hbm>> -> memref<10000xi32, #tpu.memory_space<hbm>>
      %dma_start3A_62 = tpu.memref_slice %arg4[%multiple_of3A] : memref<320000xi32, #tpu.memory_space<hbm>> -> memref<10000xi32, #tpu.memory_space<hbm>>
      tpu.enqueue_dma source(%dma_start3A_62 : memref<10000xi32, #tpu.memory_space<hbm>>) target(%arg7 : memref<10000xi32, #tpu.memory_space<vmem>>) target_semaphore(%run_scoped3A : memref<!tpu.dma_semaphore, #tpu.memory_space<semaphore_mem>>)
      %dma_wait3A_63 = tpu.memref_slice %arg4[%multiple_of3A] : memref<320000xi32, #tpu.memory_space<hbm>> -> memref<10000xi32, #tpu.memory_space<hbm>>
      %dma_wait3A_64 = tpu.memref_slice %arg4[%multiple_of3A] : memref<320000xi32, #tpu.memory_space<hbm>> -> memref<10000xi32, #tpu.memory_space<hbm>>
      tpu.wait_dma2 semaphore(%run_scoped3A : memref<!tpu.dma_semaphore, #tpu.memory_space<semaphore_mem>>) src(%dma_wait3A_64 : memref<10000xi32, #tpu.memory_space<hbm>>) dst(%arg7 : memref<10000xi32, #tpu.memory_space<vmem>>)
      tpu.yield
    }) : () -> ()
    %iota3A = tpu.iota {dimensions = array<i32: 0>} : vector<16xi32>
    %multiple_of3A_3 = arith.constant 0 : i32
    %multiple_of3A_4 = tpu.assume_multiple %multiple_of3A_3, 8 : i32
    %dma_start3A = tpu.memref_slice %arg6[%multiple_of3A_4] : memref<10000xi32, #tpu.memory_space<vmem>> -> memref<80xi32, #tpu.memory_space<vmem>>
    %dma_start3A_5 = arith.constant 0 : i32
    %dma_start3A_6 = arith.constant 0 : i32
    %dma_start3A_7 = tpu.memref_slice %arg2[%dma_start3A_5, %dma_start3A_6] : memref<10000x128xf32, #tpu.memory_space<hbm>> -> memref<10000x128xf32, #tpu.memory_space<hbm>>
    tpu.enqueue_indirect_dma source(%dma_start3A_7 : memref<10000x128xf32, #tpu.memory_space<hbm>>) target(%arg8 : memref<80x128xf32, #tpu.memory_space<vmem>>) offsets(%dma_start3A : memref<80xi32, #tpu.memory_space<vmem>>) semaphore(%arg19 : memref<!tpu.dma_semaphore, #tpu.memory_space<semaphore_mem>>)
    %dma_start3A_8 = tpu.memref_slice %arg7[%multiple_of3A_4] : memref<10000xi32, #tpu.memory_space<vmem>> -> memref<80xi32, #tpu.memory_space<vmem>>
    %dma_start3A_9 = arith.constant 0 : i32
    %dma_start3A_10 = arith.constant 0 : i32
    %dma_start3A_11 = tpu.memref_slice %arg2[%dma_start3A_9, %dma_start3A_10] : memref<10000x128xf32, #tpu.memory_space<hbm>> -> memref<10000x128xf32, #tpu.memory_space<hbm>>
    tpu.enqueue_indirect_dma source(%dma_start3A_11 : memref<10000x128xf32, #tpu.memory_space<hbm>>) target(%arg13 : memref<80x128xf32, #tpu.memory_space<vmem>>) offsets(%dma_start3A_8 : memref<80xi32, #tpu.memory_space<vmem>>) semaphore(%arg19 : memref<!tpu.dma_semaphore, #tpu.memory_space<semaphore_mem>>)
    %multiple_of3A_12 = arith.constant 80 : i32
    %multiple_of3A_13 = tpu.assume_multiple %multiple_of3A_12, 8 : i32
    %dma_start3A_14 = tpu.memref_slice %arg6[%multiple_of3A_13] : memref<10000xi32, #tpu.memory_space<vmem>> -> memref<80xi32, #tpu.memory_space<vmem>>
    %dma_start3A_15 = arith.constant 0 : i32
    %dma_start3A_16 = arith.constant 0 : i32
    %dma_start3A_17 = tpu.memref_slice %arg2[%dma_start3A_15, %dma_start3A_16] : memref<10000x128xf32, #tpu.memory_space<hbm>> -> memref<10000x128xf32, #tpu.memory_space<hbm>>
    tpu.enqueue_indirect_dma source(%dma_start3A_17 : memref<10000x128xf32, #tpu.memory_space<hbm>>) target(%arg9 : memref<80x128xf32, #tpu.memory_space<vmem>>) offsets(%dma_start3A_14 : memref<80xi32, #tpu.memory_space<vmem>>) semaphore(%arg20 : memref<!tpu.dma_semaphore, #tpu.memory_space<semaphore_mem>>)
    %dma_start3A_18 = tpu.memref_slice %arg7[%multiple_of3A_13] : memref<10000xi32, #tpu.memory_space<vmem>> -> memref<80xi32, #tpu.memory_space<vmem>>
    %dma_start3A_19 = arith.constant 0 : i32
    %dma_start3A_20 = arith.constant 0 : i32
    %dma_start3A_21 = tpu.memref_slice %arg2[%dma_start3A_19, %dma_start3A_20] : memref<10000x128xf32, #tpu.memory_space<hbm>> -> memref<10000x128xf32, #tpu.memory_space<hbm>>
    tpu.enqueue_indirect_dma source(%dma_start3A_21 : memref<10000x128xf32, #tpu.memory_space<hbm>>) target(%arg14 : memref<80x128xf32, #tpu.memory_space<vmem>>) offsets(%dma_start3A_18 : memref<80xi32, #tpu.memory_space<vmem>>) semaphore(%arg20 : memref<!tpu.dma_semaphore, #tpu.memory_space<semaphore_mem>>)
    %multiple_of3A_22 = arith.constant 160 : i32
    %multiple_of3A_23 = tpu.assume_multiple %multiple_of3A_22, 8 : i32
    %dma_start3A_24 = tpu.memref_slice %arg6[%multiple_of3A_23] : memref<10000xi32, #tpu.memory_space<vmem>> -> memref<80xi32, #tpu.memory_space<vmem>>
    %dma_start3A_25 = arith.constant 0 : i32
    %dma_start3A_26 = arith.constant 0 : i32
    %dma_start3A_27 = tpu.memref_slice %arg2[%dma_start3A_25, %dma_start3A_26] : memref<10000x128xf32, #tpu.memory_space<hbm>> -> memref<10000x128xf32, #tpu.memory_space<hbm>>
    tpu.enqueue_indirect_dma source(%dma_start3A_27 : memref<10000x128xf32, #tpu.memory_space<hbm>>) target(%arg10 : memref<80x128xf32, #tpu.memory_space<vmem>>) offsets(%dma_start3A_24 : memref<80xi32, #tpu.memory_space<vmem>>) semaphore(%arg21 : memref<!tpu.dma_semaphore, #tpu.memory_space<semaphore_mem>>)
    %dma_start3A_28 = tpu.memref_slice %arg7[%multiple_of3A_23] : memref<10000xi32, #tpu.memory_space<vmem>> -> memref<80xi32, #tpu.memory_space<vmem>>
    %dma_start3A_29 = arith.constant 0 : i32
    %dma_start3A_30 = arith.constant 0 : i32
    %dma_start3A_31 = tpu.memref_slice %arg2[%dma_start3A_29, %dma_start3A_30] : memref<10000x128xf32, #tpu.memory_space<hbm>> -> memref<10000x128xf32, #tpu.memory_space<hbm>>
    tpu.enqueue_indirect_dma source(%dma_start3A_31 : memref<10000x128xf32, #tpu.memory_space<hbm>>) target(%arg15 : memref<80x128xf32, #tpu.memory_space<vmem>>) offsets(%dma_start3A_28 : memref<80xi32, #tpu.memory_space<vmem>>) semaphore(%arg21 : memref<!tpu.dma_semaphore, #tpu.memory_space<semaphore_mem>>)
    %multiple_of3A_32 = arith.constant 240 : i32
    %multiple_of3A_33 = tpu.assume_multiple %multiple_of3A_32, 8 : i32
    %dma_start3A_34 = tpu.memref_slice %arg6[%multiple_of3A_33] : memref<10000xi32, #tpu.memory_space<vmem>> -> memref<80xi32, #tpu.memory_space<vmem>>
    %dma_start3A_35 = arith.constant 0 : i32
    %dma_start3A_36 = arith.constant 0 : i32
    %dma_start3A_37 = tpu.memref_slice %arg2[%dma_start3A_35, %dma_start3A_36] : memref<10000x128xf32, #tpu.memory_space<hbm>> -> memref<10000x128xf32, #tpu.memory_space<hbm>>
    tpu.enqueue_indirect_dma source(%dma_start3A_37 : memref<10000x128xf32, #tpu.memory_space<hbm>>) target(%arg11 : memref<80x128xf32, #tpu.memory_space<vmem>>) offsets(%dma_start3A_34 : memref<80xi32, #tpu.memory_space<vmem>>) semaphore(%arg22 : memref<!tpu.dma_semaphore, #tpu.memory_space<semaphore_mem>>)
    %dma_start3A_38 = tpu.memref_slice %arg7[%multiple_of3A_33] : memref<10000xi32, #tpu.memory_space<vmem>> -> memref<80xi32, #tpu.memory_space<vmem>>
    %dma_start3A_39 = arith.constant 0 : i32
    %dma_start3A_40 = arith.constant 0 : i32
    %dma_start3A_41 = tpu.memref_slice %arg2[%dma_start3A_39, %dma_start3A_40] : memref<10000x128xf32, #tpu.memory_space<hbm>> -> memref<10000x128xf32, #tpu.memory_space<hbm>>
    tpu.enqueue_indirect_dma source(%dma_start3A_41 : memref<10000x128xf32, #tpu.memory_space<hbm>>) target(%arg16 : memref<80x128xf32, #tpu.memory_space<vmem>>) offsets(%dma_start3A_38 : memref<80xi32, #tpu.memory_space<vmem>>) semaphore(%arg22 : memref<!tpu.dma_semaphore, #tpu.memory_space<semaphore_mem>>)
    %multiple_of3A_42 = arith.constant 320 : i32
    %multiple_of3A_43 = tpu.assume_multiple %multiple_of3A_42, 8 : i32
    %dma_start3A_44 = tpu.memref_slice %arg6[%multiple_of3A_43] : memref<10000xi32, #tpu.memory_space<vmem>> -> memref<80xi32, #tpu.memory_space<vmem>>
    %dma_start3A_45 = arith.constant 0 : i32
    %dma_start3A_46 = arith.constant 0 : i32
    %dma_start3A_47 = tpu.memref_slice %arg2[%dma_start3A_45, %dma_start3A_46] : memref<10000x128xf32, #tpu.memory_space<hbm>> -> memref<10000x128xf32, #tpu.memory_space<hbm>>
    tpu.enqueue_indirect_dma source(%dma_start3A_47 : memref<10000x128xf32, #tpu.memory_space<hbm>>) target(%arg12 : memref<80x128xf32, #tpu.memory_space<vmem>>) offsets(%dma_start3A_44 : memref<80xi32, #tpu.memory_space<vmem>>) semaphore(%arg23 : memref<!tpu.dma_semaphore, #tpu.memory_space<semaphore_mem>>)
    %dma_start3A_48 = tpu.memref_slice %arg7[%multiple_of3A_43] : memref<10000xi32, #tpu.memory_space<vmem>> -> memref<80xi32, #tpu.memory_space<vmem>>
    %dma_start3A_49 = arith.constant 0 : i32
    %dma_start3A_50 = arith.constant 0 : i32
    %dma_start3A_51 = tpu.memref_slice %arg2[%dma_start3A_49, %dma_start3A_50] : memref<10000x128xf32, #tpu.memory_space<hbm>> -> memref<10000x128xf32, #tpu.memory_space<hbm>>
    tpu.enqueue_indirect_dma source(%dma_start3A_51 : memref<10000x128xf32, #tpu.memory_space<hbm>>) target(%arg17 : memref<80x128xf32, #tpu.memory_space<vmem>>) offsets(%dma_start3A_48 : memref<80xi32, #tpu.memory_space<vmem>>) semaphore(%arg23 : memref<!tpu.dma_semaphore, #tpu.memory_space<semaphore_mem>>)
    %scan3A = arith.constant 0 : i32
    %scan3A_52 = arith.constant 0 : i32
    %scan3A_53 = arith.constant 25 : i32
    %scan3A_54 = arith.addi %scan3A_52, %scan3A_53 : i32
    %scan3A_55 = arith.constant 1 : i32
    scf.for %scan3A_61 = %scan3A_52 to %scan3A_54 step %scan3A_55  : i32 {
      %gt3A = arith.constant 0 : i32
      %gt3A_62 = arith.cmpi sgt, %scan3A_61, %gt3A : i32
      %convert_element_type3A = arith.extui %gt3A_62 : i1 to i32
      %cond3A = arith.constant 0 : i32
      %cond3A_63 = arith.cmpi ne, %convert_element_type3A, %cond3A : i32
      scf.if %cond3A_63 {
        %add3A_204 = arith.constant 0 : i32
        %add3A_205 = arith.addi %multiple_of3A, %add3A_204 : i32
        %multiple_of3A_206 = tpu.assume_multiple %add3A_205, 8 : i32
        %dma_wait3A_207 = tpu.memref_slice %arg5[%multiple_of3A_206] : memref<320000xf32, #tpu.memory_space<hbm>> -> memref<400xf32, #tpu.memory_space<hbm>>
        %dma_wait3A_208 = tpu.memref_slice %arg5[%multiple_of3A_206] : memref<320000xf32, #tpu.memory_space<hbm>> -> memref<400xf32, #tpu.memory_space<hbm>>
        tpu.wait_dma2 semaphore(%arg24 : memref<!tpu.dma_semaphore, #tpu.memory_space<semaphore_mem>>) src(%arg18 : memref<400xf32, #tpu.memory_space<vmem>>) dst(%dma_wait3A_208 : memref<400xf32, #tpu.memory_space<hbm>>)
      } else {
      }
      %mul3A_64 = arith.constant 5 : i32
      %mul3A_65 = arith.muli %scan3A_61, %mul3A_64 : i32
      %add3A_66 = arith.constant 0 : i32
      %add3A_67 = arith.addi %mul3A_65, %add3A_66 : i32
      %dma_wait3A_68 = arith.constant 0 : i32
      %dma_wait3A_69 = tpu.memref_slice %arg6[%dma_wait3A_68] : memref<10000xi32, #tpu.memory_space<vmem>> -> memref<80xi32, #tpu.memory_space<vmem>>
      %dma_wait3A_70 = arith.constant 0 : i32
      %dma_wait3A_71 = arith.constant 0 : i32
      %dma_wait3A_72 = tpu.memref_slice %arg2[%dma_wait3A_70, %dma_wait3A_71] : memref<10000x128xf32, #tpu.memory_space<hbm>> -> memref<10000x128xf32, #tpu.memory_space<hbm>>
      tpu.wait_indirect_dma semaphore(%arg19 : memref<!tpu.dma_semaphore, #tpu.memory_space<semaphore_mem>>) src(%dma_wait3A_72 : memref<10000x128xf32, #tpu.memory_space<hbm>>) dst(%arg8 : memref<80x128xf32, #tpu.memory_space<vmem>>)
      %dma_wait3A_73 = arith.constant 0 : i32
      %dma_wait3A_74 = tpu.memref_slice %arg7[%dma_wait3A_73] : memref<10000xi32, #tpu.memory_space<vmem>> -> memref<80xi32, #tpu.memory_space<vmem>>
      %dma_wait3A_75 = arith.constant 0 : i32
      %dma_wait3A_76 = arith.constant 0 : i32
      %dma_wait3A_77 = tpu.memref_slice %arg2[%dma_wait3A_75, %dma_wait3A_76] : memref<10000x128xf32, #tpu.memory_space<hbm>> -> memref<10000x128xf32, #tpu.memory_space<hbm>>
      tpu.wait_indirect_dma semaphore(%arg19 : memref<!tpu.dma_semaphore, #tpu.memory_space<semaphore_mem>>) src(%dma_wait3A_77 : memref<10000x128xf32, #tpu.memory_space<hbm>>) dst(%arg13 : memref<80x128xf32, #tpu.memory_space<vmem>>)
      %scan3A_78 = arith.constant 0 : i32
      %scan3A_79 = arith.constant 0 : i32
      %scan3A_80 = arith.constant 5 : i32
      %scan3A_81 = arith.addi %scan3A_79, %scan3A_80 : i32
      %scan3A_82 = arith.constant 1 : i32
      scf.for %scan3A_204 = %scan3A_79 to %scan3A_81 step %scan3A_82  : i32 {
        %broadcast_in_dim3A = arith.constant 0.000000e+00 : f32
        %broadcast_in_dim3A_205 = vector.broadcast %broadcast_in_dim3A : f32 to vector<16xf32>
        %scan3A_206 = arith.constant 0 : i32
        %scan3A_207 = arith.constant 4 : i32
        %scan3A_208 = arith.addi %scan3A_206, %scan3A_207 : i32
        %scan3A_209 = arith.constant 1 : i32
        %scan3A_210 = scf.for %scan3A_258 = %scan3A_206 to %scan3A_208 step %scan3A_209 iter_args(%scan3A_259 = %broadcast_in_dim3A_205) -> (vector<16xf32>)  : i32 {
          %mul3A_260 = arith.constant 4 : i32
          %mul3A_261 = arith.muli %scan3A_258, %mul3A_260 : i32
          %add3A_262 = arith.constant 0 : i32
          %add3A_263 = arith.addi %mul3A_261, %add3A_262 : i32
          %mul3A_264 = arith.constant 16 : i32
          %mul3A_265 = arith.muli %scan3A_204, %mul3A_264 : i32
          %add3A_266 = arith.addi %mul3A_265, %add3A_263 : i32
          %get3A = arith.index_cast %add3A_266 : i32 to index
          %get3A_267 = arith.constant 0 : index
          %get3A_268 = tpu.vector_load %arg8[%get3A, %get3A_267] {strides = array<i32>} : memref<80x128xf32, #tpu.memory_space<vmem>>, vector<16xf32>,
          %get3A_269 = arith.index_cast %add3A_266 : i32 to index
          %get3A_270 = arith.constant 0 : index
          %get3A_271 = tpu.vector_load %arg13[%get3A_269, %get3A_270] {strides = array<i32>} : memref<80x128xf32, #tpu.memory_space<vmem>>, vector<16xf32>,
          %sub3A_272 = arith.subf %get3A_268, %get3A_271 : vector<16xf32>
          %add3A_273 = arith.constant 9.99999997E-7 : f32
          %add3A_274 = vector.broadcast %add3A_273 : f32 to vector<16xf32>
          %add3A_275 = arith.addf %sub3A_272, %add3A_274 : vector<16xf32>
          %mul3A_276 = arith.mulf %add3A_275, %add3A_275 : vector<16xf32>
          %get3A_277 = arith.index_cast %add3A_266 : i32 to index
          %get3A_278 = arith.constant 16 : index
          %get3A_279 = tpu.vector_load %arg8[%get3A_277, %get3A_278] {strides = array<i32>} : memref<80x128xf32, #tpu.memory_space<vmem>>, vector<16xf32>,
          %get3A_280 = arith.index_cast %add3A_266 : i32 to index
          %get3A_281 = arith.constant 16 : index
          %get3A_282 = tpu.vector_load %arg13[%get3A_280, %get3A_281] {strides = array<i32>} : memref<80x128xf32, #tpu.memory_space<vmem>>, vector<16xf32>,
          %sub3A_283 = arith.subf %get3A_279, %get3A_282 : vector<16xf32>
          %add3A_284 = arith.constant 9.99999997E-7 : f32
          %add3A_285 = vector.broadcast %add3A_284 : f32 to vector<16xf32>
          %add3A_286 = arith.addf %sub3A_283, %add3A_285 : vector<16xf32>
          %mul3A_287 = arith.mulf %add3A_286, %add3A_286 : vector<16xf32>
          %add3A_288 = arith.addf %mul3A_276, %mul3A_287 : vector<16xf32>
          %get3A_289 = arith.index_cast %add3A_266 : i32 to index
          %get3A_290 = arith.constant 32 : index
          %get3A_291 = tpu.vector_load %arg8[%get3A_289, %get3A_290] {strides = array<i32>} : memref<80x128xf32, #tpu.memory_space<vmem>>, vector<16xf32>,
          %get3A_292 = arith.index_cast %add3A_266 : i32 to index
          %get3A_293 = arith.constant 32 : index
          %get3A_294 = tpu.vector_load %arg13[%get3A_292, %get3A_293] {strides = array<i32>} : memref<80x128xf32, #tpu.memory_space<vmem>>, vector<16xf32>,
          %sub3A_295 = arith.subf %get3A_291, %get3A_294 : vector<16xf32>
          %add3A_296 = arith.constant 9.99999997E-7 : f32
          %add3A_297 = vector.broadcast %add3A_296 : f32 to vector<16xf32>
          %add3A_298 = arith.addf %sub3A_295, %add3A_297 : vector<16xf32>
          %mul3A_299 = arith.mulf %add3A_298, %add3A_298 : vector<16xf32>
          %add3A_300 = arith.addf %add3A_288, %mul3A_299 : vector<16xf32>
          %get3A_301 = arith.index_cast %add3A_266 : i32 to index
          %get3A_302 = arith.constant 48 : index
          %get3A_303 = tpu.vector_load %arg8[%get3A_301, %get3A_302] {strides = array<i32>} : memref<80x128xf32, #tpu.memory_space<vmem>>, vector<16xf32>,
          %get3A_304 = arith.index_cast %add3A_266 : i32 to index
          %get3A_305 = arith.constant 48 : index
          %get3A_306 = tpu.vector_load %arg13[%get3A_304, %get3A_305] {strides = array<i32>} : memref<80x128xf32, #tpu.memory_space<vmem>>, vector<16xf32>,
          %sub3A_307 = arith.subf %get3A_303, %get3A_306 : vector<16xf32>
          %add3A_308 = arith.constant 9.99999997E-7 : f32
          %add3A_309 = vector.broadcast %add3A_308 : f32 to vector<16xf32>
          %add3A_310 = arith.addf %sub3A_307, %add3A_309 : vector<16xf32>
          %mul3A_311 = arith.mulf %add3A_310, %add3A_310 : vector<16xf32>
          %add3A_312 = arith.addf %add3A_300, %mul3A_311 : vector<16xf32>
          %get3A_313 = arith.index_cast %add3A_266 : i32 to index
          %get3A_314 = arith.constant 64 : index
          %get3A_315 = tpu.vector_load %arg8[%get3A_313, %get3A_314] {strides = array<i32>} : memref<80x128xf32, #tpu.memory_space<vmem>>, vector<16xf32>,
          %get3A_316 = arith.index_cast %add3A_266 : i32 to index
          %get3A_317 = arith.constant 64 : index
          %get3A_318 = tpu.vector_load %arg13[%get3A_316, %get3A_317] {strides = array<i32>} : memref<80x128xf32, #tpu.memory_space<vmem>>, vector<16xf32>,
          %sub3A_319 = arith.subf %get3A_315, %get3A_318 : vector<16xf32>
          %add3A_320 = arith.constant 9.99999997E-7 : f32
          %add3A_321 = vector.broadcast %add3A_320 : f32 to vector<16xf32>
          %add3A_322 = arith.addf %sub3A_319, %add3A_321 : vector<16xf32>
          %mul3A_323 = arith.mulf %add3A_322, %add3A_322 : vector<16xf32>
          %add3A_324 = arith.addf %add3A_312, %mul3A_323 : vector<16xf32>
          %get3A_325 = arith.index_cast %add3A_266 : i32 to index
          %get3A_326 = arith.constant 80 : index
          %get3A_327 = tpu.vector_load %arg8[%get3A_325, %get3A_326] {strides = array<i32>} : memref<80x128xf32, #tpu.memory_space<vmem>>, vector<16xf32>,
          %get3A_328 = arith.index_cast %add3A_266 : i32 to index
          %get3A_329 = arith.constant 80 : index
          %get3A_330 = tpu.vector_load %arg13[%get3A_328, %get3A_329] {strides = array<i32>} : memref<80x128xf32, #tpu.memory_space<vmem>>, vector<16xf32>,
          %sub3A_331 = arith.subf %get3A_327, %get3A_330 : vector<16xf32>
          %add3A_332 = arith.constant 9.99999997E-7 : f32
          %add3A_333 = vector.broadcast %add3A_332 : f32 to vector<16xf32>
          %add3A_334 = arith.addf %sub3A_331, %add3A_333 : vector<16xf32>
          %mul3A_335 = arith.mulf %add3A_334, %add3A_334 : vector<16xf32>
          %add3A_336 = arith.addf %add3A_324, %mul3A_335 : vector<16xf32>
          %get3A_337 = arith.index_cast %add3A_266 : i32 to index
          %get3A_338 = arith.constant 96 : index
          %get3A_339 = tpu.vector_load %arg8[%get3A_337, %get3A_338] {strides = array<i32>} : memref<80x128xf32, #tpu.memory_space<vmem>>, vector<16xf32>,
          %get3A_340 = arith.index_cast %add3A_266 : i32 to index
          %get3A_341 = arith.constant 96 : index
          %get3A_342 = tpu.vector_load %arg13[%get3A_340, %get3A_341] {strides = array<i32>} : memref<80x128xf32, #tpu.memory_space<vmem>>, vector<16xf32>,
          %sub3A_343 = arith.subf %get3A_339, %get3A_342 : vector<16xf32>
          %add3A_344 = arith.constant 9.99999997E-7 : f32
          %add3A_345 = vector.broadcast %add3A_344 : f32 to vector<16xf32>
          %add3A_346 = arith.addf %sub3A_343, %add3A_345 : vector<16xf32>
          %mul3A_347 = arith.mulf %add3A_346, %add3A_346 : vector<16xf32>
          %add3A_348 = arith.addf %add3A_336, %mul3A_347 : vector<16xf32>
          %get3A_349 = arith.index_cast %add3A_266 : i32 to index
          %get3A_350 = arith.constant 112 : index
          %get3A_351 = tpu.vector_load %arg8[%get3A_349, %get3A_350] {strides = array<i32>} : memref<80x128xf32, #tpu.memory_space<vmem>>, vector<16xf32>,
          %get3A_352 = arith.index_cast %add3A_266 : i32 to index
          %get3A_353 = arith.constant 112 : index
          %get3A_354 = tpu.vector_load %arg13[%get3A_352, %get3A_353] {strides = array<i32>} : memref<80x128xf32, #tpu.memory_space<vmem>>, vector<16xf32>,
          %sub3A_355 = arith.subf %get3A_351, %get3A_354 : vector<16xf32>
          %add3A_356 = arith.constant 9.99999997E-7 : f32
          %add3A_357 = vector.broadcast %add3A_356 : f32 to vector<16xf32>
          %add3A_358 = arith.addf %sub3A_355, %add3A_357 : vector<16xf32>
          %mul3A_359 = arith.mulf %add3A_358, %add3A_358 : vector<16xf32>
          %add3A_360 = arith.addf %add3A_348, %mul3A_359 : vector<16xf32>
          %eq3A = vector.broadcast %add3A_263 : i32 to vector<16xi32>
          %eq3A_361 = arith.cmpi eq, %iota3A, %eq3A : vector<16xi32>
          %reduce_sum3A = arith.constant true
          %reduce_sum3A_362 = vector.broadcast %reduce_sum3A : i1 to vector<16xi1>
          %reduce_sum3A_363 = tpu.scan <sum>, %add3A_360 masked %reduce_sum3A_362 : vector<16xf32>, vector<16xi1> -> vector<16xf32>
          %reduce_sum3A_364 = vector.extract %reduce_sum3A_363[15] : f32 from vector<16xf32>
          %broadcast_in_dim3A_365 = vector.broadcast %reduce_sum3A_364 : f32 to vector<16xf32>
          %select_n3A = arith.select %eq3A_361, %broadcast_in_dim3A_365, %scan3A_259 : vector<16xi1>, vector<16xf32>
          %mul3A_366 = arith.constant 4 : i32
          %mul3A_367 = arith.muli %scan3A_258, %mul3A_366 : i32
          %add3A_368 = arith.constant 1 : i32
          %add3A_369 = arith.addi %mul3A_367, %add3A_368 : i32
          %mul3A_370 = arith.constant 16 : i32
          %mul3A_371 = arith.muli %scan3A_204, %mul3A_370 : i32
          %add3A_372 = arith.addi %mul3A_371, %add3A_369 : i32
          %get3A_373 = arith.index_cast %add3A_372 : i32 to index
          %get3A_374 = arith.constant 0 : index
          %get3A_375 = tpu.vector_load %arg8[%get3A_373, %get3A_374] {strides = array<i32>} : memref<80x128xf32, #tpu.memory_space<vmem>>, vector<16xf32>,
          %get3A_376 = arith.index_cast %add3A_372 : i32 to index
          %get3A_377 = arith.constant 0 : index
          %get3A_378 = tpu.vector_load %arg13[%get3A_376, %get3A_377] {strides = array<i32>} : memref<80x128xf32, #tpu.memory_space<vmem>>, vector<16xf32>,
          %sub3A_379 = arith.subf %get3A_375, %get3A_378 : vector<16xf32>
          %add3A_380 = arith.constant 9.99999997E-7 : f32
          %add3A_381 = vector.broadcast %add3A_380 : f32 to vector<16xf32>
          %add3A_382 = arith.addf %sub3A_379, %add3A_381 : vector<16xf32>
          %mul3A_383 = arith.mulf %add3A_382, %add3A_382 : vector<16xf32>
          %get3A_384 = arith.index_cast %add3A_372 : i32 to index
          %get3A_385 = arith.constant 16 : index
          %get3A_386 = tpu.vector_load %arg8[%get3A_384, %get3A_385] {strides = array<i32>} : memref<80x128xf32, #tpu.memory_space<vmem>>, vector<16xf32>,
          %get3A_387 = arith.index_cast %add3A_372 : i32 to index
          %get3A_388 = arith.constant 16 : index
          %get3A_389 = tpu.vector_load %arg13[%get3A_387, %get3A_388] {strides = array<i32>} : memref<80x128xf32, #tpu.memory_space<vmem>>, vector<16xf32>,
          %sub3A_390 = arith.subf %get3A_386, %get3A_389 : vector<16xf32>
          %add3A_391 = arith.constant 9.99999997E-7 : f32
          %add3A_392 = vector.broadcast %add3A_391 : f32 to vector<16xf32>
          %add3A_393 = arith.addf %sub3A_390, %add3A_392 : vector<16xf32>
          %mul3A_394 = arith.mulf %add3A_393, %add3A_393 : vector<16xf32>
          %add3A_395 = arith.addf %mul3A_383, %mul3A_394 : vector<16xf32>
          %get3A_396 = arith.index_cast %add3A_372 : i32 to index
          %get3A_397 = arith.constant 32 : index
          %get3A_398 = tpu.vector_load %arg8[%get3A_396, %get3A_397] {strides = array<i32>} : memref<80x128xf32, #tpu.memory_space<vmem>>, vector<16xf32>,
          %get3A_399 = arith.index_cast %add3A_372 : i32 to index
          %get3A_400 = arith.constant 32 : index
          %get3A_401 = tpu.vector_load %arg13[%get3A_399, %get3A_400] {strides = array<i32>} : memref<80x128xf32, #tpu.memory_space<vmem>>, vector<16xf32>,
          %sub3A_402 = arith.subf %get3A_398, %get3A_401 : vector<16xf32>
          %add3A_403 = arith.constant 9.99999997E-7 : f32
          %add3A_404 = vector.broadcast %add3A_403 : f32 to vector<16xf32>
          %add3A_405 = arith.addf %sub3A_402, %add3A_404 : vector<16xf32>
          %mul3A_406 = arith.mulf %add3A_405, %add3A_405 : vector<16xf32>
          %add3A_407 = arith.addf %add3A_395, %mul3A_406 : vector<16xf32>
          %get3A_408 = arith.index_cast %add3A_372 : i32 to index
          %get3A_409 = arith.constant 48 : index
          %get3A_410 = tpu.vector_load %arg8[%get3A_408, %get3A_409] {strides = array<i32>} : memref<80x128xf32, #tpu.memory_space<vmem>>, vector<16xf32>,
          %get3A_411 = arith.index_cast %add3A_372 : i32 to index
          %get3A_412 = arith.constant 48 : index
          %get3A_413 = tpu.vector_load %arg13[%get3A_411, %get3A_412] {strides = array<i32>} : memref<80x128xf32, #tpu.memory_space<vmem>>, vector<16xf32>,
          %sub3A_414 = arith.subf %get3A_410, %get3A_413 : vector<16xf32>
          %add3A_415 = arith.constant 9.99999997E-7 : f32
          %add3A_416 = vector.broadcast %add3A_415 : f32 to vector<16xf32>
          %add3A_417 = arith.addf %sub3A_414, %add3A_416 : vector<16xf32>
          %mul3A_418 = arith.mulf %add3A_417, %add3A_417 : vector<16xf32>
          %add3A_419 = arith.addf %add3A_407, %mul3A_418 : vector<16xf32>
          %get3A_420 = arith.index_cast %add3A_372 : i32 to index
          %get3A_421 = arith.constant 64 : index
          %get3A_422 = tpu.vector_load %arg8[%get3A_420, %get3A_421] {strides = array<i32>} : memref<80x128xf32, #tpu.memory_space<vmem>>, vector<16xf32>,
          %get3A_423 = arith.index_cast %add3A_372 : i32 to index
          %get3A_424 = arith.constant 64 : index
          %get3A_425 = tpu.vector_load %arg13[%get3A_423, %get3A_424] {strides = array<i32>} : memref<80x128xf32, #tpu.memory_space<vmem>>, vector<16xf32>,
          %sub3A_426 = arith.subf %get3A_422, %get3A_425 : vector<16xf32>
          %add3A_427 = arith.constant 9.99999997E-7 : f32
          %add3A_428 = vector.broadcast %add3A_427 : f32 to vector<16xf32>
          %add3A_429 = arith.addf %sub3A_426, %add3A_428 : vector<16xf32>
          %mul3A_430 = arith.mulf %add3A_429, %add3A_429 : vector<16xf32>
          %add3A_431 = arith.addf %add3A_419, %mul3A_430 : vector<16xf32>
          %get3A_432 = arith.index_cast %add3A_372 : i32 to index
          %get3A_433 = arith.constant 80 : index
          %get3A_434 = tpu.vector_load %arg8[%get3A_432, %get3A_433] {strides = array<i32>} : memref<80x128xf32, #tpu.memory_space<vmem>>, vector<16xf32>,
          %get3A_435 = arith.index_cast %add3A_372 : i32 to index
          %get3A_436 = arith.constant 80 : index
          %get3A_437 = tpu.vector_load %arg13[%get3A_435, %get3A_436] {strides = array<i32>} : memref<80x128xf32, #tpu.memory_space<vmem>>, vector<16xf32>,
          %sub3A_438 = arith.subf %get3A_434, %get3A_437 : vector<16xf32>
          %add3A_439 = arith.constant 9.99999997E-7 : f32
          %add3A_440 = vector.broadcast %add3A_439 : f32 to vector<16xf32>
          %add3A_441 = arith.addf %sub3A_438, %add3A_440 : vector<16xf32>
          %mul3A_442 = arith.mulf %add3A_441, %add3A_441 : vector<16xf32>
          %add3A_443 = arith.addf %add3A_431, %mul3A_442 : vector<16xf32>
          %get3A_444 = arith.index_cast %add3A_372 : i32 to index
          %get3A_445 = arith.constant 96 : index
          %get3A_446 = tpu.vector_load %arg8[%get3A_444, %get3A_445] {strides = array<i32>} : memref<80x128xf32, #tpu.memory_space<vmem>>, vector<16xf32>,
          %get3A_447 = arith.index_cast %add3A_372 : i32 to index
          %get3A_448 = arith.constant 96 : index
          %get3A_449 = tpu.vector_load %arg13[%get3A_447, %get3A_448] {strides = array<i32>} : memref<80x128xf32, #tpu.memory_space<vmem>>, vector<16xf32>,
          %sub3A_450 = arith.subf %get3A_446, %get3A_449 : vector<16xf32>
          %add3A_451 = arith.constant 9.99999997E-7 : f32
          %add3A_452 = vector.broadcast %add3A_451 : f32 to vector<16xf32>
          %add3A_453 = arith.addf %sub3A_450, %add3A_452 : vector<16xf32>
          %mul3A_454 = arith.mulf %add3A_453, %add3A_453 : vector<16xf32>
          %add3A_455 = arith.addf %add3A_443, %mul3A_454 : vector<16xf32>
          %get3A_456 = arith.index_cast %add3A_372 : i32 to index
          %get3A_457 = arith.constant 112 : index
          %get3A_458 = tpu.vector_load %arg8[%get3A_456, %get3A_457] {strides = array<i32>} : memref<80x128xf32, #tpu.memory_space<vmem>>, vector<16xf32>,
          %get3A_459 = arith.index_cast %add3A_372 : i32 to index
          %get3A_460 = arith.constant 112 : index
          %get3A_461 = tpu.vector_load %arg13[%get3A_459, %get3A_460] {strides = array<i32>} : memref<80x128xf32, #tpu.memory_space<vmem>>, vector<16xf32>,
          %sub3A_462 = arith.subf %get3A_458, %get3A_461 : vector<16xf32>
          %add3A_463 = arith.constant 9.99999997E-7 : f32
          %add3A_464 = vector.broadcast %add3A_463 : f32 to vector<16xf32>
          %add3A_465 = arith.addf %sub3A_462, %add3A_464 : vector<16xf32>
          %mul3A_466 = arith.mulf %add3A_465, %add3A_465 : vector<16xf32>
          %add3A_467 = arith.addf %add3A_455, %mul3A_466 : vector<16xf32>
          %eq3A_468 = vector.broadcast %add3A_369 : i32 to vector<16xi32>
          %eq3A_469 = arith.cmpi eq, %iota3A, %eq3A_468 : vector<16xi32>
          %reduce_sum3A_470 = arith.constant true
          %reduce_sum3A_471 = vector.broadcast %reduce_sum3A_470 : i1 to vector<16xi1>
          %reduce_sum3A_472 = tpu.scan <sum>, %add3A_467 masked %reduce_sum3A_471 : vector<16xf32>, vector<16xi1> -> vector<16xf32>
          %reduce_sum3A_473 = vector.extract %reduce_sum3A_472[15] : f32 from vector<16xf32>
          %broadcast_in_dim3A_474 = vector.broadcast %reduce_sum3A_473 : f32 to vector<16xf32>
          %select_n3A_475 = arith.select %eq3A_469, %broadcast_in_dim3A_474, %select_n3A : vector<16xi1>, vector<16xf32>
          %mul3A_476 = arith.constant 4 : i32
          %mul3A_477 = arith.muli %scan3A_258, %mul3A_476 : i32
          %add3A_478 = arith.constant 2 : i32
          %add3A_479 = arith.addi %mul3A_477, %add3A_478 : i32
          %mul3A_480 = arith.constant 16 : i32
          %mul3A_481 = arith.muli %scan3A_204, %mul3A_480 : i32
          %add3A_482 = arith.addi %mul3A_481, %add3A_479 : i32
          %get3A_483 = arith.index_cast %add3A_482 : i32 to index
          %get3A_484 = arith.constant 0 : index
          %get3A_485 = tpu.vector_load %arg8[%get3A_483, %get3A_484] {strides = array<i32>} : memref<80x128xf32, #tpu.memory_space<vmem>>, vector<16xf32>,
          %get3A_486 = arith.index_cast %add3A_482 : i32 to index
          %get3A_487 = arith.constant 0 : index
          %get3A_488 = tpu.vector_load %arg13[%get3A_486, %get3A_487] {strides = array<i32>} : memref<80x128xf32, #tpu.memory_space<vmem>>, vector<16xf32>,
          %sub3A_489 = arith.subf %get3A_485, %get3A_488 : vector<16xf32>
          %add3A_490 = arith.constant 9.99999997E-7 : f32
          %add3A_491 = vector.broadcast %add3A_490 : f32 to vector<16xf32>
          %add3A_492 = arith.addf %sub3A_489, %add3A_491 : vector<16xf32>
          %mul3A_493 = arith.mulf %add3A_492, %add3A_492 : vector<16xf32>
          %get3A_494 = arith.index_cast %add3A_482 : i32 to index
          %get3A_495 = arith.constant 16 : index
          %get3A_496 = tpu.vector_load %arg8[%get3A_494, %get3A_495] {strides = array<i32>} : memref<80x128xf32, #tpu.memory_space<vmem>>, vector<16xf32>,
          %get3A_497 = arith.index_cast %add3A_482 : i32 to index
          %get3A_498 = arith.constant 16 : index
          %get3A_499 = tpu.vector_load %arg13[%get3A_497, %get3A_498] {strides = array<i32>} : memref<80x128xf32, #tpu.memory_space<vmem>>, vector<16xf32>,
          %sub3A_500 = arith.subf %get3A_496, %get3A_499 : vector<16xf32>
          %add3A_501 = arith.constant 9.99999997E-7 : f32
          %add3A_502 = vector.broadcast %add3A_501 : f32 to vector<16xf32>
          %add3A_503 = arith.addf %sub3A_500, %add3A_502 : vector<16xf32>
          %mul3A_504 = arith.mulf %add3A_503, %add3A_503 : vector<16xf32>
          %add3A_505 = arith.addf %mul3A_493, %mul3A_504 : vector<16xf32>
          %get3A_506 = arith.index_cast %add3A_482 : i32 to index
          %get3A_507 = arith.constant 32 : index
          %get3A_508 = tpu.vector_load %arg8[%get3A_506, %get3A_507] {strides = array<i32>} : memref<80x128xf32, #tpu.memory_space<vmem>>, vector<16xf32>,
          %get3A_509 = arith.index_cast %add3A_482 : i32 to index
          %get3A_510 = arith.constant 32 : index
          %get3A_511 = tpu.vector_load %arg13[%get3A_509, %get3A_510] {strides = array<i32>} : memref<80x128xf32, #tpu.memory_space<vmem>>, vector<16xf32>,
          %sub3A_512 = arith.subf %get3A_508, %get3A_511 : vector<16xf32>
          %add3A_513 = arith.constant 9.99999997E-7 : f32
          %add3A_514 = vector.broadcast %add3A_513 : f32 to vector<16xf32>
          %add3A_515 = arith.addf %sub3A_512, %add3A_514 : vector<16xf32>
          %mul3A_516 = arith.mulf %add3A_515, %add3A_515 : vector<16xf32>
          %add3A_517 = arith.addf %add3A_505, %mul3A_516 : vector<16xf32>
          %get3A_518 = arith.index_cast %add3A_482 : i32 to index
          %get3A_519 = arith.constant 48 : index
          %get3A_520 = tpu.vector_load %arg8[%get3A_518, %get3A_519] {strides = array<i32>} : memref<80x128xf32, #tpu.memory_space<vmem>>, vector<16xf32>,
          %get3A_521 = arith.index_cast %add3A_482 : i32 to index
          %get3A_522 = arith.constant 48 : index
          %get3A_523 = tpu.vector_load %arg13[%get3A_521, %get3A_522] {strides = array<i32>} : memref<80x128xf32, #tpu.memory_space<vmem>>, vector<16xf32>,
          %sub3A_524 = arith.subf %get3A_520, %get3A_523 : vector<16xf32>
          %add3A_525 = arith.constant 9.99999997E-7 : f32
          %add3A_526 = vector.broadcast %add3A_525 : f32 to vector<16xf32>
          %add3A_527 = arith.addf %sub3A_524, %add3A_526 : vector<16xf32>
          %mul3A_528 = arith.mulf %add3A_527, %add3A_527 : vector<16xf32>
          %add3A_529 = arith.addf %add3A_517, %mul3A_528 : vector<16xf32>
          %get3A_530 = arith.index_cast %add3A_482 : i32 to index
          %get3A_531 = arith.constant 64 : index
          %get3A_532 = tpu.vector_load %arg8[%get3A_530, %get3A_531] {strides = array<i32>} : memref<80x128xf32, #tpu.memory_space<vmem>>, vector<16xf32>,
          %get3A_533 = arith.index_cast %add3A_482 : i32 to index
          %get3A_534 = arith.constant 64 : index
          %get3A_535 = tpu.vector_load %arg13[%get3A_533, %get3A_534] {strides = array<i32>} : memref<80x128xf32, #tpu.memory_space<vmem>>, vector<16xf32>,
          %sub3A_536 = arith.subf %get3A_532, %get3A_535 : vector<16xf32>
          %add3A_537 = arith.constant 9.99999997E-7 : f32
          %add3A_538 = vector.broadcast %add3A_537 : f32 to vector<16xf32>
          %add3A_539 = arith.addf %sub3A_536, %add3A_538 : vector<16xf32>
          %mul3A_540 = arith.mulf %add3A_539, %add3A_539 : vector<16xf32>
          %add3A_541 = arith.addf %add3A_529, %mul3A_540 : vector<16xf32>
          %get3A_542 = arith.index_cast %add3A_482 : i32 to index
          %get3A_543 = arith.constant 80 : index
          %get3A_544 = tpu.vector_load %arg8[%get3A_542, %get3A_543] {strides = array<i32>} : memref<80x128xf32, #tpu.memory_space<vmem>>, vector<16xf32>,
          %get3A_545 = arith.index_cast %add3A_482 : i32 to index
          %get3A_546 = arith.constant 80 : index
          %get3A_547 = tpu.vector_load %arg13[%get3A_545, %get3A_546] {strides = array<i32>} : memref<80x128xf32, #tpu.memory_space<vmem>>, vector<16xf32>,
          %sub3A_548 = arith.subf %get3A_544, %get3A_547 : vector<16xf32>
          %add3A_549 = arith.constant 9.99999997E-7 : f32
          %add3A_550 = vector.broadcast %add3A_549 : f32 to vector<16xf32>
          %add3A_551 = arith.addf %sub3A_548, %add3A_550 : vector<16xf32>
          %mul3A_552 = arith.mulf %add3A_551, %add3A_551 : vector<16xf32>
          %add3A_553 = arith.addf %add3A_541, %mul3A_552 : vector<16xf32>
          %get3A_554 = arith.index_cast %add3A_482 : i32 to index
          %get3A_555 = arith.constant 96 : index
          %get3A_556 = tpu.vector_load %arg8[%get3A_554, %get3A_555] {strides = array<i32>} : memref<80x128xf32, #tpu.memory_space<vmem>>, vector<16xf32>,
          %get3A_557 = arith.index_cast %add3A_482 : i32 to index
          %get3A_558 = arith.constant 96 : index
          %get3A_559 = tpu.vector_load %arg13[%get3A_557, %get3A_558] {strides = array<i32>} : memref<80x128xf32, #tpu.memory_space<vmem>>, vector<16xf32>,
          %sub3A_560 = arith.subf %get3A_556, %get3A_559 : vector<16xf32>
          %add3A_561 = arith.constant 9.99999997E-7 : f32
          %add3A_562 = vector.broadcast %add3A_561 : f32 to vector<16xf32>
          %add3A_563 = arith.addf %sub3A_560, %add3A_562 : vector<16xf32>
          %mul3A_564 = arith.mulf %add3A_563, %add3A_563 : vector<16xf32>
          %add3A_565 = arith.addf %add3A_553, %mul3A_564 : vector<16xf32>
          %get3A_566 = arith.index_cast %add3A_482 : i32 to index
          %get3A_567 = arith.constant 112 : index
          %get3A_568 = tpu.vector_load %arg8[%get3A_566, %get3A_567] {strides = array<i32>} : memref<80x128xf32, #tpu.memory_space<vmem>>, vector<16xf32>,
          %get3A_569 = arith.index_cast %add3A_482 : i32 to index
          %get3A_570 = arith.constant 112 : index
          %get3A_571 = tpu.vector_load %arg13[%get3A_569, %get3A_570] {strides = array<i32>} : memref<80x128xf32, #tpu.memory_space<vmem>>, vector<16xf32>,
          %sub3A_572 = arith.subf %get3A_568, %get3A_571 : vector<16xf32>
          %add3A_573 = arith.constant 9.99999997E-7 : f32
          %add3A_574 = vector.broadcast %add3A_573 : f32 to vector<16xf32>
          %add3A_575 = arith.addf %sub3A_572, %add3A_574 : vector<16xf32>
          %mul3A_576 = arith.mulf %add3A_575, %add3A_575 : vector<16xf32>
          %add3A_577 = arith.addf %add3A_565, %mul3A_576 : vector<16xf32>
          %eq3A_578 = vector.broadcast %add3A_479 : i32 to vector<16xi32>
          %eq3A_579 = arith.cmpi eq, %iota3A, %eq3A_578 : vector<16xi32>
          %reduce_sum3A_580 = arith.constant true
          %reduce_sum3A_581 = vector.broadcast %reduce_sum3A_580 : i1 to vector<16xi1>
          %reduce_sum3A_582 = tpu.scan <sum>, %add3A_577 masked %reduce_sum3A_581 : vector<16xf32>, vector<16xi1> -> vector<16xf32>
          %reduce_sum3A_583 = vector.extract %reduce_sum3A_582[15] : f32 from vector<16xf32>
          %broadcast_in_dim3A_584 = vector.broadcast %reduce_sum3A_583 : f32 to vector<16xf32>
          %select_n3A_585 = arith.select %eq3A_579, %broadcast_in_dim3A_584, %select_n3A_475 : vector<16xi1>, vector<16xf32>
          %mul3A_586 = arith.constant 4 : i32
          %mul3A_587 = arith.muli %scan3A_258, %mul3A_586 : i32
          %add3A_588 = arith.constant 3 : i32
          %add3A_589 = arith.addi %mul3A_587, %add3A_588 : i32
          %mul3A_590 = arith.constant 16 : i32
          %mul3A_591 = arith.muli %scan3A_204, %mul3A_590 : i32
          %add3A_592 = arith.addi %mul3A_591, %add3A_589 : i32
          %get3A_593 = arith.index_cast %add3A_592 : i32 to index
          %get3A_594 = arith.constant 0 : index
          %get3A_595 = tpu.vector_load %arg8[%get3A_593, %get3A_594] {strides = array<i32>} : memref<80x128xf32, #tpu.memory_space<vmem>>, vector<16xf32>,
          %get3A_596 = arith.index_cast %add3A_592 : i32 to index
          %get3A_597 = arith.constant 0 : index
          %get3A_598 = tpu.vector_load %arg13[%get3A_596, %get3A_597] {strides = array<i32>} : memref<80x128xf32, #tpu.memory_space<vmem>>, vector<16xf32>,
          %sub3A_599 = arith.subf %get3A_595, %get3A_598 : vector<16xf32>
          %add3A_600 = arith.constant 9.99999997E-7 : f32
          %add3A_601 = vector.broadcast %add3A_600 : f32 to vector<16xf32>
          %add3A_602 = arith.addf %sub3A_599, %add3A_601 : vector<16xf32>
          %mul3A_603 = arith.mulf %add3A_602, %add3A_602 : vector<16xf32>
          %get3A_604 = arith.index_cast %add3A_592 : i32 to index
          %get3A_605 = arith.constant 16 : index
          %get3A_606 = tpu.vector_load %arg8[%get3A_604, %get3A_605] {strides = array<i32>} : memref<80x128xf32, #tpu.memory_space<vmem>>, vector<16xf32>,
          %get3A_607 = arith.index_cast %add3A_592 : i32 to index
          %get3A_608 = arith.constant 16 : index
          %get3A_609 = tpu.vector_load %arg13[%get3A_607, %get3A_608] {strides = array<i32>} : memref<80x128xf32, #tpu.memory_space<vmem>>, vector<16xf32>,
          %sub3A_610 = arith.subf %get3A_606, %get3A_609 : vector<16xf32>
          %add3A_611 = arith.constant 9.99999997E-7 : f32
          %add3A_612 = vector.broadcast %add3A_611 : f32 to vector<16xf32>
          %add3A_613 = arith.addf %sub3A_610, %add3A_612 : vector<16xf32>
          %mul3A_614 = arith.mulf %add3A_613, %add3A_613 : vector<16xf32>
          %add3A_615 = arith.addf %mul3A_603, %mul3A_614 : vector<16xf32>
          %get3A_616 = arith.index_cast %add3A_592 : i32 to index
          %get3A_617 = arith.constant 32 : index
          %get3A_618 = tpu.vector_load %arg8[%get3A_616, %get3A_617] {strides = array<i32>} : memref<80x128xf32, #tpu.memory_space<vmem>>, vector<16xf32>,
          %get3A_619 = arith.index_cast %add3A_592 : i32 to index
          %get3A_620 = arith.constant 32 : index
          %get3A_621 = tpu.vector_load %arg13[%get3A_619, %get3A_620] {strides = array<i32>} : memref<80x128xf32, #tpu.memory_space<vmem>>, vector<16xf32>,
          %sub3A_622 = arith.subf %get3A_618, %get3A_621 : vector<16xf32>
          %add3A_623 = arith.constant 9.99999997E-7 : f32
          %add3A_624 = vector.broadcast %add3A_623 : f32 to vector<16xf32>
          %add3A_625 = arith.addf %sub3A_622, %add3A_624 : vector<16xf32>
          %mul3A_626 = arith.mulf %add3A_625, %add3A_625 : vector<16xf32>
          %add3A_627 = arith.addf %add3A_615, %mul3A_626 : vector<16xf32>
          %get3A_628 = arith.index_cast %add3A_592 : i32 to index
          %get3A_629 = arith.constant 48 : index
          %get3A_630 = tpu.vector_load %arg8[%get3A_628, %get3A_629] {strides = array<i32>} : memref<80x128xf32, #tpu.memory_space<vmem>>, vector<16xf32>,
          %get3A_631 = arith.index_cast %add3A_592 : i32 to index
          %get3A_632 = arith.constant 48 : index
          %get3A_633 = tpu.vector_load %arg13[%get3A_631, %get3A_632] {strides = array<i32>} : memref<80x128xf32, #tpu.memory_space<vmem>>, vector<16xf32>,
          %sub3A_634 = arith.subf %get3A_630, %get3A_633 : vector<16xf32>
          %add3A_635 = arith.constant 9.99999997E-7 : f32
          %add3A_636 = vector.broadcast %add3A_635 : f32 to vector<16xf32>
          %add3A_637 = arith.addf %sub3A_634, %add3A_636 : vector<16xf32>
          %mul3A_638 = arith.mulf %add3A_637, %add3A_637 : vector<16xf32>
          %add3A_639 = arith.addf %add3A_627, %mul3A_638 : vector<16xf32>
          %get3A_640 = arith.index_cast %add3A_592 : i32 to index
          %get3A_641 = arith.constant 64 : index
          %get3A_642 = tpu.vector_load %arg8[%get3A_640, %get3A_641] {strides = array<i32>} : memref<80x128xf32, #tpu.memory_space<vmem>>, vector<16xf32>,
          %get3A_643 = arith.index_cast %add3A_592 : i32 to index
          %get3A_644 = arith.constant 64 : index
          %get3A_645 = tpu.vector_load %arg13[%get3A_643, %get3A_644] {strides = array<i32>} : memref<80x128xf32, #tpu.memory_space<vmem>>, vector<16xf32>,
          %sub3A_646 = arith.subf %get3A_642, %get3A_645 : vector<16xf32>
          %add3A_647 = arith.constant 9.99999997E-7 : f32
          %add3A_648 = vector.broadcast %add3A_647 : f32 to vector<16xf32>
          %add3A_649 = arith.addf %sub3A_646, %add3A_648 : vector<16xf32>
          %mul3A_650 = arith.mulf %add3A_649, %add3A_649 : vector<16xf32>
          %add3A_651 = arith.addf %add3A_639, %mul3A_650 : vector<16xf32>
          %get3A_652 = arith.index_cast %add3A_592 : i32 to index
          %get3A_653 = arith.constant 80 : index
          %get3A_654 = tpu.vector_load %arg8[%get3A_652, %get3A_653] {strides = array<i32>} : memref<80x128xf32, #tpu.memory_space<vmem>>, vector<16xf32>,
          %get3A_655 = arith.index_cast %add3A_592 : i32 to index
          %get3A_656 = arith.constant 80 : index
          %get3A_657 = tpu.vector_load %arg13[%get3A_655, %get3A_656] {strides = array<i32>} : memref<80x128xf32, #tpu.memory_space<vmem>>, vector<16xf32>,
          %sub3A_658 = arith.subf %get3A_654, %get3A_657 : vector<16xf32>
          %add3A_659 = arith.constant 9.99999997E-7 : f32
          %add3A_660 = vector.broadcast %add3A_659 : f32 to vector<16xf32>
          %add3A_661 = arith.addf %sub3A_658, %add3A_660 : vector<16xf32>
          %mul3A_662 = arith.mulf %add3A_661, %add3A_661 : vector<16xf32>
          %add3A_663 = arith.addf %add3A_651, %mul3A_662 : vector<16xf32>
          %get3A_664 = arith.index_cast %add3A_592 : i32 to index
          %get3A_665 = arith.constant 96 : index
          %get3A_666 = tpu.vector_load %arg8[%get3A_664, %get3A_665] {strides = array<i32>} : memref<80x128xf32, #tpu.memory_space<vmem>>, vector<16xf32>,
          %get3A_667 = arith.index_cast %add3A_592 : i32 to index
          %get3A_668 = arith.constant 96 : index
          %get3A_669 = tpu.vector_load %arg13[%get3A_667, %get3A_668] {strides = array<i32>} : memref<80x128xf32, #tpu.memory_space<vmem>>, vector<16xf32>,
          %sub3A_670 = arith.subf %get3A_666, %get3A_669 : vector<16xf32>
          %add3A_671 = arith.constant 9.99999997E-7 : f32
          %add3A_672 = vector.broadcast %add3A_671 : f32 to vector<16xf32>
          %add3A_673 = arith.addf %sub3A_670, %add3A_672 : vector<16xf32>
          %mul3A_674 = arith.mulf %add3A_673, %add3A_673 : vector<16xf32>
          %add3A_675 = arith.addf %add3A_663, %mul3A_674 : vector<16xf32>
          %get3A_676 = arith.index_cast %add3A_592 : i32 to index
          %get3A_677 = arith.constant 112 : index
          %get3A_678 = tpu.vector_load %arg8[%get3A_676, %get3A_677] {strides = array<i32>} : memref<80x128xf32, #tpu.memory_space<vmem>>, vector<16xf32>,
          %get3A_679 = arith.index_cast %add3A_592 : i32 to index
          %get3A_680 = arith.constant 112 : index
          %get3A_681 = tpu.vector_load %arg13[%get3A_679, %get3A_680] {strides = array<i32>} : memref<80x128xf32, #tpu.memory_space<vmem>>, vector<16xf32>,
          %sub3A_682 = arith.subf %get3A_678, %get3A_681 : vector<16xf32>
          %add3A_683 = arith.constant 9.99999997E-7 : f32
          %add3A_684 = vector.broadcast %add3A_683 : f32 to vector<16xf32>
          %add3A_685 = arith.addf %sub3A_682, %add3A_684 : vector<16xf32>
          %mul3A_686 = arith.mulf %add3A_685, %add3A_685 : vector<16xf32>
          %add3A_687 = arith.addf %add3A_675, %mul3A_686 : vector<16xf32>
          %eq3A_688 = vector.broadcast %add3A_589 : i32 to vector<16xi32>
          %eq3A_689 = arith.cmpi eq, %iota3A, %eq3A_688 : vector<16xi32>
          %reduce_sum3A_690 = arith.constant true
          %reduce_sum3A_691 = vector.broadcast %reduce_sum3A_690 : i1 to vector<16xi1>
          %reduce_sum3A_692 = tpu.scan <sum>, %add3A_687 masked %reduce_sum3A_691 : vector<16xf32>, vector<16xi1> -> vector<16xf32>
          %reduce_sum3A_693 = vector.extract %reduce_sum3A_692[15] : f32 from vector<16xf32>
          %broadcast_in_dim3A_694 = vector.broadcast %reduce_sum3A_693 : f32 to vector<16xf32>
          %select_n3A_695 = arith.select %eq3A_689, %broadcast_in_dim3A_694, %select_n3A_585 : vector<16xi1>, vector<16xf32>
          scf.yield %select_n3A_695 : vector<16xf32>
        }
        %scan3A_211 = arith.constant 4 : i32
        %bitcast3A = vector.bitcast %scan3A_210 : vector<16xf32> to vector<16xi32>
        %shift_right_arithmetic3A = arith.constant 1 : i32
        %shift_right_arithmetic3A_212 = vector.broadcast %shift_right_arithmetic3A : i32 to vector<16xi32>
        %shift_right_arithmetic3A_213 = arith.shrsi %bitcast3A, %shift_right_arithmetic3A_212 : vector<16xi32>
        %sub3A = arith.constant 1597463007 : i32
        %sub3A_214 = vector.broadcast %sub3A : i32 to vector<16xi32>
        %sub3A_215 = arith.subi %sub3A_214, %shift_right_arithmetic3A_213 : vector<16xi32>
        %bitcast3A_216 = vector.bitcast %sub3A_215 : vector<16xi32> to vector<16xf32>
        %mul3A_217 = arith.constant 5.000000e-01 : f32
        %mul3A_218 = vector.broadcast %mul3A_217 : f32 to vector<16xf32>
        %mul3A_219 = arith.mulf %mul3A_218, %scan3A_210 : vector<16xf32>
        %mul3A_220 = arith.mulf %mul3A_219, %bitcast3A_216 : vector<16xf32>
        %mul3A_221 = arith.mulf %mul3A_220, %bitcast3A_216 : vector<16xf32>
        %sub3A_222 = arith.constant 1.500000e+00 : f32
        %sub3A_223 = vector.broadcast %sub3A_222 : f32 to vector<16xf32>
        %sub3A_224 = arith.subf %sub3A_223, %mul3A_221 : vector<16xf32>
        %mul3A_225 = arith.mulf %bitcast3A_216, %sub3A_224 : vector<16xf32>
        %mul3A_226 = arith.constant 5.000000e-01 : f32
        %mul3A_227 = vector.broadcast %mul3A_226 : f32 to vector<16xf32>
        %mul3A_228 = arith.mulf %mul3A_227, %scan3A_210 : vector<16xf32>
        %mul3A_229 = arith.mulf %mul3A_228, %mul3A_225 : vector<16xf32>
        %mul3A_230 = arith.mulf %mul3A_229, %mul3A_225 : vector<16xf32>
        %sub3A_231 = arith.constant 1.500000e+00 : f32
        %sub3A_232 = vector.broadcast %sub3A_231 : f32 to vector<16xf32>
        %sub3A_233 = arith.subf %sub3A_232, %mul3A_230 : vector<16xf32>
        %mul3A_234 = arith.mulf %mul3A_225, %sub3A_233 : vector<16xf32>
        %mul3A_235 = arith.constant 5.000000e-01 : f32
        %mul3A_236 = vector.broadcast %mul3A_235 : f32 to vector<16xf32>
        %mul3A_237 = arith.mulf %mul3A_236, %scan3A_210 : vector<16xf32>
        %mul3A_238 = arith.mulf %mul3A_237, %mul3A_234 : vector<16xf32>
        %mul3A_239 = arith.mulf %mul3A_238, %mul3A_234 : vector<16xf32>
        %sub3A_240 = arith.constant 1.500000e+00 : f32
        %sub3A_241 = vector.broadcast %sub3A_240 : f32 to vector<16xf32>
        %sub3A_242 = arith.subf %sub3A_241, %mul3A_239 : vector<16xf32>
        %mul3A_243 = arith.mulf %mul3A_234, %sub3A_242 : vector<16xf32>
        %mul3A_244 = arith.mulf %scan3A_210, %mul3A_243 : vector<16xf32>
        %sub3A_245 = arith.constant 1.000000e+00 : f32
        %sub3A_246 = vector.broadcast %sub3A_245 : f32 to vector<16xf32>
        %sub3A_247 = arith.subf %mul3A_244, %sub3A_246 : vector<16xf32>
        %exp3A = math.exp %sub3A_247 : vector<16xf32>
        %add3A_248 = arith.constant 1.000000e+00 : f32
        %add3A_249 = vector.broadcast %add3A_248 : f32 to vector<16xf32>
        %add3A_250 = arith.addf %add3A_249, %exp3A : vector<16xf32>
        %div3A = arith.constant 1.000000e+00 : f32
        %div3A_251 = vector.broadcast %div3A : f32 to vector<16xf32>
        %div3A_252 = arith.divf %div3A_251, %add3A_250 : vector<16xf32>
        %mul3A_253 = arith.constant 16 : i32
        %mul3A_254 = arith.muli %scan3A_204, %mul3A_253 : i32
        %add3A_255 = arith.constant 0 : i32
        %add3A_256 = arith.addi %add3A_255, %mul3A_254 : i32
        %swap3A = arith.index_cast %add3A_256 : i32 to index
        %swap3A_257 = tpu.vector_load %arg18[%swap3A] {strides = array<i32>} : memref<400xf32, #tpu.memory_space<vmem>>, vector<16xf32>,
        tpu.vector_store %arg18[%swap3A], %div3A_252 {strides = array<i32>} : memref<400xf32, #tpu.memory_space<vmem>>, vector<16xf32>,
      }
      %scan3A_83 = arith.constant 5 : i32
      %add3A_84 = arith.constant 5 : i32
      %add3A_85 = arith.addi %add3A_67, %add3A_84 : i32
      %lt3A = arith.constant 125 : i32
      %lt3A_86 = arith.cmpi slt, %add3A_85, %lt3A : i32
      %convert_element_type3A_87 = arith.extui %lt3A_86 : i1 to i32
      %cond3A_88 = arith.constant 0 : i32
      %cond3A_89 = arith.cmpi ne, %convert_element_type3A_87, %cond3A_88 : i32
      scf.if %cond3A_89 {
        %add3A_204 = arith.constant 5 : i32
        %add3A_205 = arith.addi %add3A_67, %add3A_204 : i32
        %mul3A_206 = arith.constant 80 : i32
        %mul3A_207 = arith.muli %add3A_205, %mul3A_206 : i32
        %multiple_of3A_208 = tpu.assume_multiple %mul3A_207, 8 : i32
        %dma_start3A_209 = tpu.memref_slice %arg6[%multiple_of3A_208] : memref<10000xi32, #tpu.memory_space<vmem>> -> memref<80xi32, #tpu.memory_space<vmem>>
        %dma_start3A_210 = arith.constant 0 : i32
        %dma_start3A_211 = arith.constant 0 : i32
        %dma_start3A_212 = tpu.memref_slice %arg2[%dma_start3A_210, %dma_start3A_211] : memref<10000x128xf32, #tpu.memory_space<hbm>> -> memref<10000x128xf32, #tpu.memory_space<hbm>>
        tpu.enqueue_indirect_dma source(%dma_start3A_212 : memref<10000x128xf32, #tpu.memory_space<hbm>>) target(%arg8 : memref<80x128xf32, #tpu.memory_space<vmem>>) offsets(%dma_start3A_209 : memref<80xi32, #tpu.memory_space<vmem>>) semaphore(%arg19 : memref<!tpu.dma_semaphore, #tpu.memory_space<semaphore_mem>>)
        %dma_start3A_213 = tpu.memref_slice %arg7[%multiple_of3A_208] : memref<10000xi32, #tpu.memory_space<vmem>> -> memref<80xi32, #tpu.memory_space<vmem>>
        %dma_start3A_214 = arith.constant 0 : i32
        %dma_start3A_215 = arith.constant 0 : i32
        %dma_start3A_216 = tpu.memref_slice %arg2[%dma_start3A_214, %dma_start3A_215] : memref<10000x128xf32, #tpu.memory_space<hbm>> -> memref<10000x128xf32, #tpu.memory_space<hbm>>
        tpu.enqueue_indirect_dma source(%dma_start3A_216 : memref<10000x128xf32, #tpu.memory_space<hbm>>) target(%arg13 : memref<80x128xf32, #tpu.memory_space<vmem>>) offsets(%dma_start3A_213 : memref<80xi32, #tpu.memory_space<vmem>>) semaphore(%arg19 : memref<!tpu.dma_semaphore, #tpu.memory_space<semaphore_mem>>)
      } else {
      }
      %mul3A_90 = arith.constant 5 : i32
      %mul3A_91 = arith.muli %scan3A_61, %mul3A_90 : i32
      %add3A_92 = arith.constant 1 : i32
      %add3A_93 = arith.addi %mul3A_91, %add3A_92 : i32
      %dma_wait3A_94 = arith.constant 0 : i32
      %dma_wait3A_95 = tpu.memref_slice %arg6[%dma_wait3A_94] : memref<10000xi32, #tpu.memory_space<vmem>> -> memref<80xi32, #tpu.memory_space<vmem>>
      %dma_wait3A_96 = arith.constant 0 : i32
      %dma_wait3A_97 = arith.constant 0 : i32
      %dma_wait3A_98 = tpu.memref_slice %arg2[%dma_wait3A_96, %dma_wait3A_97] : memref<10000x128xf32, #tpu.memory_space<hbm>> -> memref<10000x128xf32, #tpu.memory_space<hbm>>
      tpu.wait_indirect_dma semaphore(%arg20 : memref<!tpu.dma_semaphore, #tpu.memory_space<semaphore_mem>>) src(%dma_wait3A_98 : memref<10000x128xf32, #tpu.memory_space<hbm>>) dst(%arg9 : memref<80x128xf32, #tpu.memory_space<vmem>>)
      %dma_wait3A_99 = arith.constant 0 : i32
      %dma_wait3A_100 = tpu.memref_slice %arg7[%dma_wait3A_99] : memref<10000xi32, #tpu.memory_space<vmem>> -> memref<80xi32, #tpu.memory_space<vmem>>
      %dma_wait3A_101 = arith.constant 0 : i32
      %dma_wait3A_102 = arith.constant 0 : i32
      %dma_wait3A_103 = tpu.memref_slice %arg2[%dma_wait3A_101, %dma_wait3A_102] : memref<10000x128xf32, #tpu.memory_space<hbm>> -> memref<10000x128xf32, #tpu.memory_space<hbm>>
      tpu.wait_indirect_dma semaphore(%arg20 : memref<!tpu.dma_semaphore, #tpu.memory_space<semaphore_mem>>) src(%dma_wait3A_103 : memref<10000x128xf32, #tpu.memory_space<hbm>>) dst(%arg14 : memref<80x128xf32, #tpu.memory_space<vmem>>)
      %scan3A_104 = arith.constant 0 : i32
      %scan3A_105 = arith.constant 0 : i32
      %scan3A_106 = arith.constant 5 : i32
      %scan3A_107 = arith.addi %scan3A_105, %scan3A_106 : i32
      %scan3A_108 = arith.constant 1 : i32
      scf.for %scan3A_204 = %scan3A_105 to %scan3A_107 step %scan3A_108  : i32 {
        %broadcast_in_dim3A = arith.constant 0.000000e+00 : f32
        %broadcast_in_dim3A_205 = vector.broadcast %broadcast_in_dim3A : f32 to vector<16xf32>
        %scan3A_206 = arith.constant 0 : i32
        %scan3A_207 = arith.constant 4 : i32
        %scan3A_208 = arith.addi %scan3A_206, %scan3A_207 : i32
        %scan3A_209 = arith.constant 1 : i32
        %scan3A_210 = scf.for %scan3A_258 = %scan3A_206 to %scan3A_208 step %scan3A_209 iter_args(%scan3A_259 = %broadcast_in_dim3A_205) -> (vector<16xf32>)  : i32 {
          %mul3A_260 = arith.constant 4 : i32
          %mul3A_261 = arith.muli %scan3A_258, %mul3A_260 : i32
          %add3A_262 = arith.constant 0 : i32
          %add3A_263 = arith.addi %mul3A_261, %add3A_262 : i32
          %mul3A_264 = arith.constant 16 : i32
          %mul3A_265 = arith.muli %scan3A_204, %mul3A_264 : i32
          %add3A_266 = arith.addi %mul3A_265, %add3A_263 : i32
          %get3A = arith.index_cast %add3A_266 : i32 to index
          %get3A_267 = arith.constant 0 : index
          %get3A_268 = tpu.vector_load %arg9[%get3A, %get3A_267] {strides = array<i32>} : memref<80x128xf32, #tpu.memory_space<vmem>>, vector<16xf32>,
          %get3A_269 = arith.index_cast %add3A_266 : i32 to index
          %get3A_270 = arith.constant 0 : index
          %get3A_271 = tpu.vector_load %arg14[%get3A_269, %get3A_270] {strides = array<i32>} : memref<80x128xf32, #tpu.memory_space<vmem>>, vector<16xf32>,
          %sub3A_272 = arith.subf %get3A_268, %get3A_271 : vector<16xf32>
          %add3A_273 = arith.constant 9.99999997E-7 : f32
          %add3A_274 = vector.broadcast %add3A_273 : f32 to vector<16xf32>
          %add3A_275 = arith.addf %sub3A_272, %add3A_274 : vector<16xf32>
          %mul3A_276 = arith.mulf %add3A_275, %add3A_275 : vector<16xf32>
          %get3A_277 = arith.index_cast %add3A_266 : i32 to index
          %get3A_278 = arith.constant 16 : index
          %get3A_279 = tpu.vector_load %arg9[%get3A_277, %get3A_278] {strides = array<i32>} : memref<80x128xf32, #tpu.memory_space<vmem>>, vector<16xf32>,
          %get3A_280 = arith.index_cast %add3A_266 : i32 to index
          %get3A_281 = arith.constant 16 : index
          %get3A_282 = tpu.vector_load %arg14[%get3A_280, %get3A_281] {strides = array<i32>} : memref<80x128xf32, #tpu.memory_space<vmem>>, vector<16xf32>,
          %sub3A_283 = arith.subf %get3A_279, %get3A_282 : vector<16xf32>
          %add3A_284 = arith.constant 9.99999997E-7 : f32
          %add3A_285 = vector.broadcast %add3A_284 : f32 to vector<16xf32>
          %add3A_286 = arith.addf %sub3A_283, %add3A_285 : vector<16xf32>
          %mul3A_287 = arith.mulf %add3A_286, %add3A_286 : vector<16xf32>
          %add3A_288 = arith.addf %mul3A_276, %mul3A_287 : vector<16xf32>
          %get3A_289 = arith.index_cast %add3A_266 : i32 to index
          %get3A_290 = arith.constant 32 : index
          %get3A_291 = tpu.vector_load %arg9[%get3A_289, %get3A_290] {strides = array<i32>} : memref<80x128xf32, #tpu.memory_space<vmem>>, vector<16xf32>,
          %get3A_292 = arith.index_cast %add3A_266 : i32 to index
          %get3A_293 = arith.constant 32 : index
          %get3A_294 = tpu.vector_load %arg14[%get3A_292, %get3A_293] {strides = array<i32>} : memref<80x128xf32, #tpu.memory_space<vmem>>, vector<16xf32>,
          %sub3A_295 = arith.subf %get3A_291, %get3A_294 : vector<16xf32>
          %add3A_296 = arith.constant 9.99999997E-7 : f32
          %add3A_297 = vector.broadcast %add3A_296 : f32 to vector<16xf32>
          %add3A_298 = arith.addf %sub3A_295, %add3A_297 : vector<16xf32>
          %mul3A_299 = arith.mulf %add3A_298, %add3A_298 : vector<16xf32>
          %add3A_300 = arith.addf %add3A_288, %mul3A_299 : vector<16xf32>
          %get3A_301 = arith.index_cast %add3A_266 : i32 to index
          %get3A_302 = arith.constant 48 : index
          %get3A_303 = tpu.vector_load %arg9[%get3A_301, %get3A_302] {strides = array<i32>} : memref<80x128xf32, #tpu.memory_space<vmem>>, vector<16xf32>,
          %get3A_304 = arith.index_cast %add3A_266 : i32 to index
          %get3A_305 = arith.constant 48 : index
          %get3A_306 = tpu.vector_load %arg14[%get3A_304, %get3A_305] {strides = array<i32>} : memref<80x128xf32, #tpu.memory_space<vmem>>, vector<16xf32>,
          %sub3A_307 = arith.subf %get3A_303, %get3A_306 : vector<16xf32>
          %add3A_308 = arith.constant 9.99999997E-7 : f32
          %add3A_309 = vector.broadcast %add3A_308 : f32 to vector<16xf32>
          %add3A_310 = arith.addf %sub3A_307, %add3A_309 : vector<16xf32>
          %mul3A_311 = arith.mulf %add3A_310, %add3A_310 : vector<16xf32>
          %add3A_312 = arith.addf %add3A_300, %mul3A_311 : vector<16xf32>
          %get3A_313 = arith.index_cast %add3A_266 : i32 to index
          %get3A_314 = arith.constant 64 : index
          %get3A_315 = tpu.vector_load %arg9[%get3A_313, %get3A_314] {strides = array<i32>} : memref<80x128xf32, #tpu.memory_space<vmem>>, vector<16xf32>,
          %get3A_316 = arith.index_cast %add3A_266 : i32 to index
          %get3A_317 = arith.constant 64 : index
          %get3A_318 = tpu.vector_load %arg14[%get3A_316, %get3A_317] {strides = array<i32>} : memref<80x128xf32, #tpu.memory_space<vmem>>, vector<16xf32>,
          %sub3A_319 = arith.subf %get3A_315, %get3A_318 : vector<16xf32>
          %add3A_320 = arith.constant 9.99999997E-7 : f32
          %add3A_321 = vector.broadcast %add3A_320 : f32 to vector<16xf32>
          %add3A_322 = arith.addf %sub3A_319, %add3A_321 : vector<16xf32>
          %mul3A_323 = arith.mulf %add3A_322, %add3A_322 : vector<16xf32>
          %add3A_324 = arith.addf %add3A_312, %mul3A_323 : vector<16xf32>
          %get3A_325 = arith.index_cast %add3A_266 : i32 to index
          %get3A_326 = arith.constant 80 : index
          %get3A_327 = tpu.vector_load %arg9[%get3A_325, %get3A_326] {strides = array<i32>} : memref<80x128xf32, #tpu.memory_space<vmem>>, vector<16xf32>,
          %get3A_328 = arith.index_cast %add3A_266 : i32 to index
          %get3A_329 = arith.constant 80 : index
          %get3A_330 = tpu.vector_load %arg14[%get3A_328, %get3A_329] {strides = array<i32>} : memref<80x128xf32, #tpu.memory_space<vmem>>, vector<16xf32>,
          %sub3A_331 = arith.subf %get3A_327, %get3A_330 : vector<16xf32>
          %add3A_332 = arith.constant 9.99999997E-7 : f32
          %add3A_333 = vector.broadcast %add3A_332 : f32 to vector<16xf32>
          %add3A_334 = arith.addf %sub3A_331, %add3A_333 : vector<16xf32>
          %mul3A_335 = arith.mulf %add3A_334, %add3A_334 : vector<16xf32>
          %add3A_336 = arith.addf %add3A_324, %mul3A_335 : vector<16xf32>
          %get3A_337 = arith.index_cast %add3A_266 : i32 to index
          %get3A_338 = arith.constant 96 : index
          %get3A_339 = tpu.vector_load %arg9[%get3A_337, %get3A_338] {strides = array<i32>} : memref<80x128xf32, #tpu.memory_space<vmem>>, vector<16xf32>,
          %get3A_340 = arith.index_cast %add3A_266 : i32 to index
          %get3A_341 = arith.constant 96 : index
          %get3A_342 = tpu.vector_load %arg14[%get3A_340, %get3A_341] {strides = array<i32>} : memref<80x128xf32, #tpu.memory_space<vmem>>, vector<16xf32>,
          %sub3A_343 = arith.subf %get3A_339, %get3A_342 : vector<16xf32>
          %add3A_344 = arith.constant 9.99999997E-7 : f32
          %add3A_345 = vector.broadcast %add3A_344 : f32 to vector<16xf32>
          %add3A_346 = arith.addf %sub3A_343, %add3A_345 : vector<16xf32>
          %mul3A_347 = arith.mulf %add3A_346, %add3A_346 : vector<16xf32>
          %add3A_348 = arith.addf %add3A_336, %mul3A_347 : vector<16xf32>
          %get3A_349 = arith.index_cast %add3A_266 : i32 to index
          %get3A_350 = arith.constant 112 : index
          %get3A_351 = tpu.vector_load %arg9[%get3A_349, %get3A_350] {strides = array<i32>} : memref<80x128xf32, #tpu.memory_space<vmem>>, vector<16xf32>,
          %get3A_352 = arith.index_cast %add3A_266 : i32 to index
          %get3A_353 = arith.constant 112 : index
          %get3A_354 = tpu.vector_load %arg14[%get3A_352, %get3A_353] {strides = array<i32>} : memref<80x128xf32, #tpu.memory_space<vmem>>, vector<16xf32>,
          %sub3A_355 = arith.subf %get3A_351, %get3A_354 : vector<16xf32>
          %add3A_356 = arith.constant 9.99999997E-7 : f32
          %add3A_357 = vector.broadcast %add3A_356 : f32 to vector<16xf32>
          %add3A_358 = arith.addf %sub3A_355, %add3A_357 : vector<16xf32>
          %mul3A_359 = arith.mulf %add3A_358, %add3A_358 : vector<16xf32>
          %add3A_360 = arith.addf %add3A_348, %mul3A_359 : vector<16xf32>
          %eq3A = vector.broadcast %add3A_263 : i32 to vector<16xi32>
          %eq3A_361 = arith.cmpi eq, %iota3A, %eq3A : vector<16xi32>
          %reduce_sum3A = arith.constant true
          %reduce_sum3A_362 = vector.broadcast %reduce_sum3A : i1 to vector<16xi1>
          %reduce_sum3A_363 = tpu.scan <sum>, %add3A_360 masked %reduce_sum3A_362 : vector<16xf32>, vector<16xi1> -> vector<16xf32>
          %reduce_sum3A_364 = vector.extract %reduce_sum3A_363[15] : f32 from vector<16xf32>
          %broadcast_in_dim3A_365 = vector.broadcast %reduce_sum3A_364 : f32 to vector<16xf32>
          %select_n3A = arith.select %eq3A_361, %broadcast_in_dim3A_365, %scan3A_259 : vector<16xi1>, vector<16xf32>
          %mul3A_366 = arith.constant 4 : i32
          %mul3A_367 = arith.muli %scan3A_258, %mul3A_366 : i32
          %add3A_368 = arith.constant 1 : i32
          %add3A_369 = arith.addi %mul3A_367, %add3A_368 : i32
          %mul3A_370 = arith.constant 16 : i32
          %mul3A_371 = arith.muli %scan3A_204, %mul3A_370 : i32
          %add3A_372 = arith.addi %mul3A_371, %add3A_369 : i32
          %get3A_373 = arith.index_cast %add3A_372 : i32 to index
          %get3A_374 = arith.constant 0 : index
          %get3A_375 = tpu.vector_load %arg9[%get3A_373, %get3A_374] {strides = array<i32>} : memref<80x128xf32, #tpu.memory_space<vmem>>, vector<16xf32>,
          %get3A_376 = arith.index_cast %add3A_372 : i32 to index
          %get3A_377 = arith.constant 0 : index
          %get3A_378 = tpu.vector_load %arg14[%get3A_376, %get3A_377] {strides = array<i32>} : memref<80x128xf32, #tpu.memory_space<vmem>>, vector<16xf32>,
          %sub3A_379 = arith.subf %get3A_375, %get3A_378 : vector<16xf32>
          %add3A_380 = arith.constant 9.99999997E-7 : f32
          %add3A_381 = vector.broadcast %add3A_380 : f32 to vector<16xf32>
          %add3A_382 = arith.addf %sub3A_379, %add3A_381 : vector<16xf32>
          %mul3A_383 = arith.mulf %add3A_382, %add3A_382 : vector<16xf32>
          %get3A_384 = arith.index_cast %add3A_372 : i32 to index
          %get3A_385 = arith.constant 16 : index
          %get3A_386 = tpu.vector_load %arg9[%get3A_384, %get3A_385] {strides = array<i32>} : memref<80x128xf32, #tpu.memory_space<vmem>>, vector<16xf32>,
          %get3A_387 = arith.index_cast %add3A_372 : i32 to index
          %get3A_388 = arith.constant 16 : index
          %get3A_389 = tpu.vector_load %arg14[%get3A_387, %get3A_388] {strides = array<i32>} : memref<80x128xf32, #tpu.memory_space<vmem>>, vector<16xf32>,
          %sub3A_390 = arith.subf %get3A_386, %get3A_389 : vector<16xf32>
          %add3A_391 = arith.constant 9.99999997E-7 : f32
          %add3A_392 = vector.broadcast %add3A_391 : f32 to vector<16xf32>
          %add3A_393 = arith.addf %sub3A_390, %add3A_392 : vector<16xf32>
          %mul3A_394 = arith.mulf %add3A_393, %add3A_393 : vector<16xf32>
          %add3A_395 = arith.addf %mul3A_383, %mul3A_394 : vector<16xf32>
          %get3A_396 = arith.index_cast %add3A_372 : i32 to index
          %get3A_397 = arith.constant 32 : index
          %get3A_398 = tpu.vector_load %arg9[%get3A_396, %get3A_397] {strides = array<i32>} : memref<80x128xf32, #tpu.memory_space<vmem>>, vector<16xf32>,
          %get3A_399 = arith.index_cast %add3A_372 : i32 to index
          %get3A_400 = arith.constant 32 : index
          %get3A_401 = tpu.vector_load %arg14[%get3A_399, %get3A_400] {strides = array<i32>} : memref<80x128xf32, #tpu.memory_space<vmem>>, vector<16xf32>,
          %sub3A_402 = arith.subf %get3A_398, %get3A_401 : vector<16xf32>
          %add3A_403 = arith.constant 9.99999997E-7 : f32
          %add3A_404 = vector.broadcast %add3A_403 : f32 to vector<16xf32>
          %add3A_405 = arith.addf %sub3A_402, %add3A_404 : vector<16xf32>
          %mul3A_406 = arith.mulf %add3A_405, %add3A_405 : vector<16xf32>
          %add3A_407 = arith.addf %add3A_395, %mul3A_406 : vector<16xf32>
          %get3A_408 = arith.index_cast %add3A_372 : i32 to index
          %get3A_409 = arith.constant 48 : index
          %get3A_410 = tpu.vector_load %arg9[%get3A_408, %get3A_409] {strides = array<i32>} : memref<80x128xf32, #tpu.memory_space<vmem>>, vector<16xf32>,
          %get3A_411 = arith.index_cast %add3A_372 : i32 to index
          %get3A_412 = arith.constant 48 : index
          %get3A_413 = tpu.vector_load %arg14[%get3A_411, %get3A_412] {strides = array<i32>} : memref<80x128xf32, #tpu.memory_space<vmem>>, vector<16xf32>,
          %sub3A_414 = arith.subf %get3A_410, %get3A_413 : vector<16xf32>
          %add3A_415 = arith.constant 9.99999997E-7 : f32
          %add3A_416 = vector.broadcast %add3A_415 : f32 to vector<16xf32>
          %add3A_417 = arith.addf %sub3A_414, %add3A_416 : vector<16xf32>
          %mul3A_418 = arith.mulf %add3A_417, %add3A_417 : vector<16xf32>
          %add3A_419 = arith.addf %add3A_407, %mul3A_418 : vector<16xf32>
          %get3A_420 = arith.index_cast %add3A_372 : i32 to index
          %get3A_421 = arith.constant 64 : index
          %get3A_422 = tpu.vector_load %arg9[%get3A_420, %get3A_421] {strides = array<i32>} : memref<80x128xf32, #tpu.memory_space<vmem>>, vector<16xf32>,
          %get3A_423 = arith.index_cast %add3A_372 : i32 to index
          %get3A_424 = arith.constant 64 : index
          %get3A_425 = tpu.vector_load %arg14[%get3A_423, %get3A_424] {strides = array<i32>} : memref<80x128xf32, #tpu.memory_space<vmem>>, vector<16xf32>,
          %sub3A_426 = arith.subf %get3A_422, %get3A_425 : vector<16xf32>
          %add3A_427 = arith.constant 9.99999997E-7 : f32
          %add3A_428 = vector.broadcast %add3A_427 : f32 to vector<16xf32>
          %add3A_429 = arith.addf %sub3A_426, %add3A_428 : vector<16xf32>
          %mul3A_430 = arith.mulf %add3A_429, %add3A_429 : vector<16xf32>
          %add3A_431 = arith.addf %add3A_419, %mul3A_430 : vector<16xf32>
          %get3A_432 = arith.index_cast %add3A_372 : i32 to index
          %get3A_433 = arith.constant 80 : index
          %get3A_434 = tpu.vector_load %arg9[%get3A_432, %get3A_433] {strides = array<i32>} : memref<80x128xf32, #tpu.memory_space<vmem>>, vector<16xf32>,
          %get3A_435 = arith.index_cast %add3A_372 : i32 to index
          %get3A_436 = arith.constant 80 : index
          %get3A_437 = tpu.vector_load %arg14[%get3A_435, %get3A_436] {strides = array<i32>} : memref<80x128xf32, #tpu.memory_space<vmem>>, vector<16xf32>,
          %sub3A_438 = arith.subf %get3A_434, %get3A_437 : vector<16xf32>
          %add3A_439 = arith.constant 9.99999997E-7 : f32
          %add3A_440 = vector.broadcast %add3A_439 : f32 to vector<16xf32>
          %add3A_441 = arith.addf %sub3A_438, %add3A_440 : vector<16xf32>
          %mul3A_442 = arith.mulf %add3A_441, %add3A_441 : vector<16xf32>
          %add3A_443 = arith.addf %add3A_431, %mul3A_442 : vector<16xf32>
          %get3A_444 = arith.index_cast %add3A_372 : i32 to index
          %get3A_445 = arith.constant 96 : index
          %get3A_446 = tpu.vector_load %arg9[%get3A_444, %get3A_445] {strides = array<i32>} : memref<80x128xf32, #tpu.memory_space<vmem>>, vector<16xf32>,
          %get3A_447 = arith.index_cast %add3A_372 : i32 to index
          %get3A_448 = arith.constant 96 : index
          %get3A_449 = tpu.vector_load %arg14[%get3A_447, %get3A_448] {strides = array<i32>} : memref<80x128xf32, #tpu.memory_space<vmem>>, vector<16xf32>,
          %sub3A_450 = arith.subf %get3A_446, %get3A_449 : vector<16xf32>
          %add3A_451 = arith.constant 9.99999997E-7 : f32
          %add3A_452 = vector.broadcast %add3A_451 : f32 to vector<16xf32>
          %add3A_453 = arith.addf %sub3A_450, %add3A_452 : vector<16xf32>
          %mul3A_454 = arith.mulf %add3A_453, %add3A_453 : vector<16xf32>
          %add3A_455 = arith.addf %add3A_443, %mul3A_454 : vector<16xf32>
          %get3A_456 = arith.index_cast %add3A_372 : i32 to index
          %get3A_457 = arith.constant 112 : index
          %get3A_458 = tpu.vector_load %arg9[%get3A_456, %get3A_457] {strides = array<i32>} : memref<80x128xf32, #tpu.memory_space<vmem>>, vector<16xf32>,
          %get3A_459 = arith.index_cast %add3A_372 : i32 to index
          %get3A_460 = arith.constant 112 : index
          %get3A_461 = tpu.vector_load %arg14[%get3A_459, %get3A_460] {strides = array<i32>} : memref<80x128xf32, #tpu.memory_space<vmem>>, vector<16xf32>,
          %sub3A_462 = arith.subf %get3A_458, %get3A_461 : vector<16xf32>
          %add3A_463 = arith.constant 9.99999997E-7 : f32
          %add3A_464 = vector.broadcast %add3A_463 : f32 to vector<16xf32>
          %add3A_465 = arith.addf %sub3A_462, %add3A_464 : vector<16xf32>
          %mul3A_466 = arith.mulf %add3A_465, %add3A_465 : vector<16xf32>
          %add3A_467 = arith.addf %add3A_455, %mul3A_466 : vector<16xf32>
          %eq3A_468 = vector.broadcast %add3A_369 : i32 to vector<16xi32>
          %eq3A_469 = arith.cmpi eq, %iota3A, %eq3A_468 : vector<16xi32>
          %reduce_sum3A_470 = arith.constant true
          %reduce_sum3A_471 = vector.broadcast %reduce_sum3A_470 : i1 to vector<16xi1>
          %reduce_sum3A_472 = tpu.scan <sum>, %add3A_467 masked %reduce_sum3A_471 : vector<16xf32>, vector<16xi1> -> vector<16xf32>
          %reduce_sum3A_473 = vector.extract %reduce_sum3A_472[15] : f32 from vector<16xf32>
          %broadcast_in_dim3A_474 = vector.broadcast %reduce_sum3A_473 : f32 to vector<16xf32>
          %select_n3A_475 = arith.select %eq3A_469, %broadcast_in_dim3A_474, %select_n3A : vector<16xi1>, vector<16xf32>
          %mul3A_476 = arith.constant 4 : i32
          %mul3A_477 = arith.muli %scan3A_258, %mul3A_476 : i32
          %add3A_478 = arith.constant 2 : i32
          %add3A_479 = arith.addi %mul3A_477, %add3A_478 : i32
          %mul3A_480 = arith.constant 16 : i32
          %mul3A_481 = arith.muli %scan3A_204, %mul3A_480 : i32
          %add3A_482 = arith.addi %mul3A_481, %add3A_479 : i32
          %get3A_483 = arith.index_cast %add3A_482 : i32 to index
          %get3A_484 = arith.constant 0 : index
          %get3A_485 = tpu.vector_load %arg9[%get3A_483, %get3A_484] {strides = array<i32>} : memref<80x128xf32, #tpu.memory_space<vmem>>, vector<16xf32>,
          %get3A_486 = arith.index_cast %add3A_482 : i32 to index
          %get3A_487 = arith.constant 0 : index
          %get3A_488 = tpu.vector_load %arg14[%get3A_486, %get3A_487] {strides = array<i32>} : memref<80x128xf32, #tpu.memory_space<vmem>>, vector<16xf32>,
          %sub3A_489 = arith.subf %get3A_485, %get3A_488 : vector<16xf32>
          %add3A_490 = arith.constant 9.99999997E-7 : f32
          %add3A_491 = vector.broadcast %add3A_490 : f32 to vector<16xf32>
          %add3A_492 = arith.addf %sub3A_489, %add3A_491 : vector<16xf32>
          %mul3A_493 = arith.mulf %add3A_492, %add3A_492 : vector<16xf32>
          %get3A_494 = arith.index_cast %add3A_482 : i32 to index
          %get3A_495 = arith.constant 16 : index
          %get3A_496 = tpu.vector_load %arg9[%get3A_494, %get3A_495] {strides = array<i32>} : memref<80x128xf32, #tpu.memory_space<vmem>>, vector<16xf32>,
          %get3A_497 = arith.index_cast %add3A_482 : i32 to index
          %get3A_498 = arith.constant 16 : index
          %get3A_499 = tpu.vector_load %arg14[%get3A_497, %get3A_498] {strides = array<i32>} : memref<80x128xf32, #tpu.memory_space<vmem>>, vector<16xf32>,
          %sub3A_500 = arith.subf %get3A_496, %get3A_499 : vector<16xf32>
          %add3A_501 = arith.constant 9.99999997E-7 : f32
          %add3A_502 = vector.broadcast %add3A_501 : f32 to vector<16xf32>
          %add3A_503 = arith.addf %sub3A_500, %add3A_502 : vector<16xf32>
          %mul3A_504 = arith.mulf %add3A_503, %add3A_503 : vector<16xf32>
          %add3A_505 = arith.addf %mul3A_493, %mul3A_504 : vector<16xf32>
          %get3A_506 = arith.index_cast %add3A_482 : i32 to index
          %get3A_507 = arith.constant 32 : index
          %get3A_508 = tpu.vector_load %arg9[%get3A_506, %get3A_507] {strides = array<i32>} : memref<80x128xf32, #tpu.memory_space<vmem>>, vector<16xf32>,
          %get3A_509 = arith.index_cast %add3A_482 : i32 to index
          %get3A_510 = arith.constant 32 : index
          %get3A_511 = tpu.vector_load %arg14[%get3A_509, %get3A_510] {strides = array<i32>} : memref<80x128xf32, #tpu.memory_space<vmem>>, vector<16xf32>,
          %sub3A_512 = arith.subf %get3A_508, %get3A_511 : vector<16xf32>
          %add3A_513 = arith.constant 9.99999997E-7 : f32
          %add3A_514 = vector.broadcast %add3A_513 : f32 to vector<16xf32>
          %add3A_515 = arith.addf %sub3A_512, %add3A_514 : vector<16xf32>
          %mul3A_516 = arith.mulf %add3A_515, %add3A_515 : vector<16xf32>
          %add3A_517 = arith.addf %add3A_505, %mul3A_516 : vector<16xf32>
          %get3A_518 = arith.index_cast %add3A_482 : i32 to index
          %get3A_519 = arith.constant 48 : index
          %get3A_520 = tpu.vector_load %arg9[%get3A_518, %get3A_519] {strides = array<i32>} : memref<80x128xf32, #tpu.memory_space<vmem>>, vector<16xf32>,
          %get3A_521 = arith.index_cast %add3A_482 : i32 to index
          %get3A_522 = arith.constant 48 : index
          %get3A_523 = tpu.vector_load %arg14[%get3A_521, %get3A_522] {strides = array<i32>} : memref<80x128xf32, #tpu.memory_space<vmem>>, vector<16xf32>,
          %sub3A_524 = arith.subf %get3A_520, %get3A_523 : vector<16xf32>
          %add3A_525 = arith.constant 9.99999997E-7 : f32
          %add3A_526 = vector.broadcast %add3A_525 : f32 to vector<16xf32>
          %add3A_527 = arith.addf %sub3A_524, %add3A_526 : vector<16xf32>
          %mul3A_528 = arith.mulf %add3A_527, %add3A_527 : vector<16xf32>
          %add3A_529 = arith.addf %add3A_517, %mul3A_528 : vector<16xf32>
          %get3A_530 = arith.index_cast %add3A_482 : i32 to index
          %get3A_531 = arith.constant 64 : index
          %get3A_532 = tpu.vector_load %arg9[%get3A_530, %get3A_531] {strides = array<i32>} : memref<80x128xf32, #tpu.memory_space<vmem>>, vector<16xf32>,
          %get3A_533 = arith.index_cast %add3A_482 : i32 to index
          %get3A_534 = arith.constant 64 : index
          %get3A_535 = tpu.vector_load %arg14[%get3A_533, %get3A_534] {strides = array<i32>} : memref<80x128xf32, #tpu.memory_space<vmem>>, vector<16xf32>,
          %sub3A_536 = arith.subf %get3A_532, %get3A_535 : vector<16xf32>
          %add3A_537 = arith.constant 9.99999997E-7 : f32
          %add3A_538 = vector.broadcast %add3A_537 : f32 to vector<16xf32>
          %add3A_539 = arith.addf %sub3A_536, %add3A_538 : vector<16xf32>
          %mul3A_540 = arith.mulf %add3A_539, %add3A_539 : vector<16xf32>
          %add3A_541 = arith.addf %add3A_529, %mul3A_540 : vector<16xf32>
          %get3A_542 = arith.index_cast %add3A_482 : i32 to index
          %get3A_543 = arith.constant 80 : index
          %get3A_544 = tpu.vector_load %arg9[%get3A_542, %get3A_543] {strides = array<i32>} : memref<80x128xf32, #tpu.memory_space<vmem>>, vector<16xf32>,
          %get3A_545 = arith.index_cast %add3A_482 : i32 to index
          %get3A_546 = arith.constant 80 : index
          %get3A_547 = tpu.vector_load %arg14[%get3A_545, %get3A_546] {strides = array<i32>} : memref<80x128xf32, #tpu.memory_space<vmem>>, vector<16xf32>,
          %sub3A_548 = arith.subf %get3A_544, %get3A_547 : vector<16xf32>
          %add3A_549 = arith.constant 9.99999997E-7 : f32
          %add3A_550 = vector.broadcast %add3A_549 : f32 to vector<16xf32>
          %add3A_551 = arith.addf %sub3A_548, %add3A_550 : vector<16xf32>
          %mul3A_552 = arith.mulf %add3A_551, %add3A_551 : vector<16xf32>
          %add3A_553 = arith.addf %add3A_541, %mul3A_552 : vector<16xf32>
          %get3A_554 = arith.index_cast %add3A_482 : i32 to index
          %get3A_555 = arith.constant 96 : index
          %get3A_556 = tpu.vector_load %arg9[%get3A_554, %get3A_555] {strides = array<i32>} : memref<80x128xf32, #tpu.memory_space<vmem>>, vector<16xf32>,
          %get3A_557 = arith.index_cast %add3A_482 : i32 to index
          %get3A_558 = arith.constant 96 : index
          %get3A_559 = tpu.vector_load %arg14[%get3A_557, %get3A_558] {strides = array<i32>} : memref<80x128xf32, #tpu.memory_space<vmem>>, vector<16xf32>,
          %sub3A_560 = arith.subf %get3A_556, %get3A_559 : vector<16xf32>
          %add3A_561 = arith.constant 9.99999997E-7 : f32
          %add3A_562 = vector.broadcast %add3A_561 : f32 to vector<16xf32>
          %add3A_563 = arith.addf %sub3A_560, %add3A_562 : vector<16xf32>
          %mul3A_564 = arith.mulf %add3A_563, %add3A_563 : vector<16xf32>
          %add3A_565 = arith.addf %add3A_553, %mul3A_564 : vector<16xf32>
          %get3A_566 = arith.index_cast %add3A_482 : i32 to index
          %get3A_567 = arith.constant 112 : index
          %get3A_568 = tpu.vector_load %arg9[%get3A_566, %get3A_567] {strides = array<i32>} : memref<80x128xf32, #tpu.memory_space<vmem>>, vector<16xf32>,
          %get3A_569 = arith.index_cast %add3A_482 : i32 to index
          %get3A_570 = arith.constant 112 : index
          %get3A_571 = tpu.vector_load %arg14[%get3A_569, %get3A_570] {strides = array<i32>} : memref<80x128xf32, #tpu.memory_space<vmem>>, vector<16xf32>,
          %sub3A_572 = arith.subf %get3A_568, %get3A_571 : vector<16xf32>
          %add3A_573 = arith.constant 9.99999997E-7 : f32
          %add3A_574 = vector.broadcast %add3A_573 : f32 to vector<16xf32>
          %add3A_575 = arith.addf %sub3A_572, %add3A_574 : vector<16xf32>
          %mul3A_576 = arith.mulf %add3A_575, %add3A_575 : vector<16xf32>
          %add3A_577 = arith.addf %add3A_565, %mul3A_576 : vector<16xf32>
          %eq3A_578 = vector.broadcast %add3A_479 : i32 to vector<16xi32>
          %eq3A_579 = arith.cmpi eq, %iota3A, %eq3A_578 : vector<16xi32>
          %reduce_sum3A_580 = arith.constant true
          %reduce_sum3A_581 = vector.broadcast %reduce_sum3A_580 : i1 to vector<16xi1>
          %reduce_sum3A_582 = tpu.scan <sum>, %add3A_577 masked %reduce_sum3A_581 : vector<16xf32>, vector<16xi1> -> vector<16xf32>
          %reduce_sum3A_583 = vector.extract %reduce_sum3A_582[15] : f32 from vector<16xf32>
          %broadcast_in_dim3A_584 = vector.broadcast %reduce_sum3A_583 : f32 to vector<16xf32>
          %select_n3A_585 = arith.select %eq3A_579, %broadcast_in_dim3A_584, %select_n3A_475 : vector<16xi1>, vector<16xf32>
          %mul3A_586 = arith.constant 4 : i32
          %mul3A_587 = arith.muli %scan3A_258, %mul3A_586 : i32
          %add3A_588 = arith.constant 3 : i32
          %add3A_589 = arith.addi %mul3A_587, %add3A_588 : i32
          %mul3A_590 = arith.constant 16 : i32
          %mul3A_591 = arith.muli %scan3A_204, %mul3A_590 : i32
          %add3A_592 = arith.addi %mul3A_591, %add3A_589 : i32
          %get3A_593 = arith.index_cast %add3A_592 : i32 to index
          %get3A_594 = arith.constant 0 : index
          %get3A_595 = tpu.vector_load %arg9[%get3A_593, %get3A_594] {strides = array<i32>} : memref<80x128xf32, #tpu.memory_space<vmem>>, vector<16xf32>,
          %get3A_596 = arith.index_cast %add3A_592 : i32 to index
          %get3A_597 = arith.constant 0 : index
          %get3A_598 = tpu.vector_load %arg14[%get3A_596, %get3A_597] {strides = array<i32>} : memref<80x128xf32, #tpu.memory_space<vmem>>, vector<16xf32>,
          %sub3A_599 = arith.subf %get3A_595, %get3A_598 : vector<16xf32>
          %add3A_600 = arith.constant 9.99999997E-7 : f32
          %add3A_601 = vector.broadcast %add3A_600 : f32 to vector<16xf32>
          %add3A_602 = arith.addf %sub3A_599, %add3A_601 : vector<16xf32>
          %mul3A_603 = arith.mulf %add3A_602, %add3A_602 : vector<16xf32>
          %get3A_604 = arith.index_cast %add3A_592 : i32 to index
          %get3A_605 = arith.constant 16 : index
          %get3A_606 = tpu.vector_load %arg9[%get3A_604, %get3A_605] {strides = array<i32>} : memref<80x128xf32, #tpu.memory_space<vmem>>, vector<16xf32>,
          %get3A_607 = arith.index_cast %add3A_592 : i32 to index
          %get3A_608 = arith.constant 16 : index
          %get3A_609 = tpu.vector_load %arg14[%get3A_607, %get3A_608] {strides = array<i32>} : memref<80x128xf32, #tpu.memory_space<vmem>>, vector<16xf32>,
          %sub3A_610 = arith.subf %get3A_606, %get3A_609 : vector<16xf32>
          %add3A_611 = arith.constant 9.99999997E-7 : f32
          %add3A_612 = vector.broadcast %add3A_611 : f32 to vector<16xf32>
          %add3A_613 = arith.addf %sub3A_610, %add3A_612 : vector<16xf32>
          %mul3A_614 = arith.mulf %add3A_613, %add3A_613 : vector<16xf32>
          %add3A_615 = arith.addf %mul3A_603, %mul3A_614 : vector<16xf32>
          %get3A_616 = arith.index_cast %add3A_592 : i32 to index
          %get3A_617 = arith.constant 32 : index
          %get3A_618 = tpu.vector_load %arg9[%get3A_616, %get3A_617] {strides = array<i32>} : memref<80x128xf32, #tpu.memory_space<vmem>>, vector<16xf32>,
          %get3A_619 = arith.index_cast %add3A_592 : i32 to index
          %get3A_620 = arith.constant 32 : index
          %get3A_621 = tpu.vector_load %arg14[%get3A_619, %get3A_620] {strides = array<i32>} : memref<80x128xf32, #tpu.memory_space<vmem>>, vector<16xf32>,
          %sub3A_622 = arith.subf %get3A_618, %get3A_621 : vector<16xf32>
          %add3A_623 = arith.constant 9.99999997E-7 : f32
          %add3A_624 = vector.broadcast %add3A_623 : f32 to vector<16xf32>
          %add3A_625 = arith.addf %sub3A_622, %add3A_624 : vector<16xf32>
          %mul3A_626 = arith.mulf %add3A_625, %add3A_625 : vector<16xf32>
          %add3A_627 = arith.addf %add3A_615, %mul3A_626 : vector<16xf32>
          %get3A_628 = arith.index_cast %add3A_592 : i32 to index
          %get3A_629 = arith.constant 48 : index
          %get3A_630 = tpu.vector_load %arg9[%get3A_628, %get3A_629] {strides = array<i32>} : memref<80x128xf32, #tpu.memory_space<vmem>>, vector<16xf32>,
          %get3A_631 = arith.index_cast %add3A_592 : i32 to index
          %get3A_632 = arith.constant 48 : index
          %get3A_633 = tpu.vector_load %arg14[%get3A_631, %get3A_632] {strides = array<i32>} : memref<80x128xf32, #tpu.memory_space<vmem>>, vector<16xf32>,
          %sub3A_634 = arith.subf %get3A_630, %get3A_633 : vector<16xf32>
          %add3A_635 = arith.constant 9.99999997E-7 : f32
          %add3A_636 = vector.broadcast %add3A_635 : f32 to vector<16xf32>
          %add3A_637 = arith.addf %sub3A_634, %add3A_636 : vector<16xf32>
          %mul3A_638 = arith.mulf %add3A_637, %add3A_637 : vector<16xf32>
          %add3A_639 = arith.addf %add3A_627, %mul3A_638 : vector<16xf32>
          %get3A_640 = arith.index_cast %add3A_592 : i32 to index
          %get3A_641 = arith.constant 64 : index
          %get3A_642 = tpu.vector_load %arg9[%get3A_640, %get3A_641] {strides = array<i32>} : memref<80x128xf32, #tpu.memory_space<vmem>>, vector<16xf32>,
          %get3A_643 = arith.index_cast %add3A_592 : i32 to index
          %get3A_644 = arith.constant 64 : index
          %get3A_645 = tpu.vector_load %arg14[%get3A_643, %get3A_644] {strides = array<i32>} : memref<80x128xf32, #tpu.memory_space<vmem>>, vector<16xf32>,
          %sub3A_646 = arith.subf %get3A_642, %get3A_645 : vector<16xf32>
          %add3A_647 = arith.constant 9.99999997E-7 : f32
          %add3A_648 = vector.broadcast %add3A_647 : f32 to vector<16xf32>
          %add3A_649 = arith.addf %sub3A_646, %add3A_648 : vector<16xf32>
          %mul3A_650 = arith.mulf %add3A_649, %add3A_649 : vector<16xf32>
          %add3A_651 = arith.addf %add3A_639, %mul3A_650 : vector<16xf32>
          %get3A_652 = arith.index_cast %add3A_592 : i32 to index
          %get3A_653 = arith.constant 80 : index
          %get3A_654 = tpu.vector_load %arg9[%get3A_652, %get3A_653] {strides = array<i32>} : memref<80x128xf32, #tpu.memory_space<vmem>>, vector<16xf32>,
          %get3A_655 = arith.index_cast %add3A_592 : i32 to index
          %get3A_656 = arith.constant 80 : index
          %get3A_657 = tpu.vector_load %arg14[%get3A_655, %get3A_656] {strides = array<i32>} : memref<80x128xf32, #tpu.memory_space<vmem>>, vector<16xf32>,
          %sub3A_658 = arith.subf %get3A_654, %get3A_657 : vector<16xf32>
          %add3A_659 = arith.constant 9.99999997E-7 : f32
          %add3A_660 = vector.broadcast %add3A_659 : f32 to vector<16xf32>
          %add3A_661 = arith.addf %sub3A_658, %add3A_660 : vector<16xf32>
          %mul3A_662 = arith.mulf %add3A_661, %add3A_661 : vector<16xf32>
          %add3A_663 = arith.addf %add3A_651, %mul3A_662 : vector<16xf32>
          %get3A_664 = arith.index_cast %add3A_592 : i32 to index
          %get3A_665 = arith.constant 96 : index
          %get3A_666 = tpu.vector_load %arg9[%get3A_664, %get3A_665] {strides = array<i32>} : memref<80x128xf32, #tpu.memory_space<vmem>>, vector<16xf32>,
          %get3A_667 = arith.index_cast %add3A_592 : i32 to index
          %get3A_668 = arith.constant 96 : index
          %get3A_669 = tpu.vector_load %arg14[%get3A_667, %get3A_668] {strides = array<i32>} : memref<80x128xf32, #tpu.memory_space<vmem>>, vector<16xf32>,
          %sub3A_670 = arith.subf %get3A_666, %get3A_669 : vector<16xf32>
          %add3A_671 = arith.constant 9.99999997E-7 : f32
          %add3A_672 = vector.broadcast %add3A_671 : f32 to vector<16xf32>
          %add3A_673 = arith.addf %sub3A_670, %add3A_672 : vector<16xf32>
          %mul3A_674 = arith.mulf %add3A_673, %add3A_673 : vector<16xf32>
          %add3A_675 = arith.addf %add3A_663, %mul3A_674 : vector<16xf32>
          %get3A_676 = arith.index_cast %add3A_592 : i32 to index
          %get3A_677 = arith.constant 112 : index
          %get3A_678 = tpu.vector_load %arg9[%get3A_676, %get3A_677] {strides = array<i32>} : memref<80x128xf32, #tpu.memory_space<vmem>>, vector<16xf32>,
          %get3A_679 = arith.index_cast %add3A_592 : i32 to index
          %get3A_680 = arith.constant 112 : index
          %get3A_681 = tpu.vector_load %arg14[%get3A_679, %get3A_680] {strides = array<i32>} : memref<80x128xf32, #tpu.memory_space<vmem>>, vector<16xf32>,
          %sub3A_682 = arith.subf %get3A_678, %get3A_681 : vector<16xf32>
          %add3A_683 = arith.constant 9.99999997E-7 : f32
          %add3A_684 = vector.broadcast %add3A_683 : f32 to vector<16xf32>
          %add3A_685 = arith.addf %sub3A_682, %add3A_684 : vector<16xf32>
          %mul3A_686 = arith.mulf %add3A_685, %add3A_685 : vector<16xf32>
          %add3A_687 = arith.addf %add3A_675, %mul3A_686 : vector<16xf32>
          %eq3A_688 = vector.broadcast %add3A_589 : i32 to vector<16xi32>
          %eq3A_689 = arith.cmpi eq, %iota3A, %eq3A_688 : vector<16xi32>
          %reduce_sum3A_690 = arith.constant true
          %reduce_sum3A_691 = vector.broadcast %reduce_sum3A_690 : i1 to vector<16xi1>
          %reduce_sum3A_692 = tpu.scan <sum>, %add3A_687 masked %reduce_sum3A_691 : vector<16xf32>, vector<16xi1> -> vector<16xf32>
          %reduce_sum3A_693 = vector.extract %reduce_sum3A_692[15] : f32 from vector<16xf32>
          %broadcast_in_dim3A_694 = vector.broadcast %reduce_sum3A_693 : f32 to vector<16xf32>
          %select_n3A_695 = arith.select %eq3A_689, %broadcast_in_dim3A_694, %select_n3A_585 : vector<16xi1>, vector<16xf32>
          scf.yield %select_n3A_695 : vector<16xf32>
        }
        %scan3A_211 = arith.constant 4 : i32
        %bitcast3A = vector.bitcast %scan3A_210 : vector<16xf32> to vector<16xi32>
        %shift_right_arithmetic3A = arith.constant 1 : i32
        %shift_right_arithmetic3A_212 = vector.broadcast %shift_right_arithmetic3A : i32 to vector<16xi32>
        %shift_right_arithmetic3A_213 = arith.shrsi %bitcast3A, %shift_right_arithmetic3A_212 : vector<16xi32>
        %sub3A = arith.constant 1597463007 : i32
        %sub3A_214 = vector.broadcast %sub3A : i32 to vector<16xi32>
        %sub3A_215 = arith.subi %sub3A_214, %shift_right_arithmetic3A_213 : vector<16xi32>
        %bitcast3A_216 = vector.bitcast %sub3A_215 : vector<16xi32> to vector<16xf32>
        %mul3A_217 = arith.constant 5.000000e-01 : f32
        %mul3A_218 = vector.broadcast %mul3A_217 : f32 to vector<16xf32>
        %mul3A_219 = arith.mulf %mul3A_218, %scan3A_210 : vector<16xf32>
        %mul3A_220 = arith.mulf %mul3A_219, %bitcast3A_216 : vector<16xf32>
        %mul3A_221 = arith.mulf %mul3A_220, %bitcast3A_216 : vector<16xf32>
        %sub3A_222 = arith.constant 1.500000e+00 : f32
        %sub3A_223 = vector.broadcast %sub3A_222 : f32 to vector<16xf32>
        %sub3A_224 = arith.subf %sub3A_223, %mul3A_221 : vector<16xf32>
        %mul3A_225 = arith.mulf %bitcast3A_216, %sub3A_224 : vector<16xf32>
        %mul3A_226 = arith.constant 5.000000e-01 : f32
        %mul3A_227 = vector.broadcast %mul3A_226 : f32 to vector<16xf32>
        %mul3A_228 = arith.mulf %mul3A_227, %scan3A_210 : vector<16xf32>
        %mul3A_229 = arith.mulf %mul3A_228, %mul3A_225 : vector<16xf32>
        %mul3A_230 = arith.mulf %mul3A_229, %mul3A_225 : vector<16xf32>
        %sub3A_231 = arith.constant 1.500000e+00 : f32
        %sub3A_232 = vector.broadcast %sub3A_231 : f32 to vector<16xf32>
        %sub3A_233 = arith.subf %sub3A_232, %mul3A_230 : vector<16xf32>
        %mul3A_234 = arith.mulf %mul3A_225, %sub3A_233 : vector<16xf32>
        %mul3A_235 = arith.constant 5.000000e-01 : f32
        %mul3A_236 = vector.broadcast %mul3A_235 : f32 to vector<16xf32>
        %mul3A_237 = arith.mulf %mul3A_236, %scan3A_210 : vector<16xf32>
        %mul3A_238 = arith.mulf %mul3A_237, %mul3A_234 : vector<16xf32>
        %mul3A_239 = arith.mulf %mul3A_238, %mul3A_234 : vector<16xf32>
        %sub3A_240 = arith.constant 1.500000e+00 : f32
        %sub3A_241 = vector.broadcast %sub3A_240 : f32 to vector<16xf32>
        %sub3A_242 = arith.subf %sub3A_241, %mul3A_239 : vector<16xf32>
        %mul3A_243 = arith.mulf %mul3A_234, %sub3A_242 : vector<16xf32>
        %mul3A_244 = arith.mulf %scan3A_210, %mul3A_243 : vector<16xf32>
        %sub3A_245 = arith.constant 1.000000e+00 : f32
        %sub3A_246 = vector.broadcast %sub3A_245 : f32 to vector<16xf32>
        %sub3A_247 = arith.subf %mul3A_244, %sub3A_246 : vector<16xf32>
        %exp3A = math.exp %sub3A_247 : vector<16xf32>
        %add3A_248 = arith.constant 1.000000e+00 : f32
        %add3A_249 = vector.broadcast %add3A_248 : f32 to vector<16xf32>
        %add3A_250 = arith.addf %add3A_249, %exp3A : vector<16xf32>
        %div3A = arith.constant 1.000000e+00 : f32
        %div3A_251 = vector.broadcast %div3A : f32 to vector<16xf32>
        %div3A_252 = arith.divf %div3A_251, %add3A_250 : vector<16xf32>
        %mul3A_253 = arith.constant 16 : i32
        %mul3A_254 = arith.muli %scan3A_204, %mul3A_253 : i32
        %add3A_255 = arith.constant 80 : i32
        %add3A_256 = arith.addi %add3A_255, %mul3A_254 : i32
        %swap3A = arith.index_cast %add3A_256 : i32 to index
        %swap3A_257 = tpu.vector_load %arg18[%swap3A] {strides = array<i32>} : memref<400xf32, #tpu.memory_space<vmem>>, vector<16xf32>,
        tpu.vector_store %arg18[%swap3A], %div3A_252 {strides = array<i32>} : memref<400xf32, #tpu.memory_space<vmem>>, vector<16xf32>,
      }
      %scan3A_109 = arith.constant 5 : i32
      %add3A_110 = arith.constant 5 : i32
      %add3A_111 = arith.addi %add3A_93, %add3A_110 : i32
      %lt3A_112 = arith.constant 125 : i32
      %lt3A_113 = arith.cmpi slt, %add3A_111, %lt3A_112 : i32
      %convert_element_type3A_114 = arith.extui %lt3A_113 : i1 to i32
      %cond3A_115 = arith.constant 0 : i32
      %cond3A_116 = arith.cmpi ne, %convert_element_type3A_114, %cond3A_115 : i32
      scf.if %cond3A_116 {
        %add3A_204 = arith.constant 5 : i32
        %add3A_205 = arith.addi %add3A_93, %add3A_204 : i32
        %mul3A_206 = arith.constant 80 : i32
        %mul3A_207 = arith.muli %add3A_205, %mul3A_206 : i32
        %multiple_of3A_208 = tpu.assume_multiple %mul3A_207, 8 : i32
        %dma_start3A_209 = tpu.memref_slice %arg6[%multiple_of3A_208] : memref<10000xi32, #tpu.memory_space<vmem>> -> memref<80xi32, #tpu.memory_space<vmem>>
        %dma_start3A_210 = arith.constant 0 : i32
        %dma_start3A_211 = arith.constant 0 : i32
        %dma_start3A_212 = tpu.memref_slice %arg2[%dma_start3A_210, %dma_start3A_211] : memref<10000x128xf32, #tpu.memory_space<hbm>> -> memref<10000x128xf32, #tpu.memory_space<hbm>>
        tpu.enqueue_indirect_dma source(%dma_start3A_212 : memref<10000x128xf32, #tpu.memory_space<hbm>>) target(%arg9 : memref<80x128xf32, #tpu.memory_space<vmem>>) offsets(%dma_start3A_209 : memref<80xi32, #tpu.memory_space<vmem>>) semaphore(%arg20 : memref<!tpu.dma_semaphore, #tpu.memory_space<semaphore_mem>>)
        %dma_start3A_213 = tpu.memref_slice %arg7[%multiple_of3A_208] : memref<10000xi32, #tpu.memory_space<vmem>> -> memref<80xi32, #tpu.memory_space<vmem>>
        %dma_start3A_214 = arith.constant 0 : i32
        %dma_start3A_215 = arith.constant 0 : i32
        %dma_start3A_216 = tpu.memref_slice %arg2[%dma_start3A_214, %dma_start3A_215] : memref<10000x128xf32, #tpu.memory_space<hbm>> -> memref<10000x128xf32, #tpu.memory_space<hbm>>
        tpu.enqueue_indirect_dma source(%dma_start3A_216 : memref<10000x128xf32, #tpu.memory_space<hbm>>) target(%arg14 : memref<80x128xf32, #tpu.memory_space<vmem>>) offsets(%dma_start3A_213 : memref<80xi32, #tpu.memory_space<vmem>>) semaphore(%arg20 : memref<!tpu.dma_semaphore, #tpu.memory_space<semaphore_mem>>)
      } else {
      }
      %mul3A_117 = arith.constant 5 : i32
      %mul3A_118 = arith.muli %scan3A_61, %mul3A_117 : i32
      %add3A_119 = arith.constant 2 : i32
      %add3A_120 = arith.addi %mul3A_118, %add3A_119 : i32
      %dma_wait3A_121 = arith.constant 0 : i32
      %dma_wait3A_122 = tpu.memref_slice %arg6[%dma_wait3A_121] : memref<10000xi32, #tpu.memory_space<vmem>> -> memref<80xi32, #tpu.memory_space<vmem>>
      %dma_wait3A_123 = arith.constant 0 : i32
      %dma_wait3A_124 = arith.constant 0 : i32
      %dma_wait3A_125 = tpu.memref_slice %arg2[%dma_wait3A_123, %dma_wait3A_124] : memref<10000x128xf32, #tpu.memory_space<hbm>> -> memref<10000x128xf32, #tpu.memory_space<hbm>>
      tpu.wait_indirect_dma semaphore(%arg21 : memref<!tpu.dma_semaphore, #tpu.memory_space<semaphore_mem>>) src(%dma_wait3A_125 : memref<10000x128xf32, #tpu.memory_space<hbm>>) dst(%arg10 : memref<80x128xf32, #tpu.memory_space<vmem>>)
      %dma_wait3A_126 = arith.constant 0 : i32
      %dma_wait3A_127 = tpu.memref_slice %arg7[%dma_wait3A_126] : memref<10000xi32, #tpu.memory_space<vmem>> -> memref<80xi32, #tpu.memory_space<vmem>>
      %dma_wait3A_128 = arith.constant 0 : i32
      %dma_wait3A_129 = arith.constant 0 : i32
      %dma_wait3A_130 = tpu.memref_slice %arg2[%dma_wait3A_128, %dma_wait3A_129] : memref<10000x128xf32, #tpu.memory_space<hbm>> -> memref<10000x128xf32, #tpu.memory_space<hbm>>
      tpu.wait_indirect_dma semaphore(%arg21 : memref<!tpu.dma_semaphore, #tpu.memory_space<semaphore_mem>>) src(%dma_wait3A_130 : memref<10000x128xf32, #tpu.memory_space<hbm>>) dst(%arg15 : memref<80x128xf32, #tpu.memory_space<vmem>>)
      %scan3A_131 = arith.constant 0 : i32
      %scan3A_132 = arith.constant 0 : i32
      %scan3A_133 = arith.constant 5 : i32
      %scan3A_134 = arith.addi %scan3A_132, %scan3A_133 : i32
      %scan3A_135 = arith.constant 1 : i32
      scf.for %scan3A_204 = %scan3A_132 to %scan3A_134 step %scan3A_135  : i32 {
        %broadcast_in_dim3A = arith.constant 0.000000e+00 : f32
        %broadcast_in_dim3A_205 = vector.broadcast %broadcast_in_dim3A : f32 to vector<16xf32>
        %scan3A_206 = arith.constant 0 : i32
        %scan3A_207 = arith.constant 4 : i32
        %scan3A_208 = arith.addi %scan3A_206, %scan3A_207 : i32
        %scan3A_209 = arith.constant 1 : i32
        %scan3A_210 = scf.for %scan3A_258 = %scan3A_206 to %scan3A_208 step %scan3A_209 iter_args(%scan3A_259 = %broadcast_in_dim3A_205) -> (vector<16xf32>)  : i32 {
          %mul3A_260 = arith.constant 4 : i32
          %mul3A_261 = arith.muli %scan3A_258, %mul3A_260 : i32
          %add3A_262 = arith.constant 0 : i32
          %add3A_263 = arith.addi %mul3A_261, %add3A_262 : i32
          %mul3A_264 = arith.constant 16 : i32
          %mul3A_265 = arith.muli %scan3A_204, %mul3A_264 : i32
          %add3A_266 = arith.addi %mul3A_265, %add3A_263 : i32
          %get3A = arith.index_cast %add3A_266 : i32 to index
          %get3A_267 = arith.constant 0 : index
          %get3A_268 = tpu.vector_load %arg10[%get3A, %get3A_267] {strides = array<i32>} : memref<80x128xf32, #tpu.memory_space<vmem>>, vector<16xf32>,
          %get3A_269 = arith.index_cast %add3A_266 : i32 to index
          %get3A_270 = arith.constant 0 : index
          %get3A_271 = tpu.vector_load %arg15[%get3A_269, %get3A_270] {strides = array<i32>} : memref<80x128xf32, #tpu.memory_space<vmem>>, vector<16xf32>,
          %sub3A_272 = arith.subf %get3A_268, %get3A_271 : vector<16xf32>
          %add3A_273 = arith.constant 9.99999997E-7 : f32
          %add3A_274 = vector.broadcast %add3A_273 : f32 to vector<16xf32>
          %add3A_275 = arith.addf %sub3A_272, %add3A_274 : vector<16xf32>
          %mul3A_276 = arith.mulf %add3A_275, %add3A_275 : vector<16xf32>
          %get3A_277 = arith.index_cast %add3A_266 : i32 to index
          %get3A_278 = arith.constant 16 : index
          %get3A_279 = tpu.vector_load %arg10[%get3A_277, %get3A_278] {strides = array<i32>} : memref<80x128xf32, #tpu.memory_space<vmem>>, vector<16xf32>,
          %get3A_280 = arith.index_cast %add3A_266 : i32 to index
          %get3A_281 = arith.constant 16 : index
          %get3A_282 = tpu.vector_load %arg15[%get3A_280, %get3A_281] {strides = array<i32>} : memref<80x128xf32, #tpu.memory_space<vmem>>, vector<16xf32>,
          %sub3A_283 = arith.subf %get3A_279, %get3A_282 : vector<16xf32>
          %add3A_284 = arith.constant 9.99999997E-7 : f32
          %add3A_285 = vector.broadcast %add3A_284 : f32 to vector<16xf32>
          %add3A_286 = arith.addf %sub3A_283, %add3A_285 : vector<16xf32>
          %mul3A_287 = arith.mulf %add3A_286, %add3A_286 : vector<16xf32>
          %add3A_288 = arith.addf %mul3A_276, %mul3A_287 : vector<16xf32>
          %get3A_289 = arith.index_cast %add3A_266 : i32 to index
          %get3A_290 = arith.constant 32 : index
          %get3A_291 = tpu.vector_load %arg10[%get3A_289, %get3A_290] {strides = array<i32>} : memref<80x128xf32, #tpu.memory_space<vmem>>, vector<16xf32>,
          %get3A_292 = arith.index_cast %add3A_266 : i32 to index
          %get3A_293 = arith.constant 32 : index
          %get3A_294 = tpu.vector_load %arg15[%get3A_292, %get3A_293] {strides = array<i32>} : memref<80x128xf32, #tpu.memory_space<vmem>>, vector<16xf32>,
          %sub3A_295 = arith.subf %get3A_291, %get3A_294 : vector<16xf32>
          %add3A_296 = arith.constant 9.99999997E-7 : f32
          %add3A_297 = vector.broadcast %add3A_296 : f32 to vector<16xf32>
          %add3A_298 = arith.addf %sub3A_295, %add3A_297 : vector<16xf32>
          %mul3A_299 = arith.mulf %add3A_298, %add3A_298 : vector<16xf32>
          %add3A_300 = arith.addf %add3A_288, %mul3A_299 : vector<16xf32>
          %get3A_301 = arith.index_cast %add3A_266 : i32 to index
          %get3A_302 = arith.constant 48 : index
          %get3A_303 = tpu.vector_load %arg10[%get3A_301, %get3A_302] {strides = array<i32>} : memref<80x128xf32, #tpu.memory_space<vmem>>, vector<16xf32>,
          %get3A_304 = arith.index_cast %add3A_266 : i32 to index
          %get3A_305 = arith.constant 48 : index
          %get3A_306 = tpu.vector_load %arg15[%get3A_304, %get3A_305] {strides = array<i32>} : memref<80x128xf32, #tpu.memory_space<vmem>>, vector<16xf32>,
          %sub3A_307 = arith.subf %get3A_303, %get3A_306 : vector<16xf32>
          %add3A_308 = arith.constant 9.99999997E-7 : f32
          %add3A_309 = vector.broadcast %add3A_308 : f32 to vector<16xf32>
          %add3A_310 = arith.addf %sub3A_307, %add3A_309 : vector<16xf32>
          %mul3A_311 = arith.mulf %add3A_310, %add3A_310 : vector<16xf32>
          %add3A_312 = arith.addf %add3A_300, %mul3A_311 : vector<16xf32>
          %get3A_313 = arith.index_cast %add3A_266 : i32 to index
          %get3A_314 = arith.constant 64 : index
          %get3A_315 = tpu.vector_load %arg10[%get3A_313, %get3A_314] {strides = array<i32>} : memref<80x128xf32, #tpu.memory_space<vmem>>, vector<16xf32>,
          %get3A_316 = arith.index_cast %add3A_266 : i32 to index
          %get3A_317 = arith.constant 64 : index
          %get3A_318 = tpu.vector_load %arg15[%get3A_316, %get3A_317] {strides = array<i32>} : memref<80x128xf32, #tpu.memory_space<vmem>>, vector<16xf32>,
          %sub3A_319 = arith.subf %get3A_315, %get3A_318 : vector<16xf32>
          %add3A_320 = arith.constant 9.99999997E-7 : f32
          %add3A_321 = vector.broadcast %add3A_320 : f32 to vector<16xf32>
          %add3A_322 = arith.addf %sub3A_319, %add3A_321 : vector<16xf32>
          %mul3A_323 = arith.mulf %add3A_322, %add3A_322 : vector<16xf32>
          %add3A_324 = arith.addf %add3A_312, %mul3A_323 : vector<16xf32>
          %get3A_325 = arith.index_cast %add3A_266 : i32 to index
          %get3A_326 = arith.constant 80 : index
          %get3A_327 = tpu.vector_load %arg10[%get3A_325, %get3A_326] {strides = array<i32>} : memref<80x128xf32, #tpu.memory_space<vmem>>, vector<16xf32>,
          %get3A_328 = arith.index_cast %add3A_266 : i32 to index
          %get3A_329 = arith.constant 80 : index
          %get3A_330 = tpu.vector_load %arg15[%get3A_328, %get3A_329] {strides = array<i32>} : memref<80x128xf32, #tpu.memory_space<vmem>>, vector<16xf32>,
          %sub3A_331 = arith.subf %get3A_327, %get3A_330 : vector<16xf32>
          %add3A_332 = arith.constant 9.99999997E-7 : f32
          %add3A_333 = vector.broadcast %add3A_332 : f32 to vector<16xf32>
          %add3A_334 = arith.addf %sub3A_331, %add3A_333 : vector<16xf32>
          %mul3A_335 = arith.mulf %add3A_334, %add3A_334 : vector<16xf32>
          %add3A_336 = arith.addf %add3A_324, %mul3A_335 : vector<16xf32>
          %get3A_337 = arith.index_cast %add3A_266 : i32 to index
          %get3A_338 = arith.constant 96 : index
          %get3A_339 = tpu.vector_load %arg10[%get3A_337, %get3A_338] {strides = array<i32>} : memref<80x128xf32, #tpu.memory_space<vmem>>, vector<16xf32>,
          %get3A_340 = arith.index_cast %add3A_266 : i32 to index
          %get3A_341 = arith.constant 96 : index
          %get3A_342 = tpu.vector_load %arg15[%get3A_340, %get3A_341] {strides = array<i32>} : memref<80x128xf32, #tpu.memory_space<vmem>>, vector<16xf32>,
          %sub3A_343 = arith.subf %get3A_339, %get3A_342 : vector<16xf32>
          %add3A_344 = arith.constant 9.99999997E-7 : f32
          %add3A_345 = vector.broadcast %add3A_344 : f32 to vector<16xf32>
          %add3A_346 = arith.addf %sub3A_343, %add3A_345 : vector<16xf32>
          %mul3A_347 = arith.mulf %add3A_346, %add3A_346 : vector<16xf32>
          %add3A_348 = arith.addf %add3A_336, %mul3A_347 : vector<16xf32>
          %get3A_349 = arith.index_cast %add3A_266 : i32 to index
          %get3A_350 = arith.constant 112 : index
          %get3A_351 = tpu.vector_load %arg10[%get3A_349, %get3A_350] {strides = array<i32>} : memref<80x128xf32, #tpu.memory_space<vmem>>, vector<16xf32>,
          %get3A_352 = arith.index_cast %add3A_266 : i32 to index
          %get3A_353 = arith.constant 112 : index
          %get3A_354 = tpu.vector_load %arg15[%get3A_352, %get3A_353] {strides = array<i32>} : memref<80x128xf32, #tpu.memory_space<vmem>>, vector<16xf32>,
          %sub3A_355 = arith.subf %get3A_351, %get3A_354 : vector<16xf32>
          %add3A_356 = arith.constant 9.99999997E-7 : f32
          %add3A_357 = vector.broadcast %add3A_356 : f32 to vector<16xf32>
          %add3A_358 = arith.addf %sub3A_355, %add3A_357 : vector<16xf32>
          %mul3A_359 = arith.mulf %add3A_358, %add3A_358 : vector<16xf32>
          %add3A_360 = arith.addf %add3A_348, %mul3A_359 : vector<16xf32>
          %eq3A = vector.broadcast %add3A_263 : i32 to vector<16xi32>
          %eq3A_361 = arith.cmpi eq, %iota3A, %eq3A : vector<16xi32>
          %reduce_sum3A = arith.constant true
          %reduce_sum3A_362 = vector.broadcast %reduce_sum3A : i1 to vector<16xi1>
          %reduce_sum3A_363 = tpu.scan <sum>, %add3A_360 masked %reduce_sum3A_362 : vector<16xf32>, vector<16xi1> -> vector<16xf32>
          %reduce_sum3A_364 = vector.extract %reduce_sum3A_363[15] : f32 from vector<16xf32>
          %broadcast_in_dim3A_365 = vector.broadcast %reduce_sum3A_364 : f32 to vector<16xf32>
          %select_n3A = arith.select %eq3A_361, %broadcast_in_dim3A_365, %scan3A_259 : vector<16xi1>, vector<16xf32>
          %mul3A_366 = arith.constant 4 : i32
          %mul3A_367 = arith.muli %scan3A_258, %mul3A_366 : i32
          %add3A_368 = arith.constant 1 : i32
          %add3A_369 = arith.addi %mul3A_367, %add3A_368 : i32
          %mul3A_370 = arith.constant 16 : i32
          %mul3A_371 = arith.muli %scan3A_204, %mul3A_370 : i32
          %add3A_372 = arith.addi %mul3A_371, %add3A_369 : i32
          %get3A_373 = arith.index_cast %add3A_372 : i32 to index
          %get3A_374 = arith.constant 0 : index
          %get3A_375 = tpu.vector_load %arg10[%get3A_373, %get3A_374] {strides = array<i32>} : memref<80x128xf32, #tpu.memory_space<vmem>>, vector<16xf32>,
          %get3A_376 = arith.index_cast %add3A_372 : i32 to index
          %get3A_377 = arith.constant 0 : index
          %get3A_378 = tpu.vector_load %arg15[%get3A_376, %get3A_377] {strides = array<i32>} : memref<80x128xf32, #tpu.memory_space<vmem>>, vector<16xf32>,
          %sub3A_379 = arith.subf %get3A_375, %get3A_378 : vector<16xf32>
          %add3A_380 = arith.constant 9.99999997E-7 : f32
          %add3A_381 = vector.broadcast %add3A_380 : f32 to vector<16xf32>
          %add3A_382 = arith.addf %sub3A_379, %add3A_381 : vector<16xf32>
          %mul3A_383 = arith.mulf %add3A_382, %add3A_382 : vector<16xf32>
          %get3A_384 = arith.index_cast %add3A_372 : i32 to index
          %get3A_385 = arith.constant 16 : index
          %get3A_386 = tpu.vector_load %arg10[%get3A_384, %get3A_385] {strides = array<i32>} : memref<80x128xf32, #tpu.memory_space<vmem>>, vector<16xf32>,
          %get3A_387 = arith.index_cast %add3A_372 : i32 to index
          %get3A_388 = arith.constant 16 : index
          %get3A_389 = tpu.vector_load %arg15[%get3A_387, %get3A_388] {strides = array<i32>} : memref<80x128xf32, #tpu.memory_space<vmem>>, vector<16xf32>,
          %sub3A_390 = arith.subf %get3A_386, %get3A_389 : vector<16xf32>
          %add3A_391 = arith.constant 9.99999997E-7 : f32
          %add3A_392 = vector.broadcast %add3A_391 : f32 to vector<16xf32>
          %add3A_393 = arith.addf %sub3A_390, %add3A_392 : vector<16xf32>
          %mul3A_394 = arith.mulf %add3A_393, %add3A_393 : vector<16xf32>
          %add3A_395 = arith.addf %mul3A_383, %mul3A_394 : vector<16xf32>
          %get3A_396 = arith.index_cast %add3A_372 : i32 to index
          %get3A_397 = arith.constant 32 : index
          %get3A_398 = tpu.vector_load %arg10[%get3A_396, %get3A_397] {strides = array<i32>} : memref<80x128xf32, #tpu.memory_space<vmem>>, vector<16xf32>,
          %get3A_399 = arith.index_cast %add3A_372 : i32 to index
          %get3A_400 = arith.constant 32 : index
          %get3A_401 = tpu.vector_load %arg15[%get3A_399, %get3A_400] {strides = array<i32>} : memref<80x128xf32, #tpu.memory_space<vmem>>, vector<16xf32>,
          %sub3A_402 = arith.subf %get3A_398, %get3A_401 : vector<16xf32>
          %add3A_403 = arith.constant 9.99999997E-7 : f32
          %add3A_404 = vector.broadcast %add3A_403 : f32 to vector<16xf32>
          %add3A_405 = arith.addf %sub3A_402, %add3A_404 : vector<16xf32>
          %mul3A_406 = arith.mulf %add3A_405, %add3A_405 : vector<16xf32>
          %add3A_407 = arith.addf %add3A_395, %mul3A_406 : vector<16xf32>
          %get3A_408 = arith.index_cast %add3A_372 : i32 to index
          %get3A_409 = arith.constant 48 : index
          %get3A_410 = tpu.vector_load %arg10[%get3A_408, %get3A_409] {strides = array<i32>} : memref<80x128xf32, #tpu.memory_space<vmem>>, vector<16xf32>,
          %get3A_411 = arith.index_cast %add3A_372 : i32 to index
          %get3A_412 = arith.constant 48 : index
          %get3A_413 = tpu.vector_load %arg15[%get3A_411, %get3A_412] {strides = array<i32>} : memref<80x128xf32, #tpu.memory_space<vmem>>, vector<16xf32>,
          %sub3A_414 = arith.subf %get3A_410, %get3A_413 : vector<16xf32>
          %add3A_415 = arith.constant 9.99999997E-7 : f32
          %add3A_416 = vector.broadcast %add3A_415 : f32 to vector<16xf32>
          %add3A_417 = arith.addf %sub3A_414, %add3A_416 : vector<16xf32>
          %mul3A_418 = arith.mulf %add3A_417, %add3A_417 : vector<16xf32>
          %add3A_419 = arith.addf %add3A_407, %mul3A_418 : vector<16xf32>
          %get3A_420 = arith.index_cast %add3A_372 : i32 to index
          %get3A_421 = arith.constant 64 : index
          %get3A_422 = tpu.vector_load %arg10[%get3A_420, %get3A_421] {strides = array<i32>} : memref<80x128xf32, #tpu.memory_space<vmem>>, vector<16xf32>,
          %get3A_423 = arith.index_cast %add3A_372 : i32 to index
          %get3A_424 = arith.constant 64 : index
          %get3A_425 = tpu.vector_load %arg15[%get3A_423, %get3A_424] {strides = array<i32>} : memref<80x128xf32, #tpu.memory_space<vmem>>, vector<16xf32>,
          %sub3A_426 = arith.subf %get3A_422, %get3A_425 : vector<16xf32>
          %add3A_427 = arith.constant 9.99999997E-7 : f32
          %add3A_428 = vector.broadcast %add3A_427 : f32 to vector<16xf32>
          %add3A_429 = arith.addf %sub3A_426, %add3A_428 : vector<16xf32>
          %mul3A_430 = arith.mulf %add3A_429, %add3A_429 : vector<16xf32>
          %add3A_431 = arith.addf %add3A_419, %mul3A_430 : vector<16xf32>
          %get3A_432 = arith.index_cast %add3A_372 : i32 to index
          %get3A_433 = arith.constant 80 : index
          %get3A_434 = tpu.vector_load %arg10[%get3A_432, %get3A_433] {strides = array<i32>} : memref<80x128xf32, #tpu.memory_space<vmem>>, vector<16xf32>,
          %get3A_435 = arith.index_cast %add3A_372 : i32 to index
          %get3A_436 = arith.constant 80 : index
          %get3A_437 = tpu.vector_load %arg15[%get3A_435, %get3A_436] {strides = array<i32>} : memref<80x128xf32, #tpu.memory_space<vmem>>, vector<16xf32>,
          %sub3A_438 = arith.subf %get3A_434, %get3A_437 : vector<16xf32>
          %add3A_439 = arith.constant 9.99999997E-7 : f32
          %add3A_440 = vector.broadcast %add3A_439 : f32 to vector<16xf32>
          %add3A_441 = arith.addf %sub3A_438, %add3A_440 : vector<16xf32>
          %mul3A_442 = arith.mulf %add3A_441, %add3A_441 : vector<16xf32>
          %add3A_443 = arith.addf %add3A_431, %mul3A_442 : vector<16xf32>
          %get3A_444 = arith.index_cast %add3A_372 : i32 to index
          %get3A_445 = arith.constant 96 : index
          %get3A_446 = tpu.vector_load %arg10[%get3A_444, %get3A_445] {strides = array<i32>} : memref<80x128xf32, #tpu.memory_space<vmem>>, vector<16xf32>,
          %get3A_447 = arith.index_cast %add3A_372 : i32 to index
          %get3A_448 = arith.constant 96 : index
          %get3A_449 = tpu.vector_load %arg15[%get3A_447, %get3A_448] {strides = array<i32>} : memref<80x128xf32, #tpu.memory_space<vmem>>, vector<16xf32>,
          %sub3A_450 = arith.subf %get3A_446, %get3A_449 : vector<16xf32>
          %add3A_451 = arith.constant 9.99999997E-7 : f32
          %add3A_452 = vector.broadcast %add3A_451 : f32 to vector<16xf32>
          %add3A_453 = arith.addf %sub3A_450, %add3A_452 : vector<16xf32>
          %mul3A_454 = arith.mulf %add3A_453, %add3A_453 : vector<16xf32>
          %add3A_455 = arith.addf %add3A_443, %mul3A_454 : vector<16xf32>
          %get3A_456 = arith.index_cast %add3A_372 : i32 to index
          %get3A_457 = arith.constant 112 : index
          %get3A_458 = tpu.vector_load %arg10[%get3A_456, %get3A_457] {strides = array<i32>} : memref<80x128xf32, #tpu.memory_space<vmem>>, vector<16xf32>,
          %get3A_459 = arith.index_cast %add3A_372 : i32 to index
          %get3A_460 = arith.constant 112 : index
          %get3A_461 = tpu.vector_load %arg15[%get3A_459, %get3A_460] {strides = array<i32>} : memref<80x128xf32, #tpu.memory_space<vmem>>, vector<16xf32>,
          %sub3A_462 = arith.subf %get3A_458, %get3A_461 : vector<16xf32>
          %add3A_463 = arith.constant 9.99999997E-7 : f32
          %add3A_464 = vector.broadcast %add3A_463 : f32 to vector<16xf32>
          %add3A_465 = arith.addf %sub3A_462, %add3A_464 : vector<16xf32>
          %mul3A_466 = arith.mulf %add3A_465, %add3A_465 : vector<16xf32>
          %add3A_467 = arith.addf %add3A_455, %mul3A_466 : vector<16xf32>
          %eq3A_468 = vector.broadcast %add3A_369 : i32 to vector<16xi32>
          %eq3A_469 = arith.cmpi eq, %iota3A, %eq3A_468 : vector<16xi32>
          %reduce_sum3A_470 = arith.constant true
          %reduce_sum3A_471 = vector.broadcast %reduce_sum3A_470 : i1 to vector<16xi1>
          %reduce_sum3A_472 = tpu.scan <sum>, %add3A_467 masked %reduce_sum3A_471 : vector<16xf32>, vector<16xi1> -> vector<16xf32>
          %reduce_sum3A_473 = vector.extract %reduce_sum3A_472[15] : f32 from vector<16xf32>
          %broadcast_in_dim3A_474 = vector.broadcast %reduce_sum3A_473 : f32 to vector<16xf32>
          %select_n3A_475 = arith.select %eq3A_469, %broadcast_in_dim3A_474, %select_n3A : vector<16xi1>, vector<16xf32>
          %mul3A_476 = arith.constant 4 : i32
          %mul3A_477 = arith.muli %scan3A_258, %mul3A_476 : i32
          %add3A_478 = arith.constant 2 : i32
          %add3A_479 = arith.addi %mul3A_477, %add3A_478 : i32
          %mul3A_480 = arith.constant 16 : i32
          %mul3A_481 = arith.muli %scan3A_204, %mul3A_480 : i32
          %add3A_482 = arith.addi %mul3A_481, %add3A_479 : i32
          %get3A_483 = arith.index_cast %add3A_482 : i32 to index
          %get3A_484 = arith.constant 0 : index
          %get3A_485 = tpu.vector_load %arg10[%get3A_483, %get3A_484] {strides = array<i32>} : memref<80x128xf32, #tpu.memory_space<vmem>>, vector<16xf32>,
          %get3A_486 = arith.index_cast %add3A_482 : i32 to index
          %get3A_487 = arith.constant 0 : index
          %get3A_488 = tpu.vector_load %arg15[%get3A_486, %get3A_487] {strides = array<i32>} : memref<80x128xf32, #tpu.memory_space<vmem>>, vector<16xf32>,
          %sub3A_489 = arith.subf %get3A_485, %get3A_488 : vector<16xf32>
          %add3A_490 = arith.constant 9.99999997E-7 : f32
          %add3A_491 = vector.broadcast %add3A_490 : f32 to vector<16xf32>
          %add3A_492 = arith.addf %sub3A_489, %add3A_491 : vector<16xf32>
          %mul3A_493 = arith.mulf %add3A_492, %add3A_492 : vector<16xf32>
          %get3A_494 = arith.index_cast %add3A_482 : i32 to index
          %get3A_495 = arith.constant 16 : index
          %get3A_496 = tpu.vector_load %arg10[%get3A_494, %get3A_495] {strides = array<i32>} : memref<80x128xf32, #tpu.memory_space<vmem>>, vector<16xf32>,
          %get3A_497 = arith.index_cast %add3A_482 : i32 to index
          %get3A_498 = arith.constant 16 : index
          %get3A_499 = tpu.vector_load %arg15[%get3A_497, %get3A_498] {strides = array<i32>} : memref<80x128xf32, #tpu.memory_space<vmem>>, vector<16xf32>,
          %sub3A_500 = arith.subf %get3A_496, %get3A_499 : vector<16xf32>
          %add3A_501 = arith.constant 9.99999997E-7 : f32
          %add3A_502 = vector.broadcast %add3A_501 : f32 to vector<16xf32>
          %add3A_503 = arith.addf %sub3A_500, %add3A_502 : vector<16xf32>
          %mul3A_504 = arith.mulf %add3A_503, %add3A_503 : vector<16xf32>
          %add3A_505 = arith.addf %mul3A_493, %mul3A_504 : vector<16xf32>
          %get3A_506 = arith.index_cast %add3A_482 : i32 to index
          %get3A_507 = arith.constant 32 : index
          %get3A_508 = tpu.vector_load %arg10[%get3A_506, %get3A_507] {strides = array<i32>} : memref<80x128xf32, #tpu.memory_space<vmem>>, vector<16xf32>,
          %get3A_509 = arith.index_cast %add3A_482 : i32 to index
          %get3A_510 = arith.constant 32 : index
          %get3A_511 = tpu.vector_load %arg15[%get3A_509, %get3A_510] {strides = array<i32>} : memref<80x128xf32, #tpu.memory_space<vmem>>, vector<16xf32>,
          %sub3A_512 = arith.subf %get3A_508, %get3A_511 : vector<16xf32>
          %add3A_513 = arith.constant 9.99999997E-7 : f32
          %add3A_514 = vector.broadcast %add3A_513 : f32 to vector<16xf32>
          %add3A_515 = arith.addf %sub3A_512, %add3A_514 : vector<16xf32>
          %mul3A_516 = arith.mulf %add3A_515, %add3A_515 : vector<16xf32>
          %add3A_517 = arith.addf %add3A_505, %mul3A_516 : vector<16xf32>
          %get3A_518 = arith.index_cast %add3A_482 : i32 to index
          %get3A_519 = arith.constant 48 : index
          %get3A_520 = tpu.vector_load %arg10[%get3A_518, %get3A_519] {strides = array<i32>} : memref<80x128xf32, #tpu.memory_space<vmem>>, vector<16xf32>,
          %get3A_521 = arith.index_cast %add3A_482 : i32 to index
          %get3A_522 = arith.constant 48 : index
          %get3A_523 = tpu.vector_load %arg15[%get3A_521, %get3A_522] {strides = array<i32>} : memref<80x128xf32, #tpu.memory_space<vmem>>, vector<16xf32>,
          %sub3A_524 = arith.subf %get3A_520, %get3A_523 : vector<16xf32>
          %add3A_525 = arith.constant 9.99999997E-7 : f32
          %add3A_526 = vector.broadcast %add3A_525 : f32 to vector<16xf32>
          %add3A_527 = arith.addf %sub3A_524, %add3A_526 : vector<16xf32>
          %mul3A_528 = arith.mulf %add3A_527, %add3A_527 : vector<16xf32>
          %add3A_529 = arith.addf %add3A_517, %mul3A_528 : vector<16xf32>
          %get3A_530 = arith.index_cast %add3A_482 : i32 to index
          %get3A_531 = arith.constant 64 : index
          %get3A_532 = tpu.vector_load %arg10[%get3A_530, %get3A_531] {strides = array<i32>} : memref<80x128xf32, #tpu.memory_space<vmem>>, vector<16xf32>,
          %get3A_533 = arith.index_cast %add3A_482 : i32 to index
          %get3A_534 = arith.constant 64 : index
          %get3A_535 = tpu.vector_load %arg15[%get3A_533, %get3A_534] {strides = array<i32>} : memref<80x128xf32, #tpu.memory_space<vmem>>, vector<16xf32>,
          %sub3A_536 = arith.subf %get3A_532, %get3A_535 : vector<16xf32>
          %add3A_537 = arith.constant 9.99999997E-7 : f32
          %add3A_538 = vector.broadcast %add3A_537 : f32 to vector<16xf32>
          %add3A_539 = arith.addf %sub3A_536, %add3A_538 : vector<16xf32>
          %mul3A_540 = arith.mulf %add3A_539, %add3A_539 : vector<16xf32>
          %add3A_541 = arith.addf %add3A_529, %mul3A_540 : vector<16xf32>
          %get3A_542 = arith.index_cast %add3A_482 : i32 to index
          %get3A_543 = arith.constant 80 : index
          %get3A_544 = tpu.vector_load %arg10[%get3A_542, %get3A_543] {strides = array<i32>} : memref<80x128xf32, #tpu.memory_space<vmem>>, vector<16xf32>,
          %get3A_545 = arith.index_cast %add3A_482 : i32 to index
          %get3A_546 = arith.constant 80 : index
          %get3A_547 = tpu.vector_load %arg15[%get3A_545, %get3A_546] {strides = array<i32>} : memref<80x128xf32, #tpu.memory_space<vmem>>, vector<16xf32>,
          %sub3A_548 = arith.subf %get3A_544, %get3A_547 : vector<16xf32>
          %add3A_549 = arith.constant 9.99999997E-7 : f32
          %add3A_550 = vector.broadcast %add3A_549 : f32 to vector<16xf32>
          %add3A_551 = arith.addf %sub3A_548, %add3A_550 : vector<16xf32>
          %mul3A_552 = arith.mulf %add3A_551, %add3A_551 : vector<16xf32>
          %add3A_553 = arith.addf %add3A_541, %mul3A_552 : vector<16xf32>
          %get3A_554 = arith.index_cast %add3A_482 : i32 to index
          %get3A_555 = arith.constant 96 : index
          %get3A_556 = tpu.vector_load %arg10[%get3A_554, %get3A_555] {strides = array<i32>} : memref<80x128xf32, #tpu.memory_space<vmem>>, vector<16xf32>,
          %get3A_557 = arith.index_cast %add3A_482 : i32 to index
          %get3A_558 = arith.constant 96 : index
          %get3A_559 = tpu.vector_load %arg15[%get3A_557, %get3A_558] {strides = array<i32>} : memref<80x128xf32, #tpu.memory_space<vmem>>, vector<16xf32>,
          %sub3A_560 = arith.subf %get3A_556, %get3A_559 : vector<16xf32>
          %add3A_561 = arith.constant 9.99999997E-7 : f32
          %add3A_562 = vector.broadcast %add3A_561 : f32 to vector<16xf32>
          %add3A_563 = arith.addf %sub3A_560, %add3A_562 : vector<16xf32>
          %mul3A_564 = arith.mulf %add3A_563, %add3A_563 : vector<16xf32>
          %add3A_565 = arith.addf %add3A_553, %mul3A_564 : vector<16xf32>
          %get3A_566 = arith.index_cast %add3A_482 : i32 to index
          %get3A_567 = arith.constant 112 : index
          %get3A_568 = tpu.vector_load %arg10[%get3A_566, %get3A_567] {strides = array<i32>} : memref<80x128xf32, #tpu.memory_space<vmem>>, vector<16xf32>,
          %get3A_569 = arith.index_cast %add3A_482 : i32 to index
          %get3A_570 = arith.constant 112 : index
          %get3A_571 = tpu.vector_load %arg15[%get3A_569, %get3A_570] {strides = array<i32>} : memref<80x128xf32, #tpu.memory_space<vmem>>, vector<16xf32>,
          %sub3A_572 = arith.subf %get3A_568, %get3A_571 : vector<16xf32>
          %add3A_573 = arith.constant 9.99999997E-7 : f32
          %add3A_574 = vector.broadcast %add3A_573 : f32 to vector<16xf32>
          %add3A_575 = arith.addf %sub3A_572, %add3A_574 : vector<16xf32>
          %mul3A_576 = arith.mulf %add3A_575, %add3A_575 : vector<16xf32>
          %add3A_577 = arith.addf %add3A_565, %mul3A_576 : vector<16xf32>
          %eq3A_578 = vector.broadcast %add3A_479 : i32 to vector<16xi32>
          %eq3A_579 = arith.cmpi eq, %iota3A, %eq3A_578 : vector<16xi32>
          %reduce_sum3A_580 = arith.constant true
          %reduce_sum3A_581 = vector.broadcast %reduce_sum3A_580 : i1 to vector<16xi1>
          %reduce_sum3A_582 = tpu.scan <sum>, %add3A_577 masked %reduce_sum3A_581 : vector<16xf32>, vector<16xi1> -> vector<16xf32>
          %reduce_sum3A_583 = vector.extract %reduce_sum3A_582[15] : f32 from vector<16xf32>
          %broadcast_in_dim3A_584 = vector.broadcast %reduce_sum3A_583 : f32 to vector<16xf32>
          %select_n3A_585 = arith.select %eq3A_579, %broadcast_in_dim3A_584, %select_n3A_475 : vector<16xi1>, vector<16xf32>
          %mul3A_586 = arith.constant 4 : i32
          %mul3A_587 = arith.muli %scan3A_258, %mul3A_586 : i32
          %add3A_588 = arith.constant 3 : i32
          %add3A_589 = arith.addi %mul3A_587, %add3A_588 : i32
          %mul3A_590 = arith.constant 16 : i32
          %mul3A_591 = arith.muli %scan3A_204, %mul3A_590 : i32
          %add3A_592 = arith.addi %mul3A_591, %add3A_589 : i32
          %get3A_593 = arith.index_cast %add3A_592 : i32 to index
          %get3A_594 = arith.constant 0 : index
          %get3A_595 = tpu.vector_load %arg10[%get3A_593, %get3A_594] {strides = array<i32>} : memref<80x128xf32, #tpu.memory_space<vmem>>, vector<16xf32>,
          %get3A_596 = arith.index_cast %add3A_592 : i32 to index
          %get3A_597 = arith.constant 0 : index
          %get3A_598 = tpu.vector_load %arg15[%get3A_596, %get3A_597] {strides = array<i32>} : memref<80x128xf32, #tpu.memory_space<vmem>>, vector<16xf32>,
          %sub3A_599 = arith.subf %get3A_595, %get3A_598 : vector<16xf32>
          %add3A_600 = arith.constant 9.99999997E-7 : f32
          %add3A_601 = vector.broadcast %add3A_600 : f32 to vector<16xf32>
          %add3A_602 = arith.addf %sub3A_599, %add3A_601 : vector<16xf32>
          %mul3A_603 = arith.mulf %add3A_602, %add3A_602 : vector<16xf32>
          %get3A_604 = arith.index_cast %add3A_592 : i32 to index
          %get3A_605 = arith.constant 16 : index
          %get3A_606 = tpu.vector_load %arg10[%get3A_604, %get3A_605] {strides = array<i32>} : memref<80x128xf32, #tpu.memory_space<vmem>>, vector<16xf32>,
          %get3A_607 = arith.index_cast %add3A_592 : i32 to index
          %get3A_608 = arith.constant 16 : index
          %get3A_609 = tpu.vector_load %arg15[%get3A_607, %get3A_608] {strides = array<i32>} : memref<80x128xf32, #tpu.memory_space<vmem>>, vector<16xf32>,
          %sub3A_610 = arith.subf %get3A_606, %get3A_609 : vector<16xf32>
          %add3A_611 = arith.constant 9.99999997E-7 : f32
          %add3A_612 = vector.broadcast %add3A_611 : f32 to vector<16xf32>
          %add3A_613 = arith.addf %sub3A_610, %add3A_612 : vector<16xf32>
          %mul3A_614 = arith.mulf %add3A_613, %add3A_613 : vector<16xf32>
          %add3A_615 = arith.addf %mul3A_603, %mul3A_614 : vector<16xf32>
          %get3A_616 = arith.index_cast %add3A_592 : i32 to index
          %get3A_617 = arith.constant 32 : index
          %get3A_618 = tpu.vector_load %arg10[%get3A_616, %get3A_617] {strides = array<i32>} : memref<80x128xf32, #tpu.memory_space<vmem>>, vector<16xf32>,
          %get3A_619 = arith.index_cast %add3A_592 : i32 to index
          %get3A_620 = arith.constant 32 : index
          %get3A_621 = tpu.vector_load %arg15[%get3A_619, %get3A_620] {strides = array<i32>} : memref<80x128xf32, #tpu.memory_space<vmem>>, vector<16xf32>,
          %sub3A_622 = arith.subf %get3A_618, %get3A_621 : vector<16xf32>
          %add3A_623 = arith.constant 9.99999997E-7 : f32
          %add3A_624 = vector.broadcast %add3A_623 : f32 to vector<16xf32>
          %add3A_625 = arith.addf %sub3A_622, %add3A_624 : vector<16xf32>
          %mul3A_626 = arith.mulf %add3A_625, %add3A_625 : vector<16xf32>
          %add3A_627 = arith.addf %add3A_615, %mul3A_626 : vector<16xf32>
          %get3A_628 = arith.index_cast %add3A_592 : i32 to index
          %get3A_629 = arith.constant 48 : index
          %get3A_630 = tpu.vector_load %arg10[%get3A_628, %get3A_629] {strides = array<i32>} : memref<80x128xf32, #tpu.memory_space<vmem>>, vector<16xf32>,
          %get3A_631 = arith.index_cast %add3A_592 : i32 to index
          %get3A_632 = arith.constant 48 : index
          %get3A_633 = tpu.vector_load %arg15[%get3A_631, %get3A_632] {strides = array<i32>} : memref<80x128xf32, #tpu.memory_space<vmem>>, vector<16xf32>,
          %sub3A_634 = arith.subf %get3A_630, %get3A_633 : vector<16xf32>
          %add3A_635 = arith.constant 9.99999997E-7 : f32
          %add3A_636 = vector.broadcast %add3A_635 : f32 to vector<16xf32>
          %add3A_637 = arith.addf %sub3A_634, %add3A_636 : vector<16xf32>
          %mul3A_638 = arith.mulf %add3A_637, %add3A_637 : vector<16xf32>
          %add3A_639 = arith.addf %add3A_627, %mul3A_638 : vector<16xf32>
          %get3A_640 = arith.index_cast %add3A_592 : i32 to index
          %get3A_641 = arith.constant 64 : index
          %get3A_642 = tpu.vector_load %arg10[%get3A_640, %get3A_641] {strides = array<i32>} : memref<80x128xf32, #tpu.memory_space<vmem>>, vector<16xf32>,
          %get3A_643 = arith.index_cast %add3A_592 : i32 to index
          %get3A_644 = arith.constant 64 : index
          %get3A_645 = tpu.vector_load %arg15[%get3A_643, %get3A_644] {strides = array<i32>} : memref<80x128xf32, #tpu.memory_space<vmem>>, vector<16xf32>,
          %sub3A_646 = arith.subf %get3A_642, %get3A_645 : vector<16xf32>
          %add3A_647 = arith.constant 9.99999997E-7 : f32
          %add3A_648 = vector.broadcast %add3A_647 : f32 to vector<16xf32>
          %add3A_649 = arith.addf %sub3A_646, %add3A_648 : vector<16xf32>
          %mul3A_650 = arith.mulf %add3A_649, %add3A_649 : vector<16xf32>
          %add3A_651 = arith.addf %add3A_639, %mul3A_650 : vector<16xf32>
          %get3A_652 = arith.index_cast %add3A_592 : i32 to index
          %get3A_653 = arith.constant 80 : index
          %get3A_654 = tpu.vector_load %arg10[%get3A_652, %get3A_653] {strides = array<i32>} : memref<80x128xf32, #tpu.memory_space<vmem>>, vector<16xf32>,
          %get3A_655 = arith.index_cast %add3A_592 : i32 to index
          %get3A_656 = arith.constant 80 : index
          %get3A_657 = tpu.vector_load %arg15[%get3A_655, %get3A_656] {strides = array<i32>} : memref<80x128xf32, #tpu.memory_space<vmem>>, vector<16xf32>,
          %sub3A_658 = arith.subf %get3A_654, %get3A_657 : vector<16xf32>
          %add3A_659 = arith.constant 9.99999997E-7 : f32
          %add3A_660 = vector.broadcast %add3A_659 : f32 to vector<16xf32>
          %add3A_661 = arith.addf %sub3A_658, %add3A_660 : vector<16xf32>
          %mul3A_662 = arith.mulf %add3A_661, %add3A_661 : vector<16xf32>
          %add3A_663 = arith.addf %add3A_651, %mul3A_662 : vector<16xf32>
          %get3A_664 = arith.index_cast %add3A_592 : i32 to index
          %get3A_665 = arith.constant 96 : index
          %get3A_666 = tpu.vector_load %arg10[%get3A_664, %get3A_665] {strides = array<i32>} : memref<80x128xf32, #tpu.memory_space<vmem>>, vector<16xf32>,
          %get3A_667 = arith.index_cast %add3A_592 : i32 to index
          %get3A_668 = arith.constant 96 : index
          %get3A_669 = tpu.vector_load %arg15[%get3A_667, %get3A_668] {strides = array<i32>} : memref<80x128xf32, #tpu.memory_space<vmem>>, vector<16xf32>,
          %sub3A_670 = arith.subf %get3A_666, %get3A_669 : vector<16xf32>
          %add3A_671 = arith.constant 9.99999997E-7 : f32
          %add3A_672 = vector.broadcast %add3A_671 : f32 to vector<16xf32>
          %add3A_673 = arith.addf %sub3A_670, %add3A_672 : vector<16xf32>
          %mul3A_674 = arith.mulf %add3A_673, %add3A_673 : vector<16xf32>
          %add3A_675 = arith.addf %add3A_663, %mul3A_674 : vector<16xf32>
          %get3A_676 = arith.index_cast %add3A_592 : i32 to index
          %get3A_677 = arith.constant 112 : index
          %get3A_678 = tpu.vector_load %arg10[%get3A_676, %get3A_677] {strides = array<i32>} : memref<80x128xf32, #tpu.memory_space<vmem>>, vector<16xf32>,
          %get3A_679 = arith.index_cast %add3A_592 : i32 to index
          %get3A_680 = arith.constant 112 : index
          %get3A_681 = tpu.vector_load %arg15[%get3A_679, %get3A_680] {strides = array<i32>} : memref<80x128xf32, #tpu.memory_space<vmem>>, vector<16xf32>,
          %sub3A_682 = arith.subf %get3A_678, %get3A_681 : vector<16xf32>
          %add3A_683 = arith.constant 9.99999997E-7 : f32
          %add3A_684 = vector.broadcast %add3A_683 : f32 to vector<16xf32>
          %add3A_685 = arith.addf %sub3A_682, %add3A_684 : vector<16xf32>
          %mul3A_686 = arith.mulf %add3A_685, %add3A_685 : vector<16xf32>
          %add3A_687 = arith.addf %add3A_675, %mul3A_686 : vector<16xf32>
          %eq3A_688 = vector.broadcast %add3A_589 : i32 to vector<16xi32>
          %eq3A_689 = arith.cmpi eq, %iota3A, %eq3A_688 : vector<16xi32>
          %reduce_sum3A_690 = arith.constant true
          %reduce_sum3A_691 = vector.broadcast %reduce_sum3A_690 : i1 to vector<16xi1>
          %reduce_sum3A_692 = tpu.scan <sum>, %add3A_687 masked %reduce_sum3A_691 : vector<16xf32>, vector<16xi1> -> vector<16xf32>
          %reduce_sum3A_693 = vector.extract %reduce_sum3A_692[15] : f32 from vector<16xf32>
          %broadcast_in_dim3A_694 = vector.broadcast %reduce_sum3A_693 : f32 to vector<16xf32>
          %select_n3A_695 = arith.select %eq3A_689, %broadcast_in_dim3A_694, %select_n3A_585 : vector<16xi1>, vector<16xf32>
          scf.yield %select_n3A_695 : vector<16xf32>
        }
        %scan3A_211 = arith.constant 4 : i32
        %bitcast3A = vector.bitcast %scan3A_210 : vector<16xf32> to vector<16xi32>
        %shift_right_arithmetic3A = arith.constant 1 : i32
        %shift_right_arithmetic3A_212 = vector.broadcast %shift_right_arithmetic3A : i32 to vector<16xi32>
        %shift_right_arithmetic3A_213 = arith.shrsi %bitcast3A, %shift_right_arithmetic3A_212 : vector<16xi32>
        %sub3A = arith.constant 1597463007 : i32
        %sub3A_214 = vector.broadcast %sub3A : i32 to vector<16xi32>
        %sub3A_215 = arith.subi %sub3A_214, %shift_right_arithmetic3A_213 : vector<16xi32>
        %bitcast3A_216 = vector.bitcast %sub3A_215 : vector<16xi32> to vector<16xf32>
        %mul3A_217 = arith.constant 5.000000e-01 : f32
        %mul3A_218 = vector.broadcast %mul3A_217 : f32 to vector<16xf32>
        %mul3A_219 = arith.mulf %mul3A_218, %scan3A_210 : vector<16xf32>
        %mul3A_220 = arith.mulf %mul3A_219, %bitcast3A_216 : vector<16xf32>
        %mul3A_221 = arith.mulf %mul3A_220, %bitcast3A_216 : vector<16xf32>
        %sub3A_222 = arith.constant 1.500000e+00 : f32
        %sub3A_223 = vector.broadcast %sub3A_222 : f32 to vector<16xf32>
        %sub3A_224 = arith.subf %sub3A_223, %mul3A_221 : vector<16xf32>
        %mul3A_225 = arith.mulf %bitcast3A_216, %sub3A_224 : vector<16xf32>
        %mul3A_226 = arith.constant 5.000000e-01 : f32
        %mul3A_227 = vector.broadcast %mul3A_226 : f32 to vector<16xf32>
        %mul3A_228 = arith.mulf %mul3A_227, %scan3A_210 : vector<16xf32>
        %mul3A_229 = arith.mulf %mul3A_228, %mul3A_225 : vector<16xf32>
        %mul3A_230 = arith.mulf %mul3A_229, %mul3A_225 : vector<16xf32>
        %sub3A_231 = arith.constant 1.500000e+00 : f32
        %sub3A_232 = vector.broadcast %sub3A_231 : f32 to vector<16xf32>
        %sub3A_233 = arith.subf %sub3A_232, %mul3A_230 : vector<16xf32>
        %mul3A_234 = arith.mulf %mul3A_225, %sub3A_233 : vector<16xf32>
        %mul3A_235 = arith.constant 5.000000e-01 : f32
        %mul3A_236 = vector.broadcast %mul3A_235 : f32 to vector<16xf32>
        %mul3A_237 = arith.mulf %mul3A_236, %scan3A_210 : vector<16xf32>
        %mul3A_238 = arith.mulf %mul3A_237, %mul3A_234 : vector<16xf32>
        %mul3A_239 = arith.mulf %mul3A_238, %mul3A_234 : vector<16xf32>
        %sub3A_240 = arith.constant 1.500000e+00 : f32
        %sub3A_241 = vector.broadcast %sub3A_240 : f32 to vector<16xf32>
        %sub3A_242 = arith.subf %sub3A_241, %mul3A_239 : vector<16xf32>
        %mul3A_243 = arith.mulf %mul3A_234, %sub3A_242 : vector<16xf32>
        %mul3A_244 = arith.mulf %scan3A_210, %mul3A_243 : vector<16xf32>
        %sub3A_245 = arith.constant 1.000000e+00 : f32
        %sub3A_246 = vector.broadcast %sub3A_245 : f32 to vector<16xf32>
        %sub3A_247 = arith.subf %mul3A_244, %sub3A_246 : vector<16xf32>
        %exp3A = math.exp %sub3A_247 : vector<16xf32>
        %add3A_248 = arith.constant 1.000000e+00 : f32
        %add3A_249 = vector.broadcast %add3A_248 : f32 to vector<16xf32>
        %add3A_250 = arith.addf %add3A_249, %exp3A : vector<16xf32>
        %div3A = arith.constant 1.000000e+00 : f32
        %div3A_251 = vector.broadcast %div3A : f32 to vector<16xf32>
        %div3A_252 = arith.divf %div3A_251, %add3A_250 : vector<16xf32>
        %mul3A_253 = arith.constant 16 : i32
        %mul3A_254 = arith.muli %scan3A_204, %mul3A_253 : i32
        %add3A_255 = arith.constant 160 : i32
        %add3A_256 = arith.addi %add3A_255, %mul3A_254 : i32
        %swap3A = arith.index_cast %add3A_256 : i32 to index
        %swap3A_257 = tpu.vector_load %arg18[%swap3A] {strides = array<i32>} : memref<400xf32, #tpu.memory_space<vmem>>, vector<16xf32>,
        tpu.vector_store %arg18[%swap3A], %div3A_252 {strides = array<i32>} : memref<400xf32, #tpu.memory_space<vmem>>, vector<16xf32>,
      }
      %scan3A_136 = arith.constant 5 : i32
      %add3A_137 = arith.constant 5 : i32
      %add3A_138 = arith.addi %add3A_120, %add3A_137 : i32
      %lt3A_139 = arith.constant 125 : i32
      %lt3A_140 = arith.cmpi slt, %add3A_138, %lt3A_139 : i32
      %convert_element_type3A_141 = arith.extui %lt3A_140 : i1 to i32
      %cond3A_142 = arith.constant 0 : i32
      %cond3A_143 = arith.cmpi ne, %convert_element_type3A_141, %cond3A_142 : i32
      scf.if %cond3A_143 {
        %add3A_204 = arith.constant 5 : i32
        %add3A_205 = arith.addi %add3A_120, %add3A_204 : i32
        %mul3A_206 = arith.constant 80 : i32
        %mul3A_207 = arith.muli %add3A_205, %mul3A_206 : i32
        %multiple_of3A_208 = tpu.assume_multiple %mul3A_207, 8 : i32
        %dma_start3A_209 = tpu.memref_slice %arg6[%multiple_of3A_208] : memref<10000xi32, #tpu.memory_space<vmem>> -> memref<80xi32, #tpu.memory_space<vmem>>
        %dma_start3A_210 = arith.constant 0 : i32
        %dma_start3A_211 = arith.constant 0 : i32
        %dma_start3A_212 = tpu.memref_slice %arg2[%dma_start3A_210, %dma_start3A_211] : memref<10000x128xf32, #tpu.memory_space<hbm>> -> memref<10000x128xf32, #tpu.memory_space<hbm>>
        tpu.enqueue_indirect_dma source(%dma_start3A_212 : memref<10000x128xf32, #tpu.memory_space<hbm>>) target(%arg10 : memref<80x128xf32, #tpu.memory_space<vmem>>) offsets(%dma_start3A_209 : memref<80xi32, #tpu.memory_space<vmem>>) semaphore(%arg21 : memref<!tpu.dma_semaphore, #tpu.memory_space<semaphore_mem>>)
        %dma_start3A_213 = tpu.memref_slice %arg7[%multiple_of3A_208] : memref<10000xi32, #tpu.memory_space<vmem>> -> memref<80xi32, #tpu.memory_space<vmem>>
        %dma_start3A_214 = arith.constant 0 : i32
        %dma_start3A_215 = arith.constant 0 : i32
        %dma_start3A_216 = tpu.memref_slice %arg2[%dma_start3A_214, %dma_start3A_215] : memref<10000x128xf32, #tpu.memory_space<hbm>> -> memref<10000x128xf32, #tpu.memory_space<hbm>>
        tpu.enqueue_indirect_dma source(%dma_start3A_216 : memref<10000x128xf32, #tpu.memory_space<hbm>>) target(%arg15 : memref<80x128xf32, #tpu.memory_space<vmem>>) offsets(%dma_start3A_213 : memref<80xi32, #tpu.memory_space<vmem>>) semaphore(%arg21 : memref<!tpu.dma_semaphore, #tpu.memory_space<semaphore_mem>>)
      } else {
      }
      %mul3A_144 = arith.constant 5 : i32
      %mul3A_145 = arith.muli %scan3A_61, %mul3A_144 : i32
      %add3A_146 = arith.constant 3 : i32
      %add3A_147 = arith.addi %mul3A_145, %add3A_146 : i32
      %dma_wait3A_148 = arith.constant 0 : i32
      %dma_wait3A_149 = tpu.memref_slice %arg6[%dma_wait3A_148] : memref<10000xi32, #tpu.memory_space<vmem>> -> memref<80xi32, #tpu.memory_space<vmem>>
      %dma_wait3A_150 = arith.constant 0 : i32
      %dma_wait3A_151 = arith.constant 0 : i32
      %dma_wait3A_152 = tpu.memref_slice %arg2[%dma_wait3A_150, %dma_wait3A_151] : memref<10000x128xf32, #tpu.memory_space<hbm>> -> memref<10000x128xf32, #tpu.memory_space<hbm>>
      tpu.wait_indirect_dma semaphore(%arg22 : memref<!tpu.dma_semaphore, #tpu.memory_space<semaphore_mem>>) src(%dma_wait3A_152 : memref<10000x128xf32, #tpu.memory_space<hbm>>) dst(%arg11 : memref<80x128xf32, #tpu.memory_space<vmem>>)
      %dma_wait3A_153 = arith.constant 0 : i32
      %dma_wait3A_154 = tpu.memref_slice %arg7[%dma_wait3A_153] : memref<10000xi32, #tpu.memory_space<vmem>> -> memref<80xi32, #tpu.memory_space<vmem>>
      %dma_wait3A_155 = arith.constant 0 : i32
      %dma_wait3A_156 = arith.constant 0 : i32
      %dma_wait3A_157 = tpu.memref_slice %arg2[%dma_wait3A_155, %dma_wait3A_156] : memref<10000x128xf32, #tpu.memory_space<hbm>> -> memref<10000x128xf32, #tpu.memory_space<hbm>>
      tpu.wait_indirect_dma semaphore(%arg22 : memref<!tpu.dma_semaphore, #tpu.memory_space<semaphore_mem>>) src(%dma_wait3A_157 : memref<10000x128xf32, #tpu.memory_space<hbm>>) dst(%arg16 : memref<80x128xf32, #tpu.memory_space<vmem>>)
      %scan3A_158 = arith.constant 0 : i32
      %scan3A_159 = arith.constant 0 : i32
      %scan3A_160 = arith.constant 5 : i32
      %scan3A_161 = arith.addi %scan3A_159, %scan3A_160 : i32
      %scan3A_162 = arith.constant 1 : i32
      scf.for %scan3A_204 = %scan3A_159 to %scan3A_161 step %scan3A_162  : i32 {
        %broadcast_in_dim3A = arith.constant 0.000000e+00 : f32
        %broadcast_in_dim3A_205 = vector.broadcast %broadcast_in_dim3A : f32 to vector<16xf32>
        %scan3A_206 = arith.constant 0 : i32
        %scan3A_207 = arith.constant 4 : i32
        %scan3A_208 = arith.addi %scan3A_206, %scan3A_207 : i32
        %scan3A_209 = arith.constant 1 : i32
        %scan3A_210 = scf.for %scan3A_258 = %scan3A_206 to %scan3A_208 step %scan3A_209 iter_args(%scan3A_259 = %broadcast_in_dim3A_205) -> (vector<16xf32>)  : i32 {
          %mul3A_260 = arith.constant 4 : i32
          %mul3A_261 = arith.muli %scan3A_258, %mul3A_260 : i32
          %add3A_262 = arith.constant 0 : i32
          %add3A_263 = arith.addi %mul3A_261, %add3A_262 : i32
          %mul3A_264 = arith.constant 16 : i32
          %mul3A_265 = arith.muli %scan3A_204, %mul3A_264 : i32
          %add3A_266 = arith.addi %mul3A_265, %add3A_263 : i32
          %get3A = arith.index_cast %add3A_266 : i32 to index
          %get3A_267 = arith.constant 0 : index
          %get3A_268 = tpu.vector_load %arg11[%get3A, %get3A_267] {strides = array<i32>} : memref<80x128xf32, #tpu.memory_space<vmem>>, vector<16xf32>,
          %get3A_269 = arith.index_cast %add3A_266 : i32 to index
          %get3A_270 = arith.constant 0 : index
          %get3A_271 = tpu.vector_load %arg16[%get3A_269, %get3A_270] {strides = array<i32>} : memref<80x128xf32, #tpu.memory_space<vmem>>, vector<16xf32>,
          %sub3A_272 = arith.subf %get3A_268, %get3A_271 : vector<16xf32>
          %add3A_273 = arith.constant 9.99999997E-7 : f32
          %add3A_274 = vector.broadcast %add3A_273 : f32 to vector<16xf32>
          %add3A_275 = arith.addf %sub3A_272, %add3A_274 : vector<16xf32>
          %mul3A_276 = arith.mulf %add3A_275, %add3A_275 : vector<16xf32>
          %get3A_277 = arith.index_cast %add3A_266 : i32 to index
          %get3A_278 = arith.constant 16 : index
          %get3A_279 = tpu.vector_load %arg11[%get3A_277, %get3A_278] {strides = array<i32>} : memref<80x128xf32, #tpu.memory_space<vmem>>, vector<16xf32>,
          %get3A_280 = arith.index_cast %add3A_266 : i32 to index
          %get3A_281 = arith.constant 16 : index
          %get3A_282 = tpu.vector_load %arg16[%get3A_280, %get3A_281] {strides = array<i32>} : memref<80x128xf32, #tpu.memory_space<vmem>>, vector<16xf32>,
          %sub3A_283 = arith.subf %get3A_279, %get3A_282 : vector<16xf32>
          %add3A_284 = arith.constant 9.99999997E-7 : f32
          %add3A_285 = vector.broadcast %add3A_284 : f32 to vector<16xf32>
          %add3A_286 = arith.addf %sub3A_283, %add3A_285 : vector<16xf32>
          %mul3A_287 = arith.mulf %add3A_286, %add3A_286 : vector<16xf32>
          %add3A_288 = arith.addf %mul3A_276, %mul3A_287 : vector<16xf32>
          %get3A_289 = arith.index_cast %add3A_266 : i32 to index
          %get3A_290 = arith.constant 32 : index
          %get3A_291 = tpu.vector_load %arg11[%get3A_289, %get3A_290] {strides = array<i32>} : memref<80x128xf32, #tpu.memory_space<vmem>>, vector<16xf32>,
          %get3A_292 = arith.index_cast %add3A_266 : i32 to index
          %get3A_293 = arith.constant 32 : index
          %get3A_294 = tpu.vector_load %arg16[%get3A_292, %get3A_293] {strides = array<i32>} : memref<80x128xf32, #tpu.memory_space<vmem>>, vector<16xf32>,
          %sub3A_295 = arith.subf %get3A_291, %get3A_294 : vector<16xf32>
          %add3A_296 = arith.constant 9.99999997E-7 : f32
          %add3A_297 = vector.broadcast %add3A_296 : f32 to vector<16xf32>
          %add3A_298 = arith.addf %sub3A_295, %add3A_297 : vector<16xf32>
          %mul3A_299 = arith.mulf %add3A_298, %add3A_298 : vector<16xf32>
          %add3A_300 = arith.addf %add3A_288, %mul3A_299 : vector<16xf32>
          %get3A_301 = arith.index_cast %add3A_266 : i32 to index
          %get3A_302 = arith.constant 48 : index
          %get3A_303 = tpu.vector_load %arg11[%get3A_301, %get3A_302] {strides = array<i32>} : memref<80x128xf32, #tpu.memory_space<vmem>>, vector<16xf32>,
          %get3A_304 = arith.index_cast %add3A_266 : i32 to index
          %get3A_305 = arith.constant 48 : index
          %get3A_306 = tpu.vector_load %arg16[%get3A_304, %get3A_305] {strides = array<i32>} : memref<80x128xf32, #tpu.memory_space<vmem>>, vector<16xf32>,
          %sub3A_307 = arith.subf %get3A_303, %get3A_306 : vector<16xf32>
          %add3A_308 = arith.constant 9.99999997E-7 : f32
          %add3A_309 = vector.broadcast %add3A_308 : f32 to vector<16xf32>
          %add3A_310 = arith.addf %sub3A_307, %add3A_309 : vector<16xf32>
          %mul3A_311 = arith.mulf %add3A_310, %add3A_310 : vector<16xf32>
          %add3A_312 = arith.addf %add3A_300, %mul3A_311 : vector<16xf32>
          %get3A_313 = arith.index_cast %add3A_266 : i32 to index
          %get3A_314 = arith.constant 64 : index
          %get3A_315 = tpu.vector_load %arg11[%get3A_313, %get3A_314] {strides = array<i32>} : memref<80x128xf32, #tpu.memory_space<vmem>>, vector<16xf32>,
          %get3A_316 = arith.index_cast %add3A_266 : i32 to index
          %get3A_317 = arith.constant 64 : index
          %get3A_318 = tpu.vector_load %arg16[%get3A_316, %get3A_317] {strides = array<i32>} : memref<80x128xf32, #tpu.memory_space<vmem>>, vector<16xf32>,
          %sub3A_319 = arith.subf %get3A_315, %get3A_318 : vector<16xf32>
          %add3A_320 = arith.constant 9.99999997E-7 : f32
          %add3A_321 = vector.broadcast %add3A_320 : f32 to vector<16xf32>
          %add3A_322 = arith.addf %sub3A_319, %add3A_321 : vector<16xf32>
          %mul3A_323 = arith.mulf %add3A_322, %add3A_322 : vector<16xf32>
          %add3A_324 = arith.addf %add3A_312, %mul3A_323 : vector<16xf32>
          %get3A_325 = arith.index_cast %add3A_266 : i32 to index
          %get3A_326 = arith.constant 80 : index
          %get3A_327 = tpu.vector_load %arg11[%get3A_325, %get3A_326] {strides = array<i32>} : memref<80x128xf32, #tpu.memory_space<vmem>>, vector<16xf32>,
          %get3A_328 = arith.index_cast %add3A_266 : i32 to index
          %get3A_329 = arith.constant 80 : index
          %get3A_330 = tpu.vector_load %arg16[%get3A_328, %get3A_329] {strides = array<i32>} : memref<80x128xf32, #tpu.memory_space<vmem>>, vector<16xf32>,
          %sub3A_331 = arith.subf %get3A_327, %get3A_330 : vector<16xf32>
          %add3A_332 = arith.constant 9.99999997E-7 : f32
          %add3A_333 = vector.broadcast %add3A_332 : f32 to vector<16xf32>
          %add3A_334 = arith.addf %sub3A_331, %add3A_333 : vector<16xf32>
          %mul3A_335 = arith.mulf %add3A_334, %add3A_334 : vector<16xf32>
          %add3A_336 = arith.addf %add3A_324, %mul3A_335 : vector<16xf32>
          %get3A_337 = arith.index_cast %add3A_266 : i32 to index
          %get3A_338 = arith.constant 96 : index
          %get3A_339 = tpu.vector_load %arg11[%get3A_337, %get3A_338] {strides = array<i32>} : memref<80x128xf32, #tpu.memory_space<vmem>>, vector<16xf32>,
          %get3A_340 = arith.index_cast %add3A_266 : i32 to index
          %get3A_341 = arith.constant 96 : index
          %get3A_342 = tpu.vector_load %arg16[%get3A_340, %get3A_341] {strides = array<i32>} : memref<80x128xf32, #tpu.memory_space<vmem>>, vector<16xf32>,
          %sub3A_343 = arith.subf %get3A_339, %get3A_342 : vector<16xf32>
          %add3A_344 = arith.constant 9.99999997E-7 : f32
          %add3A_345 = vector.broadcast %add3A_344 : f32 to vector<16xf32>
          %add3A_346 = arith.addf %sub3A_343, %add3A_345 : vector<16xf32>
          %mul3A_347 = arith.mulf %add3A_346, %add3A_346 : vector<16xf32>
          %add3A_348 = arith.addf %add3A_336, %mul3A_347 : vector<16xf32>
          %get3A_349 = arith.index_cast %add3A_266 : i32 to index
          %get3A_350 = arith.constant 112 : index
          %get3A_351 = tpu.vector_load %arg11[%get3A_349, %get3A_350] {strides = array<i32>} : memref<80x128xf32, #tpu.memory_space<vmem>>, vector<16xf32>,
          %get3A_352 = arith.index_cast %add3A_266 : i32 to index
          %get3A_353 = arith.constant 112 : index
          %get3A_354 = tpu.vector_load %arg16[%get3A_352, %get3A_353] {strides = array<i32>} : memref<80x128xf32, #tpu.memory_space<vmem>>, vector<16xf32>,
          %sub3A_355 = arith.subf %get3A_351, %get3A_354 : vector<16xf32>
          %add3A_356 = arith.constant 9.99999997E-7 : f32
          %add3A_357 = vector.broadcast %add3A_356 : f32 to vector<16xf32>
          %add3A_358 = arith.addf %sub3A_355, %add3A_357 : vector<16xf32>
          %mul3A_359 = arith.mulf %add3A_358, %add3A_358 : vector<16xf32>
          %add3A_360 = arith.addf %add3A_348, %mul3A_359 : vector<16xf32>
          %eq3A = vector.broadcast %add3A_263 : i32 to vector<16xi32>
          %eq3A_361 = arith.cmpi eq, %iota3A, %eq3A : vector<16xi32>
          %reduce_sum3A = arith.constant true
          %reduce_sum3A_362 = vector.broadcast %reduce_sum3A : i1 to vector<16xi1>
          %reduce_sum3A_363 = tpu.scan <sum>, %add3A_360 masked %reduce_sum3A_362 : vector<16xf32>, vector<16xi1> -> vector<16xf32>
          %reduce_sum3A_364 = vector.extract %reduce_sum3A_363[15] : f32 from vector<16xf32>
          %broadcast_in_dim3A_365 = vector.broadcast %reduce_sum3A_364 : f32 to vector<16xf32>
          %select_n3A = arith.select %eq3A_361, %broadcast_in_dim3A_365, %scan3A_259 : vector<16xi1>, vector<16xf32>
          %mul3A_366 = arith.constant 4 : i32
          %mul3A_367 = arith.muli %scan3A_258, %mul3A_366 : i32
          %add3A_368 = arith.constant 1 : i32
          %add3A_369 = arith.addi %mul3A_367, %add3A_368 : i32
          %mul3A_370 = arith.constant 16 : i32
          %mul3A_371 = arith.muli %scan3A_204, %mul3A_370 : i32
          %add3A_372 = arith.addi %mul3A_371, %add3A_369 : i32
          %get3A_373 = arith.index_cast %add3A_372 : i32 to index
          %get3A_374 = arith.constant 0 : index
          %get3A_375 = tpu.vector_load %arg11[%get3A_373, %get3A_374] {strides = array<i32>} : memref<80x128xf32, #tpu.memory_space<vmem>>, vector<16xf32>,
          %get3A_376 = arith.index_cast %add3A_372 : i32 to index
          %get3A_377 = arith.constant 0 : index
          %get3A_378 = tpu.vector_load %arg16[%get3A_376, %get3A_377] {strides = array<i32>} : memref<80x128xf32, #tpu.memory_space<vmem>>, vector<16xf32>,
          %sub3A_379 = arith.subf %get3A_375, %get3A_378 : vector<16xf32>
          %add3A_380 = arith.constant 9.99999997E-7 : f32
          %add3A_381 = vector.broadcast %add3A_380 : f32 to vector<16xf32>
          %add3A_382 = arith.addf %sub3A_379, %add3A_381 : vector<16xf32>
          %mul3A_383 = arith.mulf %add3A_382, %add3A_382 : vector<16xf32>
          %get3A_384 = arith.index_cast %add3A_372 : i32 to index
          %get3A_385 = arith.constant 16 : index
          %get3A_386 = tpu.vector_load %arg11[%get3A_384, %get3A_385] {strides = array<i32>} : memref<80x128xf32, #tpu.memory_space<vmem>>, vector<16xf32>,
          %get3A_387 = arith.index_cast %add3A_372 : i32 to index
          %get3A_388 = arith.constant 16 : index
          %get3A_389 = tpu.vector_load %arg16[%get3A_387, %get3A_388] {strides = array<i32>} : memref<80x128xf32, #tpu.memory_space<vmem>>, vector<16xf32>,
          %sub3A_390 = arith.subf %get3A_386, %get3A_389 : vector<16xf32>
          %add3A_391 = arith.constant 9.99999997E-7 : f32
          %add3A_392 = vector.broadcast %add3A_391 : f32 to vector<16xf32>
          %add3A_393 = arith.addf %sub3A_390, %add3A_392 : vector<16xf32>
          %mul3A_394 = arith.mulf %add3A_393, %add3A_393 : vector<16xf32>
          %add3A_395 = arith.addf %mul3A_383, %mul3A_394 : vector<16xf32>
          %get3A_396 = arith.index_cast %add3A_372 : i32 to index
          %get3A_397 = arith.constant 32 : index
          %get3A_398 = tpu.vector_load %arg11[%get3A_396, %get3A_397] {strides = array<i32>} : memref<80x128xf32, #tpu.memory_space<vmem>>, vector<16xf32>,
          %get3A_399 = arith.index_cast %add3A_372 : i32 to index
          %get3A_400 = arith.constant 32 : index
          %get3A_401 = tpu.vector_load %arg16[%get3A_399, %get3A_400] {strides = array<i32>} : memref<80x128xf32, #tpu.memory_space<vmem>>, vector<16xf32>,
          %sub3A_402 = arith.subf %get3A_398, %get3A_401 : vector<16xf32>
          %add3A_403 = arith.constant 9.99999997E-7 : f32
          %add3A_404 = vector.broadcast %add3A_403 : f32 to vector<16xf32>
          %add3A_405 = arith.addf %sub3A_402, %add3A_404 : vector<16xf32>
          %mul3A_406 = arith.mulf %add3A_405, %add3A_405 : vector<16xf32>
          %add3A_407 = arith.addf %add3A_395, %mul3A_406 : vector<16xf32>
          %get3A_408 = arith.index_cast %add3A_372 : i32 to index
          %get3A_409 = arith.constant 48 : index
          %get3A_410 = tpu.vector_load %arg11[%get3A_408, %get3A_409] {strides = array<i32>} : memref<80x128xf32, #tpu.memory_space<vmem>>, vector<16xf32>,
          %get3A_411 = arith.index_cast %add3A_372 : i32 to index
          %get3A_412 = arith.constant 48 : index
          %get3A_413 = tpu.vector_load %arg16[%get3A_411, %get3A_412] {strides = array<i32>} : memref<80x128xf32, #tpu.memory_space<vmem>>, vector<16xf32>,
          %sub3A_414 = arith.subf %get3A_410, %get3A_413 : vector<16xf32>
          %add3A_415 = arith.constant 9.99999997E-7 : f32
          %add3A_416 = vector.broadcast %add3A_415 : f32 to vector<16xf32>
          %add3A_417 = arith.addf %sub3A_414, %add3A_416 : vector<16xf32>
          %mul3A_418 = arith.mulf %add3A_417, %add3A_417 : vector<16xf32>
          %add3A_419 = arith.addf %add3A_407, %mul3A_418 : vector<16xf32>
          %get3A_420 = arith.index_cast %add3A_372 : i32 to index
          %get3A_421 = arith.constant 64 : index
          %get3A_422 = tpu.vector_load %arg11[%get3A_420, %get3A_421] {strides = array<i32>} : memref<80x128xf32, #tpu.memory_space<vmem>>, vector<16xf32>,
          %get3A_423 = arith.index_cast %add3A_372 : i32 to index
          %get3A_424 = arith.constant 64 : index
          %get3A_425 = tpu.vector_load %arg16[%get3A_423, %get3A_424] {strides = array<i32>} : memref<80x128xf32, #tpu.memory_space<vmem>>, vector<16xf32>,
          %sub3A_426 = arith.subf %get3A_422, %get3A_425 : vector<16xf32>
          %add3A_427 = arith.constant 9.99999997E-7 : f32
          %add3A_428 = vector.broadcast %add3A_427 : f32 to vector<16xf32>
          %add3A_429 = arith.addf %sub3A_426, %add3A_428 : vector<16xf32>
          %mul3A_430 = arith.mulf %add3A_429, %add3A_429 : vector<16xf32>
          %add3A_431 = arith.addf %add3A_419, %mul3A_430 : vector<16xf32>
          %get3A_432 = arith.index_cast %add3A_372 : i32 to index
          %get3A_433 = arith.constant 80 : index
          %get3A_434 = tpu.vector_load %arg11[%get3A_432, %get3A_433] {strides = array<i32>} : memref<80x128xf32, #tpu.memory_space<vmem>>, vector<16xf32>,
          %get3A_435 = arith.index_cast %add3A_372 : i32 to index
          %get3A_436 = arith.constant 80 : index
          %get3A_437 = tpu.vector_load %arg16[%get3A_435, %get3A_436] {strides = array<i32>} : memref<80x128xf32, #tpu.memory_space<vmem>>, vector<16xf32>,
          %sub3A_438 = arith.subf %get3A_434, %get3A_437 : vector<16xf32>
          %add3A_439 = arith.constant 9.99999997E-7 : f32
          %add3A_440 = vector.broadcast %add3A_439 : f32 to vector<16xf32>
          %add3A_441 = arith.addf %sub3A_438, %add3A_440 : vector<16xf32>
          %mul3A_442 = arith.mulf %add3A_441, %add3A_441 : vector<16xf32>
          %add3A_443 = arith.addf %add3A_431, %mul3A_442 : vector<16xf32>
          %get3A_444 = arith.index_cast %add3A_372 : i32 to index
          %get3A_445 = arith.constant 96 : index
          %get3A_446 = tpu.vector_load %arg11[%get3A_444, %get3A_445] {strides = array<i32>} : memref<80x128xf32, #tpu.memory_space<vmem>>, vector<16xf32>,
          %get3A_447 = arith.index_cast %add3A_372 : i32 to index
          %get3A_448 = arith.constant 96 : index
          %get3A_449 = tpu.vector_load %arg16[%get3A_447, %get3A_448] {strides = array<i32>} : memref<80x128xf32, #tpu.memory_space<vmem>>, vector<16xf32>,
          %sub3A_450 = arith.subf %get3A_446, %get3A_449 : vector<16xf32>
          %add3A_451 = arith.constant 9.99999997E-7 : f32
          %add3A_452 = vector.broadcast %add3A_451 : f32 to vector<16xf32>
          %add3A_453 = arith.addf %sub3A_450, %add3A_452 : vector<16xf32>
          %mul3A_454 = arith.mulf %add3A_453, %add3A_453 : vector<16xf32>
          %add3A_455 = arith.addf %add3A_443, %mul3A_454 : vector<16xf32>
          %get3A_456 = arith.index_cast %add3A_372 : i32 to index
          %get3A_457 = arith.constant 112 : index
          %get3A_458 = tpu.vector_load %arg11[%get3A_456, %get3A_457] {strides = array<i32>} : memref<80x128xf32, #tpu.memory_space<vmem>>, vector<16xf32>,
          %get3A_459 = arith.index_cast %add3A_372 : i32 to index
          %get3A_460 = arith.constant 112 : index
          %get3A_461 = tpu.vector_load %arg16[%get3A_459, %get3A_460] {strides = array<i32>} : memref<80x128xf32, #tpu.memory_space<vmem>>, vector<16xf32>,
          %sub3A_462 = arith.subf %get3A_458, %get3A_461 : vector<16xf32>
          %add3A_463 = arith.constant 9.99999997E-7 : f32
          %add3A_464 = vector.broadcast %add3A_463 : f32 to vector<16xf32>
          %add3A_465 = arith.addf %sub3A_462, %add3A_464 : vector<16xf32>
          %mul3A_466 = arith.mulf %add3A_465, %add3A_465 : vector<16xf32>
          %add3A_467 = arith.addf %add3A_455, %mul3A_466 : vector<16xf32>
          %eq3A_468 = vector.broadcast %add3A_369 : i32 to vector<16xi32>
          %eq3A_469 = arith.cmpi eq, %iota3A, %eq3A_468 : vector<16xi32>
          %reduce_sum3A_470 = arith.constant true
          %reduce_sum3A_471 = vector.broadcast %reduce_sum3A_470 : i1 to vector<16xi1>
          %reduce_sum3A_472 = tpu.scan <sum>, %add3A_467 masked %reduce_sum3A_471 : vector<16xf32>, vector<16xi1> -> vector<16xf32>
          %reduce_sum3A_473 = vector.extract %reduce_sum3A_472[15] : f32 from vector<16xf32>
          %broadcast_in_dim3A_474 = vector.broadcast %reduce_sum3A_473 : f32 to vector<16xf32>
          %select_n3A_475 = arith.select %eq3A_469, %broadcast_in_dim3A_474, %select_n3A : vector<16xi1>, vector<16xf32>
          %mul3A_476 = arith.constant 4 : i32
          %mul3A_477 = arith.muli %scan3A_258, %mul3A_476 : i32
          %add3A_478 = arith.constant 2 : i32
          %add3A_479 = arith.addi %mul3A_477, %add3A_478 : i32
          %mul3A_480 = arith.constant 16 : i32
          %mul3A_481 = arith.muli %scan3A_204, %mul3A_480 : i32
          %add3A_482 = arith.addi %mul3A_481, %add3A_479 : i32
          %get3A_483 = arith.index_cast %add3A_482 : i32 to index
          %get3A_484 = arith.constant 0 : index
          %get3A_485 = tpu.vector_load %arg11[%get3A_483, %get3A_484] {strides = array<i32>} : memref<80x128xf32, #tpu.memory_space<vmem>>, vector<16xf32>,
          %get3A_486 = arith.index_cast %add3A_482 : i32 to index
          %get3A_487 = arith.constant 0 : index
          %get3A_488 = tpu.vector_load %arg16[%get3A_486, %get3A_487] {strides = array<i32>} : memref<80x128xf32, #tpu.memory_space<vmem>>, vector<16xf32>,
          %sub3A_489 = arith.subf %get3A_485, %get3A_488 : vector<16xf32>
          %add3A_490 = arith.constant 9.99999997E-7 : f32
          %add3A_491 = vector.broadcast %add3A_490 : f32 to vector<16xf32>
          %add3A_492 = arith.addf %sub3A_489, %add3A_491 : vector<16xf32>
          %mul3A_493 = arith.mulf %add3A_492, %add3A_492 : vector<16xf32>
          %get3A_494 = arith.index_cast %add3A_482 : i32 to index
          %get3A_495 = arith.constant 16 : index
          %get3A_496 = tpu.vector_load %arg11[%get3A_494, %get3A_495] {strides = array<i32>} : memref<80x128xf32, #tpu.memory_space<vmem>>, vector<16xf32>,
          %get3A_497 = arith.index_cast %add3A_482 : i32 to index
          %get3A_498 = arith.constant 16 : index
          %get3A_499 = tpu.vector_load %arg16[%get3A_497, %get3A_498] {strides = array<i32>} : memref<80x128xf32, #tpu.memory_space<vmem>>, vector<16xf32>,
          %sub3A_500 = arith.subf %get3A_496, %get3A_499 : vector<16xf32>
          %add3A_501 = arith.constant 9.99999997E-7 : f32
          %add3A_502 = vector.broadcast %add3A_501 : f32 to vector<16xf32>
          %add3A_503 = arith.addf %sub3A_500, %add3A_502 : vector<16xf32>
          %mul3A_504 = arith.mulf %add3A_503, %add3A_503 : vector<16xf32>
          %add3A_505 = arith.addf %mul3A_493, %mul3A_504 : vector<16xf32>
          %get3A_506 = arith.index_cast %add3A_482 : i32 to index
          %get3A_507 = arith.constant 32 : index
          %get3A_508 = tpu.vector_load %arg11[%get3A_506, %get3A_507] {strides = array<i32>} : memref<80x128xf32, #tpu.memory_space<vmem>>, vector<16xf32>,
          %get3A_509 = arith.index_cast %add3A_482 : i32 to index
          %get3A_510 = arith.constant 32 : index
          %get3A_511 = tpu.vector_load %arg16[%get3A_509, %get3A_510] {strides = array<i32>} : memref<80x128xf32, #tpu.memory_space<vmem>>, vector<16xf32>,
          %sub3A_512 = arith.subf %get3A_508, %get3A_511 : vector<16xf32>
          %add3A_513 = arith.constant 9.99999997E-7 : f32
          %add3A_514 = vector.broadcast %add3A_513 : f32 to vector<16xf32>
          %add3A_515 = arith.addf %sub3A_512, %add3A_514 : vector<16xf32>
          %mul3A_516 = arith.mulf %add3A_515, %add3A_515 : vector<16xf32>
          %add3A_517 = arith.addf %add3A_505, %mul3A_516 : vector<16xf32>
          %get3A_518 = arith.index_cast %add3A_482 : i32 to index
          %get3A_519 = arith.constant 48 : index
          %get3A_520 = tpu.vector_load %arg11[%get3A_518, %get3A_519] {strides = array<i32>} : memref<80x128xf32, #tpu.memory_space<vmem>>, vector<16xf32>,
          %get3A_521 = arith.index_cast %add3A_482 : i32 to index
          %get3A_522 = arith.constant 48 : index
          %get3A_523 = tpu.vector_load %arg16[%get3A_521, %get3A_522] {strides = array<i32>} : memref<80x128xf32, #tpu.memory_space<vmem>>, vector<16xf32>,
          %sub3A_524 = arith.subf %get3A_520, %get3A_523 : vector<16xf32>
          %add3A_525 = arith.constant 9.99999997E-7 : f32
          %add3A_526 = vector.broadcast %add3A_525 : f32 to vector<16xf32>
          %add3A_527 = arith.addf %sub3A_524, %add3A_526 : vector<16xf32>
          %mul3A_528 = arith.mulf %add3A_527, %add3A_527 : vector<16xf32>
          %add3A_529 = arith.addf %add3A_517, %mul3A_528 : vector<16xf32>
          %get3A_530 = arith.index_cast %add3A_482 : i32 to index
          %get3A_531 = arith.constant 64 : index
          %get3A_532 = tpu.vector_load %arg11[%get3A_530, %get3A_531] {strides = array<i32>} : memref<80x128xf32, #tpu.memory_space<vmem>>, vector<16xf32>,
          %get3A_533 = arith.index_cast %add3A_482 : i32 to index
          %get3A_534 = arith.constant 64 : index
          %get3A_535 = tpu.vector_load %arg16[%get3A_533, %get3A_534] {strides = array<i32>} : memref<80x128xf32, #tpu.memory_space<vmem>>, vector<16xf32>,
          %sub3A_536 = arith.subf %get3A_532, %get3A_535 : vector<16xf32>
          %add3A_537 = arith.constant 9.99999997E-7 : f32
          %add3A_538 = vector.broadcast %add3A_537 : f32 to vector<16xf32>
          %add3A_539 = arith.addf %sub3A_536, %add3A_538 : vector<16xf32>
          %mul3A_540 = arith.mulf %add3A_539, %add3A_539 : vector<16xf32>
          %add3A_541 = arith.addf %add3A_529, %mul3A_540 : vector<16xf32>
          %get3A_542 = arith.index_cast %add3A_482 : i32 to index
          %get3A_543 = arith.constant 80 : index
          %get3A_544 = tpu.vector_load %arg11[%get3A_542, %get3A_543] {strides = array<i32>} : memref<80x128xf32, #tpu.memory_space<vmem>>, vector<16xf32>,
          %get3A_545 = arith.index_cast %add3A_482 : i32 to index
          %get3A_546 = arith.constant 80 : index
          %get3A_547 = tpu.vector_load %arg16[%get3A_545, %get3A_546] {strides = array<i32>} : memref<80x128xf32, #tpu.memory_space<vmem>>, vector<16xf32>,
          %sub3A_548 = arith.subf %get3A_544, %get3A_547 : vector<16xf32>
          %add3A_549 = arith.constant 9.99999997E-7 : f32
          %add3A_550 = vector.broadcast %add3A_549 : f32 to vector<16xf32>
          %add3A_551 = arith.addf %sub3A_548, %add3A_550 : vector<16xf32>
          %mul3A_552 = arith.mulf %add3A_551, %add3A_551 : vector<16xf32>
          %add3A_553 = arith.addf %add3A_541, %mul3A_552 : vector<16xf32>
          %get3A_554 = arith.index_cast %add3A_482 : i32 to index
          %get3A_555 = arith.constant 96 : index
          %get3A_556 = tpu.vector_load %arg11[%get3A_554, %get3A_555] {strides = array<i32>} : memref<80x128xf32, #tpu.memory_space<vmem>>, vector<16xf32>,
          %get3A_557 = arith.index_cast %add3A_482 : i32 to index
          %get3A_558 = arith.constant 96 : index
          %get3A_559 = tpu.vector_load %arg16[%get3A_557, %get3A_558] {strides = array<i32>} : memref<80x128xf32, #tpu.memory_space<vmem>>, vector<16xf32>,
          %sub3A_560 = arith.subf %get3A_556, %get3A_559 : vector<16xf32>
          %add3A_561 = arith.constant 9.99999997E-7 : f32
          %add3A_562 = vector.broadcast %add3A_561 : f32 to vector<16xf32>
          %add3A_563 = arith.addf %sub3A_560, %add3A_562 : vector<16xf32>
          %mul3A_564 = arith.mulf %add3A_563, %add3A_563 : vector<16xf32>
          %add3A_565 = arith.addf %add3A_553, %mul3A_564 : vector<16xf32>
          %get3A_566 = arith.index_cast %add3A_482 : i32 to index
          %get3A_567 = arith.constant 112 : index
          %get3A_568 = tpu.vector_load %arg11[%get3A_566, %get3A_567] {strides = array<i32>} : memref<80x128xf32, #tpu.memory_space<vmem>>, vector<16xf32>,
          %get3A_569 = arith.index_cast %add3A_482 : i32 to index
          %get3A_570 = arith.constant 112 : index
          %get3A_571 = tpu.vector_load %arg16[%get3A_569, %get3A_570] {strides = array<i32>} : memref<80x128xf32, #tpu.memory_space<vmem>>, vector<16xf32>,
          %sub3A_572 = arith.subf %get3A_568, %get3A_571 : vector<16xf32>
          %add3A_573 = arith.constant 9.99999997E-7 : f32
          %add3A_574 = vector.broadcast %add3A_573 : f32 to vector<16xf32>
          %add3A_575 = arith.addf %sub3A_572, %add3A_574 : vector<16xf32>
          %mul3A_576 = arith.mulf %add3A_575, %add3A_575 : vector<16xf32>
          %add3A_577 = arith.addf %add3A_565, %mul3A_576 : vector<16xf32>
          %eq3A_578 = vector.broadcast %add3A_479 : i32 to vector<16xi32>
          %eq3A_579 = arith.cmpi eq, %iota3A, %eq3A_578 : vector<16xi32>
          %reduce_sum3A_580 = arith.constant true
          %reduce_sum3A_581 = vector.broadcast %reduce_sum3A_580 : i1 to vector<16xi1>
          %reduce_sum3A_582 = tpu.scan <sum>, %add3A_577 masked %reduce_sum3A_581 : vector<16xf32>, vector<16xi1> -> vector<16xf32>
          %reduce_sum3A_583 = vector.extract %reduce_sum3A_582[15] : f32 from vector<16xf32>
          %broadcast_in_dim3A_584 = vector.broadcast %reduce_sum3A_583 : f32 to vector<16xf32>
          %select_n3A_585 = arith.select %eq3A_579, %broadcast_in_dim3A_584, %select_n3A_475 : vector<16xi1>, vector<16xf32>
          %mul3A_586 = arith.constant 4 : i32
          %mul3A_587 = arith.muli %scan3A_258, %mul3A_586 : i32
          %add3A_588 = arith.constant 3 : i32
          %add3A_589 = arith.addi %mul3A_587, %add3A_588 : i32
          %mul3A_590 = arith.constant 16 : i32
          %mul3A_591 = arith.muli %scan3A_204, %mul3A_590 : i32
          %add3A_592 = arith.addi %mul3A_591, %add3A_589 : i32
          %get3A_593 = arith.index_cast %add3A_592 : i32 to index
          %get3A_594 = arith.constant 0 : index
          %get3A_595 = tpu.vector_load %arg11[%get3A_593, %get3A_594] {strides = array<i32>} : memref<80x128xf32, #tpu.memory_space<vmem>>, vector<16xf32>,
          %get3A_596 = arith.index_cast %add3A_592 : i32 to index
          %get3A_597 = arith.constant 0 : index
          %get3A_598 = tpu.vector_load %arg16[%get3A_596, %get3A_597] {strides = array<i32>} : memref<80x128xf32, #tpu.memory_space<vmem>>, vector<16xf32>,
          %sub3A_599 = arith.subf %get3A_595, %get3A_598 : vector<16xf32>
          %add3A_600 = arith.constant 9.99999997E-7 : f32
          %add3A_601 = vector.broadcast %add3A_600 : f32 to vector<16xf32>
          %add3A_602 = arith.addf %sub3A_599, %add3A_601 : vector<16xf32>
          %mul3A_603 = arith.mulf %add3A_602, %add3A_602 : vector<16xf32>
          %get3A_604 = arith.index_cast %add3A_592 : i32 to index
          %get3A_605 = arith.constant 16 : index
          %get3A_606 = tpu.vector_load %arg11[%get3A_604, %get3A_605] {strides = array<i32>} : memref<80x128xf32, #tpu.memory_space<vmem>>, vector<16xf32>,
          %get3A_607 = arith.index_cast %add3A_592 : i32 to index
          %get3A_608 = arith.constant 16 : index
          %get3A_609 = tpu.vector_load %arg16[%get3A_607, %get3A_608] {strides = array<i32>} : memref<80x128xf32, #tpu.memory_space<vmem>>, vector<16xf32>,
          %sub3A_610 = arith.subf %get3A_606, %get3A_609 : vector<16xf32>
          %add3A_611 = arith.constant 9.99999997E-7 : f32
          %add3A_612 = vector.broadcast %add3A_611 : f32 to vector<16xf32>
          %add3A_613 = arith.addf %sub3A_610, %add3A_612 : vector<16xf32>
          %mul3A_614 = arith.mulf %add3A_613, %add3A_613 : vector<16xf32>
          %add3A_615 = arith.addf %mul3A_603, %mul3A_614 : vector<16xf32>
          %get3A_616 = arith.index_cast %add3A_592 : i32 to index
          %get3A_617 = arith.constant 32 : index
          %get3A_618 = tpu.vector_load %arg11[%get3A_616, %get3A_617] {strides = array<i32>} : memref<80x128xf32, #tpu.memory_space<vmem>>, vector<16xf32>,
          %get3A_619 = arith.index_cast %add3A_592 : i32 to index
          %get3A_620 = arith.constant 32 : index
          %get3A_621 = tpu.vector_load %arg16[%get3A_619, %get3A_620] {strides = array<i32>} : memref<80x128xf32, #tpu.memory_space<vmem>>, vector<16xf32>,
          %sub3A_622 = arith.subf %get3A_618, %get3A_621 : vector<16xf32>
          %add3A_623 = arith.constant 9.99999997E-7 : f32
          %add3A_624 = vector.broadcast %add3A_623 : f32 to vector<16xf32>
          %add3A_625 = arith.addf %sub3A_622, %add3A_624 : vector<16xf32>
          %mul3A_626 = arith.mulf %add3A_625, %add3A_625 : vector<16xf32>
          %add3A_627 = arith.addf %add3A_615, %mul3A_626 : vector<16xf32>
          %get3A_628 = arith.index_cast %add3A_592 : i32 to index
          %get3A_629 = arith.constant 48 : index
          %get3A_630 = tpu.vector_load %arg11[%get3A_628, %get3A_629] {strides = array<i32>} : memref<80x128xf32, #tpu.memory_space<vmem>>, vector<16xf32>,
          %get3A_631 = arith.index_cast %add3A_592 : i32 to index
          %get3A_632 = arith.constant 48 : index
          %get3A_633 = tpu.vector_load %arg16[%get3A_631, %get3A_632] {strides = array<i32>} : memref<80x128xf32, #tpu.memory_space<vmem>>, vector<16xf32>,
          %sub3A_634 = arith.subf %get3A_630, %get3A_633 : vector<16xf32>
          %add3A_635 = arith.constant 9.99999997E-7 : f32
          %add3A_636 = vector.broadcast %add3A_635 : f32 to vector<16xf32>
          %add3A_637 = arith.addf %sub3A_634, %add3A_636 : vector<16xf32>
          %mul3A_638 = arith.mulf %add3A_637, %add3A_637 : vector<16xf32>
          %add3A_639 = arith.addf %add3A_627, %mul3A_638 : vector<16xf32>
          %get3A_640 = arith.index_cast %add3A_592 : i32 to index
          %get3A_641 = arith.constant 64 : index
          %get3A_642 = tpu.vector_load %arg11[%get3A_640, %get3A_641] {strides = array<i32>} : memref<80x128xf32, #tpu.memory_space<vmem>>, vector<16xf32>,
          %get3A_643 = arith.index_cast %add3A_592 : i32 to index
          %get3A_644 = arith.constant 64 : index
          %get3A_645 = tpu.vector_load %arg16[%get3A_643, %get3A_644] {strides = array<i32>} : memref<80x128xf32, #tpu.memory_space<vmem>>, vector<16xf32>,
          %sub3A_646 = arith.subf %get3A_642, %get3A_645 : vector<16xf32>
          %add3A_647 = arith.constant 9.99999997E-7 : f32
          %add3A_648 = vector.broadcast %add3A_647 : f32 to vector<16xf32>
          %add3A_649 = arith.addf %sub3A_646, %add3A_648 : vector<16xf32>
          %mul3A_650 = arith.mulf %add3A_649, %add3A_649 : vector<16xf32>
          %add3A_651 = arith.addf %add3A_639, %mul3A_650 : vector<16xf32>
          %get3A_652 = arith.index_cast %add3A_592 : i32 to index
          %get3A_653 = arith.constant 80 : index
          %get3A_654 = tpu.vector_load %arg11[%get3A_652, %get3A_653] {strides = array<i32>} : memref<80x128xf32, #tpu.memory_space<vmem>>, vector<16xf32>,
          %get3A_655 = arith.index_cast %add3A_592 : i32 to index
          %get3A_656 = arith.constant 80 : index
          %get3A_657 = tpu.vector_load %arg16[%get3A_655, %get3A_656] {strides = array<i32>} : memref<80x128xf32, #tpu.memory_space<vmem>>, vector<16xf32>,
          %sub3A_658 = arith.subf %get3A_654, %get3A_657 : vector<16xf32>
          %add3A_659 = arith.constant 9.99999997E-7 : f32
          %add3A_660 = vector.broadcast %add3A_659 : f32 to vector<16xf32>
          %add3A_661 = arith.addf %sub3A_658, %add3A_660 : vector<16xf32>
          %mul3A_662 = arith.mulf %add3A_661, %add3A_661 : vector<16xf32>
          %add3A_663 = arith.addf %add3A_651, %mul3A_662 : vector<16xf32>
          %get3A_664 = arith.index_cast %add3A_592 : i32 to index
          %get3A_665 = arith.constant 96 : index
          %get3A_666 = tpu.vector_load %arg11[%get3A_664, %get3A_665] {strides = array<i32>} : memref<80x128xf32, #tpu.memory_space<vmem>>, vector<16xf32>,
          %get3A_667 = arith.index_cast %add3A_592 : i32 to index
          %get3A_668 = arith.constant 96 : index
          %get3A_669 = tpu.vector_load %arg16[%get3A_667, %get3A_668] {strides = array<i32>} : memref<80x128xf32, #tpu.memory_space<vmem>>, vector<16xf32>,
          %sub3A_670 = arith.subf %get3A_666, %get3A_669 : vector<16xf32>
          %add3A_671 = arith.constant 9.99999997E-7 : f32
          %add3A_672 = vector.broadcast %add3A_671 : f32 to vector<16xf32>
          %add3A_673 = arith.addf %sub3A_670, %add3A_672 : vector<16xf32>
          %mul3A_674 = arith.mulf %add3A_673, %add3A_673 : vector<16xf32>
          %add3A_675 = arith.addf %add3A_663, %mul3A_674 : vector<16xf32>
          %get3A_676 = arith.index_cast %add3A_592 : i32 to index
          %get3A_677 = arith.constant 112 : index
          %get3A_678 = tpu.vector_load %arg11[%get3A_676, %get3A_677] {strides = array<i32>} : memref<80x128xf32, #tpu.memory_space<vmem>>, vector<16xf32>,
          %get3A_679 = arith.index_cast %add3A_592 : i32 to index
          %get3A_680 = arith.constant 112 : index
          %get3A_681 = tpu.vector_load %arg16[%get3A_679, %get3A_680] {strides = array<i32>} : memref<80x128xf32, #tpu.memory_space<vmem>>, vector<16xf32>,
          %sub3A_682 = arith.subf %get3A_678, %get3A_681 : vector<16xf32>
          %add3A_683 = arith.constant 9.99999997E-7 : f32
          %add3A_684 = vector.broadcast %add3A_683 : f32 to vector<16xf32>
          %add3A_685 = arith.addf %sub3A_682, %add3A_684 : vector<16xf32>
          %mul3A_686 = arith.mulf %add3A_685, %add3A_685 : vector<16xf32>
          %add3A_687 = arith.addf %add3A_675, %mul3A_686 : vector<16xf32>
          %eq3A_688 = vector.broadcast %add3A_589 : i32 to vector<16xi32>
          %eq3A_689 = arith.cmpi eq, %iota3A, %eq3A_688 : vector<16xi32>
          %reduce_sum3A_690 = arith.constant true
          %reduce_sum3A_691 = vector.broadcast %reduce_sum3A_690 : i1 to vector<16xi1>
          %reduce_sum3A_692 = tpu.scan <sum>, %add3A_687 masked %reduce_sum3A_691 : vector<16xf32>, vector<16xi1> -> vector<16xf32>
          %reduce_sum3A_693 = vector.extract %reduce_sum3A_692[15] : f32 from vector<16xf32>
          %broadcast_in_dim3A_694 = vector.broadcast %reduce_sum3A_693 : f32 to vector<16xf32>
          %select_n3A_695 = arith.select %eq3A_689, %broadcast_in_dim3A_694, %select_n3A_585 : vector<16xi1>, vector<16xf32>
          scf.yield %select_n3A_695 : vector<16xf32>
        }
        %scan3A_211 = arith.constant 4 : i32
        %bitcast3A = vector.bitcast %scan3A_210 : vector<16xf32> to vector<16xi32>
        %shift_right_arithmetic3A = arith.constant 1 : i32
        %shift_right_arithmetic3A_212 = vector.broadcast %shift_right_arithmetic3A : i32 to vector<16xi32>
        %shift_right_arithmetic3A_213 = arith.shrsi %bitcast3A, %shift_right_arithmetic3A_212 : vector<16xi32>
        %sub3A = arith.constant 1597463007 : i32
        %sub3A_214 = vector.broadcast %sub3A : i32 to vector<16xi32>
        %sub3A_215 = arith.subi %sub3A_214, %shift_right_arithmetic3A_213 : vector<16xi32>
        %bitcast3A_216 = vector.bitcast %sub3A_215 : vector<16xi32> to vector<16xf32>
        %mul3A_217 = arith.constant 5.000000e-01 : f32
        %mul3A_218 = vector.broadcast %mul3A_217 : f32 to vector<16xf32>
        %mul3A_219 = arith.mulf %mul3A_218, %scan3A_210 : vector<16xf32>
        %mul3A_220 = arith.mulf %mul3A_219, %bitcast3A_216 : vector<16xf32>
        %mul3A_221 = arith.mulf %mul3A_220, %bitcast3A_216 : vector<16xf32>
        %sub3A_222 = arith.constant 1.500000e+00 : f32
        %sub3A_223 = vector.broadcast %sub3A_222 : f32 to vector<16xf32>
        %sub3A_224 = arith.subf %sub3A_223, %mul3A_221 : vector<16xf32>
        %mul3A_225 = arith.mulf %bitcast3A_216, %sub3A_224 : vector<16xf32>
        %mul3A_226 = arith.constant 5.000000e-01 : f32
        %mul3A_227 = vector.broadcast %mul3A_226 : f32 to vector<16xf32>
        %mul3A_228 = arith.mulf %mul3A_227, %scan3A_210 : vector<16xf32>
        %mul3A_229 = arith.mulf %mul3A_228, %mul3A_225 : vector<16xf32>
        %mul3A_230 = arith.mulf %mul3A_229, %mul3A_225 : vector<16xf32>
        %sub3A_231 = arith.constant 1.500000e+00 : f32
        %sub3A_232 = vector.broadcast %sub3A_231 : f32 to vector<16xf32>
        %sub3A_233 = arith.subf %sub3A_232, %mul3A_230 : vector<16xf32>
        %mul3A_234 = arith.mulf %mul3A_225, %sub3A_233 : vector<16xf32>
        %mul3A_235 = arith.constant 5.000000e-01 : f32
        %mul3A_236 = vector.broadcast %mul3A_235 : f32 to vector<16xf32>
        %mul3A_237 = arith.mulf %mul3A_236, %scan3A_210 : vector<16xf32>
        %mul3A_238 = arith.mulf %mul3A_237, %mul3A_234 : vector<16xf32>
        %mul3A_239 = arith.mulf %mul3A_238, %mul3A_234 : vector<16xf32>
        %sub3A_240 = arith.constant 1.500000e+00 : f32
        %sub3A_241 = vector.broadcast %sub3A_240 : f32 to vector<16xf32>
        %sub3A_242 = arith.subf %sub3A_241, %mul3A_239 : vector<16xf32>
        %mul3A_243 = arith.mulf %mul3A_234, %sub3A_242 : vector<16xf32>
        %mul3A_244 = arith.mulf %scan3A_210, %mul3A_243 : vector<16xf32>
        %sub3A_245 = arith.constant 1.000000e+00 : f32
        %sub3A_246 = vector.broadcast %sub3A_245 : f32 to vector<16xf32>
        %sub3A_247 = arith.subf %mul3A_244, %sub3A_246 : vector<16xf32>
        %exp3A = math.exp %sub3A_247 : vector<16xf32>
        %add3A_248 = arith.constant 1.000000e+00 : f32
        %add3A_249 = vector.broadcast %add3A_248 : f32 to vector<16xf32>
        %add3A_250 = arith.addf %add3A_249, %exp3A : vector<16xf32>
        %div3A = arith.constant 1.000000e+00 : f32
        %div3A_251 = vector.broadcast %div3A : f32 to vector<16xf32>
        %div3A_252 = arith.divf %div3A_251, %add3A_250 : vector<16xf32>
        %mul3A_253 = arith.constant 16 : i32
        %mul3A_254 = arith.muli %scan3A_204, %mul3A_253 : i32
        %add3A_255 = arith.constant 240 : i32
        %add3A_256 = arith.addi %add3A_255, %mul3A_254 : i32
        %swap3A = arith.index_cast %add3A_256 : i32 to index
        %swap3A_257 = tpu.vector_load %arg18[%swap3A] {strides = array<i32>} : memref<400xf32, #tpu.memory_space<vmem>>, vector<16xf32>,
        tpu.vector_store %arg18[%swap3A], %div3A_252 {strides = array<i32>} : memref<400xf32, #tpu.memory_space<vmem>>, vector<16xf32>,
      }
      %scan3A_163 = arith.constant 5 : i32
      %add3A_164 = arith.constant 5 : i32
      %add3A_165 = arith.addi %add3A_147, %add3A_164 : i32
      %lt3A_166 = arith.constant 125 : i32
      %lt3A_167 = arith.cmpi slt, %add3A_165, %lt3A_166 : i32
      %convert_element_type3A_168 = arith.extui %lt3A_167 : i1 to i32
      %cond3A_169 = arith.constant 0 : i32
      %cond3A_170 = arith.cmpi ne, %convert_element_type3A_168, %cond3A_169 : i32
      scf.if %cond3A_170 {
        %add3A_204 = arith.constant 5 : i32
        %add3A_205 = arith.addi %add3A_147, %add3A_204 : i32
        %mul3A_206 = arith.constant 80 : i32
        %mul3A_207 = arith.muli %add3A_205, %mul3A_206 : i32
        %multiple_of3A_208 = tpu.assume_multiple %mul3A_207, 8 : i32
        %dma_start3A_209 = tpu.memref_slice %arg6[%multiple_of3A_208] : memref<10000xi32, #tpu.memory_space<vmem>> -> memref<80xi32, #tpu.memory_space<vmem>>
        %dma_start3A_210 = arith.constant 0 : i32
        %dma_start3A_211 = arith.constant 0 : i32
        %dma_start3A_212 = tpu.memref_slice %arg2[%dma_start3A_210, %dma_start3A_211] : memref<10000x128xf32, #tpu.memory_space<hbm>> -> memref<10000x128xf32, #tpu.memory_space<hbm>>
        tpu.enqueue_indirect_dma source(%dma_start3A_212 : memref<10000x128xf32, #tpu.memory_space<hbm>>) target(%arg11 : memref<80x128xf32, #tpu.memory_space<vmem>>) offsets(%dma_start3A_209 : memref<80xi32, #tpu.memory_space<vmem>>) semaphore(%arg22 : memref<!tpu.dma_semaphore, #tpu.memory_space<semaphore_mem>>)
        %dma_start3A_213 = tpu.memref_slice %arg7[%multiple_of3A_208] : memref<10000xi32, #tpu.memory_space<vmem>> -> memref<80xi32, #tpu.memory_space<vmem>>
        %dma_start3A_214 = arith.constant 0 : i32
        %dma_start3A_215 = arith.constant 0 : i32
        %dma_start3A_216 = tpu.memref_slice %arg2[%dma_start3A_214, %dma_start3A_215] : memref<10000x128xf32, #tpu.memory_space<hbm>> -> memref<10000x128xf32, #tpu.memory_space<hbm>>
        tpu.enqueue_indirect_dma source(%dma_start3A_216 : memref<10000x128xf32, #tpu.memory_space<hbm>>) target(%arg16 : memref<80x128xf32, #tpu.memory_space<vmem>>) offsets(%dma_start3A_213 : memref<80xi32, #tpu.memory_space<vmem>>) semaphore(%arg22 : memref<!tpu.dma_semaphore, #tpu.memory_space<semaphore_mem>>)
      } else {
      }
      %mul3A_171 = arith.constant 5 : i32
      %mul3A_172 = arith.muli %scan3A_61, %mul3A_171 : i32
      %add3A_173 = arith.constant 4 : i32
      %add3A_174 = arith.addi %mul3A_172, %add3A_173 : i32
      %dma_wait3A_175 = arith.constant 0 : i32
      %dma_wait3A_176 = tpu.memref_slice %arg6[%dma_wait3A_175] : memref<10000xi32, #tpu.memory_space<vmem>> -> memref<80xi32, #tpu.memory_space<vmem>>
      %dma_wait3A_177 = arith.constant 0 : i32
      %dma_wait3A_178 = arith.constant 0 : i32
      %dma_wait3A_179 = tpu.memref_slice %arg2[%dma_wait3A_177, %dma_wait3A_178] : memref<10000x128xf32, #tpu.memory_space<hbm>> -> memref<10000x128xf32, #tpu.memory_space<hbm>>
      tpu.wait_indirect_dma semaphore(%arg23 : memref<!tpu.dma_semaphore, #tpu.memory_space<semaphore_mem>>) src(%dma_wait3A_179 : memref<10000x128xf32, #tpu.memory_space<hbm>>) dst(%arg12 : memref<80x128xf32, #tpu.memory_space<vmem>>)
      %dma_wait3A_180 = arith.constant 0 : i32
      %dma_wait3A_181 = tpu.memref_slice %arg7[%dma_wait3A_180] : memref<10000xi32, #tpu.memory_space<vmem>> -> memref<80xi32, #tpu.memory_space<vmem>>
      %dma_wait3A_182 = arith.constant 0 : i32
      %dma_wait3A_183 = arith.constant 0 : i32
      %dma_wait3A_184 = tpu.memref_slice %arg2[%dma_wait3A_182, %dma_wait3A_183] : memref<10000x128xf32, #tpu.memory_space<hbm>> -> memref<10000x128xf32, #tpu.memory_space<hbm>>
      tpu.wait_indirect_dma semaphore(%arg23 : memref<!tpu.dma_semaphore, #tpu.memory_space<semaphore_mem>>) src(%dma_wait3A_184 : memref<10000x128xf32, #tpu.memory_space<hbm>>) dst(%arg17 : memref<80x128xf32, #tpu.memory_space<vmem>>)
      %scan3A_185 = arith.constant 0 : i32
      %scan3A_186 = arith.constant 0 : i32
      %scan3A_187 = arith.constant 5 : i32
      %scan3A_188 = arith.addi %scan3A_186, %scan3A_187 : i32
      %scan3A_189 = arith.constant 1 : i32
      scf.for %scan3A_204 = %scan3A_186 to %scan3A_188 step %scan3A_189  : i32 {
        %broadcast_in_dim3A = arith.constant 0.000000e+00 : f32
        %broadcast_in_dim3A_205 = vector.broadcast %broadcast_in_dim3A : f32 to vector<16xf32>
        %scan3A_206 = arith.constant 0 : i32
        %scan3A_207 = arith.constant 4 : i32
        %scan3A_208 = arith.addi %scan3A_206, %scan3A_207 : i32
        %scan3A_209 = arith.constant 1 : i32
        %scan3A_210 = scf.for %scan3A_258 = %scan3A_206 to %scan3A_208 step %scan3A_209 iter_args(%scan3A_259 = %broadcast_in_dim3A_205) -> (vector<16xf32>)  : i32 {
          %mul3A_260 = arith.constant 4 : i32
          %mul3A_261 = arith.muli %scan3A_258, %mul3A_260 : i32
          %add3A_262 = arith.constant 0 : i32
          %add3A_263 = arith.addi %mul3A_261, %add3A_262 : i32
          %mul3A_264 = arith.constant 16 : i32
          %mul3A_265 = arith.muli %scan3A_204, %mul3A_264 : i32
          %add3A_266 = arith.addi %mul3A_265, %add3A_263 : i32
          %get3A = arith.index_cast %add3A_266 : i32 to index
          %get3A_267 = arith.constant 0 : index
          %get3A_268 = tpu.vector_load %arg12[%get3A, %get3A_267] {strides = array<i32>} : memref<80x128xf32, #tpu.memory_space<vmem>>, vector<16xf32>,
          %get3A_269 = arith.index_cast %add3A_266 : i32 to index
          %get3A_270 = arith.constant 0 : index
          %get3A_271 = tpu.vector_load %arg17[%get3A_269, %get3A_270] {strides = array<i32>} : memref<80x128xf32, #tpu.memory_space<vmem>>, vector<16xf32>,
          %sub3A_272 = arith.subf %get3A_268, %get3A_271 : vector<16xf32>
          %add3A_273 = arith.constant 9.99999997E-7 : f32
          %add3A_274 = vector.broadcast %add3A_273 : f32 to vector<16xf32>
          %add3A_275 = arith.addf %sub3A_272, %add3A_274 : vector<16xf32>
          %mul3A_276 = arith.mulf %add3A_275, %add3A_275 : vector<16xf32>
          %get3A_277 = arith.index_cast %add3A_266 : i32 to index
          %get3A_278 = arith.constant 16 : index
          %get3A_279 = tpu.vector_load %arg12[%get3A_277, %get3A_278] {strides = array<i32>} : memref<80x128xf32, #tpu.memory_space<vmem>>, vector<16xf32>,
          %get3A_280 = arith.index_cast %add3A_266 : i32 to index
          %get3A_281 = arith.constant 16 : index
          %get3A_282 = tpu.vector_load %arg17[%get3A_280, %get3A_281] {strides = array<i32>} : memref<80x128xf32, #tpu.memory_space<vmem>>, vector<16xf32>,
          %sub3A_283 = arith.subf %get3A_279, %get3A_282 : vector<16xf32>
          %add3A_284 = arith.constant 9.99999997E-7 : f32
          %add3A_285 = vector.broadcast %add3A_284 : f32 to vector<16xf32>
          %add3A_286 = arith.addf %sub3A_283, %add3A_285 : vector<16xf32>
          %mul3A_287 = arith.mulf %add3A_286, %add3A_286 : vector<16xf32>
          %add3A_288 = arith.addf %mul3A_276, %mul3A_287 : vector<16xf32>
          %get3A_289 = arith.index_cast %add3A_266 : i32 to index
          %get3A_290 = arith.constant 32 : index
          %get3A_291 = tpu.vector_load %arg12[%get3A_289, %get3A_290] {strides = array<i32>} : memref<80x128xf32, #tpu.memory_space<vmem>>, vector<16xf32>,
          %get3A_292 = arith.index_cast %add3A_266 : i32 to index
          %get3A_293 = arith.constant 32 : index
          %get3A_294 = tpu.vector_load %arg17[%get3A_292, %get3A_293] {strides = array<i32>} : memref<80x128xf32, #tpu.memory_space<vmem>>, vector<16xf32>,
          %sub3A_295 = arith.subf %get3A_291, %get3A_294 : vector<16xf32>
          %add3A_296 = arith.constant 9.99999997E-7 : f32
          %add3A_297 = vector.broadcast %add3A_296 : f32 to vector<16xf32>
          %add3A_298 = arith.addf %sub3A_295, %add3A_297 : vector<16xf32>
          %mul3A_299 = arith.mulf %add3A_298, %add3A_298 : vector<16xf32>
          %add3A_300 = arith.addf %add3A_288, %mul3A_299 : vector<16xf32>
          %get3A_301 = arith.index_cast %add3A_266 : i32 to index
          %get3A_302 = arith.constant 48 : index
          %get3A_303 = tpu.vector_load %arg12[%get3A_301, %get3A_302] {strides = array<i32>} : memref<80x128xf32, #tpu.memory_space<vmem>>, vector<16xf32>,
          %get3A_304 = arith.index_cast %add3A_266 : i32 to index
          %get3A_305 = arith.constant 48 : index
          %get3A_306 = tpu.vector_load %arg17[%get3A_304, %get3A_305] {strides = array<i32>} : memref<80x128xf32, #tpu.memory_space<vmem>>, vector<16xf32>,
          %sub3A_307 = arith.subf %get3A_303, %get3A_306 : vector<16xf32>
          %add3A_308 = arith.constant 9.99999997E-7 : f32
          %add3A_309 = vector.broadcast %add3A_308 : f32 to vector<16xf32>
          %add3A_310 = arith.addf %sub3A_307, %add3A_309 : vector<16xf32>
          %mul3A_311 = arith.mulf %add3A_310, %add3A_310 : vector<16xf32>
          %add3A_312 = arith.addf %add3A_300, %mul3A_311 : vector<16xf32>
          %get3A_313 = arith.index_cast %add3A_266 : i32 to index
          %get3A_314 = arith.constant 64 : index
          %get3A_315 = tpu.vector_load %arg12[%get3A_313, %get3A_314] {strides = array<i32>} : memref<80x128xf32, #tpu.memory_space<vmem>>, vector<16xf32>,
          %get3A_316 = arith.index_cast %add3A_266 : i32 to index
          %get3A_317 = arith.constant 64 : index
          %get3A_318 = tpu.vector_load %arg17[%get3A_316, %get3A_317] {strides = array<i32>} : memref<80x128xf32, #tpu.memory_space<vmem>>, vector<16xf32>,
          %sub3A_319 = arith.subf %get3A_315, %get3A_318 : vector<16xf32>
          %add3A_320 = arith.constant 9.99999997E-7 : f32
          %add3A_321 = vector.broadcast %add3A_320 : f32 to vector<16xf32>
          %add3A_322 = arith.addf %sub3A_319, %add3A_321 : vector<16xf32>
          %mul3A_323 = arith.mulf %add3A_322, %add3A_322 : vector<16xf32>
          %add3A_324 = arith.addf %add3A_312, %mul3A_323 : vector<16xf32>
          %get3A_325 = arith.index_cast %add3A_266 : i32 to index
          %get3A_326 = arith.constant 80 : index
          %get3A_327 = tpu.vector_load %arg12[%get3A_325, %get3A_326] {strides = array<i32>} : memref<80x128xf32, #tpu.memory_space<vmem>>, vector<16xf32>,
          %get3A_328 = arith.index_cast %add3A_266 : i32 to index
          %get3A_329 = arith.constant 80 : index
          %get3A_330 = tpu.vector_load %arg17[%get3A_328, %get3A_329] {strides = array<i32>} : memref<80x128xf32, #tpu.memory_space<vmem>>, vector<16xf32>,
          %sub3A_331 = arith.subf %get3A_327, %get3A_330 : vector<16xf32>
          %add3A_332 = arith.constant 9.99999997E-7 : f32
          %add3A_333 = vector.broadcast %add3A_332 : f32 to vector<16xf32>
          %add3A_334 = arith.addf %sub3A_331, %add3A_333 : vector<16xf32>
          %mul3A_335 = arith.mulf %add3A_334, %add3A_334 : vector<16xf32>
          %add3A_336 = arith.addf %add3A_324, %mul3A_335 : vector<16xf32>
          %get3A_337 = arith.index_cast %add3A_266 : i32 to index
          %get3A_338 = arith.constant 96 : index
          %get3A_339 = tpu.vector_load %arg12[%get3A_337, %get3A_338] {strides = array<i32>} : memref<80x128xf32, #tpu.memory_space<vmem>>, vector<16xf32>,
          %get3A_340 = arith.index_cast %add3A_266 : i32 to index
          %get3A_341 = arith.constant 96 : index
          %get3A_342 = tpu.vector_load %arg17[%get3A_340, %get3A_341] {strides = array<i32>} : memref<80x128xf32, #tpu.memory_space<vmem>>, vector<16xf32>,
          %sub3A_343 = arith.subf %get3A_339, %get3A_342 : vector<16xf32>
          %add3A_344 = arith.constant 9.99999997E-7 : f32
          %add3A_345 = vector.broadcast %add3A_344 : f32 to vector<16xf32>
          %add3A_346 = arith.addf %sub3A_343, %add3A_345 : vector<16xf32>
          %mul3A_347 = arith.mulf %add3A_346, %add3A_346 : vector<16xf32>
          %add3A_348 = arith.addf %add3A_336, %mul3A_347 : vector<16xf32>
          %get3A_349 = arith.index_cast %add3A_266 : i32 to index
          %get3A_350 = arith.constant 112 : index
          %get3A_351 = tpu.vector_load %arg12[%get3A_349, %get3A_350] {strides = array<i32>} : memref<80x128xf32, #tpu.memory_space<vmem>>, vector<16xf32>,
          %get3A_352 = arith.index_cast %add3A_266 : i32 to index
          %get3A_353 = arith.constant 112 : index
          %get3A_354 = tpu.vector_load %arg17[%get3A_352, %get3A_353] {strides = array<i32>} : memref<80x128xf32, #tpu.memory_space<vmem>>, vector<16xf32>,
          %sub3A_355 = arith.subf %get3A_351, %get3A_354 : vector<16xf32>
          %add3A_356 = arith.constant 9.99999997E-7 : f32
          %add3A_357 = vector.broadcast %add3A_356 : f32 to vector<16xf32>
          %add3A_358 = arith.addf %sub3A_355, %add3A_357 : vector<16xf32>
          %mul3A_359 = arith.mulf %add3A_358, %add3A_358 : vector<16xf32>
          %add3A_360 = arith.addf %add3A_348, %mul3A_359 : vector<16xf32>
          %eq3A = vector.broadcast %add3A_263 : i32 to vector<16xi32>
          %eq3A_361 = arith.cmpi eq, %iota3A, %eq3A : vector<16xi32>
          %reduce_sum3A = arith.constant true
          %reduce_sum3A_362 = vector.broadcast %reduce_sum3A : i1 to vector<16xi1>
          %reduce_sum3A_363 = tpu.scan <sum>, %add3A_360 masked %reduce_sum3A_362 : vector<16xf32>, vector<16xi1> -> vector<16xf32>
          %reduce_sum3A_364 = vector.extract %reduce_sum3A_363[15] : f32 from vector<16xf32>
          %broadcast_in_dim3A_365 = vector.broadcast %reduce_sum3A_364 : f32 to vector<16xf32>
          %select_n3A = arith.select %eq3A_361, %broadcast_in_dim3A_365, %scan3A_259 : vector<16xi1>, vector<16xf32>
          %mul3A_366 = arith.constant 4 : i32
          %mul3A_367 = arith.muli %scan3A_258, %mul3A_366 : i32
          %add3A_368 = arith.constant 1 : i32
          %add3A_369 = arith.addi %mul3A_367, %add3A_368 : i32
          %mul3A_370 = arith.constant 16 : i32
          %mul3A_371 = arith.muli %scan3A_204, %mul3A_370 : i32
          %add3A_372 = arith.addi %mul3A_371, %add3A_369 : i32
          %get3A_373 = arith.index_cast %add3A_372 : i32 to index
          %get3A_374 = arith.constant 0 : index
          %get3A_375 = tpu.vector_load %arg12[%get3A_373, %get3A_374] {strides = array<i32>} : memref<80x128xf32, #tpu.memory_space<vmem>>, vector<16xf32>,
          %get3A_376 = arith.index_cast %add3A_372 : i32 to index
          %get3A_377 = arith.constant 0 : index
          %get3A_378 = tpu.vector_load %arg17[%get3A_376, %get3A_377] {strides = array<i32>} : memref<80x128xf32, #tpu.memory_space<vmem>>, vector<16xf32>,
          %sub3A_379 = arith.subf %get3A_375, %get3A_378 : vector<16xf32>
          %add3A_380 = arith.constant 9.99999997E-7 : f32
          %add3A_381 = vector.broadcast %add3A_380 : f32 to vector<16xf32>
          %add3A_382 = arith.addf %sub3A_379, %add3A_381 : vector<16xf32>
          %mul3A_383 = arith.mulf %add3A_382, %add3A_382 : vector<16xf32>
          %get3A_384 = arith.index_cast %add3A_372 : i32 to index
          %get3A_385 = arith.constant 16 : index
          %get3A_386 = tpu.vector_load %arg12[%get3A_384, %get3A_385] {strides = array<i32>} : memref<80x128xf32, #tpu.memory_space<vmem>>, vector<16xf32>,
          %get3A_387 = arith.index_cast %add3A_372 : i32 to index
          %get3A_388 = arith.constant 16 : index
          %get3A_389 = tpu.vector_load %arg17[%get3A_387, %get3A_388] {strides = array<i32>} : memref<80x128xf32, #tpu.memory_space<vmem>>, vector<16xf32>,
          %sub3A_390 = arith.subf %get3A_386, %get3A_389 : vector<16xf32>
          %add3A_391 = arith.constant 9.99999997E-7 : f32
          %add3A_392 = vector.broadcast %add3A_391 : f32 to vector<16xf32>
          %add3A_393 = arith.addf %sub3A_390, %add3A_392 : vector<16xf32>
          %mul3A_394 = arith.mulf %add3A_393, %add3A_393 : vector<16xf32>
          %add3A_395 = arith.addf %mul3A_383, %mul3A_394 : vector<16xf32>
          %get3A_396 = arith.index_cast %add3A_372 : i32 to index
          %get3A_397 = arith.constant 32 : index
          %get3A_398 = tpu.vector_load %arg12[%get3A_396, %get3A_397] {strides = array<i32>} : memref<80x128xf32, #tpu.memory_space<vmem>>, vector<16xf32>,
          %get3A_399 = arith.index_cast %add3A_372 : i32 to index
          %get3A_400 = arith.constant 32 : index
          %get3A_401 = tpu.vector_load %arg17[%get3A_399, %get3A_400] {strides = array<i32>} : memref<80x128xf32, #tpu.memory_space<vmem>>, vector<16xf32>,
          %sub3A_402 = arith.subf %get3A_398, %get3A_401 : vector<16xf32>
          %add3A_403 = arith.constant 9.99999997E-7 : f32
          %add3A_404 = vector.broadcast %add3A_403 : f32 to vector<16xf32>
          %add3A_405 = arith.addf %sub3A_402, %add3A_404 : vector<16xf32>
          %mul3A_406 = arith.mulf %add3A_405, %add3A_405 : vector<16xf32>
          %add3A_407 = arith.addf %add3A_395, %mul3A_406 : vector<16xf32>
          %get3A_408 = arith.index_cast %add3A_372 : i32 to index
          %get3A_409 = arith.constant 48 : index
          %get3A_410 = tpu.vector_load %arg12[%get3A_408, %get3A_409] {strides = array<i32>} : memref<80x128xf32, #tpu.memory_space<vmem>>, vector<16xf32>,
          %get3A_411 = arith.index_cast %add3A_372 : i32 to index
          %get3A_412 = arith.constant 48 : index
          %get3A_413 = tpu.vector_load %arg17[%get3A_411, %get3A_412] {strides = array<i32>} : memref<80x128xf32, #tpu.memory_space<vmem>>, vector<16xf32>,
          %sub3A_414 = arith.subf %get3A_410, %get3A_413 : vector<16xf32>
          %add3A_415 = arith.constant 9.99999997E-7 : f32
          %add3A_416 = vector.broadcast %add3A_415 : f32 to vector<16xf32>
          %add3A_417 = arith.addf %sub3A_414, %add3A_416 : vector<16xf32>
          %mul3A_418 = arith.mulf %add3A_417, %add3A_417 : vector<16xf32>
          %add3A_419 = arith.addf %add3A_407, %mul3A_418 : vector<16xf32>
          %get3A_420 = arith.index_cast %add3A_372 : i32 to index
          %get3A_421 = arith.constant 64 : index
          %get3A_422 = tpu.vector_load %arg12[%get3A_420, %get3A_421] {strides = array<i32>} : memref<80x128xf32, #tpu.memory_space<vmem>>, vector<16xf32>,
          %get3A_423 = arith.index_cast %add3A_372 : i32 to index
          %get3A_424 = arith.constant 64 : index
          %get3A_425 = tpu.vector_load %arg17[%get3A_423, %get3A_424] {strides = array<i32>} : memref<80x128xf32, #tpu.memory_space<vmem>>, vector<16xf32>,
          %sub3A_426 = arith.subf %get3A_422, %get3A_425 : vector<16xf32>
          %add3A_427 = arith.constant 9.99999997E-7 : f32
          %add3A_428 = vector.broadcast %add3A_427 : f32 to vector<16xf32>
          %add3A_429 = arith.addf %sub3A_426, %add3A_428 : vector<16xf32>
          %mul3A_430 = arith.mulf %add3A_429, %add3A_429 : vector<16xf32>
          %add3A_431 = arith.addf %add3A_419, %mul3A_430 : vector<16xf32>
          %get3A_432 = arith.index_cast %add3A_372 : i32 to index
          %get3A_433 = arith.constant 80 : index
          %get3A_434 = tpu.vector_load %arg12[%get3A_432, %get3A_433] {strides = array<i32>} : memref<80x128xf32, #tpu.memory_space<vmem>>, vector<16xf32>,
          %get3A_435 = arith.index_cast %add3A_372 : i32 to index
          %get3A_436 = arith.constant 80 : index
          %get3A_437 = tpu.vector_load %arg17[%get3A_435, %get3A_436] {strides = array<i32>} : memref<80x128xf32, #tpu.memory_space<vmem>>, vector<16xf32>,
          %sub3A_438 = arith.subf %get3A_434, %get3A_437 : vector<16xf32>
          %add3A_439 = arith.constant 9.99999997E-7 : f32
          %add3A_440 = vector.broadcast %add3A_439 : f32 to vector<16xf32>
          %add3A_441 = arith.addf %sub3A_438, %add3A_440 : vector<16xf32>
          %mul3A_442 = arith.mulf %add3A_441, %add3A_441 : vector<16xf32>
          %add3A_443 = arith.addf %add3A_431, %mul3A_442 : vector<16xf32>
          %get3A_444 = arith.index_cast %add3A_372 : i32 to index
          %get3A_445 = arith.constant 96 : index
          %get3A_446 = tpu.vector_load %arg12[%get3A_444, %get3A_445] {strides = array<i32>} : memref<80x128xf32, #tpu.memory_space<vmem>>, vector<16xf32>,
          %get3A_447 = arith.index_cast %add3A_372 : i32 to index
          %get3A_448 = arith.constant 96 : index
          %get3A_449 = tpu.vector_load %arg17[%get3A_447, %get3A_448] {strides = array<i32>} : memref<80x128xf32, #tpu.memory_space<vmem>>, vector<16xf32>,
          %sub3A_450 = arith.subf %get3A_446, %get3A_449 : vector<16xf32>
          %add3A_451 = arith.constant 9.99999997E-7 : f32
          %add3A_452 = vector.broadcast %add3A_451 : f32 to vector<16xf32>
          %add3A_453 = arith.addf %sub3A_450, %add3A_452 : vector<16xf32>
          %mul3A_454 = arith.mulf %add3A_453, %add3A_453 : vector<16xf32>
          %add3A_455 = arith.addf %add3A_443, %mul3A_454 : vector<16xf32>
          %get3A_456 = arith.index_cast %add3A_372 : i32 to index
          %get3A_457 = arith.constant 112 : index
          %get3A_458 = tpu.vector_load %arg12[%get3A_456, %get3A_457] {strides = array<i32>} : memref<80x128xf32, #tpu.memory_space<vmem>>, vector<16xf32>,
          %get3A_459 = arith.index_cast %add3A_372 : i32 to index
          %get3A_460 = arith.constant 112 : index
          %get3A_461 = tpu.vector_load %arg17[%get3A_459, %get3A_460] {strides = array<i32>} : memref<80x128xf32, #tpu.memory_space<vmem>>, vector<16xf32>,
          %sub3A_462 = arith.subf %get3A_458, %get3A_461 : vector<16xf32>
          %add3A_463 = arith.constant 9.99999997E-7 : f32
          %add3A_464 = vector.broadcast %add3A_463 : f32 to vector<16xf32>
          %add3A_465 = arith.addf %sub3A_462, %add3A_464 : vector<16xf32>
          %mul3A_466 = arith.mulf %add3A_465, %add3A_465 : vector<16xf32>
          %add3A_467 = arith.addf %add3A_455, %mul3A_466 : vector<16xf32>
          %eq3A_468 = vector.broadcast %add3A_369 : i32 to vector<16xi32>
          %eq3A_469 = arith.cmpi eq, %iota3A, %eq3A_468 : vector<16xi32>
          %reduce_sum3A_470 = arith.constant true
          %reduce_sum3A_471 = vector.broadcast %reduce_sum3A_470 : i1 to vector<16xi1>
          %reduce_sum3A_472 = tpu.scan <sum>, %add3A_467 masked %reduce_sum3A_471 : vector<16xf32>, vector<16xi1> -> vector<16xf32>
          %reduce_sum3A_473 = vector.extract %reduce_sum3A_472[15] : f32 from vector<16xf32>
          %broadcast_in_dim3A_474 = vector.broadcast %reduce_sum3A_473 : f32 to vector<16xf32>
          %select_n3A_475 = arith.select %eq3A_469, %broadcast_in_dim3A_474, %select_n3A : vector<16xi1>, vector<16xf32>
          %mul3A_476 = arith.constant 4 : i32
          %mul3A_477 = arith.muli %scan3A_258, %mul3A_476 : i32
          %add3A_478 = arith.constant 2 : i32
          %add3A_479 = arith.addi %mul3A_477, %add3A_478 : i32
          %mul3A_480 = arith.constant 16 : i32
          %mul3A_481 = arith.muli %scan3A_204, %mul3A_480 : i32
          %add3A_482 = arith.addi %mul3A_481, %add3A_479 : i32
          %get3A_483 = arith.index_cast %add3A_482 : i32 to index
          %get3A_484 = arith.constant 0 : index
          %get3A_485 = tpu.vector_load %arg12[%get3A_483, %get3A_484] {strides = array<i32>} : memref<80x128xf32, #tpu.memory_space<vmem>>, vector<16xf32>,
          %get3A_486 = arith.index_cast %add3A_482 : i32 to index
          %get3A_487 = arith.constant 0 : index
          %get3A_488 = tpu.vector_load %arg17[%get3A_486, %get3A_487] {strides = array<i32>} : memref<80x128xf32, #tpu.memory_space<vmem>>, vector<16xf32>,
          %sub3A_489 = arith.subf %get3A_485, %get3A_488 : vector<16xf32>
          %add3A_490 = arith.constant 9.99999997E-7 : f32
          %add3A_491 = vector.broadcast %add3A_490 : f32 to vector<16xf32>
          %add3A_492 = arith.addf %sub3A_489, %add3A_491 : vector<16xf32>
          %mul3A_493 = arith.mulf %add3A_492, %add3A_492 : vector<16xf32>
          %get3A_494 = arith.index_cast %add3A_482 : i32 to index
          %get3A_495 = arith.constant 16 : index
          %get3A_496 = tpu.vector_load %arg12[%get3A_494, %get3A_495] {strides = array<i32>} : memref<80x128xf32, #tpu.memory_space<vmem>>, vector<16xf32>,
          %get3A_497 = arith.index_cast %add3A_482 : i32 to index
          %get3A_498 = arith.constant 16 : index
          %get3A_499 = tpu.vector_load %arg17[%get3A_497, %get3A_498] {strides = array<i32>} : memref<80x128xf32, #tpu.memory_space<vmem>>, vector<16xf32>,
          %sub3A_500 = arith.subf %get3A_496, %get3A_499 : vector<16xf32>
          %add3A_501 = arith.constant 9.99999997E-7 : f32
          %add3A_502 = vector.broadcast %add3A_501 : f32 to vector<16xf32>
          %add3A_503 = arith.addf %sub3A_500, %add3A_502 : vector<16xf32>
          %mul3A_504 = arith.mulf %add3A_503, %add3A_503 : vector<16xf32>
          %add3A_505 = arith.addf %mul3A_493, %mul3A_504 : vector<16xf32>
          %get3A_506 = arith.index_cast %add3A_482 : i32 to index
          %get3A_507 = arith.constant 32 : index
          %get3A_508 = tpu.vector_load %arg12[%get3A_506, %get3A_507] {strides = array<i32>} : memref<80x128xf32, #tpu.memory_space<vmem>>, vector<16xf32>,
          %get3A_509 = arith.index_cast %add3A_482 : i32 to index
          %get3A_510 = arith.constant 32 : index
          %get3A_511 = tpu.vector_load %arg17[%get3A_509, %get3A_510] {strides = array<i32>} : memref<80x128xf32, #tpu.memory_space<vmem>>, vector<16xf32>,
          %sub3A_512 = arith.subf %get3A_508, %get3A_511 : vector<16xf32>
          %add3A_513 = arith.constant 9.99999997E-7 : f32
          %add3A_514 = vector.broadcast %add3A_513 : f32 to vector<16xf32>
          %add3A_515 = arith.addf %sub3A_512, %add3A_514 : vector<16xf32>
          %mul3A_516 = arith.mulf %add3A_515, %add3A_515 : vector<16xf32>
          %add3A_517 = arith.addf %add3A_505, %mul3A_516 : vector<16xf32>
          %get3A_518 = arith.index_cast %add3A_482 : i32 to index
          %get3A_519 = arith.constant 48 : index
          %get3A_520 = tpu.vector_load %arg12[%get3A_518, %get3A_519] {strides = array<i32>} : memref<80x128xf32, #tpu.memory_space<vmem>>, vector<16xf32>,
          %get3A_521 = arith.index_cast %add3A_482 : i32 to index
          %get3A_522 = arith.constant 48 : index
          %get3A_523 = tpu.vector_load %arg17[%get3A_521, %get3A_522] {strides = array<i32>} : memref<80x128xf32, #tpu.memory_space<vmem>>, vector<16xf32>,
          %sub3A_524 = arith.subf %get3A_520, %get3A_523 : vector<16xf32>
          %add3A_525 = arith.constant 9.99999997E-7 : f32
          %add3A_526 = vector.broadcast %add3A_525 : f32 to vector<16xf32>
          %add3A_527 = arith.addf %sub3A_524, %add3A_526 : vector<16xf32>
          %mul3A_528 = arith.mulf %add3A_527, %add3A_527 : vector<16xf32>
          %add3A_529 = arith.addf %add3A_517, %mul3A_528 : vector<16xf32>
          %get3A_530 = arith.index_cast %add3A_482 : i32 to index
          %get3A_531 = arith.constant 64 : index
          %get3A_532 = tpu.vector_load %arg12[%get3A_530, %get3A_531] {strides = array<i32>} : memref<80x128xf32, #tpu.memory_space<vmem>>, vector<16xf32>,
          %get3A_533 = arith.index_cast %add3A_482 : i32 to index
          %get3A_534 = arith.constant 64 : index
          %get3A_535 = tpu.vector_load %arg17[%get3A_533, %get3A_534] {strides = array<i32>} : memref<80x128xf32, #tpu.memory_space<vmem>>, vector<16xf32>,
          %sub3A_536 = arith.subf %get3A_532, %get3A_535 : vector<16xf32>
          %add3A_537 = arith.constant 9.99999997E-7 : f32
          %add3A_538 = vector.broadcast %add3A_537 : f32 to vector<16xf32>
          %add3A_539 = arith.addf %sub3A_536, %add3A_538 : vector<16xf32>
          %mul3A_540 = arith.mulf %add3A_539, %add3A_539 : vector<16xf32>
          %add3A_541 = arith.addf %add3A_529, %mul3A_540 : vector<16xf32>
          %get3A_542 = arith.index_cast %add3A_482 : i32 to index
          %get3A_543 = arith.constant 80 : index
          %get3A_544 = tpu.vector_load %arg12[%get3A_542, %get3A_543] {strides = array<i32>} : memref<80x128xf32, #tpu.memory_space<vmem>>, vector<16xf32>,
          %get3A_545 = arith.index_cast %add3A_482 : i32 to index
          %get3A_546 = arith.constant 80 : index
          %get3A_547 = tpu.vector_load %arg17[%get3A_545, %get3A_546] {strides = array<i32>} : memref<80x128xf32, #tpu.memory_space<vmem>>, vector<16xf32>,
          %sub3A_548 = arith.subf %get3A_544, %get3A_547 : vector<16xf32>
          %add3A_549 = arith.constant 9.99999997E-7 : f32
          %add3A_550 = vector.broadcast %add3A_549 : f32 to vector<16xf32>
          %add3A_551 = arith.addf %sub3A_548, %add3A_550 : vector<16xf32>
          %mul3A_552 = arith.mulf %add3A_551, %add3A_551 : vector<16xf32>
          %add3A_553 = arith.addf %add3A_541, %mul3A_552 : vector<16xf32>
          %get3A_554 = arith.index_cast %add3A_482 : i32 to index
          %get3A_555 = arith.constant 96 : index
          %get3A_556 = tpu.vector_load %arg12[%get3A_554, %get3A_555] {strides = array<i32>} : memref<80x128xf32, #tpu.memory_space<vmem>>, vector<16xf32>,
          %get3A_557 = arith.index_cast %add3A_482 : i32 to index
          %get3A_558 = arith.constant 96 : index
          %get3A_559 = tpu.vector_load %arg17[%get3A_557, %get3A_558] {strides = array<i32>} : memref<80x128xf32, #tpu.memory_space<vmem>>, vector<16xf32>,
          %sub3A_560 = arith.subf %get3A_556, %get3A_559 : vector<16xf32>
          %add3A_561 = arith.constant 9.99999997E-7 : f32
          %add3A_562 = vector.broadcast %add3A_561 : f32 to vector<16xf32>
          %add3A_563 = arith.addf %sub3A_560, %add3A_562 : vector<16xf32>
          %mul3A_564 = arith.mulf %add3A_563, %add3A_563 : vector<16xf32>
          %add3A_565 = arith.addf %add3A_553, %mul3A_564 : vector<16xf32>
          %get3A_566 = arith.index_cast %add3A_482 : i32 to index
          %get3A_567 = arith.constant 112 : index
          %get3A_568 = tpu.vector_load %arg12[%get3A_566, %get3A_567] {strides = array<i32>} : memref<80x128xf32, #tpu.memory_space<vmem>>, vector<16xf32>,
          %get3A_569 = arith.index_cast %add3A_482 : i32 to index
          %get3A_570 = arith.constant 112 : index
          %get3A_571 = tpu.vector_load %arg17[%get3A_569, %get3A_570] {strides = array<i32>} : memref<80x128xf32, #tpu.memory_space<vmem>>, vector<16xf32>,
          %sub3A_572 = arith.subf %get3A_568, %get3A_571 : vector<16xf32>
          %add3A_573 = arith.constant 9.99999997E-7 : f32
          %add3A_574 = vector.broadcast %add3A_573 : f32 to vector<16xf32>
          %add3A_575 = arith.addf %sub3A_572, %add3A_574 : vector<16xf32>
          %mul3A_576 = arith.mulf %add3A_575, %add3A_575 : vector<16xf32>
          %add3A_577 = arith.addf %add3A_565, %mul3A_576 : vector<16xf32>
          %eq3A_578 = vector.broadcast %add3A_479 : i32 to vector<16xi32>
          %eq3A_579 = arith.cmpi eq, %iota3A, %eq3A_578 : vector<16xi32>
          %reduce_sum3A_580 = arith.constant true
          %reduce_sum3A_581 = vector.broadcast %reduce_sum3A_580 : i1 to vector<16xi1>
          %reduce_sum3A_582 = tpu.scan <sum>, %add3A_577 masked %reduce_sum3A_581 : vector<16xf32>, vector<16xi1> -> vector<16xf32>
          %reduce_sum3A_583 = vector.extract %reduce_sum3A_582[15] : f32 from vector<16xf32>
          %broadcast_in_dim3A_584 = vector.broadcast %reduce_sum3A_583 : f32 to vector<16xf32>
          %select_n3A_585 = arith.select %eq3A_579, %broadcast_in_dim3A_584, %select_n3A_475 : vector<16xi1>, vector<16xf32>
          %mul3A_586 = arith.constant 4 : i32
          %mul3A_587 = arith.muli %scan3A_258, %mul3A_586 : i32
          %add3A_588 = arith.constant 3 : i32
          %add3A_589 = arith.addi %mul3A_587, %add3A_588 : i32
          %mul3A_590 = arith.constant 16 : i32
          %mul3A_591 = arith.muli %scan3A_204, %mul3A_590 : i32
          %add3A_592 = arith.addi %mul3A_591, %add3A_589 : i32
          %get3A_593 = arith.index_cast %add3A_592 : i32 to index
          %get3A_594 = arith.constant 0 : index
          %get3A_595 = tpu.vector_load %arg12[%get3A_593, %get3A_594] {strides = array<i32>} : memref<80x128xf32, #tpu.memory_space<vmem>>, vector<16xf32>,
          %get3A_596 = arith.index_cast %add3A_592 : i32 to index
          %get3A_597 = arith.constant 0 : index
          %get3A_598 = tpu.vector_load %arg17[%get3A_596, %get3A_597] {strides = array<i32>} : memref<80x128xf32, #tpu.memory_space<vmem>>, vector<16xf32>,
          %sub3A_599 = arith.subf %get3A_595, %get3A_598 : vector<16xf32>
          %add3A_600 = arith.constant 9.99999997E-7 : f32
          %add3A_601 = vector.broadcast %add3A_600 : f32 to vector<16xf32>
          %add3A_602 = arith.addf %sub3A_599, %add3A_601 : vector<16xf32>
          %mul3A_603 = arith.mulf %add3A_602, %add3A_602 : vector<16xf32>
          %get3A_604 = arith.index_cast %add3A_592 : i32 to index
          %get3A_605 = arith.constant 16 : index
          %get3A_606 = tpu.vector_load %arg12[%get3A_604, %get3A_605] {strides = array<i32>} : memref<80x128xf32, #tpu.memory_space<vmem>>, vector<16xf32>,
          %get3A_607 = arith.index_cast %add3A_592 : i32 to index
          %get3A_608 = arith.constant 16 : index
          %get3A_609 = tpu.vector_load %arg17[%get3A_607, %get3A_608] {strides = array<i32>} : memref<80x128xf32, #tpu.memory_space<vmem>>, vector<16xf32>,
          %sub3A_610 = arith.subf %get3A_606, %get3A_609 : vector<16xf32>
          %add3A_611 = arith.constant 9.99999997E-7 : f32
          %add3A_612 = vector.broadcast %add3A_611 : f32 to vector<16xf32>
          %add3A_613 = arith.addf %sub3A_610, %add3A_612 : vector<16xf32>
          %mul3A_614 = arith.mulf %add3A_613, %add3A_613 : vector<16xf32>
          %add3A_615 = arith.addf %mul3A_603, %mul3A_614 : vector<16xf32>
          %get3A_616 = arith.index_cast %add3A_592 : i32 to index
          %get3A_617 = arith.constant 32 : index
          %get3A_618 = tpu.vector_load %arg12[%get3A_616, %get3A_617] {strides = array<i32>} : memref<80x128xf32, #tpu.memory_space<vmem>>, vector<16xf32>,
          %get3A_619 = arith.index_cast %add3A_592 : i32 to index
          %get3A_620 = arith.constant 32 : index
          %get3A_621 = tpu.vector_load %arg17[%get3A_619, %get3A_620] {strides = array<i32>} : memref<80x128xf32, #tpu.memory_space<vmem>>, vector<16xf32>,
          %sub3A_622 = arith.subf %get3A_618, %get3A_621 : vector<16xf32>
          %add3A_623 = arith.constant 9.99999997E-7 : f32
          %add3A_624 = vector.broadcast %add3A_623 : f32 to vector<16xf32>
          %add3A_625 = arith.addf %sub3A_622, %add3A_624 : vector<16xf32>
          %mul3A_626 = arith.mulf %add3A_625, %add3A_625 : vector<16xf32>
          %add3A_627 = arith.addf %add3A_615, %mul3A_626 : vector<16xf32>
          %get3A_628 = arith.index_cast %add3A_592 : i32 to index
          %get3A_629 = arith.constant 48 : index
          %get3A_630 = tpu.vector_load %arg12[%get3A_628, %get3A_629] {strides = array<i32>} : memref<80x128xf32, #tpu.memory_space<vmem>>, vector<16xf32>,
          %get3A_631 = arith.index_cast %add3A_592 : i32 to index
          %get3A_632 = arith.constant 48 : index
          %get3A_633 = tpu.vector_load %arg17[%get3A_631, %get3A_632] {strides = array<i32>} : memref<80x128xf32, #tpu.memory_space<vmem>>, vector<16xf32>,
          %sub3A_634 = arith.subf %get3A_630, %get3A_633 : vector<16xf32>
          %add3A_635 = arith.constant 9.99999997E-7 : f32
          %add3A_636 = vector.broadcast %add3A_635 : f32 to vector<16xf32>
          %add3A_637 = arith.addf %sub3A_634, %add3A_636 : vector<16xf32>
          %mul3A_638 = arith.mulf %add3A_637, %add3A_637 : vector<16xf32>
          %add3A_639 = arith.addf %add3A_627, %mul3A_638 : vector<16xf32>
          %get3A_640 = arith.index_cast %add3A_592 : i32 to index
          %get3A_641 = arith.constant 64 : index
          %get3A_642 = tpu.vector_load %arg12[%get3A_640, %get3A_641] {strides = array<i32>} : memref<80x128xf32, #tpu.memory_space<vmem>>, vector<16xf32>,
          %get3A_643 = arith.index_cast %add3A_592 : i32 to index
          %get3A_644 = arith.constant 64 : index
          %get3A_645 = tpu.vector_load %arg17[%get3A_643, %get3A_644] {strides = array<i32>} : memref<80x128xf32, #tpu.memory_space<vmem>>, vector<16xf32>,
          %sub3A_646 = arith.subf %get3A_642, %get3A_645 : vector<16xf32>
          %add3A_647 = arith.constant 9.99999997E-7 : f32
          %add3A_648 = vector.broadcast %add3A_647 : f32 to vector<16xf32>
          %add3A_649 = arith.addf %sub3A_646, %add3A_648 : vector<16xf32>
          %mul3A_650 = arith.mulf %add3A_649, %add3A_649 : vector<16xf32>
          %add3A_651 = arith.addf %add3A_639, %mul3A_650 : vector<16xf32>
          %get3A_652 = arith.index_cast %add3A_592 : i32 to index
          %get3A_653 = arith.constant 80 : index
          %get3A_654 = tpu.vector_load %arg12[%get3A_652, %get3A_653] {strides = array<i32>} : memref<80x128xf32, #tpu.memory_space<vmem>>, vector<16xf32>,
          %get3A_655 = arith.index_cast %add3A_592 : i32 to index
          %get3A_656 = arith.constant 80 : index
          %get3A_657 = tpu.vector_load %arg17[%get3A_655, %get3A_656] {strides = array<i32>} : memref<80x128xf32, #tpu.memory_space<vmem>>, vector<16xf32>,
          %sub3A_658 = arith.subf %get3A_654, %get3A_657 : vector<16xf32>
          %add3A_659 = arith.constant 9.99999997E-7 : f32
          %add3A_660 = vector.broadcast %add3A_659 : f32 to vector<16xf32>
          %add3A_661 = arith.addf %sub3A_658, %add3A_660 : vector<16xf32>
          %mul3A_662 = arith.mulf %add3A_661, %add3A_661 : vector<16xf32>
          %add3A_663 = arith.addf %add3A_651, %mul3A_662 : vector<16xf32>
          %get3A_664 = arith.index_cast %add3A_592 : i32 to index
          %get3A_665 = arith.constant 96 : index
          %get3A_666 = tpu.vector_load %arg12[%get3A_664, %get3A_665] {strides = array<i32>} : memref<80x128xf32, #tpu.memory_space<vmem>>, vector<16xf32>,
          %get3A_667 = arith.index_cast %add3A_592 : i32 to index
          %get3A_668 = arith.constant 96 : index
          %get3A_669 = tpu.vector_load %arg17[%get3A_667, %get3A_668] {strides = array<i32>} : memref<80x128xf32, #tpu.memory_space<vmem>>, vector<16xf32>,
          %sub3A_670 = arith.subf %get3A_666, %get3A_669 : vector<16xf32>
          %add3A_671 = arith.constant 9.99999997E-7 : f32
          %add3A_672 = vector.broadcast %add3A_671 : f32 to vector<16xf32>
          %add3A_673 = arith.addf %sub3A_670, %add3A_672 : vector<16xf32>
          %mul3A_674 = arith.mulf %add3A_673, %add3A_673 : vector<16xf32>
          %add3A_675 = arith.addf %add3A_663, %mul3A_674 : vector<16xf32>
          %get3A_676 = arith.index_cast %add3A_592 : i32 to index
          %get3A_677 = arith.constant 112 : index
          %get3A_678 = tpu.vector_load %arg12[%get3A_676, %get3A_677] {strides = array<i32>} : memref<80x128xf32, #tpu.memory_space<vmem>>, vector<16xf32>,
          %get3A_679 = arith.index_cast %add3A_592 : i32 to index
          %get3A_680 = arith.constant 112 : index
          %get3A_681 = tpu.vector_load %arg17[%get3A_679, %get3A_680] {strides = array<i32>} : memref<80x128xf32, #tpu.memory_space<vmem>>, vector<16xf32>,
          %sub3A_682 = arith.subf %get3A_678, %get3A_681 : vector<16xf32>
          %add3A_683 = arith.constant 9.99999997E-7 : f32
          %add3A_684 = vector.broadcast %add3A_683 : f32 to vector<16xf32>
          %add3A_685 = arith.addf %sub3A_682, %add3A_684 : vector<16xf32>
          %mul3A_686 = arith.mulf %add3A_685, %add3A_685 : vector<16xf32>
          %add3A_687 = arith.addf %add3A_675, %mul3A_686 : vector<16xf32>
          %eq3A_688 = vector.broadcast %add3A_589 : i32 to vector<16xi32>
          %eq3A_689 = arith.cmpi eq, %iota3A, %eq3A_688 : vector<16xi32>
          %reduce_sum3A_690 = arith.constant true
          %reduce_sum3A_691 = vector.broadcast %reduce_sum3A_690 : i1 to vector<16xi1>
          %reduce_sum3A_692 = tpu.scan <sum>, %add3A_687 masked %reduce_sum3A_691 : vector<16xf32>, vector<16xi1> -> vector<16xf32>
          %reduce_sum3A_693 = vector.extract %reduce_sum3A_692[15] : f32 from vector<16xf32>
          %broadcast_in_dim3A_694 = vector.broadcast %reduce_sum3A_693 : f32 to vector<16xf32>
          %select_n3A_695 = arith.select %eq3A_689, %broadcast_in_dim3A_694, %select_n3A_585 : vector<16xi1>, vector<16xf32>
          scf.yield %select_n3A_695 : vector<16xf32>
        }
        %scan3A_211 = arith.constant 4 : i32
        %bitcast3A = vector.bitcast %scan3A_210 : vector<16xf32> to vector<16xi32>
        %shift_right_arithmetic3A = arith.constant 1 : i32
        %shift_right_arithmetic3A_212 = vector.broadcast %shift_right_arithmetic3A : i32 to vector<16xi32>
        %shift_right_arithmetic3A_213 = arith.shrsi %bitcast3A, %shift_right_arithmetic3A_212 : vector<16xi32>
        %sub3A = arith.constant 1597463007 : i32
        %sub3A_214 = vector.broadcast %sub3A : i32 to vector<16xi32>
        %sub3A_215 = arith.subi %sub3A_214, %shift_right_arithmetic3A_213 : vector<16xi32>
        %bitcast3A_216 = vector.bitcast %sub3A_215 : vector<16xi32> to vector<16xf32>
        %mul3A_217 = arith.constant 5.000000e-01 : f32
        %mul3A_218 = vector.broadcast %mul3A_217 : f32 to vector<16xf32>
        %mul3A_219 = arith.mulf %mul3A_218, %scan3A_210 : vector<16xf32>
        %mul3A_220 = arith.mulf %mul3A_219, %bitcast3A_216 : vector<16xf32>
        %mul3A_221 = arith.mulf %mul3A_220, %bitcast3A_216 : vector<16xf32>
        %sub3A_222 = arith.constant 1.500000e+00 : f32
        %sub3A_223 = vector.broadcast %sub3A_222 : f32 to vector<16xf32>
        %sub3A_224 = arith.subf %sub3A_223, %mul3A_221 : vector<16xf32>
        %mul3A_225 = arith.mulf %bitcast3A_216, %sub3A_224 : vector<16xf32>
        %mul3A_226 = arith.constant 5.000000e-01 : f32
        %mul3A_227 = vector.broadcast %mul3A_226 : f32 to vector<16xf32>
        %mul3A_228 = arith.mulf %mul3A_227, %scan3A_210 : vector<16xf32>
        %mul3A_229 = arith.mulf %mul3A_228, %mul3A_225 : vector<16xf32>
        %mul3A_230 = arith.mulf %mul3A_229, %mul3A_225 : vector<16xf32>
        %sub3A_231 = arith.constant 1.500000e+00 : f32
        %sub3A_232 = vector.broadcast %sub3A_231 : f32 to vector<16xf32>
        %sub3A_233 = arith.subf %sub3A_232, %mul3A_230 : vector<16xf32>
        %mul3A_234 = arith.mulf %mul3A_225, %sub3A_233 : vector<16xf32>
        %mul3A_235 = arith.constant 5.000000e-01 : f32
        %mul3A_236 = vector.broadcast %mul3A_235 : f32 to vector<16xf32>
        %mul3A_237 = arith.mulf %mul3A_236, %scan3A_210 : vector<16xf32>
        %mul3A_238 = arith.mulf %mul3A_237, %mul3A_234 : vector<16xf32>
        %mul3A_239 = arith.mulf %mul3A_238, %mul3A_234 : vector<16xf32>
        %sub3A_240 = arith.constant 1.500000e+00 : f32
        %sub3A_241 = vector.broadcast %sub3A_240 : f32 to vector<16xf32>
        %sub3A_242 = arith.subf %sub3A_241, %mul3A_239 : vector<16xf32>
        %mul3A_243 = arith.mulf %mul3A_234, %sub3A_242 : vector<16xf32>
        %mul3A_244 = arith.mulf %scan3A_210, %mul3A_243 : vector<16xf32>
        %sub3A_245 = arith.constant 1.000000e+00 : f32
        %sub3A_246 = vector.broadcast %sub3A_245 : f32 to vector<16xf32>
        %sub3A_247 = arith.subf %mul3A_244, %sub3A_246 : vector<16xf32>
        %exp3A = math.exp %sub3A_247 : vector<16xf32>
        %add3A_248 = arith.constant 1.000000e+00 : f32
        %add3A_249 = vector.broadcast %add3A_248 : f32 to vector<16xf32>
        %add3A_250 = arith.addf %add3A_249, %exp3A : vector<16xf32>
        %div3A = arith.constant 1.000000e+00 : f32
        %div3A_251 = vector.broadcast %div3A : f32 to vector<16xf32>
        %div3A_252 = arith.divf %div3A_251, %add3A_250 : vector<16xf32>
        %mul3A_253 = arith.constant 16 : i32
        %mul3A_254 = arith.muli %scan3A_204, %mul3A_253 : i32
        %add3A_255 = arith.constant 320 : i32
        %add3A_256 = arith.addi %add3A_255, %mul3A_254 : i32
        %swap3A = arith.index_cast %add3A_256 : i32 to index
        %swap3A_257 = tpu.vector_load %arg18[%swap3A] {strides = array<i32>} : memref<400xf32, #tpu.memory_space<vmem>>, vector<16xf32>,
        tpu.vector_store %arg18[%swap3A], %div3A_252 {strides = array<i32>} : memref<400xf32, #tpu.memory_space<vmem>>, vector<16xf32>,
      }
      %scan3A_190 = arith.constant 5 : i32
      %add3A_191 = arith.constant 5 : i32
      %add3A_192 = arith.addi %add3A_174, %add3A_191 : i32
      %lt3A_193 = arith.constant 125 : i32
      %lt3A_194 = arith.cmpi slt, %add3A_192, %lt3A_193 : i32
      %convert_element_type3A_195 = arith.extui %lt3A_194 : i1 to i32
      %cond3A_196 = arith.constant 0 : i32
      %cond3A_197 = arith.cmpi ne, %convert_element_type3A_195, %cond3A_196 : i32
      scf.if %cond3A_197 {
        %add3A_204 = arith.constant 5 : i32
        %add3A_205 = arith.addi %add3A_174, %add3A_204 : i32
        %mul3A_206 = arith.constant 80 : i32
        %mul3A_207 = arith.muli %add3A_205, %mul3A_206 : i32
        %multiple_of3A_208 = tpu.assume_multiple %mul3A_207, 8 : i32
        %dma_start3A_209 = tpu.memref_slice %arg6[%multiple_of3A_208] : memref<10000xi32, #tpu.memory_space<vmem>> -> memref<80xi32, #tpu.memory_space<vmem>>
        %dma_start3A_210 = arith.constant 0 : i32
        %dma_start3A_211 = arith.constant 0 : i32
        %dma_start3A_212 = tpu.memref_slice %arg2[%dma_start3A_210, %dma_start3A_211] : memref<10000x128xf32, #tpu.memory_space<hbm>> -> memref<10000x128xf32, #tpu.memory_space<hbm>>
        tpu.enqueue_indirect_dma source(%dma_start3A_212 : memref<10000x128xf32, #tpu.memory_space<hbm>>) target(%arg12 : memref<80x128xf32, #tpu.memory_space<vmem>>) offsets(%dma_start3A_209 : memref<80xi32, #tpu.memory_space<vmem>>) semaphore(%arg23 : memref<!tpu.dma_semaphore, #tpu.memory_space<semaphore_mem>>)
        %dma_start3A_213 = tpu.memref_slice %arg7[%multiple_of3A_208] : memref<10000xi32, #tpu.memory_space<vmem>> -> memref<80xi32, #tpu.memory_space<vmem>>
        %dma_start3A_214 = arith.constant 0 : i32
        %dma_start3A_215 = arith.constant 0 : i32
        %dma_start3A_216 = tpu.memref_slice %arg2[%dma_start3A_214, %dma_start3A_215] : memref<10000x128xf32, #tpu.memory_space<hbm>> -> memref<10000x128xf32, #tpu.memory_space<hbm>>
        tpu.enqueue_indirect_dma source(%dma_start3A_216 : memref<10000x128xf32, #tpu.memory_space<hbm>>) target(%arg17 : memref<80x128xf32, #tpu.memory_space<vmem>>) offsets(%dma_start3A_213 : memref<80xi32, #tpu.memory_space<vmem>>) semaphore(%arg23 : memref<!tpu.dma_semaphore, #tpu.memory_space<semaphore_mem>>)
      } else {
      }
      %mul3A_198 = arith.constant 400 : i32
      %mul3A_199 = arith.muli %scan3A_61, %mul3A_198 : i32
      %add3A_200 = arith.addi %multiple_of3A, %mul3A_199 : i32
      %multiple_of3A_201 = tpu.assume_multiple %add3A_200, 8 : i32
      %dma_start3A_202 = tpu.memref_slice %arg5[%multiple_of3A_201] : memref<320000xf32, #tpu.memory_space<hbm>> -> memref<400xf32, #tpu.memory_space<hbm>>
      %dma_start3A_203 = tpu.memref_slice %arg5[%multiple_of3A_201] : memref<320000xf32, #tpu.memory_space<hbm>> -> memref<400xf32, #tpu.memory_space<hbm>>
      tpu.enqueue_dma source(%arg18 : memref<400xf32, #tpu.memory_space<vmem>>) target(%dma_start3A_203 : memref<400xf32, #tpu.memory_space<hbm>>) target_semaphore(%arg24 : memref<!tpu.dma_semaphore, #tpu.memory_space<semaphore_mem>>)
    }
    %scan3A_56 = arith.constant 25 : i32
    %add3A_57 = arith.constant 0 : i32
    %add3A_58 = arith.addi %multiple_of3A, %add3A_57 : i32
    %multiple_of3A_59 = tpu.assume_multiple %add3A_58, 8 : i32
    %dma_wait3A = tpu.memref_slice %arg5[%multiple_of3A_59] : memref<320000xf32, #tpu.memory_space<hbm>> -> memref<400xf32, #tpu.memory_space<hbm>>
    %dma_wait3A_60 = tpu.memref_slice %arg5[%multiple_of3A_59] : memref<320000xf32, #tpu.memory_space<hbm>> -> memref<400xf32, #tpu.memory_space<hbm>>
    tpu.wait_dma2 semaphore(%arg24 : memref<!tpu.dma_semaphore, #tpu.memory_space<semaphore_mem>>) src(%arg18 : memref<400xf32, #tpu.memory_space<vmem>>) dst(%dma_wait3A_60 : memref<400xf32, #tpu.memory_space<hbm>>)
    return
  }
}

module attributes {stable_mosaic.version = 14 : i64} {
  func.func @_normalize_body(%arg0: i32, %arg1: memref<1000x128xf32, #tpu.memory_space<vmem>>, %arg2: memref<1000x128xf32, #tpu.memory_space<vmem>>) attributes {dimension_semantics = [#tpu.dimension_semantics<arbitrary>], iteration_bounds = array<i64: 10>, scalar_prefetch = 0 : i64, scratch_operands = 0 : i64, tpu.core_type = #tpu.core_type<tc>, window_params = [{transform_indices = @transform_0, window_bounds = array<i64: 1000, 128>}, {transform_indices = @transform_1, window_bounds = array<i64: 1000, 128>}]} {
    %get3A = arith.constant 0 : index
    %get3A_0 = arith.constant 0 : index
    %get3A_1 = vector.load %arg1[%get3A, %get3A_0] : memref<1000x128xf32, #tpu.memory_space<vmem>>, vector<1000x128xf32>
    %mul3A = arith.mulf %get3A_1, %get3A_1 : vector<1000x128xf32>
    %reduce_sum3A = arith.constant dense<0.000000e+00> : vector<1000xf32>
    %reduce_sum3A_2 = vector.multi_reduction <add>, %mul3A, %reduce_sum3A [1] : vector<1000x128xf32> to vector<1000xf32>
    %broadcast_in_dim3A = vector.shape_cast %reduce_sum3A_2 : vector<1000xf32> to vector<1000x1xf32>
    %sqrt3A = math.sqrt %broadcast_in_dim3A : vector<1000x1xf32>
    %div3A = vector.broadcast %sqrt3A : vector<1000x1xf32> to vector<1000x128xf32>
    %div3A_3 = arith.divf %get3A_1, %div3A : vector<1000x128xf32>
    %swap3A = arith.constant 0 : index
    %swap3A_4 = arith.constant 0 : index
    %swap3A_5 = vector.load %arg2[%swap3A, %swap3A_4] : memref<1000x128xf32, #tpu.memory_space<vmem>>, vector<1000x128xf32>
    tpu.vector_store %arg2[%swap3A, %swap3A_4], %div3A_3 {strides = array<i32>} : memref<1000x128xf32, #tpu.memory_space<vmem>>, vector<1000x128xf32>,
    return
  }
  func.func @transform_0(%arg0: i32) -> (i32, i32) {
    %c0_i32 = arith.constant 0 : i32
    %c0_i32_0 = arith.constant 0 : i32
    return %arg0, %c0_i32 : i32, i32
  }
  func.func @transform_1(%arg0: i32) -> (i32, i32) {
    %c0_i32 = arith.constant 0 : i32
    %c0_i32_0 = arith.constant 0 : i32
    return %arg0, %c0_i32 : i32, i32
  }
}

</mosaic_0001>

<sc_bundles>
// kernel: kernel.4.cloned.1.call-start
scs
__scs_entry_jumppad:
0x0: {  	(pc) =	sbr.rel $0x88, $3  }
0x1: {  	(tag) =	ssettag $0x0;
	lr =	simm.s32 $0x1  }
0x2: {  	[smem:$0x3F9F] =	sst lr;
	_ =	strace $0xD0000000  }
0x3: {  	_ = 	snop  }
0x4: {  	_ = 	snop  }
0x5: {  	_ = 	snop  }
0x6: {  	_ = 	snop  }
0x7: {  	_ = 	snop  }
__scs_overlays_trampoline_lowered:
0x8: {  	[smem:$0x3FAE] =	sst s0  }
0x9: {  	[smem:$0x3FAF] =	sst s1  }
0xa: {  	[smem:$0x3FB0] =	sst s2  }
0xb: {  	[smem:$0x3FB1] =	sst s3  }
0xc: {  	[smem:$0x3FB2] =	sst s4  }
0xd: {  	[smem:$0x3FB3] =	sst s5  }
0xe: {  	[smem:$0x3FB4] =	sst s6  }
0xf: {  	[smem:$0x3FB5] =	sst s7  }
0x10: {  	[smem:$0x3FB6] =	sst s8  }
0x11: {  	[smem:$0x3FB7] =	sst s9;
	s0 =	simm.s32 @!p0 $0x0  }
0x12: {  	s1 =	sld [smem:$0x3F9D];
	s0 =	simm.s32 @p0 $0x1  }
0x13: {  	[smem:$0x3FB8] =	sst s0;
	s0 =	simm.s32 @!p1 $0x0  }
0x14: {  	s2 =	sld [smem:$0x3F9C];
	s0 =	simm.s32 @p1 $0x1  }
0x15: {  	[smem:$0x3FB9] =	sst s0;
	s0 =	simm.s32 @!p2 $0x0  }
0x16: {  	s3 =	sld [smem:$0x3FDB];
	s0 =	simm.s32 @p2 $0x1  }
0x17: {  	s4 =	simm.s32 $0x1BF5;
	[smem:$0x3FBB] =	sst s0  }
0x18: {  	s0 =	sld [smem:$0x3F9E];
	_ =	swait.ge [sflag:s4], $0x0  }
0x19: {  	s7 =	sld [smem:$0x3F9F]  }
0x1a: {  	s8 =	sadd.s32 $0xFFFFE003, lr  }
0x1b: {  	s9 =	sadd.s32 $0xFFFFFEF7, lr;
	s5 =	simm.s32 $0xFFFFFFFF;
	p2 =	slt.u32 s8, $0xFFFFF086  }
0x1c: {  	p1 =	slt.u32 s9, $0xF7A;
	s5 =	simm.s32 @!p2 $0x0  }
0x1d: {  	s5 =	simm.s32 @p1 $0x1;
	p0 =	seq.s32 s7, s2  }
0x1e: {  	s7 =	smul.u32 @!p0 $0xF7A, s2;
	p2 =	seq.s32 @!p0 s5, $0x0  }
0x1f: {  	s9 =	smul.u32 $0xF7A, s1;
	s8 =	simm.s32 @!p0 $0x1BF5;
	p2 =	por !p2, p0  }
0x20: {  	[sflag:s8] =	ssyncset.s32 @!p0 $0xFFFFF086;
	s6 =	sadd.s32 @!p0 s3, s7;
	s7 =	simm.s32 @!p0 $0x108  }
0x21: {  	s3 =	sadd.s32 s3, s9;
	s6 =	sadd.s32 @!p0 $0x88, s6;
	s7 =	simm.s32 @p2 $0x1082  }
0x22: {  	[simem:s7], [sflag:s8] =	dma.local @!p0 [hbm:s6], $0xF7A  }
0x23: {  	s9 =	sor.u32 $0xD0000000, s2;
	s6 =	simm.s32 $0x108;
	_ =	swait.ge @!p0 [sflag:s8], $0x0  }
0x24: {  	s3 =	sadd.s32 $0x88, s3;
	s6 =	simm.s32 @!p1 $0x1082;
	[sflag:s4] =	ssyncset.s32 $0xFFFFF086  }
0x25: {  	[simem:s6], [sflag:s4] =	dma.local [hbm:s3], $0xF7A  }
0x26: {  	[smem:$0x3F9F] =	sst s1;
	(tag) =	ssettag s2;
	_ =	strace s9  }
0x27: {  	s1 =	sld [smem:$0x3FAF]  }
0x28: {  	s2 =	sld [smem:$0x3FB0]  }
0x29: {  	s4 =	sld [smem:$0x3FB2]  }
0x2a: {  	p0 =	seq.s32 s5, $0x0;
	s5 =	sld [smem:$0x3FB3]  }
0x2b: {  	s6 =	sld [smem:$0x3FB4]  }
0x2c: {  	s7 =	sld [smem:$0x3FB5]  }
0x2d: {  	s3 =	simm.s32 $0x108;
	s8 =	sld [smem:$0x3FB6]  }
0x2e: {  	s3 =	simm.s32 @!p0 $0x1082;
	s9 =	sld [smem:$0x3FB7]  }
0x2f: {  	lr =	sadd.s32 s0, s3;
	s0 =	sld [smem:$0x3FAE]  }
0x30: {  	s3 =	sld [smem:$0x3FB1]  }
0x31: {  	[smem:$0x3FBA] =	sst s10  }
0x32: {  	s10 =	sld [smem:$0x3FB8];
	_ =	sdelay $0x3  }
0x33: {  	p0 =	seq.s32 s10, $0x1;
	s10 =	sld [smem:$0x3FBA];
	_ =	sdelay $0x3  }
0x34: {  	[smem:$0x3FBA] =	sst s10  }
0x35: {  	s10 =	sld [smem:$0x3FB9];
	_ =	sdelay $0x3  }
0x36: {  	p1 =	seq.s32 s10, $0x1;
	s10 =	sld [smem:$0x3FBA];
	_ =	sdelay $0x3  }
0x37: {  	[smem:$0x3FBA] =	sst s10  }
0x38: {  	s10 =	sld [smem:$0x3FBB]  }
0x39: {  	_ = 	snop;
	(pc) =	sbr.ind lr, $3  }
0x3a: {  	_ = 	snop  }
0x3b: {  	_ = 	snop  }
0x3c: {  	p2 =	seq.s32 s10, $0x1;
	s10 =	sld [smem:$0x3FBA]  }
0x3d: {  	_ =	shalt  }
0x3e: {  	_ =	shalt  }
0x3f: {  	_ =	shalt  }
0x40: {  	_ =	shalt  }
0x41: {  	_ =	shalt  }
0x42: {  	_ =	shalt  }
0x43: {  	_ =	shalt  }
0x44: {  	_ =	shalt  }
0x45: {  	_ =	shalt  }
0x46: {  	_ =	shalt  }
0x47: {  	_ =	shalt  }
0x48: {  	_ =	shalt  }
0x49: {  	_ =	shalt  }
0x4a: {  	_ =	shalt  }
0x4b: {  	_ =	shalt  }
0x4c: {  	_ =	shalt  }
0x4d: {  	_ =	shalt  }
0x4e: {  	_ =	shalt  }
0x4f: {  	_ =	shalt  }
0x50: {  	_ =	shalt  }
0x51: {  	_ =	shalt  }
0x52: {  	_ =	shalt  }
0x53: {  	_ =	shalt  }
0x54: {  	_ =	shalt  }
0x55: {  	_ =	shalt  }
0x56: {  	_ =	shalt  }
0x57: {  	_ =	shalt  }
0x58: {  	_ =	shalt  }
0x59: {  	_ =	shalt  }
0x5a: {  	_ =	shalt  }
0x5b: {  	_ =	shalt  }
0x5c: {  	_ =	shalt  }
0x5d: {  	_ =	shalt  }
0x5e: {  	_ =	shalt  }
0x5f: {  	_ =	shalt  }
0x60: {  	_ =	shalt  }
0x61: {  	_ =	shalt  }
0x62: {  	_ =	shalt  }
0x63: {  	_ =	shalt  }
0x64: {  	_ =	shalt  }
0x65: {  	_ =	shalt  }
0x66: {  	_ =	shalt  }
0x67: {  	_ =	shalt  }
0x68: {  	_ =	shalt  }
0x69: {  	_ =	shalt  }
0x6a: {  	_ =	shalt  }
0x6b: {  	_ =	shalt  }
0x6c: {  	_ =	shalt  }
0x6d: {  	_ =	shalt  }
0x6e: {  	_ =	shalt  }
0x6f: {  	_ =	shalt  }
0x70: {  	_ =	shalt  }
0x71: {  	_ =	shalt  }
0x72: {  	_ =	shalt  }
0x73: {  	_ =	shalt  }
0x74: {  	_ =	shalt  }
0x75: {  	_ =	shalt  }
0x76: {  	_ =	shalt  }
0x77: {  	_ =	shalt  }
0x78: {  	_ =	shalt  }
0x79: {  	_ =	shalt  }
0x7a: {  	_ =	shalt  }
0x7b: {  	_ =	shalt  }
0x7c: {  	_ =	shalt  }
0x7d: {  	_ =	shalt  }
0x7e: {  	_ =	shalt  }
0x7f: {  	_ =	shalt  }
0x80: {  	_ =	shalt  }
0x81: {  	_ =	shalt  }
0x82: {  	_ =	shalt  }
0x83: {  	_ =	shalt  }
0x84: {  	_ =	shalt  }
0x85: {  	_ =	shalt  }
0x86: {  	_ =	shalt  }
0x87: {  	_ =	shalt  }
.Lfunc_end0:
.L_simem_size_0:
called_computation_lowered:
.L_overlay_start_0:
0x88: {  	s2 =	sld [smem:$0x3FD9]  }
0x89: {  	s3 =	sld [smem:$0x3FFE];
	_ =	sdelay $0x1  }
0x8a: {  	s1 =	srdreg.scid  }
0x8b: {  	s0 =	sand.u32 $0x1, s1  }
0x8c: {  	s17 =	sshll.u32 s0, $0xA;
	s2 =	sadd.s32 s3, s2  }
0x8d: {  	s2 =	sadd.s32 s2, s17  }
0x8e: {  	[smem:$0x3FC6] =	sst s2  }
0x8f: {  	_ = 	snop  }
0x90: {  	s2 =	sld [smem:$0x3FD0];
	(tm) =	ssettm $0x1  }
0x91: {  	s18 =	sld [smem:$0x3FFB];
	_ =	sdelay $0x3  }
0x92: {  	_ =	strace s18  }
0x93: {  	s3 =	sld [smem:$0x3FFC];
	_ =	sdelay $0x3  }
0x94: {  	_ =	strace s3  }
0x95: {  	s3 =	sld [smem:$0x3FFD];
	_ =	sdelay $0x3  }
0x96: {  	_ =	strace s3  }
0x97: {  	_ =	strace $0x8FFFFFFF  }
0x98: {  	s19 =	sld [smem:$0x3FDB];
	_ =	sdelay $0x1  }
0x99: {  	s4 =	simm.s32 $_scs_section_size  }
0x9a: {  	s5 =	simm.s32 $_size__tile_overlayer_lowered;
	s6 =	simm.s32 $_tile_overlayer_lowered  }
0x9b: {  	s22 =	simm.s32 $0x1BFF;
	s21 =	sshll.u32 s6, $0x1;
	s3 =	sadd.s32 s4, s19  }
0x9c: {  	s7 =	simm.s32 $0x0;
	s20 =	sshll.u32 s5, $0x1;
	s5 =	sadd.s32 s21, s3  }
0x9d: {  	[timem:s7], [sflag:s22] =	dma.local [hbm:s5], s20  }
0x9e: {  	_ =	swait.ge [sflag:s22], s20  }
0x9f: {  	s4 =	ssub.s32 $0x0, s20;
	[sflag:s22] =	ssyncset.done $0x0  }
0xa0: {  	[sflag:s22] =	ssyncadd.s32 s4;
	_ =	sdelay $0x1  }
0xa1: {  	s23 =	simm.s32 $0x1B8B  }
0xa2: {  	_ =	swait.ge [sflag:s23], $0x1  }
0xa3: {  	[sflag:s23] =	ssyncset.done $0x0  }
0xa4: {  	s25 =	simm.s32 $0x1B8E;
	s24 =	sld [smem:$0x3FFE];
	[sflag:s23] =	ssyncadd.s32 $0xFFFFFFFF  }
0xa5: {  	s26 =	simm.s32 $execute0_lowered;
	[smem:$0x3FD2] =	sst s25  }
0xa6: {  	s5 =	sshll.u32 s26, $0x1;
	_ =	strace $0x80000046;
	[dreg:$0x1] =	wrdreg $0xFFFFFFFF  }
0xa7: {  	s28 =	simm.s32 $_size_execute0_lowered;
	s3 =	sadd.s32 s3, s5;
	[dreg:$0x0] =	wrdreg $0x0  }
0xa8: {  	s5 =	sshll.u32 s28, $0x1;
	[dreg:$0x2] =	wrdreg s3  }
0xa9: {  	[dreg:$0x3] =	wrdreg s5  }
0xaa: {  	[dreg:$0x4] =	wrdreg $0xC0  }
0xab: {  	_ =	task [dreg:s7], $0x5FFFF  }
0xac: {  	[dreg:$0x1] =	wrdreg $0xFFFFFFFF  }
0xad: {  	[dreg:$0x0] =	wrdreg $0x60  }
0xae: {  	[dreg:$0x2] =	wrdreg s24  }
0xaf: {  	[dreg:$0x3] =	wrdreg s2  }
0xb0: {  	[dreg:$0x4] =	wrdreg $0x9  }
0xb1: {  	_ =	task.clear_ibuf [dreg:s7], $0x5FFFF;
	_ =	strace $0x90000046  }
0xb2: {  	s29 =	simm.s32 $0x9;
	_ =	strace $0x80000048  }
0xb3: {  	_ =	swait.ge [sflag:s29], $0x1  }
0xb4: {  	[sflag:s29] =	ssyncadd.s32 $0xFFFFFFFF  }
0xb5: {  	_ =	strace $0x90000048  }
0xb6: {  	_ =	sfence  }
0xb7: {  	s30 =	sld [smem:$0x0];
	_ =	sdelay $0x2  }
0xb8: {  	s31 =	sshll.u32 s1, $0xD;
	s1 =	sshrl.u32 s1, $0x2  }
0xb9: {  	s3 =	sand.u32 $0x4000, s31;
	s1 =	sadd.s32 s1, s30  }
0xba: {  	s0 =	sor.u32 s3, s0;
	s1 =	sshll.u32 s1, $0x11  }
0xbb: {  	s0 =	sor.u32 s1, s0  }
0xbc: {  	s0 =	sadd.s32 $0x8F2B, s0  }
0xbd: {  	[sflag:s0] =	ssyncadd.remote.s32 $0x1  }
0xbe: {  	_ =	sfence.sel $0xFFFF  }
0xbf: {  	[dreg:$0x0] =	wrdreg $0xFFFFFFFF;
	(pc) =	sbr.abs _section_cstart, $3  }
0xc0: {  	[dreg:$0x1] =	wrdreg $0xFFFFFFFF  }
0xc1: {  	_ =	task.clear_ibuf [dreg:s7], $0x2FFFF;
	_ =	strace $0x9FFFFFFF  }
0xc2: {  	(tm) =	ssettm $0x7FFFFFFF  }
0xc3: {  	_ =	shalt  }
tec
execute0_lowered:
.L_overlay_start_1:
0x0: {  	(tag) =	ssettag $0x1  }
0x1: {  	s0 =	srdreg.scid;
	s2 =	stileid.u32  }
0x2: {  	s1 =	rddreg [dreg:$0x0];
	s9 =	simm.s32 $0x7;
	s10 =	simm.s32 $0x2780  }
0x3: {  	s11 =	simm.s32 $0x50;
	s28 =	simm.s32 $0x28C0;
	s29 =	simm.s32 $0x1B700  }
0x4: {  	s30 =	simm.s32 $0x1;
	s31 =	simm.s32 $0x2;
	s12 =	simm.s32 $0x5  }
0x5: {  	s13 =	simm.s32 $0x1DF00;
	s0 =	sand.u32 $0x1, s0;
	s3 =	sshll.u32 s2, $0x1  }
0x6: {  	s14 =	simm.s32 $0x6;
	s15 =	simm.s32 $0x0;
	s4 =	sor.u32 s0, s3  }
0x7: {  	s2 =	rddreg [dreg:$0x1];
	s0 =	ssub.s32 $0x2, s0;
	s4 =	smul.u32 $0x2710, s4  }
0x8: {  	s5 =	sadd.s32 $0x13C00, s1;
	s3 =	simm.s32 $0x0;
	s6 =	sshrl.u32 s0, $0x1  }
0x9: {  	[smem:$0x7FF] =	sst s3;
	s0 =	ssub.s32 s0, s6;
	s7 =	sshrl.u32 s4, $0x3  }
0xa: {  	_ =	strace $0x80000047;
	s8 =	smax.u32 s0, $0x1;
	s6 =	sadd.s32 s1, s7  }
0xb: {  	v0 =	vlaneseq.u32;
	s0 =	simm.s32 $0x4;
	s1 =	simm.s32 $0x3;
	s7 =	sadd.s32 $0x9E00, s6  }
.LBB2_1:
0xc: {  	[tilespmem:s3], [sflag:$0x7] =	stream.linear.gather [hbm4b:s7+s3], $0x2710, $0x38;
	[tilespmem:$0x1E100] =	vst v63  }
0xd: {  	_ =	swait.ge [sflag:s9], $0x2710  }
0xe: {  	[sflag:s9] =	ssyncset.done $0x0  }
0xf: {  	[sflag:s9] =	ssyncadd.s32 $0xFFFFD8F0  }
0x10: {  	[tilespmem:s10], [sflag:$0x7] =	stream.linear.gather [hbm4b:s6+s3], $0x2710, $0x38;
	[tilespmem:$0x1E100] =	vst v63  }
0x11: {  	_ =	swait.ge [sflag:s9], $0x2710  }
0x12: {  	[sflag:s9] =	ssyncset.done $0x0  }
0x13: {  	s16 =	simm.s32 $0x4F00;
	[sflag:s9] =	ssyncadd.s32 $0xFFFFD8F0  }
0x14: {  	[tilespmem:s16], [sflag:$0x1] =	stream.indirect.gather [hbm4b:s5+s11], $0x80, s3, s11, $0xb8;
	[tilespmem:$0x1E100] =	vst v63  }
0x15: {  	s24 =	simm.s32 $0x11700  }
0x16: {  	[tilespmem:s24], [sflag:$0x1] =	stream.indirect.gather [hbm4b:s5+s11], $0x80, s10, s11, $0xb8;
	[tilespmem:$0x1E100] =	vst v63  }
0x17: {  	s25 =	simm.s32 $0x7700  }
0x18: {  	[tilespmem:s25], [sflag:$0x2] =	stream.indirect.gather [hbm4b:s5+s11], $0x80, s11, s11, $0xb8;
	[tilespmem:$0x1E100] =	vst v63  }
0x19: {  	s26 =	simm.s32 $0x27D0;
	s17 =	simm.s32 $0x13F00  }
0x1a: {  	[tilespmem:s17], [sflag:$0x2] =	stream.indirect.gather [hbm4b:s5+s11], $0x80, s26, s11, $0xb8;
	[tilespmem:$0x1E100] =	vst v63  }
0x1b: {  	s18 =	simm.s32 $0x9F00;
	s17 =	simm.s32 $0xA0  }
0x1c: {  	[tilespmem:s18], [sflag:$0x3] =	stream.indirect.gather [hbm4b:s5+s11], $0x80, s17, s11, $0xb8;
	[tilespmem:$0x1E100] =	vst v63  }
0x1d: {  	s19 =	simm.s32 $0x2820;
	s20 =	simm.s32 $0x16700  }
0x1e: {  	[tilespmem:s20], [sflag:$0x3] =	stream.indirect.gather [hbm4b:s5+s11], $0x80, s19, s11, $0xb8;
	[tilespmem:$0x1E100] =	vst v63  }
0x1f: {  	s21 =	simm.s32 $0xF0;
	s22 =	simm.s32 $0xC700  }
0x20: {  	[tilespmem:s22], [sflag:$0x4] =	stream.indirect.gather [hbm4b:s5+s11], $0x80, s21, s11, $0xb8;
	[tilespmem:$0x1E100] =	vst v63  }
0x21: {  	s23 =	simm.s32 $0x2870;
	s24 =	simm.s32 $0x18F00  }
0x22: {  	[tilespmem:s24], [sflag:$0x4] =	stream.indirect.gather [hbm4b:s5+s11], $0x80, s23, s11, $0xb8;
	[tilespmem:$0x1E100] =	vst v63  }
0x23: {  	s25 =	simm.s32 $0x140;
	s26 =	simm.s32 $0xEF00  }
0x24: {  	[tilespmem:s26], [sflag:$0x5] =	stream.indirect.gather [hbm4b:s5+s11], $0x80, s25, s11, $0xb8;
	[tilespmem:$0x1E100] =	vst v63  }
0x25: {  	s16 =	simm.s32 $0x0  }
0x26: {  	[tilespmem:s29], [sflag:$0x5] =	stream.indirect.gather [hbm4b:s5+s11], $0x80, s28, s11, $0xb8;
	[tilespmem:$0x1E100] =	vst v63  }
.LBB2_2:
0x27: {  	p0 =	seq.s32 s16, $0x0  }
0x28: {  	s17 =	simm.s32 @!p0 $0x6  }
0x29: {  	_ =	swait.ge @!p0 [sflag:s17], $0x190  }
0x2a: {  	[sflag:s17] =	ssyncset.done @!p0 $0x0  }
0x2b: {  	[sflag:s17] =	ssyncadd.s32 @!p0 $0xFFFFFE70  }
0x2c: {  	_ =	swait.ge [sflag:s30], $0x2800  }
0x2d: {  	[sflag:s30] =	ssyncset.done $0x0  }
0x2e: {  	[sflag:s30] =	ssyncadd.s32 $0xFFFFD800  }
0x2f: {  	_ =	swait.ge [sflag:s30], $0x2800  }
0x30: {  	s18 =	simm.s32 $0x11800;
	[sflag:s30] =	ssyncset.done $0x0  }
0x31: {  	s19 =	simm.s32 $0x5000;
	s17 =	simm.s32 $0x0;
	[sflag:s30] =	ssyncadd.s32 $0xFFFFD800  }
.LBB2_3:
0x32: {  	v1 =	vld [tilespmem:s19+$0xFFFFFF70]  }
0x33: {  	v2 =	vld [tilespmem:s18+$0xFFFFFF60]  }
0x34: {  	v3 =	vld [tilespmem:s18+$0xA0]  }
0x35: {  	v4 =	vld [tilespmem:s18+$0x80]  }
0x36: {  	v5 =	vld [tilespmem:s18+$0xFFFFFFB0]  }
0x37: {  	v6 =	vld [tilespmem:s18+$0x90]  }
0x38: {  	v7 =	vld [tilespmem:s19+$0x90]  }
0x39: {  	v8 =	vld [tilespmem:s18+$0xFFFFFF40]  }
0x3a: {  	v9 =	vld [tilespmem:s18+$0xFFFFFF30]  }
0x3b: {  	v10 =	vld [tilespmem:s18+$0x60]  }
0x3c: {  	v11 =	vld [tilespmem:s19+$0x60]  }
0x3d: {  	v12 =	vld [tilespmem:s18+$0x50]  }
0x3e: {  	v13 =	vld [tilespmem:s19+$0x50]  }
0x3f: {  	v14 =	vld [tilespmem:s18+$0x40]  }
0x40: {  	v15 =	vld [tilespmem:s19+$0x40]  }
0x41: {  	v16 =	vld [tilespmem:s18+$0x30]  }
0x42: {  	v17 =	vld [tilespmem:s19+$0x30]  }
0x43: {  	v18 =	vld [tilespmem:s18+$0x20]  }
0x44: {  	v19 =	vld [tilespmem:s19+$0x20]  }
0x45: {  	v20 =	vld [tilespmem:s18+$0x10]  }
0x46: {  	v21 =	vld [tilespmem:s19+$0x10]  }
0x47: {  	v22 =	vld [tilespmem:s18+$0x0]  }
0x48: {  	v23 =	vld [tilespmem:s19+$0x0]  }
0x49: {  	v24 =	vld [tilespmem:s18+$0xFFFFFFA0]  }
0x4a: {  	v57 =	vld [tilespmem:s18+$0xFFFFFF80]  }
0x4b: {  	v58 =	vld [tilespmem:s19+$0xFFFFFF00]  }
0x4c: {  	v60 =	vld [tilespmem:s18+$0xFFFFFF10]  }
0x4d: {  	v61 =	vld [tilespmem:s19+$0xFFFFFF10]  }
0x4e: {  	v62 =	vld [tilespmem:s18+$0xFFFFFF00]  }
0x4f: {  	v28 =	vld [tilespmem:s19+$0xFFFFFF80]  }
0x50: {  	v26 =	vld [tilespmem:s19+$0xFFFFFFA0]  }
0x51: {  	v30 =	vld [tilespmem:s19+$0xFFFFFF30]  }
0x52: {  	v31 =	vld [tilespmem:s19+$0xFFFFFF40]  }
0x53: {  	v35 =	vld [tilespmem:s19+$0x80];
	v6 =	vsub.f32 v7, v6  }
0x54: {  	v37 =	vld [tilespmem:s19+$0xFFFFFFB0];
	v10 =	vsub.f32 v11, v10;
	v12 =	vsub.f32 v13, v12  }
0x55: {  	v38 =	vld [tilespmem:s19+$0xA0];
	v14 =	vsub.f32 v15, v14;
	v20 =	vsub.f32 v21, v20  }
0x56: {  	v51 =	vld [tilespmem:s19+$0xFFFFFF60];
	v59 =	vsub.f32 v23, v22;
	v18 =	vsub.f32 v19, v18  }
0x57: {  	v55 =	vld [tilespmem:s18+$0xFFFFFF70];
	v16 =	vsub.f32 v17, v16;
	v19 =	vsub.f32 v61, v60  }
0x58: {  	v15 =	vsub.f32 v58, v62;
	v13 =	vsub.f32 v28, v57  }
0x59: {  	v9 =	vsub.f32 v30, v9;
	v8 =	vsub.f32 v31, v8  }
0x5a: {  	v41 =	vsub.f32 v26, v24;
	v4 =	vsub.f32 v35, v4  }
0x5b: {  	v5 =	vsub.f32 v37, v5;
	v3 =	vsub.f32 v38, v3  }
0x5c: {  	v2 =	vsub.f32 v51, v2;
	v1 =	vsub.f32 v1, v55  }
0x5d: {  	v6 =	vadd.f32 $9.999999970e-07, v6;
	v10 =	vadd.f32 $9.999999970e-07, v10  }
0x5e: {  	v7 =	vld [tilespmem:s18+$0xFFFFFF90];
	v12 =	vadd.f32 $9.999999970e-07, v12;
	v20 =	vadd.f32 $9.999999970e-07, v20  }
0x5f: {  	v11 =	vld [tilespmem:s19+$0xFFFFFF90];
	v21 =	vadd.f32 $9.999999970e-07, v59;
	v63 =	vadd.f32 $9.999999970e-07, v18  }
0x60: {  	v14 =	vadd.f32 $9.999999970e-07, v14;
	v16 =	vadd.f32 $9.999999970e-07, v16  }
0x61: {  	v33 =	vadd.f32 $9.999999970e-07, v19;
	v15 =	vadd.f32 $9.999999970e-07, v15  }
0x62: {  	v13 =	vadd.f32 $9.999999970e-07, v13;
	v8 =	vadd.f32 $9.999999970e-07, v8  }
0x63: {  	v25 =	vld [tilespmem:s18+$0xFFFFFF20];
	v9 =	vadd.f32 $9.999999970e-07, v9;
	v22 =	vadd.f32 $9.999999970e-07, v41  }
0x64: {  	v29 =	vld [tilespmem:s19+$0xFFFFFF20];
	v20 =	vmul.f32 v20, v20;
	v7 =	vsub.f32 v11, v7;
	v11 =	vmul.f32 v21, v21  }
0x65: {  	v4 =	vadd.f32 $9.999999970e-07, v4;
	v3 =	vadd.f32 $9.999999970e-07, v3  }
0x66: {  	v32 =	vld [tilespmem:s18+$0x70];
	v5 =	vadd.f32 $9.999999970e-07, v5;
	v17 =	vmul.f32 v63, v63;
	v11 =	vadd.f32 v20, v11  }
0x67: {  	v34 =	vld [tilespmem:s19+$0x70];
	v2 =	vadd.f32 $9.999999970e-07, v2;
	v16 =	vmul.f32 v16, v16;
	v15 =	vmul.f32 v15, v15  }
0x68: {  	v40 =	vld [tilespmem:s18+$0xB0];
	v36 =	vmul.f32 v33, v33;
	v13 =	vmul.f32 v13, v13;
	v11 =	vadd.f32 v17, v11  }
0x69: {  	v42 =	vld [tilespmem:s19+$0xB0];
	v12 =	vmul.f32 v12, v12;
	v14 =	vmul.f32 v14, v14;
	v21 =	vsub.f32 v29, v25  }
0x6a: {  	v43 =	vld [tilespmem:s18+$0xFFFFFF50];
	v6 =	vmul.f32 v6, v6;
	v4 =	vmul.f32 v4, v4;
	v11 =	vadd.f32 v16, v11  }
0x6b: {  	v44 =	vld [tilespmem:s19+$0xFFFFFF50];
	v10 =	vmul.f32 v10, v10;
	v15 =	vadd.f32 v36, v15;
	v39 =	vadd.f32 $9.999999970e-07, v21  }
0x6c: {  	v45 =	vld [tilespmem:s18+$0xC0];
	v9 =	vmul.f32 v9, v9;
	v17 =	vsub.f32 v34, v32;
	v11 =	vadd.f32 v14, v11  }
0x6d: {  	v46 =	vld [tilespmem:s19+$0xC0];
	v4 =	vadd.f32 v6, v4;
	v7 =	vadd.f32 $9.999999970e-07, v7;
	v16 =	vmul.f32 v39, v39  }
0x6e: {  	v53 =	vld [tilespmem:s18+$0xD0];
	v3 =	vmul.f32 v3, v3;
	v49 =	vadd.f32 $9.999999970e-07, v17;
	v6 =	vadd.f32 v12, v11  }
0x6f: {  	v54 =	vld [tilespmem:s19+$0xD0];
	v8 =	vmul.f32 v8, v8;
	v21 =	vsub.f32 v42, v40;
	v15 =	vadd.f32 v16, v15  }
0x70: {  	v48 =	vld [tilespmem:s18+$0xFFFFFFC0];
	v3 =	vadd.f32 v3, v4;
	v6 =	vadd.f32 v10, v6;
	v10 =	vmul.f32 v49, v49  }
0x71: {  	v57 =	vld [tilespmem:s18+$0xE0];
	v7 =	vmul.f32 v7, v7;
	v56 =	vadd.f32 $9.999999970e-07, v21;
	v9 =	vadd.f32 v9, v15  }
0x72: {  	v11 =	vsub.f32 v46, v45;
	v6 =	vadd.f32 v10, v6;
	v10 =	vld [tilespmem:s19+$0xE0]  }
0x73: {  	v52 =	vld [tilespmem:s18+$0xFFFFFFD0];
	v47 =	vmul.f32 v22, v22;
	v7 =	vadd.f32 v7, v13;
	v8 =	vadd.f32 v8, v9  }
0x74: {  	v58 =	vld [tilespmem:s19+$0xFFFFFFD0];
	v9 =	vmul.f32 v56, v56;
	v4 =	vadd.f32 $9.999999970e-07, v11;
	v11 =	vsub.f32 v54, v53  }
0x75: {  	v50 =	vld [tilespmem:s19+$0xFFFFFFC0];
	v5 =	vmul.f32 v5, v5;
	v13 =	vsub.f32 v44, v43;
	v7 =	vadd.f32 v47, v7  }
0x76: {  	v60 =	vld [tilespmem:s18+$0xF0];
	v3 =	vadd.f32 v9, v3;
	v4 =	vmul.f32 v4, v4;
	v9 =	vadd.f32 $9.999999970e-07, v11  }
0x77: {  	v59 =	vld [tilespmem:s19+$0xF0];
	(xrf2) =	vadd.scan.msk.f32 $0xffff, v6;
	v6 =	vadd.f32 v5, v7;
	v5 =	vsub.f32 v10, v57  }
0x78: {  	v61 =	vld [tilespmem:s19+$0xFFFFFFE0];
	v13 =	vadd.f32 $9.999999970e-07, v13;
	v3 =	vadd.f32 v4, v3  }
0x79: {  	v7 =	vld [tilespmem:s18+$0xFFFFFFE0];
	v4 =	vmul.f32 v9, v9;
	v10 =	vsub.f32 v58, v52;
	v5 =	vadd.f32 $9.999999970e-07, v5  }
0x7a: {  	v1 =	vadd.f32 $9.999999970e-07, v1;
	v13 =	vmul.f32 v13, v13;
	v11 =	vsub.f32 v50, v48  }
0x7b: {  	v3 =	vadd.f32 v4, v3;
	v9 =	vadd.f32 $9.999999970e-07, v10;
	v4 =	vmul.f32 v5, v5  }
0x7c: {  	v10 =	vsub.f32 v59, v60;
	v5 =	vadd.f32 $9.999999970e-07, v11  }
0x7d: {  	v2 =	vmul.f32 v2, v2;
	v8 =	vadd.f32 v13, v8;
	v11 =	vadd.f32 v4, v3;
	v3 =	vld [tilespmem:s19+$0xFFFFFFF0]  }
0x7e: {  	v7 =	vsub.f32 v61, v7;
	v10 =	vadd.f32 $9.999999970e-07, v10;
	v62 =	vmul.f32 v5, v5;
	v5 =	vld [tilespmem:s18+$0xFFFFFFF0]  }
0x7f: {  	v2 =	vadd.f32 v2, v8;
	v8 =	vmul.f32 v1, v1  }
0x80: {  	v63 =	vmul.f32 v10, v10  }
0x81: {  	s21 =	simm.s32 $0x4;
	v1 =	vimm.f32 $0.0e+00;
	v8 =	vadd.f32 v8, v2;
	v10 =	vadd.f32 $9.999999970e-07, v7  }
0x82: {  	s22 =	sadd.s32 $0x200, s18;
	s23 =	sadd.s32 $0x200, s19;
	s20 =	simm.s32 $0x0;
	v4 =	vmul.f32 v9, v9;
	v7, _, _ =	vpop (xrf2);
	v9 =	vadd.f32 v62, v6;
	v6 =	vadd.f32 v63, v11  }
.LBB2_4:
0x83: {  	v2 =	vld [tilespmem:s23+$0xFFFFFF70];
	p0 =	sne.s32 s21, $0xC;
	v10 =	vmul.f32 v10, v10;
	v5 =	vsub.f32 v3, v5;
	s24 =	smov.u32 s21;
	s21 =	sadd.s32 $0x4, s21  }
0x84: {  	v3 =	vld [tilespmem:s22+$0xFFFFFF60];
	v9 =	vadd.f32 v4, v9;
	(xrf2) =	vadd.scan.msk.f32 $0xffff, v6  }
0x85: {  	v4 =	vld [tilespmem:s22+$0xA0];
	v11 =	vadd.f32 $9.999999970e-07, v5  }
0x86: {  	v5 =	vld [tilespmem:s22+$0x80];
	v9 =	vadd.f32 v10, v9  }
0x87: {  	v6 =	vld [tilespmem:s22+$0xFFFFFFB0];
	v10 =	vmul.f32 v11, v11;
	(xrf2) =	vadd.scan.msk.f32 $0xffff, v8  }
0x88: {  	v8 =	vld [tilespmem:s22+$0x90]  }
0x89: {  	v11 =	vld [tilespmem:s23+$0x90];
	v9 =	vadd.f32 v10, v9;
	v10 =	vbroadcast v7, $0xF  }
0x8a: {  	v12 =	vld [tilespmem:s22+$0xFFFFFF40]  }
0x8b: {  	v13 =	vld [tilespmem:s22+$0xFFFFFF30];
	(xrf2) =	vadd.scan.msk.f32 $0xffff, v9  }
0x8c: {  	v9 =	vld [tilespmem:s22+$0x60]  }
0x8d: {  	v14 =	vld [tilespmem:s23+$0x60]  }
0x8e: {  	v15 =	vld [tilespmem:s22+$0x50];
	v7 =	vsub.f32 v11, v8;
	v8, _, _ =	vpop (xrf2)  }
0x8f: {  	v11 =	vld [tilespmem:s23+$0x50]  }
0x90: {  	v16 =	vld [tilespmem:s22+$0x40];
	v7 =	vadd.f32 $9.999999970e-07, v7  }
0x91: {  	v17 =	vld [tilespmem:s23+$0x40];
	v18, _, _ =	vpop (xrf2)  }
0x92: {  	v19 =	vld [tilespmem:s22+$0x30];
	v9 =	vsub.f32 v14, v9;
	v14 =	vbroadcast v18, $0xF  }
0x93: {  	v22 =	vmov s20;
	v18 =	vld [tilespmem:s23+$0x30]  }
0x94: {  	s25 =	sadd.s32 $0x1, s20;
	vm0 =	veq.s32 v22, v0;
	v21 =	vld [tilespmem:s22+$0x20];
	v11 =	vsub.f32 v11, v15;
	v9 =	vadd.f32 $9.999999970e-07, v9  }
0x95: {  	v1 =	vsel vm0, v14, v1;
	v14 =	vmov s25;
	v15 =	vld [tilespmem:s23+$0x20];
	v20, _, _ =	vpop (xrf2)  }
0x96: {  	s25 =	sadd.s32 $0x2, s20;
	vm0 =	veq.s32 v14, v0;
	v22 =	vld [tilespmem:s22+$0x10];
	v16 =	vsub.f32 v17, v16;
	v11 =	vadd.f32 $9.999999970e-07, v11  }
0x97: {  	v8 =	vbroadcast v8, $0xF;
	v17 =	vbroadcast v20, $0xF;
	v20 =	vmov s25;
	s25 =	sadd.s32 $0x3, s20;
	s20 =	smov.u32 s24;
	v14 =	vld [tilespmem:s23+$0x10]  }
0x98: {  	v23 =	vld [tilespmem:s22+$0x0];
	v18 =	vsub.f32 v18, v19;
	v16 =	vadd.f32 $9.999999970e-07, v16;
	v19 =	vmov s25  }
0x99: {  	v1 =	vsel vm0, v17, v1;
	vm0 =	veq.s32 v20, v0;
	v24 =	vld [tilespmem:s23+$0x0];
	vm1 =	veq.s32 v19, v0  }
0x9a: {  	v1 =	vsel vm0, v10, v1;
	v17 =	vld [tilespmem:s22+$0xFFFFFFA0];
	v15 =	vsub.f32 v15, v21;
	v18 =	vadd.f32 $9.999999970e-07, v18  }
0x9b: {  	v1 =	vsel vm1, v8, v1;
	v10 =	vld [tilespmem:s22+$0xFFFFFF20]  }
0x9c: {  	v8 =	vld [tilespmem:s22+$0xFFFFFF90];
	v14 =	vsub.f32 v14, v22;
	v15 =	vadd.f32 $9.999999970e-07, v15  }
0x9d: {  	v19 =	vld [tilespmem:s23+$0xFFFFFF90]  }
0x9e: {  	v20 =	vld [tilespmem:s22+$0xFFFFFF80];
	v21 =	vsub.f32 v24, v23;
	v14 =	vadd.f32 $9.999999970e-07, v14  }
0x9f: {  	v22 =	vld [tilespmem:s23+$0xFFFFFF00]  }
0xa0: {  	v23 =	vld [tilespmem:s22+$0xFFFFFF10];
	v21 =	vadd.f32 $9.999999970e-07, v21  }
0xa1: {  	v24 =	vld [tilespmem:s23+$0xFFFFFF10]  }
0xa2: {  	v25 =	vld [tilespmem:s22+$0xFFFFFF00];
	v8 =	vsub.f32 v19, v8;
	v19 =	vmul.f32 v21, v21  }
0xa3: {  	v14 =	vmul.f32 v14, v14;
	v21 =	vld [tilespmem:s23+$0xFFFFFF80]  }
0xa4: {  	v26 =	vld [tilespmem:s23+$0xFFFFFF20];
	v8 =	vadd.f32 $9.999999970e-07, v8  }
0xa5: {  	v15 =	vmul.f32 v15, v15;
	v14 =	vadd.f32 v14, v19;
	v27 =	vld [tilespmem:s23+$0xFFFFFFA0]  }
0xa6: {  	v19 =	vsub.f32 v24, v23;
	v23 =	vld [tilespmem:s23+$0xFFFFFF30]  }
0xa7: {  	v14 =	vadd.f32 v15, v14;
	v22 =	vsub.f32 v22, v25;
	v24 =	vld [tilespmem:s23+$0xFFFFFF40]  }
0xa8: {  	v18 =	vmul.f32 v18, v18;
	v15 =	vadd.f32 $9.999999970e-07, v19;
	v19 =	vsub.f32 v21, v20;
	v20 =	vld [tilespmem:s22+$0x70]  }
0xa9: {  	v11 =	vmul.f32 v11, v11;
	v21 =	vadd.f32 $9.999999970e-07, v22;
	v10 =	vsub.f32 v26, v10;
	v22 =	vld [tilespmem:s23+$0x70]  }
0xaa: {  	v16 =	vmul.f32 v16, v16;
	v14 =	vadd.f32 v18, v14;
	v19 =	vadd.f32 $9.999999970e-07, v19;
	v18 =	vld [tilespmem:s23+$0x80]  }
0xab: {  	v15 =	vmul.f32 v15, v15;
	v21 =	vmul.f32 v21, v21;
	v13 =	vsub.f32 v23, v13;
	v23 =	vld [tilespmem:s23+$0xFFFFFFB0]  }
0xac: {  	v8 =	vmul.f32 v8, v8;
	v12 =	vsub.f32 v24, v12;
	v19 =	vmul.f32 v19, v19;
	v24 =	vld [tilespmem:s23+$0xA0]  }
0xad: {  	v10 =	vadd.f32 $9.999999970e-07, v10;
	v15 =	vadd.f32 v15, v21;
	v21 =	vld [tilespmem:s22+$0xC0]  }
0xae: {  	v9 =	vmul.f32 v9, v9;
	v12 =	vadd.f32 $9.999999970e-07, v12;
	v8 =	vadd.f32 v8, v19;
	v19 =	vld [tilespmem:s22+$0xB0]  }
0xaf: {  	v17 =	vsub.f32 v27, v17;
	v10 =	vmul.f32 v10, v10;
	v13 =	vadd.f32 $9.999999970e-07, v13;
	v25 =	vld [tilespmem:s23+$0xB0]  }
0xb0: {  	v5 =	vsub.f32 v18, v5;
	v26 =	vld [tilespmem:s22+$0xFFFFFF50];
	v6 =	vsub.f32 v23, v6  }
0xb1: {  	v17 =	vadd.f32 $9.999999970e-07, v17;
	v13 =	vmul.f32 v13, v13;
	v18 =	vld [tilespmem:s23+$0xFFFFFF50];
	v4 =	vsub.f32 v24, v4  }
0xb2: {  	v7 =	vmul.f32 v7, v7;
	v20 =	vsub.f32 v22, v20;
	v5 =	vadd.f32 $9.999999970e-07, v5;
	v22 =	vld [tilespmem:s23+$0xC0]  }
0xb3: {  	v14 =	vadd.f32 v16, v14;
	v17 =	vmul.f32 v17, v17;
	v12 =	vmul.f32 v12, v12;
	v23 =	vld [tilespmem:s22+$0xFFFFFFC0]  }
0xb4: {  	v20 =	vadd.f32 $9.999999970e-07, v20;
	v5 =	vmul.f32 v5, v5;
	v16 =	vld [tilespmem:s23+$0xFFFFFFC0];
	v19 =	vsub.f32 v25, v19  }
0xb5: {  	v8 =	vadd.f32 v17, v8;
	v4 =	vadd.f32 $9.999999970e-07, v4;
	v24 =	vld [tilespmem:s23+$0xFFFFFF60]  }
0xb6: {  	v5 =	vadd.f32 v7, v5;
	v17 =	vsub.f32 v18, v26;
	v18 =	vld [tilespmem:s22+$0xFFFFFFD0]  }
0xb7: {  	v7 =	vadd.f32 v11, v14;
	v11 =	vmul.f32 v20, v20;
	v14 =	vsub.f32 v22, v21;
	v20 =	vld [tilespmem:s22+$0xD0]  }
0xb8: {  	v10 =	vadd.f32 v10, v15;
	v4 =	vmul.f32 v4, v4;
	v15 =	vadd.f32 $9.999999970e-07, v17;
	v17 =	vld [tilespmem:s23+$0xD0]  }
0xb9: {  	v7 =	vadd.f32 v9, v7;
	v9 =	vadd.f32 $9.999999970e-07, v19;
	v21 =	vld [tilespmem:s22+$0xFFFFFF70]  }
0xba: {  	v10 =	vadd.f32 v13, v10;
	v13 =	vmul.f32 v15, v15;
	v3 =	vsub.f32 v24, v3;
	v15 =	vld [tilespmem:s22+$0xE0]  }
0xbb: {  	v6 =	vadd.f32 $9.999999970e-07, v6;
	v7 =	vadd.f32 v11, v7;
	v9 =	vmul.f32 v9, v9;
	v11 =	vld [tilespmem:s23+$0xE0]  }
0xbc: {  	v10 =	vadd.f32 v12, v10;
	v4 =	vadd.f32 v4, v5;
	v12 =	vld [tilespmem:s23+$0xFFFFFFD0]  }
0xbd: {  	v5 =	vmul.f32 v6, v6;
	v6 =	vadd.f32 $9.999999970e-07, v14;
	v14 =	vsub.f32 v17, v20;
	(xrf2) =	vadd.scan.msk.f32 $0xffff, v7  }
0xbe: {  	v7 =	vadd.f32 v13, v10;
	v2 =	vsub.f32 v2, v21;
	v10 =	vld [tilespmem:s23+$0xF0]  }
0xbf: {  	v3 =	vadd.f32 $9.999999970e-07, v3;
	v13 =	vadd.f32 v5, v8;
	v5 =	vmul.f32 v6, v6;
	v6 =	vld [tilespmem:s22+$0xF0]  }
0xc0: {  	v4 =	vadd.f32 v9, v4;
	v8 =	vsub.f32 v11, v15  }
0xc1: {  	v3 =	vmul.f32 v3, v3;
	v9 =	vsub.f32 v12, v18;
	v11 =	vld [tilespmem:s22+$0xFFFFFFE0];
	v12 =	vadd.f32 $9.999999970e-07, v14  }
0xc2: {  	v14 =	vsub.f32 v16, v23;
	v15 =	vld [tilespmem:s23+$0xFFFFFFE0];
	v8 =	vadd.f32 $9.999999970e-07, v8  }
0xc3: {  	v16 =	vadd.f32 v5, v4;
	v9 =	vadd.f32 $9.999999970e-07, v9;
	v12 =	vmul.f32 v12, v12  }
0xc4: {  	v17 =	vadd.f32 v3, v7;
	v3 =	vld [tilespmem:s23+$0xFFFFFFF0];
	v18 =	vmul.f32 v8, v8;
	v6 =	vsub.f32 v10, v6  }
0xc5: {  	v2 =	vadd.f32 $9.999999970e-07, v2;
	v4 =	vmul.f32 v9, v9;
	v5 =	vld [tilespmem:s22+$0xFFFFFFF0];
	v8 =	vadd.f32 v12, v16  }
.Ltmp0:
0xc6: {  	v9 =	vadd.f32 $9.999999970e-07, v14;
	v6 =	vadd.f32 $9.999999970e-07, v6;
	(pc) =	sbr.rel @p0 .LBB2_4-.Ltmp0, $4  }
0xc7: {  	v2 =	vmul.f32 v2, v2;
	v10 =	vsub.f32 v15, v11;
	v11 =	vadd.f32 v18, v8;
	v7, _, _ =	vpop (xrf2)  }
0xc8: {  	v9 =	vmul.f32 v9, v9;
	v6 =	vmul.f32 v6, v6  }
0xc9: {  	v8 =	vadd.f32 v2, v17;
	v10 =	vadd.f32 $9.999999970e-07, v10  }
0xca: {  	s23 =	sadd.s32 $0x200, s23;
	s22 =	sadd.s32 $0x200, s22;
	v9 =	vadd.f32 v9, v13;
	v6 =	vadd.f32 v6, v11  }
0xcb: {  	v2 =	vsub.f32 v3, v5;
	_ =	sdelay $0x1  }
0xcc: {  	v3 =	vmul.f32 v10, v10;
	v4 =	vadd.f32 v4, v9;
	v2 =	vadd.f32 $9.999999970e-07, v2;
	_ =	sdelay $0x1  }
0xcd: {  	v3 =	vadd.f32 v3, v4;
	v2 =	vmul.f32 v2, v2  }
0xce: {  	(xrf2) =	vadd.scan.msk.f32 $0xffff, v6  }
0xcf: {  	(xrf2) =	vadd.scan.msk.f32 $0xffff, v8;
	v2 =	vadd.f32 v2, v3;
	_ =	sdelay $0x1  }
0xd0: {  	(xrf2) =	vadd.scan.msk.f32 $0xffff, v2;
	_ =	sdelay $0x6  }
0xd1: {  	v2, _, _ =	vpop (xrf2)  }
0xd2: {  	v3, _, _ =	vpop (xrf2)  }
0xd3: {  	v59 =	vmov s20;
	v3 =	vbroadcast v3, $0xF  }
0xd4: {  	v60 =	vbroadcast v7, $0xF;
	s21 =	sadd.s32 $0x1, s20;
	vm0 =	veq.s32 v59, v0;
	v61, _, _ =	vpop (xrf2)  }
0xd5: {  	s24 =	sadd.s32 $0x2, s20;
	s25 =	sadd.s32 $0x3, s20;
	v1 =	vsel vm0, v3, v1;
	v3 =	vmov s21;
	v4 =	vbroadcast v61, $0xF  }
0xd6: {  	v62 =	vmov s25;
	vm14 =	veq.s32 v3, v0;
	v3 =	vmov s24  }
0xd7: {  	v2 =	vbroadcast v2, $0xF;
	vm15 =	veq.s32 v3, v0;
	v1 =	vsel vm14, v4, v1  }
0xd8: {  	vm1 =	veq.s32 v62, v0;
	v1 =	vsel vm15, v60, v1  }
0xd9: {  	v1 =	vsel vm1, v2, v1  }
0xda: {  	v2 =	vshra.s32 v1, $0x1;
	v3 =	vmul.f32 $5.000000000e-01, v1  }
0xdb: {  	v2 =	vsub.s32 $0x5F3759DF, v2  }
0xdc: {  	v63 =	vmul.f32 v2, v3;
	_ =	sdelay $0x1  }
0xdd: {  	v4 =	vmul.f32 v2, v63;
	_ =	sdelay $0x1  }
0xde: {  	v4 =	vsub.f32 $1.500000000e+00, v4;
	_ =	sdelay $0x1  }
0xdf: {  	v2 =	vmul.f32 v2, v4;
	_ =	sdelay $0x1  }
0xe0: {  	v4 =	vmul.f32 v2, v3;
	_ =	sdelay $0x1  }
0xe1: {  	v4 =	vmul.f32 v4, v2;
	_ =	sdelay $0x1  }
0xe2: {  	v4 =	vsub.f32 $1.500000000e+00, v4;
	_ =	sdelay $0x1  }
0xe3: {  	v2 =	vmul.f32 v4, v2;
	_ =	sdelay $0x1  }
0xe4: {  	v3 =	vmul.f32 v2, v3;
	_ =	sdelay $0x1  }
0xe5: {  	v3 =	vmul.f32 v3, v2;
	_ =	sdelay $0x1  }
0xe6: {  	v3 =	vsub.f32 $1.500000000e+00, v3;
	_ =	sdelay $0x1  }
0xe7: {  	v2 =	vmul.f32 v3, v2;
	_ =	sdelay $0x1  }
0xe8: {  	v1 =	vmul.f32 v2, v1;
	_ =	sdelay $0x1  }
0xe9: {  	v1 =	vadd.f32 $-1.000000000e+00, v1;
	_ =	sdelay $0x1  }
0xea: {  	v1 =	vmul.f32 $1.442695020e+00, v1;
	_ =	sdelay $0x1  }
0xeb: {  	(erf) = vpow2.f32 v1;
	_ =	sdelay $0x8  }
0xec: {  	v1 =	vpop (erf)  }
0xed: {  	v1 =	vadd.f32 $1.000000000e+00, v1;
	_ =	sdelay $0x1  }
0xee: {  	(erf) = vrcp.f32 v1;
	_ =	sdelay $0x3  }
0xef: {  	s26 =	sshll.u32 s17, $0x4;
	s17 =	sadd.s32 $0x1, s17  }
0xf0: {  	p0 =	sne.s32 s17, $0x5  }
.Ltmp1:
0xf1: {  	_ = 	snop;
	(pc) =	sbr.rel @p0 .LBB2_3-.Ltmp1, $3  }
0xf2: {  	_ =	sdelay $0x1  }
0xf3: {  	s20 =	sand.u32 $0x3FFFFFF0, s26;
	v1 =	vpop (erf)  }
0xf4: {  	s18 =	sadd.s32 $0x800, s18;
	s19 =	sadd.s32 $0x800, s19;
	[tilespmem:s20+$0x1DF00] =	vst v1  }
0xf5: {  	p0 =	seq.s32 s16, $0x18  }
0xf6: {  	s17 =	smul.u32 @!p0 $0x190, s16;
	_ =	sdelay $0x1  }
0xf7: {  	s19 =	simm.s32 @!p0 $0x50;
	s20 =	simm.s32 @!p0 $0x4F00;
	s18 =	sadd.s32 @!p0 $0x190, s17  }
0xf8: {  	[tilespmem:s20], [sflag:$0x1] =	stream.indirect.gather @!p0 [hbm4b:s5+s19], $0x80, s18, s19, $0xb8;
	[tilespmem:$0x1E100] =	vst v63  }
0xf9: {  	s18 =	sadd.s32 @!p0 $0x2910, s17;
	s20 =	simm.s32 @!p0 $0x11700  }
0xfa: {  	[tilespmem:s20], [sflag:$0x1] =	stream.indirect.gather @!p0 [hbm4b:s5+s19], $0x80, s18, s19, $0xb8;
	[tilespmem:$0x1E100] =	vst v63  }
0xfb: {  	_ =	swait.ge [sflag:s31], $0x2800  }
0xfc: {  	[sflag:s31] =	ssyncset.done $0x0  }
0xfd: {  	[sflag:s31] =	ssyncadd.s32 $0xFFFFD800  }
0xfe: {  	_ =	swait.ge [sflag:s31], $0x2800  }
0xff: {  	s18 =	simm.s32 $0x0;
	[sflag:s31] =	ssyncset.done $0x0  }
0x100: {  	s19 =	simm.s32 $0x14000;
	s20 =	simm.s32 $0x7800;
	[sflag:s31] =	ssyncadd.s32 $0xFFFFD800  }
.LBB2_7:
0x101: {  	v1 =	vld [tilespmem:s20+$0xFFFFFF70]  }
0x102: {  	v2 =	vld [tilespmem:s19+$0xFFFFFF60]  }
0x103: {  	v3 =	vld [tilespmem:s19+$0xA0]  }
0x104: {  	v4 =	vld [tilespmem:s19+$0x80]  }
0x105: {  	v5 =	vld [tilespmem:s19+$0xFFFFFFB0]  }
0x106: {  	v6 =	vld [tilespmem:s19+$0x90]  }
0x107: {  	v7 =	vld [tilespmem:s20+$0x90]  }
0x108: {  	v8 =	vld [tilespmem:s19+$0xFFFFFF40]  }
0x109: {  	v9 =	vld [tilespmem:s19+$0xFFFFFF30]  }
0x10a: {  	v10 =	vld [tilespmem:s19+$0x60]  }
0x10b: {  	v11 =	vld [tilespmem:s20+$0x60]  }
0x10c: {  	v12 =	vld [tilespmem:s19+$0x50]  }
0x10d: {  	v13 =	vld [tilespmem:s20+$0x50]  }
0x10e: {  	v14 =	vld [tilespmem:s19+$0x40]  }
0x10f: {  	v15 =	vld [tilespmem:s20+$0x40]  }
0x110: {  	v16 =	vld [tilespmem:s19+$0x30]  }
0x111: {  	v17 =	vld [tilespmem:s20+$0x30]  }
0x112: {  	v18 =	vld [tilespmem:s19+$0x20]  }
0x113: {  	v19 =	vld [tilespmem:s20+$0x20]  }
0x114: {  	v20 =	vld [tilespmem:s19+$0x10]  }
0x115: {  	v21 =	vld [tilespmem:s20+$0x10]  }
0x116: {  	v22 =	vld [tilespmem:s19+$0x0]  }
0x117: {  	v23 =	vld [tilespmem:s20+$0x0]  }
0x118: {  	v24 =	vld [tilespmem:s19+$0xFFFFFFA0]  }
0x119: {  	v57 =	vld [tilespmem:s19+$0xFFFFFF80]  }
0x11a: {  	v58 =	vld [tilespmem:s20+$0xFFFFFF00]  }
0x11b: {  	v60 =	vld [tilespmem:s19+$0xFFFFFF10]  }
0x11c: {  	v61 =	vld [tilespmem:s20+$0xFFFFFF10]  }
0x11d: {  	v62 =	vld [tilespmem:s19+$0xFFFFFF00]  }
0x11e: {  	v28 =	vld [tilespmem:s20+$0xFFFFFF80]  }
0x11f: {  	v26 =	vld [tilespmem:s20+$0xFFFFFFA0]  }
0x120: {  	v30 =	vld [tilespmem:s20+$0xFFFFFF30]  }
0x121: {  	v31 =	vld [tilespmem:s20+$0xFFFFFF40]  }
0x122: {  	v35 =	vld [tilespmem:s20+$0x80];
	v6 =	vsub.f32 v7, v6  }
0x123: {  	v37 =	vld [tilespmem:s20+$0xFFFFFFB0];
	v10 =	vsub.f32 v11, v10;
	v12 =	vsub.f32 v13, v12  }
0x124: {  	v38 =	vld [tilespmem:s20+$0xA0];
	v14 =	vsub.f32 v15, v14;
	v20 =	vsub.f32 v21, v20  }
0x125: {  	v51 =	vld [tilespmem:s20+$0xFFFFFF60];
	v59 =	vsub.f32 v23, v22;
	v18 =	vsub.f32 v19, v18  }
0x126: {  	v55 =	vld [tilespmem:s19+$0xFFFFFF70];
	v16 =	vsub.f32 v17, v16;
	v19 =	vsub.f32 v61, v60  }
0x127: {  	v15 =	vsub.f32 v58, v62;
	v13 =	vsub.f32 v28, v57  }
0x128: {  	v9 =	vsub.f32 v30, v9;
	v8 =	vsub.f32 v31, v8  }
0x129: {  	v41 =	vsub.f32 v26, v24;
	v4 =	vsub.f32 v35, v4  }
0x12a: {  	v5 =	vsub.f32 v37, v5;
	v3 =	vsub.f32 v38, v3  }
0x12b: {  	v2 =	vsub.f32 v51, v2;
	v1 =	vsub.f32 v1, v55  }
0x12c: {  	v6 =	vadd.f32 $9.999999970e-07, v6;
	v10 =	vadd.f32 $9.999999970e-07, v10  }
0x12d: {  	v7 =	vld [tilespmem:s19+$0xFFFFFF90];
	v12 =	vadd.f32 $9.999999970e-07, v12;
	v20 =	vadd.f32 $9.999999970e-07, v20  }
0x12e: {  	v11 =	vld [tilespmem:s20+$0xFFFFFF90];
	v21 =	vadd.f32 $9.999999970e-07, v59;
	v63 =	vadd.f32 $9.999999970e-07, v18  }
0x12f: {  	v14 =	vadd.f32 $9.999999970e-07, v14;
	v16 =	vadd.f32 $9.999999970e-07, v16  }
0x130: {  	v33 =	vadd.f32 $9.999999970e-07, v19;
	v15 =	vadd.f32 $9.999999970e-07, v15  }
0x131: {  	v13 =	vadd.f32 $9.999999970e-07, v13;
	v8 =	vadd.f32 $9.999999970e-07, v8  }
0x132: {  	v25 =	vld [tilespmem:s19+$0xFFFFFF20];
	v9 =	vadd.f32 $9.999999970e-07, v9;
	v22 =	vadd.f32 $9.999999970e-07, v41  }
0x133: {  	v29 =	vld [tilespmem:s20+$0xFFFFFF20];
	v20 =	vmul.f32 v20, v20;
	v7 =	vsub.f32 v11, v7;
	v11 =	vmul.f32 v21, v21  }
0x134: {  	v4 =	vadd.f32 $9.999999970e-07, v4;
	v3 =	vadd.f32 $9.999999970e-07, v3  }
0x135: {  	v32 =	vld [tilespmem:s19+$0x70];
	v5 =	vadd.f32 $9.999999970e-07, v5;
	v17 =	vmul.f32 v63, v63;
	v11 =	vadd.f32 v20, v11  }
0x136: {  	v34 =	vld [tilespmem:s20+$0x70];
	v2 =	vadd.f32 $9.999999970e-07, v2;
	v16 =	vmul.f32 v16, v16;
	v15 =	vmul.f32 v15, v15  }
0x137: {  	v40 =	vld [tilespmem:s19+$0xB0];
	v36 =	vmul.f32 v33, v33;
	v13 =	vmul.f32 v13, v13;
	v11 =	vadd.f32 v17, v11  }
0x138: {  	v42 =	vld [tilespmem:s20+$0xB0];
	v12 =	vmul.f32 v12, v12;
	v14 =	vmul.f32 v14, v14;
	v21 =	vsub.f32 v29, v25  }
0x139: {  	v43 =	vld [tilespmem:s19+$0xFFFFFF50];
	v6 =	vmul.f32 v6, v6;
	v4 =	vmul.f32 v4, v4;
	v11 =	vadd.f32 v16, v11  }
0x13a: {  	v44 =	vld [tilespmem:s20+$0xFFFFFF50];
	v10 =	vmul.f32 v10, v10;
	v15 =	vadd.f32 v36, v15;
	v39 =	vadd.f32 $9.999999970e-07, v21  }
0x13b: {  	v45 =	vld [tilespmem:s19+$0xC0];
	v9 =	vmul.f32 v9, v9;
	v17 =	vsub.f32 v34, v32;
	v11 =	vadd.f32 v14, v11  }
0x13c: {  	v46 =	vld [tilespmem:s20+$0xC0];
	v4 =	vadd.f32 v6, v4;
	v7 =	vadd.f32 $9.999999970e-07, v7;
	v16 =	vmul.f32 v39, v39  }
0x13d: {  	v53 =	vld [tilespmem:s19+$0xD0];
	v3 =	vmul.f32 v3, v3;
	v49 =	vadd.f32 $9.999999970e-07, v17;
	v6 =	vadd.f32 v12, v11  }
0x13e: {  	v54 =	vld [tilespmem:s20+$0xD0];
	v8 =	vmul.f32 v8, v8;
	v21 =	vsub.f32 v42, v40;
	v15 =	vadd.f32 v16, v15  }
0x13f: {  	v48 =	vld [tilespmem:s19+$0xFFFFFFC0];
	v3 =	vadd.f32 v3, v4;
	v6 =	vadd.f32 v10, v6;
	v10 =	vmul.f32 v49, v49  }
0x140: {  	v57 =	vld [tilespmem:s19+$0xE0];
	v7 =	vmul.f32 v7, v7;
	v56 =	vadd.f32 $9.999999970e-07, v21;
	v9 =	vadd.f32 v9, v15  }
0x141: {  	v11 =	vsub.f32 v46, v45;
	v6 =	vadd.f32 v10, v6;
	v10 =	vld [tilespmem:s20+$0xE0]  }
0x142: {  	v52 =	vld [tilespmem:s19+$0xFFFFFFD0];
	v47 =	vmul.f32 v22, v22;
	v7 =	vadd.f32 v7, v13;
	v8 =	vadd.f32 v8, v9  }
0x143: {  	v58 =	vld [tilespmem:s20+$0xFFFFFFD0];
	v9 =	vmul.f32 v56, v56;
	v4 =	vadd.f32 $9.999999970e-07, v11;
	v11 =	vsub.f32 v54, v53  }
0x144: {  	v50 =	vld [tilespmem:s20+$0xFFFFFFC0];
	v5 =	vmul.f32 v5, v5;
	v13 =	vsub.f32 v44, v43;
	v7 =	vadd.f32 v47, v7  }
0x145: {  	v60 =	vld [tilespmem:s19+$0xF0];
	v3 =	vadd.f32 v9, v3;
	v4 =	vmul.f32 v4, v4;
	v9 =	vadd.f32 $9.999999970e-07, v11  }
0x146: {  	v59 =	vld [tilespmem:s20+$0xF0];
	(xrf2) =	vadd.scan.msk.f32 $0xffff, v6;
	v6 =	vadd.f32 v5, v7;
	v5 =	vsub.f32 v10, v57  }
0x147: {  	v61 =	vld [tilespmem:s20+$0xFFFFFFE0];
	v13 =	vadd.f32 $9.999999970e-07, v13;
	v3 =	vadd.f32 v4, v3  }
0x148: {  	v7 =	vld [tilespmem:s19+$0xFFFFFFE0];
	v4 =	vmul.f32 v9, v9;
	v10 =	vsub.f32 v58, v52;
	v5 =	vadd.f32 $9.999999970e-07, v5  }
0x149: {  	v1 =	vadd.f32 $9.999999970e-07, v1;
	v13 =	vmul.f32 v13, v13;
	v11 =	vsub.f32 v50, v48  }
0x14a: {  	v3 =	vadd.f32 v4, v3;
	v9 =	vadd.f32 $9.999999970e-07, v10;
	v4 =	vmul.f32 v5, v5  }
0x14b: {  	v10 =	vsub.f32 v59, v60;
	v5 =	vadd.f32 $9.999999970e-07, v11  }
0x14c: {  	v2 =	vmul.f32 v2, v2;
	v8 =	vadd.f32 v13, v8;
	v11 =	vadd.f32 v4, v3;
	v3 =	vld [tilespmem:s20+$0xFFFFFFF0]  }
0x14d: {  	v7 =	vsub.f32 v61, v7;
	v10 =	vadd.f32 $9.999999970e-07, v10;
	v62 =	vmul.f32 v5, v5;
	v5 =	vld [tilespmem:s19+$0xFFFFFFF0]  }
0x14e: {  	v2 =	vadd.f32 v2, v8;
	v8 =	vmul.f32 v1, v1  }
0x14f: {  	v63 =	vmul.f32 v10, v10  }
0x150: {  	s22 =	simm.s32 $0x4;
	v1 =	vimm.f32 $0.0e+00;
	v8 =	vadd.f32 v8, v2;
	v10 =	vadd.f32 $9.999999970e-07, v7  }
0x151: {  	s23 =	sadd.s32 $0x200, s19;
	s24 =	sadd.s32 $0x200, s20;
	s21 =	simm.s32 $0x0;
	v4 =	vmul.f32 v9, v9;
	v7, _, _ =	vpop (xrf2);
	v9 =	vadd.f32 v62, v6;
	v6 =	vadd.f32 v63, v11  }
.LBB2_8:
0x152: {  	v2 =	vld [tilespmem:s24+$0xFFFFFF70];
	p1 =	sne.s32 s22, $0xC;
	v10 =	vmul.f32 v10, v10;
	v5 =	vsub.f32 v3, v5;
	s25 =	smov.u32 s22;
	s22 =	sadd.s32 $0x4, s22  }
0x153: {  	v3 =	vld [tilespmem:s23+$0xFFFFFF60];
	v9 =	vadd.f32 v4, v9;
	(xrf2) =	vadd.scan.msk.f32 $0xffff, v6  }
0x154: {  	v4 =	vld [tilespmem:s23+$0xA0];
	v11 =	vadd.f32 $9.999999970e-07, v5  }
0x155: {  	v5 =	vld [tilespmem:s23+$0x80];
	v9 =	vadd.f32 v10, v9  }
0x156: {  	v6 =	vld [tilespmem:s23+$0xFFFFFFB0];
	v10 =	vmul.f32 v11, v11;
	(xrf2) =	vadd.scan.msk.f32 $0xffff, v8  }
0x157: {  	v8 =	vld [tilespmem:s23+$0x90]  }
0x158: {  	v11 =	vld [tilespmem:s24+$0x90];
	v9 =	vadd.f32 v10, v9;
	v10 =	vbroadcast v7, $0xF  }
0x159: {  	v12 =	vld [tilespmem:s23+$0xFFFFFF40]  }
0x15a: {  	v13 =	vld [tilespmem:s23+$0xFFFFFF30];
	(xrf2) =	vadd.scan.msk.f32 $0xffff, v9  }
0x15b: {  	v9 =	vld [tilespmem:s23+$0x60]  }
0x15c: {  	v14 =	vld [tilespmem:s24+$0x60]  }
0x15d: {  	v15 =	vld [tilespmem:s23+$0x50];
	v7 =	vsub.f32 v11, v8;
	v8, _, _ =	vpop (xrf2)  }
0x15e: {  	v11 =	vld [tilespmem:s24+$0x50]  }
0x15f: {  	v16 =	vld [tilespmem:s23+$0x40];
	v7 =	vadd.f32 $9.999999970e-07, v7  }
0x160: {  	v17 =	vld [tilespmem:s24+$0x40];
	v18, _, _ =	vpop (xrf2)  }
0x161: {  	v19 =	vld [tilespmem:s23+$0x30];
	v9 =	vsub.f32 v14, v9;
	v14 =	vbroadcast v18, $0xF  }
0x162: {  	v22 =	vmov s21;
	v18 =	vld [tilespmem:s24+$0x30]  }
0x163: {  	s26 =	sadd.s32 $0x1, s21;
	vm0 =	veq.s32 v22, v0;
	v21 =	vld [tilespmem:s23+$0x20];
	v11 =	vsub.f32 v11, v15;
	v9 =	vadd.f32 $9.999999970e-07, v9  }
0x164: {  	v1 =	vsel vm0, v14, v1;
	v14 =	vmov s26;
	v15 =	vld [tilespmem:s24+$0x20];
	v20, _, _ =	vpop (xrf2)  }
0x165: {  	s26 =	sadd.s32 $0x2, s21;
	vm0 =	veq.s32 v14, v0;
	v22 =	vld [tilespmem:s23+$0x10];
	v16 =	vsub.f32 v17, v16;
	v11 =	vadd.f32 $9.999999970e-07, v11  }
0x166: {  	v8 =	vbroadcast v8, $0xF;
	v17 =	vbroadcast v20, $0xF;
	v20 =	vmov s26;
	s26 =	sadd.s32 $0x3, s21;
	s21 =	smov.u32 s25;
	v14 =	vld [tilespmem:s24+$0x10]  }
0x167: {  	v23 =	vld [tilespmem:s23+$0x0];
	v18 =	vsub.f32 v18, v19;
	v16 =	vadd.f32 $9.999999970e-07, v16;
	v19 =	vmov s26  }
0x168: {  	v1 =	vsel vm0, v17, v1;
	vm0 =	veq.s32 v20, v0;
	v24 =	vld [tilespmem:s24+$0x0];
	vm1 =	veq.s32 v19, v0  }
0x169: {  	v1 =	vsel vm0, v10, v1;
	v17 =	vld [tilespmem:s23+$0xFFFFFFA0];
	v15 =	vsub.f32 v15, v21;
	v18 =	vadd.f32 $9.999999970e-07, v18  }
0x16a: {  	v1 =	vsel vm1, v8, v1;
	v10 =	vld [tilespmem:s23+$0xFFFFFF20]  }
0x16b: {  	v8 =	vld [tilespmem:s23+$0xFFFFFF90];
	v14 =	vsub.f32 v14, v22;
	v15 =	vadd.f32 $9.999999970e-07, v15  }
0x16c: {  	v19 =	vld [tilespmem:s24+$0xFFFFFF90]  }
0x16d: {  	v20 =	vld [tilespmem:s23+$0xFFFFFF80];
	v21 =	vsub.f32 v24, v23;
	v14 =	vadd.f32 $9.999999970e-07, v14  }
0x16e: {  	v22 =	vld [tilespmem:s24+$0xFFFFFF00]  }
0x16f: {  	v23 =	vld [tilespmem:s23+$0xFFFFFF10];
	v21 =	vadd.f32 $9.999999970e-07, v21  }
0x170: {  	v24 =	vld [tilespmem:s24+$0xFFFFFF10]  }
0x171: {  	v25 =	vld [tilespmem:s23+$0xFFFFFF00];
	v8 =	vsub.f32 v19, v8;
	v19 =	vmul.f32 v21, v21  }
0x172: {  	v14 =	vmul.f32 v14, v14;
	v21 =	vld [tilespmem:s24+$0xFFFFFF80]  }
0x173: {  	v26 =	vld [tilespmem:s24+$0xFFFFFF20];
	v8 =	vadd.f32 $9.999999970e-07, v8  }
0x174: {  	v15 =	vmul.f32 v15, v15;
	v14 =	vadd.f32 v14, v19;
	v27 =	vld [tilespmem:s24+$0xFFFFFFA0]  }
0x175: {  	v19 =	vsub.f32 v24, v23;
	v23 =	vld [tilespmem:s24+$0xFFFFFF30]  }
0x176: {  	v14 =	vadd.f32 v15, v14;
	v22 =	vsub.f32 v22, v25;
	v24 =	vld [tilespmem:s24+$0xFFFFFF40]  }
0x177: {  	v18 =	vmul.f32 v18, v18;
	v15 =	vadd.f32 $9.999999970e-07, v19;
	v19 =	vsub.f32 v21, v20;
	v20 =	vld [tilespmem:s23+$0x70]  }
0x178: {  	v11 =	vmul.f32 v11, v11;
	v21 =	vadd.f32 $9.999999970e-07, v22;
	v10 =	vsub.f32 v26, v10;
	v22 =	vld [tilespmem:s24+$0x70]  }
0x179: {  	v16 =	vmul.f32 v16, v16;
	v14 =	vadd.f32 v18, v14;
	v19 =	vadd.f32 $9.999999970e-07, v19;
	v18 =	vld [tilespmem:s24+$0x80]  }
0x17a: {  	v15 =	vmul.f32 v15, v15;
	v21 =	vmul.f32 v21, v21;
	v13 =	vsub.f32 v23, v13;
	v23 =	vld [tilespmem:s24+$0xFFFFFFB0]  }
0x17b: {  	v8 =	vmul.f32 v8, v8;
	v12 =	vsub.f32 v24, v12;
	v19 =	vmul.f32 v19, v19;
	v24 =	vld [tilespmem:s24+$0xA0]  }
0x17c: {  	v10 =	vadd.f32 $9.999999970e-07, v10;
	v15 =	vadd.f32 v15, v21;
	v21 =	vld [tilespmem:s23+$0xC0]  }
0x17d: {  	v9 =	vmul.f32 v9, v9;
	v12 =	vadd.f32 $9.999999970e-07, v12;
	v8 =	vadd.f32 v8, v19;
	v19 =	vld [tilespmem:s23+$0xB0]  }
0x17e: {  	v17 =	vsub.f32 v27, v17;
	v10 =	vmul.f32 v10, v10;
	v13 =	vadd.f32 $9.999999970e-07, v13;
	v25 =	vld [tilespmem:s24+$0xB0]  }
0x17f: {  	v5 =	vsub.f32 v18, v5;
	v26 =	vld [tilespmem:s23+$0xFFFFFF50];
	v6 =	vsub.f32 v23, v6  }
0x180: {  	v17 =	vadd.f32 $9.999999970e-07, v17;
	v13 =	vmul.f32 v13, v13;
	v18 =	vld [tilespmem:s24+$0xFFFFFF50];
	v4 =	vsub.f32 v24, v4  }
0x181: {  	v7 =	vmul.f32 v7, v7;
	v20 =	vsub.f32 v22, v20;
	v5 =	vadd.f32 $9.999999970e-07, v5;
	v22 =	vld [tilespmem:s24+$0xC0]  }
0x182: {  	v14 =	vadd.f32 v16, v14;
	v17 =	vmul.f32 v17, v17;
	v12 =	vmul.f32 v12, v12;
	v23 =	vld [tilespmem:s23+$0xFFFFFFC0]  }
0x183: {  	v20 =	vadd.f32 $9.999999970e-07, v20;
	v5 =	vmul.f32 v5, v5;
	v16 =	vld [tilespmem:s24+$0xFFFFFFC0];
	v19 =	vsub.f32 v25, v19  }
0x184: {  	v8 =	vadd.f32 v17, v8;
	v4 =	vadd.f32 $9.999999970e-07, v4;
	v24 =	vld [tilespmem:s24+$0xFFFFFF60]  }
0x185: {  	v5 =	vadd.f32 v7, v5;
	v17 =	vsub.f32 v18, v26;
	v18 =	vld [tilespmem:s23+$0xFFFFFFD0]  }
0x186: {  	v7 =	vadd.f32 v11, v14;
	v11 =	vmul.f32 v20, v20;
	v14 =	vsub.f32 v22, v21;
	v20 =	vld [tilespmem:s23+$0xD0]  }
0x187: {  	v10 =	vadd.f32 v10, v15;
	v4 =	vmul.f32 v4, v4;
	v15 =	vadd.f32 $9.999999970e-07, v17;
	v17 =	vld [tilespmem:s24+$0xD0]  }
0x188: {  	v7 =	vadd.f32 v9, v7;
	v9 =	vadd.f32 $9.999999970e-07, v19;
	v21 =	vld [tilespmem:s23+$0xFFFFFF70]  }
0x189: {  	v10 =	vadd.f32 v13, v10;
	v13 =	vmul.f32 v15, v15;
	v3 =	vsub.f32 v24, v3;
	v15 =	vld [tilespmem:s23+$0xE0]  }
0x18a: {  	v6 =	vadd.f32 $9.999999970e-07, v6;
	v7 =	vadd.f32 v11, v7;
	v9 =	vmul.f32 v9, v9;
	v11 =	vld [tilespmem:s24+$0xE0]  }
0x18b: {  	v10 =	vadd.f32 v12, v10;
	v4 =	vadd.f32 v4, v5;
	v12 =	vld [tilespmem:s24+$0xFFFFFFD0]  }
0x18c: {  	v5 =	vmul.f32 v6, v6;
	v6 =	vadd.f32 $9.999999970e-07, v14;
	v14 =	vsub.f32 v17, v20;
	(xrf2) =	vadd.scan.msk.f32 $0xffff, v7  }
0x18d: {  	v7 =	vadd.f32 v13, v10;
	v2 =	vsub.f32 v2, v21;
	v10 =	vld [tilespmem:s24+$0xF0]  }
0x18e: {  	v3 =	vadd.f32 $9.999999970e-07, v3;
	v13 =	vadd.f32 v5, v8;
	v5 =	vmul.f32 v6, v6;
	v6 =	vld [tilespmem:s23+$0xF0]  }
0x18f: {  	v4 =	vadd.f32 v9, v4;
	v8 =	vsub.f32 v11, v15  }
0x190: {  	v3 =	vmul.f32 v3, v3;
	v9 =	vsub.f32 v12, v18;
	v11 =	vld [tilespmem:s23+$0xFFFFFFE0];
	v12 =	vadd.f32 $9.999999970e-07, v14  }
0x191: {  	v14 =	vsub.f32 v16, v23;
	v15 =	vld [tilespmem:s24+$0xFFFFFFE0];
	v8 =	vadd.f32 $9.999999970e-07, v8  }
0x192: {  	v16 =	vadd.f32 v5, v4;
	v9 =	vadd.f32 $9.999999970e-07, v9;
	v12 =	vmul.f32 v12, v12  }
0x193: {  	v17 =	vadd.f32 v3, v7;
	v3 =	vld [tilespmem:s24+$0xFFFFFFF0];
	v18 =	vmul.f32 v8, v8;
	v6 =	vsub.f32 v10, v6  }
0x194: {  	v2 =	vadd.f32 $9.999999970e-07, v2;
	v4 =	vmul.f32 v9, v9;
	v5 =	vld [tilespmem:s23+$0xFFFFFFF0];
	v8 =	vadd.f32 v12, v16  }
.Ltmp2:
0x195: {  	v9 =	vadd.f32 $9.999999970e-07, v14;
	v6 =	vadd.f32 $9.999999970e-07, v6;
	(pc) =	sbr.rel @p1 .LBB2_8-.Ltmp2, $4  }
0x196: {  	v2 =	vmul.f32 v2, v2;
	v10 =	vsub.f32 v15, v11;
	v11 =	vadd.f32 v18, v8;
	v7, _, _ =	vpop (xrf2)  }
0x197: {  	v9 =	vmul.f32 v9, v9;
	v6 =	vmul.f32 v6, v6  }
0x198: {  	v8 =	vadd.f32 v2, v17;
	v10 =	vadd.f32 $9.999999970e-07, v10  }
0x199: {  	s24 =	sadd.s32 $0x200, s24;
	s23 =	sadd.s32 $0x200, s23;
	v9 =	vadd.f32 v9, v13;
	v6 =	vadd.f32 v6, v11  }
0x19a: {  	v2 =	vsub.f32 v3, v5;
	_ =	sdelay $0x1  }
0x19b: {  	v3 =	vmul.f32 v10, v10;
	v4 =	vadd.f32 v4, v9;
	v2 =	vadd.f32 $9.999999970e-07, v2;
	_ =	sdelay $0x1  }
0x19c: {  	v3 =	vadd.f32 v3, v4;
	v2 =	vmul.f32 v2, v2  }
0x19d: {  	(xrf2) =	vadd.scan.msk.f32 $0xffff, v6  }
0x19e: {  	(xrf2) =	vadd.scan.msk.f32 $0xffff, v8;
	v2 =	vadd.f32 v2, v3;
	_ =	sdelay $0x1  }
0x19f: {  	(xrf2) =	vadd.scan.msk.f32 $0xffff, v2;
	_ =	sdelay $0x6  }
0x1a0: {  	v2, _, _ =	vpop (xrf2)  }
0x1a1: {  	v3, _, _ =	vpop (xrf2)  }
0x1a2: {  	v59 =	vmov s21;
	v3 =	vbroadcast v3, $0xF  }
0x1a3: {  	v60 =	vbroadcast v7, $0xF;
	s22 =	sadd.s32 $0x1, s21;
	vm0 =	veq.s32 v59, v0;
	v61, _, _ =	vpop (xrf2)  }
0x1a4: {  	s24 =	sadd.s32 $0x2, s21;
	s25 =	sadd.s32 $0x3, s21;
	v1 =	vsel vm0, v3, v1;
	v3 =	vmov s22;
	v4 =	vbroadcast v61, $0xF  }
0x1a5: {  	v62 =	vmov s25;
	vm14 =	veq.s32 v3, v0;
	v3 =	vmov s24  }
0x1a6: {  	v2 =	vbroadcast v2, $0xF;
	vm15 =	veq.s32 v3, v0;
	v1 =	vsel vm14, v4, v1  }
0x1a7: {  	vm1 =	veq.s32 v62, v0;
	v1 =	vsel vm15, v60, v1  }
0x1a8: {  	v1 =	vsel vm1, v2, v1  }
0x1a9: {  	v2 =	vshra.s32 v1, $0x1;
	v3 =	vmul.f32 $5.000000000e-01, v1  }
0x1aa: {  	v2 =	vsub.s32 $0x5F3759DF, v2  }
0x1ab: {  	v63 =	vmul.f32 v2, v3;
	_ =	sdelay $0x1  }
0x1ac: {  	v4 =	vmul.f32 v2, v63;
	_ =	sdelay $0x1  }
0x1ad: {  	v4 =	vsub.f32 $1.500000000e+00, v4;
	_ =	sdelay $0x1  }
0x1ae: {  	v2 =	vmul.f32 v2, v4;
	_ =	sdelay $0x1  }
0x1af: {  	v4 =	vmul.f32 v2, v3;
	_ =	sdelay $0x1  }
0x1b0: {  	v4 =	vmul.f32 v4, v2;
	_ =	sdelay $0x1  }
0x1b1: {  	v4 =	vsub.f32 $1.500000000e+00, v4;
	_ =	sdelay $0x1  }
0x1b2: {  	v2 =	vmul.f32 v4, v2;
	_ =	sdelay $0x1  }
0x1b3: {  	v3 =	vmul.f32 v2, v3;
	_ =	sdelay $0x1  }
0x1b4: {  	v3 =	vmul.f32 v3, v2;
	_ =	sdelay $0x1  }
0x1b5: {  	v3 =	vsub.f32 $1.500000000e+00, v3;
	_ =	sdelay $0x1  }
0x1b6: {  	v2 =	vmul.f32 v3, v2;
	_ =	sdelay $0x1  }
0x1b7: {  	v1 =	vmul.f32 v2, v1;
	_ =	sdelay $0x1  }
0x1b8: {  	v1 =	vadd.f32 $-1.000000000e+00, v1;
	_ =	sdelay $0x1  }
0x1b9: {  	v1 =	vmul.f32 $1.442695020e+00, v1;
	_ =	sdelay $0x1  }
0x1ba: {  	(erf) = vpow2.f32 v1;
	_ =	sdelay $0x8  }
0x1bb: {  	v1 =	vpop (erf)  }
0x1bc: {  	v1 =	vadd.f32 $1.000000000e+00, v1;
	_ =	sdelay $0x1  }
0x1bd: {  	(erf) = vrcp.f32 v1;
	_ =	sdelay $0x3  }
0x1be: {  	s26 =	sshll.u32 s18, $0x4;
	s18 =	sadd.s32 $0x1, s18  }
0x1bf: {  	p1 =	sne.s32 s18, $0x5  }
.Ltmp3:
0x1c0: {  	_ = 	snop;
	(pc) =	sbr.rel @p1 .LBB2_7-.Ltmp3, $3  }
0x1c1: {  	_ =	sdelay $0x1  }
0x1c2: {  	s21 =	sand.u32 $0x3FFFFFF0, s26;
	v1 =	vpop (erf)  }
0x1c3: {  	s19 =	sadd.s32 $0x800, s19;
	s20 =	sadd.s32 $0x800, s20;
	[tilespmem:s21+$0x1DF50] =	vst v1  }
0x1c4: {  	s18 =	sadd.s32 @!p0 $0x1E0, s17;
	s19 =	simm.s32 @!p0 $0x50;
	s20 =	simm.s32 @!p0 $0x7700  }
0x1c5: {  	[tilespmem:s20], [sflag:$0x2] =	stream.indirect.gather @!p0 [hbm4b:s5+s19], $0x80, s18, s19, $0xb8;
	[tilespmem:$0x1E100] =	vst v63  }
0x1c6: {  	s18 =	sadd.s32 @!p0 $0x2960, s17;
	s20 =	simm.s32 @!p0 $0x13F00  }
0x1c7: {  	[tilespmem:s20], [sflag:$0x2] =	stream.indirect.gather @!p0 [hbm4b:s5+s19], $0x80, s18, s19, $0xb8;
	[tilespmem:$0x1E100] =	vst v63  }
0x1c8: {  	_ =	swait.ge [sflag:s1], $0x2800  }
0x1c9: {  	[sflag:s1] =	ssyncset.done $0x0  }
0x1ca: {  	[sflag:s1] =	ssyncadd.s32 $0xFFFFD800  }
0x1cb: {  	_ =	swait.ge [sflag:s1], $0x2800  }
0x1cc: {  	s18 =	simm.s32 $0x0;
	[sflag:s1] =	ssyncset.done $0x0  }
0x1cd: {  	s19 =	simm.s32 $0x16800;
	s20 =	simm.s32 $0xA000;
	[sflag:s1] =	ssyncadd.s32 $0xFFFFD800  }
.LBB2_11:
0x1ce: {  	v1 =	vld [tilespmem:s20+$0xFFFFFF70]  }
0x1cf: {  	v2 =	vld [tilespmem:s19+$0xFFFFFF60]  }
0x1d0: {  	v3 =	vld [tilespmem:s19+$0xA0]  }
0x1d1: {  	v4 =	vld [tilespmem:s19+$0x80]  }
0x1d2: {  	v5 =	vld [tilespmem:s19+$0xFFFFFFB0]  }
0x1d3: {  	v6 =	vld [tilespmem:s19+$0x90]  }
0x1d4: {  	v7 =	vld [tilespmem:s20+$0x90]  }
0x1d5: {  	v8 =	vld [tilespmem:s19+$0xFFFFFF40]  }
0x1d6: {  	v9 =	vld [tilespmem:s19+$0xFFFFFF30]  }
0x1d7: {  	v10 =	vld [tilespmem:s19+$0x60]  }
0x1d8: {  	v11 =	vld [tilespmem:s20+$0x60]  }
0x1d9: {  	v12 =	vld [tilespmem:s19+$0x50]  }
0x1da: {  	v13 =	vld [tilespmem:s20+$0x50]  }
0x1db: {  	v14 =	vld [tilespmem:s19+$0x40]  }
0x1dc: {  	v15 =	vld [tilespmem:s20+$0x40]  }
0x1dd: {  	v16 =	vld [tilespmem:s19+$0x30]  }
0x1de: {  	v17 =	vld [tilespmem:s20+$0x30]  }
0x1df: {  	v18 =	vld [tilespmem:s19+$0x20]  }
0x1e0: {  	v19 =	vld [tilespmem:s20+$0x20]  }
0x1e1: {  	v20 =	vld [tilespmem:s19+$0x10]  }
0x1e2: {  	v21 =	vld [tilespmem:s20+$0x10]  }
0x1e3: {  	v22 =	vld [tilespmem:s19+$0x0]  }
0x1e4: {  	v23 =	vld [tilespmem:s20+$0x0]  }
0x1e5: {  	v24 =	vld [tilespmem:s19+$0xFFFFFFA0]  }
0x1e6: {  	v57 =	vld [tilespmem:s19+$0xFFFFFF80]  }
0x1e7: {  	v58 =	vld [tilespmem:s20+$0xFFFFFF00]  }
0x1e8: {  	v60 =	vld [tilespmem:s19+$0xFFFFFF10]  }
0x1e9: {  	v61 =	vld [tilespmem:s20+$0xFFFFFF10]  }
0x1ea: {  	v62 =	vld [tilespmem:s19+$0xFFFFFF00]  }
0x1eb: {  	v28 =	vld [tilespmem:s20+$0xFFFFFF80]  }
0x1ec: {  	v26 =	vld [tilespmem:s20+$0xFFFFFFA0]  }
0x1ed: {  	v30 =	vld [tilespmem:s20+$0xFFFFFF30]  }
0x1ee: {  	v31 =	vld [tilespmem:s20+$0xFFFFFF40]  }
0x1ef: {  	v35 =	vld [tilespmem:s20+$0x80];
	v6 =	vsub.f32 v7, v6  }
0x1f0: {  	v37 =	vld [tilespmem:s20+$0xFFFFFFB0];
	v10 =	vsub.f32 v11, v10;
	v12 =	vsub.f32 v13, v12  }
0x1f1: {  	v38 =	vld [tilespmem:s20+$0xA0];
	v14 =	vsub.f32 v15, v14;
	v20 =	vsub.f32 v21, v20  }
0x1f2: {  	v51 =	vld [tilespmem:s20+$0xFFFFFF60];
	v59 =	vsub.f32 v23, v22;
	v18 =	vsub.f32 v19, v18  }
0x1f3: {  	v55 =	vld [tilespmem:s19+$0xFFFFFF70];
	v16 =	vsub.f32 v17, v16;
	v19 =	vsub.f32 v61, v60  }
0x1f4: {  	v15 =	vsub.f32 v58, v62;
	v13 =	vsub.f32 v28, v57  }
0x1f5: {  	v9 =	vsub.f32 v30, v9;
	v8 =	vsub.f32 v31, v8  }
0x1f6: {  	v41 =	vsub.f32 v26, v24;
	v4 =	vsub.f32 v35, v4  }
0x1f7: {  	v5 =	vsub.f32 v37, v5;
	v3 =	vsub.f32 v38, v3  }
0x1f8: {  	v2 =	vsub.f32 v51, v2;
	v1 =	vsub.f32 v1, v55  }
0x1f9: {  	v6 =	vadd.f32 $9.999999970e-07, v6;
	v10 =	vadd.f32 $9.999999970e-07, v10  }
0x1fa: {  	v7 =	vld [tilespmem:s19+$0xFFFFFF90];
	v12 =	vadd.f32 $9.999999970e-07, v12;
	v20 =	vadd.f32 $9.999999970e-07, v20  }
0x1fb: {  	v11 =	vld [tilespmem:s20+$0xFFFFFF90];
	v21 =	vadd.f32 $9.999999970e-07, v59;
	v63 =	vadd.f32 $9.999999970e-07, v18  }
0x1fc: {  	v14 =	vadd.f32 $9.999999970e-07, v14;
	v16 =	vadd.f32 $9.999999970e-07, v16  }
0x1fd: {  	v33 =	vadd.f32 $9.999999970e-07, v19;
	v15 =	vadd.f32 $9.999999970e-07, v15  }
0x1fe: {  	v13 =	vadd.f32 $9.999999970e-07, v13;
	v8 =	vadd.f32 $9.999999970e-07, v8  }
0x1ff: {  	v25 =	vld [tilespmem:s19+$0xFFFFFF20];
	v9 =	vadd.f32 $9.999999970e-07, v9;
	v22 =	vadd.f32 $9.999999970e-07, v41  }
0x200: {  	v29 =	vld [tilespmem:s20+$0xFFFFFF20];
	v20 =	vmul.f32 v20, v20;
	v7 =	vsub.f32 v11, v7;
	v11 =	vmul.f32 v21, v21  }
0x201: {  	v4 =	vadd.f32 $9.999999970e-07, v4;
	v3 =	vadd.f32 $9.999999970e-07, v3  }
0x202: {  	v32 =	vld [tilespmem:s19+$0x70];
	v5 =	vadd.f32 $9.999999970e-07, v5;
	v17 =	vmul.f32 v63, v63;
	v11 =	vadd.f32 v20, v11  }
0x203: {  	v34 =	vld [tilespmem:s20+$0x70];
	v2 =	vadd.f32 $9.999999970e-07, v2;
	v16 =	vmul.f32 v16, v16;
	v15 =	vmul.f32 v15, v15  }
0x204: {  	v40 =	vld [tilespmem:s19+$0xB0];
	v36 =	vmul.f32 v33, v33;
	v13 =	vmul.f32 v13, v13;
	v11 =	vadd.f32 v17, v11  }
0x205: {  	v42 =	vld [tilespmem:s20+$0xB0];
	v12 =	vmul.f32 v12, v12;
	v14 =	vmul.f32 v14, v14;
	v21 =	vsub.f32 v29, v25  }
0x206: {  	v43 =	vld [tilespmem:s19+$0xFFFFFF50];
	v6 =	vmul.f32 v6, v6;
	v4 =	vmul.f32 v4, v4;
	v11 =	vadd.f32 v16, v11  }
0x207: {  	v44 =	vld [tilespmem:s20+$0xFFFFFF50];
	v10 =	vmul.f32 v10, v10;
	v15 =	vadd.f32 v36, v15;
	v39 =	vadd.f32 $9.999999970e-07, v21  }
0x208: {  	v45 =	vld [tilespmem:s19+$0xC0];
	v9 =	vmul.f32 v9, v9;
	v17 =	vsub.f32 v34, v32;
	v11 =	vadd.f32 v14, v11  }
0x209: {  	v46 =	vld [tilespmem:s20+$0xC0];
	v4 =	vadd.f32 v6, v4;
	v7 =	vadd.f32 $9.999999970e-07, v7;
	v16 =	vmul.f32 v39, v39  }
0x20a: {  	v53 =	vld [tilespmem:s19+$0xD0];
	v3 =	vmul.f32 v3, v3;
	v49 =	vadd.f32 $9.999999970e-07, v17;
	v6 =	vadd.f32 v12, v11  }
0x20b: {  	v54 =	vld [tilespmem:s20+$0xD0];
	v8 =	vmul.f32 v8, v8;
	v21 =	vsub.f32 v42, v40;
	v15 =	vadd.f32 v16, v15  }
0x20c: {  	v48 =	vld [tilespmem:s19+$0xFFFFFFC0];
	v3 =	vadd.f32 v3, v4;
	v6 =	vadd.f32 v10, v6;
	v10 =	vmul.f32 v49, v49  }
0x20d: {  	v57 =	vld [tilespmem:s19+$0xE0];
	v7 =	vmul.f32 v7, v7;
	v56 =	vadd.f32 $9.999999970e-07, v21;
	v9 =	vadd.f32 v9, v15  }
0x20e: {  	v11 =	vsub.f32 v46, v45;
	v6 =	vadd.f32 v10, v6;
	v10 =	vld [tilespmem:s20+$0xE0]  }
0x20f: {  	v52 =	vld [tilespmem:s19+$0xFFFFFFD0];
	v47 =	vmul.f32 v22, v22;
	v7 =	vadd.f32 v7, v13;
	v8 =	vadd.f32 v8, v9  }
0x210: {  	v58 =	vld [tilespmem:s20+$0xFFFFFFD0];
	v9 =	vmul.f32 v56, v56;
	v4 =	vadd.f32 $9.999999970e-07, v11;
	v11 =	vsub.f32 v54, v53  }
0x211: {  	v50 =	vld [tilespmem:s20+$0xFFFFFFC0];
	v5 =	vmul.f32 v5, v5;
	v13 =	vsub.f32 v44, v43;
	v7 =	vadd.f32 v47, v7  }
0x212: {  	v60 =	vld [tilespmem:s19+$0xF0];
	v3 =	vadd.f32 v9, v3;
	v4 =	vmul.f32 v4, v4;
	v9 =	vadd.f32 $9.999999970e-07, v11  }
0x213: {  	v59 =	vld [tilespmem:s20+$0xF0];
	(xrf2) =	vadd.scan.msk.f32 $0xffff, v6;
	v6 =	vadd.f32 v5, v7;
	v5 =	vsub.f32 v10, v57  }
0x214: {  	v61 =	vld [tilespmem:s20+$0xFFFFFFE0];
	v13 =	vadd.f32 $9.999999970e-07, v13;
	v3 =	vadd.f32 v4, v3  }
0x215: {  	v7 =	vld [tilespmem:s19+$0xFFFFFFE0];
	v4 =	vmul.f32 v9, v9;
	v10 =	vsub.f32 v58, v52;
	v5 =	vadd.f32 $9.999999970e-07, v5  }
0x216: {  	v1 =	vadd.f32 $9.999999970e-07, v1;
	v13 =	vmul.f32 v13, v13;
	v11 =	vsub.f32 v50, v48  }
0x217: {  	v3 =	vadd.f32 v4, v3;
	v9 =	vadd.f32 $9.999999970e-07, v10;
	v4 =	vmul.f32 v5, v5  }
0x218: {  	v10 =	vsub.f32 v59, v60;
	v5 =	vadd.f32 $9.999999970e-07, v11  }
0x219: {  	v2 =	vmul.f32 v2, v2;
	v8 =	vadd.f32 v13, v8;
	v11 =	vadd.f32 v4, v3;
	v3 =	vld [tilespmem:s20+$0xFFFFFFF0]  }
0x21a: {  	v7 =	vsub.f32 v61, v7;
	v10 =	vadd.f32 $9.999999970e-07, v10;
	v62 =	vmul.f32 v5, v5;
	v5 =	vld [tilespmem:s19+$0xFFFFFFF0]  }
0x21b: {  	v2 =	vadd.f32 v2, v8;
	v8 =	vmul.f32 v1, v1  }
0x21c: {  	v63 =	vmul.f32 v10, v10  }
0x21d: {  	s22 =	simm.s32 $0x4;
	v1 =	vimm.f32 $0.0e+00;
	v8 =	vadd.f32 v8, v2;
	v10 =	vadd.f32 $9.999999970e-07, v7  }
0x21e: {  	s23 =	sadd.s32 $0x200, s19;
	s24 =	sadd.s32 $0x200, s20;
	s21 =	simm.s32 $0x0;
	v4 =	vmul.f32 v9, v9;
	v7, _, _ =	vpop (xrf2);
	v9 =	vadd.f32 v62, v6;
	v6 =	vadd.f32 v63, v11  }
.LBB2_12:
0x21f: {  	v2 =	vld [tilespmem:s24+$0xFFFFFF70];
	p1 =	sne.s32 s22, $0xC;
	v10 =	vmul.f32 v10, v10;
	v5 =	vsub.f32 v3, v5;
	s25 =	smov.u32 s22;
	s22 =	sadd.s32 $0x4, s22  }
0x220: {  	v3 =	vld [tilespmem:s23+$0xFFFFFF60];
	v9 =	vadd.f32 v4, v9;
	(xrf2) =	vadd.scan.msk.f32 $0xffff, v6  }
0x221: {  	v4 =	vld [tilespmem:s23+$0xA0];
	v11 =	vadd.f32 $9.999999970e-07, v5  }
0x222: {  	v5 =	vld [tilespmem:s23+$0x80];
	v9 =	vadd.f32 v10, v9  }
0x223: {  	v6 =	vld [tilespmem:s23+$0xFFFFFFB0];
	v10 =	vmul.f32 v11, v11;
	(xrf2) =	vadd.scan.msk.f32 $0xffff, v8  }
0x224: {  	v8 =	vld [tilespmem:s23+$0x90]  }
0x225: {  	v11 =	vld [tilespmem:s24+$0x90];
	v9 =	vadd.f32 v10, v9;
	v10 =	vbroadcast v7, $0xF  }
0x226: {  	v12 =	vld [tilespmem:s23+$0xFFFFFF40]  }
0x227: {  	v13 =	vld [tilespmem:s23+$0xFFFFFF30];
	(xrf2) =	vadd.scan.msk.f32 $0xffff, v9  }
0x228: {  	v9 =	vld [tilespmem:s23+$0x60]  }
0x229: {  	v14 =	vld [tilespmem:s24+$0x60]  }
0x22a: {  	v15 =	vld [tilespmem:s23+$0x50];
	v7 =	vsub.f32 v11, v8;
	v8, _, _ =	vpop (xrf2)  }
0x22b: {  	v11 =	vld [tilespmem:s24+$0x50]  }
0x22c: {  	v16 =	vld [tilespmem:s23+$0x40];
	v7 =	vadd.f32 $9.999999970e-07, v7  }
0x22d: {  	v17 =	vld [tilespmem:s24+$0x40];
	v18, _, _ =	vpop (xrf2)  }
0x22e: {  	v19 =	vld [tilespmem:s23+$0x30];
	v9 =	vsub.f32 v14, v9;
	v14 =	vbroadcast v18, $0xF  }
0x22f: {  	v22 =	vmov s21;
	v18 =	vld [tilespmem:s24+$0x30]  }
0x230: {  	s26 =	sadd.s32 $0x1, s21;
	vm0 =	veq.s32 v22, v0;
	v21 =	vld [tilespmem:s23+$0x20];
	v11 =	vsub.f32 v11, v15;
	v9 =	vadd.f32 $9.999999970e-07, v9  }
0x231: {  	v1 =	vsel vm0, v14, v1;
	v14 =	vmov s26;
	v15 =	vld [tilespmem:s24+$0x20];
	v20, _, _ =	vpop (xrf2)  }
0x232: {  	s26 =	sadd.s32 $0x2, s21;
	vm0 =	veq.s32 v14, v0;
	v22 =	vld [tilespmem:s23+$0x10];
	v16 =	vsub.f32 v17, v16;
	v11 =	vadd.f32 $9.999999970e-07, v11  }
0x233: {  	v8 =	vbroadcast v8, $0xF;
	v17 =	vbroadcast v20, $0xF;
	v20 =	vmov s26;
	s26 =	sadd.s32 $0x3, s21;
	s21 =	smov.u32 s25;
	v14 =	vld [tilespmem:s24+$0x10]  }
0x234: {  	v23 =	vld [tilespmem:s23+$0x0];
	v18 =	vsub.f32 v18, v19;
	v16 =	vadd.f32 $9.999999970e-07, v16;
	v19 =	vmov s26  }
0x235: {  	v1 =	vsel vm0, v17, v1;
	vm0 =	veq.s32 v20, v0;
	v24 =	vld [tilespmem:s24+$0x0];
	vm1 =	veq.s32 v19, v0  }
0x236: {  	v1 =	vsel vm0, v10, v1;
	v17 =	vld [tilespmem:s23+$0xFFFFFFA0];
	v15 =	vsub.f32 v15, v21;
	v18 =	vadd.f32 $9.999999970e-07, v18  }
0x237: {  	v1 =	vsel vm1, v8, v1;
	v10 =	vld [tilespmem:s23+$0xFFFFFF20]  }
0x238: {  	v8 =	vld [tilespmem:s23+$0xFFFFFF90];
	v14 =	vsub.f32 v14, v22;
	v15 =	vadd.f32 $9.999999970e-07, v15  }
0x239: {  	v19 =	vld [tilespmem:s24+$0xFFFFFF90]  }
0x23a: {  	v20 =	vld [tilespmem:s23+$0xFFFFFF80];
	v21 =	vsub.f32 v24, v23;
	v14 =	vadd.f32 $9.999999970e-07, v14  }
0x23b: {  	v22 =	vld [tilespmem:s24+$0xFFFFFF00]  }
0x23c: {  	v23 =	vld [tilespmem:s23+$0xFFFFFF10];
	v21 =	vadd.f32 $9.999999970e-07, v21  }
0x23d: {  	v24 =	vld [tilespmem:s24+$0xFFFFFF10]  }
0x23e: {  	v25 =	vld [tilespmem:s23+$0xFFFFFF00];
	v8 =	vsub.f32 v19, v8;
	v19 =	vmul.f32 v21, v21  }
0x23f: {  	v14 =	vmul.f32 v14, v14;
	v21 =	vld [tilespmem:s24+$0xFFFFFF80]  }
0x240: {  	v26 =	vld [tilespmem:s24+$0xFFFFFF20];
	v8 =	vadd.f32 $9.999999970e-07, v8  }
0x241: {  	v15 =	vmul.f32 v15, v15;
	v14 =	vadd.f32 v14, v19;
	v27 =	vld [tilespmem:s24+$0xFFFFFFA0]  }
0x242: {  	v19 =	vsub.f32 v24, v23;
	v23 =	vld [tilespmem:s24+$0xFFFFFF30]  }
0x243: {  	v14 =	vadd.f32 v15, v14;
	v22 =	vsub.f32 v22, v25;
	v24 =	vld [tilespmem:s24+$0xFFFFFF40]  }
0x244: {  	v18 =	vmul.f32 v18, v18;
	v15 =	vadd.f32 $9.999999970e-07, v19;
	v19 =	vsub.f32 v21, v20;
	v20 =	vld [tilespmem:s23+$0x70]  }
0x245: {  	v11 =	vmul.f32 v11, v11;
	v21 =	vadd.f32 $9.999999970e-07, v22;
	v10 =	vsub.f32 v26, v10;
	v22 =	vld [tilespmem:s24+$0x70]  }
0x246: {  	v16 =	vmul.f32 v16, v16;
	v14 =	vadd.f32 v18, v14;
	v19 =	vadd.f32 $9.999999970e-07, v19;
	v18 =	vld [tilespmem:s24+$0x80]  }
0x247: {  	v15 =	vmul.f32 v15, v15;
	v21 =	vmul.f32 v21, v21;
	v13 =	vsub.f32 v23, v13;
	v23 =	vld [tilespmem:s24+$0xFFFFFFB0]  }
0x248: {  	v8 =	vmul.f32 v8, v8;
	v12 =	vsub.f32 v24, v12;
	v19 =	vmul.f32 v19, v19;
	v24 =	vld [tilespmem:s24+$0xA0]  }
0x249: {  	v10 =	vadd.f32 $9.999999970e-07, v10;
	v15 =	vadd.f32 v15, v21;
	v21 =	vld [tilespmem:s23+$0xC0]  }
0x24a: {  	v9 =	vmul.f32 v9, v9;
	v12 =	vadd.f32 $9.999999970e-07, v12;
	v8 =	vadd.f32 v8, v19;
	v19 =	vld [tilespmem:s23+$0xB0]  }
0x24b: {  	v17 =	vsub.f32 v27, v17;
	v10 =	vmul.f32 v10, v10;
	v13 =	vadd.f32 $9.999999970e-07, v13;
	v25 =	vld [tilespmem:s24+$0xB0]  }
0x24c: {  	v5 =	vsub.f32 v18, v5;
	v26 =	vld [tilespmem:s23+$0xFFFFFF50];
	v6 =	vsub.f32 v23, v6  }
0x24d: {  	v17 =	vadd.f32 $9.999999970e-07, v17;
	v13 =	vmul.f32 v13, v13;
	v18 =	vld [tilespmem:s24+$0xFFFFFF50];
	v4 =	vsub.f32 v24, v4  }
0x24e: {  	v7 =	vmul.f32 v7, v7;
	v20 =	vsub.f32 v22, v20;
	v5 =	vadd.f32 $9.999999970e-07, v5;
	v22 =	vld [tilespmem:s24+$0xC0]  }
0x24f: {  	v14 =	vadd.f32 v16, v14;
	v17 =	vmul.f32 v17, v17;
	v12 =	vmul.f32 v12, v12;
	v23 =	vld [tilespmem:s23+$0xFFFFFFC0]  }
0x250: {  	v20 =	vadd.f32 $9.999999970e-07, v20;
	v5 =	vmul.f32 v5, v5;
	v16 =	vld [tilespmem:s24+$0xFFFFFFC0];
	v19 =	vsub.f32 v25, v19  }
0x251: {  	v8 =	vadd.f32 v17, v8;
	v4 =	vadd.f32 $9.999999970e-07, v4;
	v24 =	vld [tilespmem:s24+$0xFFFFFF60]  }
0x252: {  	v5 =	vadd.f32 v7, v5;
	v17 =	vsub.f32 v18, v26;
	v18 =	vld [tilespmem:s23+$0xFFFFFFD0]  }
0x253: {  	v7 =	vadd.f32 v11, v14;
	v11 =	vmul.f32 v20, v20;
	v14 =	vsub.f32 v22, v21;
	v20 =	vld [tilespmem:s23+$0xD0]  }
0x254: {  	v10 =	vadd.f32 v10, v15;
	v4 =	vmul.f32 v4, v4;
	v15 =	vadd.f32 $9.999999970e-07, v17;
	v17 =	vld [tilespmem:s24+$0xD0]  }
0x255: {  	v7 =	vadd.f32 v9, v7;
	v9 =	vadd.f32 $9.999999970e-07, v19;
	v21 =	vld [tilespmem:s23+$0xFFFFFF70]  }
0x256: {  	v10 =	vadd.f32 v13, v10;
	v13 =	vmul.f32 v15, v15;
	v3 =	vsub.f32 v24, v3;
	v15 =	vld [tilespmem:s23+$0xE0]  }
0x257: {  	v6 =	vadd.f32 $9.999999970e-07, v6;
	v7 =	vadd.f32 v11, v7;
	v9 =	vmul.f32 v9, v9;
	v11 =	vld [tilespmem:s24+$0xE0]  }
0x258: {  	v10 =	vadd.f32 v12, v10;
	v4 =	vadd.f32 v4, v5;
	v12 =	vld [tilespmem:s24+$0xFFFFFFD0]  }
0x259: {  	v5 =	vmul.f32 v6, v6;
	v6 =	vadd.f32 $9.999999970e-07, v14;
	v14 =	vsub.f32 v17, v20;
	(xrf2) =	vadd.scan.msk.f32 $0xffff, v7  }
0x25a: {  	v7 =	vadd.f32 v13, v10;
	v2 =	vsub.f32 v2, v21;
	v10 =	vld [tilespmem:s24+$0xF0]  }
0x25b: {  	v3 =	vadd.f32 $9.999999970e-07, v3;
	v13 =	vadd.f32 v5, v8;
	v5 =	vmul.f32 v6, v6;
	v6 =	vld [tilespmem:s23+$0xF0]  }
0x25c: {  	v4 =	vadd.f32 v9, v4;
	v8 =	vsub.f32 v11, v15  }
0x25d: {  	v3 =	vmul.f32 v3, v3;
	v9 =	vsub.f32 v12, v18;
	v11 =	vld [tilespmem:s23+$0xFFFFFFE0];
	v12 =	vadd.f32 $9.999999970e-07, v14  }
0x25e: {  	v14 =	vsub.f32 v16, v23;
	v15 =	vld [tilespmem:s24+$0xFFFFFFE0];
	v8 =	vadd.f32 $9.999999970e-07, v8  }
0x25f: {  	v16 =	vadd.f32 v5, v4;
	v9 =	vadd.f32 $9.999999970e-07, v9;
	v12 =	vmul.f32 v12, v12  }
0x260: {  	v17 =	vadd.f32 v3, v7;
	v3 =	vld [tilespmem:s24+$0xFFFFFFF0];
	v18 =	vmul.f32 v8, v8;
	v6 =	vsub.f32 v10, v6  }
0x261: {  	v2 =	vadd.f32 $9.999999970e-07, v2;
	v4 =	vmul.f32 v9, v9;
	v5 =	vld [tilespmem:s23+$0xFFFFFFF0];
	v8 =	vadd.f32 v12, v16  }
.Ltmp4:
0x262: {  	v9 =	vadd.f32 $9.999999970e-07, v14;
	v6 =	vadd.f32 $9.999999970e-07, v6;
	(pc) =	sbr.rel @p1 .LBB2_12-.Ltmp4, $4  }
0x263: {  	v2 =	vmul.f32 v2, v2;
	v10 =	vsub.f32 v15, v11;
	v11 =	vadd.f32 v18, v8;
	v7, _, _ =	vpop (xrf2)  }
0x264: {  	v9 =	vmul.f32 v9, v9;
	v6 =	vmul.f32 v6, v6  }
0x265: {  	v8 =	vadd.f32 v2, v17;
	v10 =	vadd.f32 $9.999999970e-07, v10  }
0x266: {  	s24 =	sadd.s32 $0x200, s24;
	s23 =	sadd.s32 $0x200, s23;
	v9 =	vadd.f32 v9, v13;
	v6 =	vadd.f32 v6, v11  }
0x267: {  	v2 =	vsub.f32 v3, v5;
	_ =	sdelay $0x1  }
0x268: {  	v3 =	vmul.f32 v10, v10;
	v4 =	vadd.f32 v4, v9;
	v2 =	vadd.f32 $9.999999970e-07, v2;
	_ =	sdelay $0x1  }
0x269: {  	v3 =	vadd.f32 v3, v4;
	v2 =	vmul.f32 v2, v2  }
0x26a: {  	(xrf2) =	vadd.scan.msk.f32 $0xffff, v6  }
0x26b: {  	(xrf2) =	vadd.scan.msk.f32 $0xffff, v8;
	v2 =	vadd.f32 v2, v3;
	_ =	sdelay $0x1  }
0x26c: {  	(xrf2) =	vadd.scan.msk.f32 $0xffff, v2;
	_ =	sdelay $0x6  }
0x26d: {  	v2, _, _ =	vpop (xrf2)  }
0x26e: {  	v3, _, _ =	vpop (xrf2)  }
0x26f: {  	v59 =	vmov s21;
	v3 =	vbroadcast v3, $0xF  }
0x270: {  	v60 =	vbroadcast v7, $0xF;
	s22 =	sadd.s32 $0x1, s21;
	vm0 =	veq.s32 v59, v0;
	v61, _, _ =	vpop (xrf2)  }
0x271: {  	s24 =	sadd.s32 $0x2, s21;
	s25 =	sadd.s32 $0x3, s21;
	v1 =	vsel vm0, v3, v1;
	v3 =	vmov s22;
	v4 =	vbroadcast v61, $0xF  }
0x272: {  	v62 =	vmov s25;
	vm14 =	veq.s32 v3, v0;
	v3 =	vmov s24  }
0x273: {  	v2 =	vbroadcast v2, $0xF;
	vm15 =	veq.s32 v3, v0;
	v1 =	vsel vm14, v4, v1  }
0x274: {  	vm1 =	veq.s32 v62, v0;
	v1 =	vsel vm15, v60, v1  }
0x275: {  	v1 =	vsel vm1, v2, v1  }
0x276: {  	v2 =	vshra.s32 v1, $0x1;
	v3 =	vmul.f32 $5.000000000e-01, v1  }
0x277: {  	v2 =	vsub.s32 $0x5F3759DF, v2  }
0x278: {  	v63 =	vmul.f32 v2, v3;
	_ =	sdelay $0x1  }
0x279: {  	v4 =	vmul.f32 v2, v63;
	_ =	sdelay $0x1  }
0x27a: {  	v4 =	vsub.f32 $1.500000000e+00, v4;
	_ =	sdelay $0x1  }
0x27b: {  	v2 =	vmul.f32 v2, v4;
	_ =	sdelay $0x1  }
0x27c: {  	v4 =	vmul.f32 v2, v3;
	_ =	sdelay $0x1  }
0x27d: {  	v4 =	vmul.f32 v4, v2;
	_ =	sdelay $0x1  }
0x27e: {  	v4 =	vsub.f32 $1.500000000e+00, v4;
	_ =	sdelay $0x1  }
0x27f: {  	v2 =	vmul.f32 v4, v2;
	_ =	sdelay $0x1  }
0x280: {  	v3 =	vmul.f32 v2, v3;
	_ =	sdelay $0x1  }
0x281: {  	v3 =	vmul.f32 v3, v2;
	_ =	sdelay $0x1  }
0x282: {  	v3 =	vsub.f32 $1.500000000e+00, v3;
	_ =	sdelay $0x1  }
0x283: {  	v2 =	vmul.f32 v3, v2;
	_ =	sdelay $0x1  }
0x284: {  	v1 =	vmul.f32 v2, v1;
	_ =	sdelay $0x1  }
0x285: {  	v1 =	vadd.f32 $-1.000000000e+00, v1;
	_ =	sdelay $0x1  }
0x286: {  	v1 =	vmul.f32 $1.442695020e+00, v1;
	_ =	sdelay $0x1  }
0x287: {  	(erf) = vpow2.f32 v1;
	_ =	sdelay $0x8  }
0x288: {  	v1 =	vpop (erf)  }
0x289: {  	v1 =	vadd.f32 $1.000000000e+00, v1;
	_ =	sdelay $0x1  }
0x28a: {  	(erf) = vrcp.f32 v1;
	_ =	sdelay $0x3  }
0x28b: {  	s26 =	sshll.u32 s18, $0x4;
	s18 =	sadd.s32 $0x1, s18  }
0x28c: {  	p1 =	sne.s32 s18, $0x5  }
.Ltmp5:
0x28d: {  	_ = 	snop;
	(pc) =	sbr.rel @p1 .LBB2_11-.Ltmp5, $3  }
0x28e: {  	_ =	sdelay $0x1  }
0x28f: {  	s21 =	sand.u32 $0x3FFFFFF0, s26;
	v1 =	vpop (erf)  }
0x290: {  	s19 =	sadd.s32 $0x800, s19;
	s20 =	sadd.s32 $0x800, s20;
	[tilespmem:s21+$0x1DFA0] =	vst v1  }
0x291: {  	s18 =	sadd.s32 @!p0 $0x230, s17;
	s19 =	simm.s32 @!p0 $0x50;
	s20 =	simm.s32 @!p0 $0x9F00  }
0x292: {  	[tilespmem:s20], [sflag:$0x3] =	stream.indirect.gather @!p0 [hbm4b:s5+s19], $0x80, s18, s19, $0xb8;
	[tilespmem:$0x1E100] =	vst v63  }
0x293: {  	s18 =	sadd.s32 @!p0 $0x29B0, s17;
	s20 =	simm.s32 @!p0 $0x16700  }
0x294: {  	[tilespmem:s20], [sflag:$0x3] =	stream.indirect.gather @!p0 [hbm4b:s5+s19], $0x80, s18, s19, $0xb8;
	[tilespmem:$0x1E100] =	vst v63  }
0x295: {  	_ =	swait.ge [sflag:s0], $0x2800  }
0x296: {  	[sflag:s0] =	ssyncset.done $0x0  }
0x297: {  	[sflag:s0] =	ssyncadd.s32 $0xFFFFD800  }
0x298: {  	_ =	swait.ge [sflag:s0], $0x2800  }
0x299: {  	s18 =	simm.s32 $0x0;
	[sflag:s0] =	ssyncset.done $0x0  }
0x29a: {  	s19 =	simm.s32 $0x19000;
	s20 =	simm.s32 $0xC800;
	[sflag:s0] =	ssyncadd.s32 $0xFFFFD800  }
.LBB2_15:
0x29b: {  	v1 =	vld [tilespmem:s20+$0xFFFFFF70]  }
0x29c: {  	v2 =	vld [tilespmem:s19+$0xFFFFFF60]  }
0x29d: {  	v3 =	vld [tilespmem:s19+$0xA0]  }
0x29e: {  	v4 =	vld [tilespmem:s19+$0x80]  }
0x29f: {  	v5 =	vld [tilespmem:s19+$0xFFFFFFB0]  }
0x2a0: {  	v6 =	vld [tilespmem:s19+$0x90]  }
0x2a1: {  	v7 =	vld [tilespmem:s20+$0x90]  }
0x2a2: {  	v8 =	vld [tilespmem:s19+$0xFFFFFF40]  }
0x2a3: {  	v9 =	vld [tilespmem:s19+$0xFFFFFF30]  }
0x2a4: {  	v10 =	vld [tilespmem:s19+$0x60]  }
0x2a5: {  	v11 =	vld [tilespmem:s20+$0x60]  }
0x2a6: {  	v12 =	vld [tilespmem:s19+$0x50]  }
0x2a7: {  	v13 =	vld [tilespmem:s20+$0x50]  }
0x2a8: {  	v14 =	vld [tilespmem:s19+$0x40]  }
0x2a9: {  	v15 =	vld [tilespmem:s20+$0x40]  }
0x2aa: {  	v16 =	vld [tilespmem:s19+$0x30]  }
0x2ab: {  	v17 =	vld [tilespmem:s20+$0x30]  }
0x2ac: {  	v18 =	vld [tilespmem:s19+$0x20]  }
0x2ad: {  	v19 =	vld [tilespmem:s20+$0x20]  }
0x2ae: {  	v20 =	vld [tilespmem:s19+$0x10]  }
0x2af: {  	v21 =	vld [tilespmem:s20+$0x10]  }
0x2b0: {  	v22 =	vld [tilespmem:s19+$0x0]  }
0x2b1: {  	v23 =	vld [tilespmem:s20+$0x0]  }
0x2b2: {  	v24 =	vld [tilespmem:s19+$0xFFFFFFA0]  }
0x2b3: {  	v57 =	vld [tilespmem:s19+$0xFFFFFF80]  }
0x2b4: {  	v58 =	vld [tilespmem:s20+$0xFFFFFF00]  }
0x2b5: {  	v60 =	vld [tilespmem:s19+$0xFFFFFF10]  }
0x2b6: {  	v61 =	vld [tilespmem:s20+$0xFFFFFF10]  }
0x2b7: {  	v62 =	vld [tilespmem:s19+$0xFFFFFF00]  }
0x2b8: {  	v28 =	vld [tilespmem:s20+$0xFFFFFF80]  }
0x2b9: {  	v26 =	vld [tilespmem:s20+$0xFFFFFFA0]  }
0x2ba: {  	v30 =	vld [tilespmem:s20+$0xFFFFFF30]  }
0x2bb: {  	v31 =	vld [tilespmem:s20+$0xFFFFFF40]  }
0x2bc: {  	v35 =	vld [tilespmem:s20+$0x80];
	v6 =	vsub.f32 v7, v6  }
0x2bd: {  	v37 =	vld [tilespmem:s20+$0xFFFFFFB0];
	v10 =	vsub.f32 v11, v10;
	v12 =	vsub.f32 v13, v12  }
0x2be: {  	v38 =	vld [tilespmem:s20+$0xA0];
	v14 =	vsub.f32 v15, v14;
	v20 =	vsub.f32 v21, v20  }
0x2bf: {  	v51 =	vld [tilespmem:s20+$0xFFFFFF60];
	v59 =	vsub.f32 v23, v22;
	v18 =	vsub.f32 v19, v18  }
0x2c0: {  	v55 =	vld [tilespmem:s19+$0xFFFFFF70];
	v16 =	vsub.f32 v17, v16;
	v19 =	vsub.f32 v61, v60  }
0x2c1: {  	v15 =	vsub.f32 v58, v62;
	v13 =	vsub.f32 v28, v57  }
0x2c2: {  	v9 =	vsub.f32 v30, v9;
	v8 =	vsub.f32 v31, v8  }
0x2c3: {  	v41 =	vsub.f32 v26, v24;
	v4 =	vsub.f32 v35, v4  }
0x2c4: {  	v5 =	vsub.f32 v37, v5;
	v3 =	vsub.f32 v38, v3  }
0x2c5: {  	v2 =	vsub.f32 v51, v2;
	v1 =	vsub.f32 v1, v55  }
0x2c6: {  	v6 =	vadd.f32 $9.999999970e-07, v6;
	v10 =	vadd.f32 $9.999999970e-07, v10  }
0x2c7: {  	v7 =	vld [tilespmem:s19+$0xFFFFFF90];
	v12 =	vadd.f32 $9.999999970e-07, v12;
	v20 =	vadd.f32 $9.999999970e-07, v20  }
0x2c8: {  	v11 =	vld [tilespmem:s20+$0xFFFFFF90];
	v21 =	vadd.f32 $9.999999970e-07, v59;
	v63 =	vadd.f32 $9.999999970e-07, v18  }
0x2c9: {  	v14 =	vadd.f32 $9.999999970e-07, v14;
	v16 =	vadd.f32 $9.999999970e-07, v16  }
0x2ca: {  	v33 =	vadd.f32 $9.999999970e-07, v19;
	v15 =	vadd.f32 $9.999999970e-07, v15  }
0x2cb: {  	v13 =	vadd.f32 $9.999999970e-07, v13;
	v8 =	vadd.f32 $9.999999970e-07, v8  }
0x2cc: {  	v25 =	vld [tilespmem:s19+$0xFFFFFF20];
	v9 =	vadd.f32 $9.999999970e-07, v9;
	v22 =	vadd.f32 $9.999999970e-07, v41  }
0x2cd: {  	v29 =	vld [tilespmem:s20+$0xFFFFFF20];
	v20 =	vmul.f32 v20, v20;
	v7 =	vsub.f32 v11, v7;
	v11 =	vmul.f32 v21, v21  }
0x2ce: {  	v4 =	vadd.f32 $9.999999970e-07, v4;
	v3 =	vadd.f32 $9.999999970e-07, v3  }
0x2cf: {  	v32 =	vld [tilespmem:s19+$0x70];
	v5 =	vadd.f32 $9.999999970e-07, v5;
	v17 =	vmul.f32 v63, v63;
	v11 =	vadd.f32 v20, v11  }
0x2d0: {  	v34 =	vld [tilespmem:s20+$0x70];
	v2 =	vadd.f32 $9.999999970e-07, v2;
	v16 =	vmul.f32 v16, v16;
	v15 =	vmul.f32 v15, v15  }
0x2d1: {  	v40 =	vld [tilespmem:s19+$0xB0];
	v36 =	vmul.f32 v33, v33;
	v13 =	vmul.f32 v13, v13;
	v11 =	vadd.f32 v17, v11  }
0x2d2: {  	v42 =	vld [tilespmem:s20+$0xB0];
	v12 =	vmul.f32 v12, v12;
	v14 =	vmul.f32 v14, v14;
	v21 =	vsub.f32 v29, v25  }
0x2d3: {  	v43 =	vld [tilespmem:s19+$0xFFFFFF50];
	v6 =	vmul.f32 v6, v6;
	v4 =	vmul.f32 v4, v4;
	v11 =	vadd.f32 v16, v11  }
0x2d4: {  	v44 =	vld [tilespmem:s20+$0xFFFFFF50];
	v10 =	vmul.f32 v10, v10;
	v15 =	vadd.f32 v36, v15;
	v39 =	vadd.f32 $9.999999970e-07, v21  }
0x2d5: {  	v45 =	vld [tilespmem:s19+$0xC0];
	v9 =	vmul.f32 v9, v9;
	v17 =	vsub.f32 v34, v32;
	v11 =	vadd.f32 v14, v11  }
0x2d6: {  	v46 =	vld [tilespmem:s20+$0xC0];
	v4 =	vadd.f32 v6, v4;
	v7 =	vadd.f32 $9.999999970e-07, v7;
	v16 =	vmul.f32 v39, v39  }
0x2d7: {  	v53 =	vld [tilespmem:s19+$0xD0];
	v3 =	vmul.f32 v3, v3;
	v49 =	vadd.f32 $9.999999970e-07, v17;
	v6 =	vadd.f32 v12, v11  }
0x2d8: {  	v54 =	vld [tilespmem:s20+$0xD0];
	v8 =	vmul.f32 v8, v8;
	v21 =	vsub.f32 v42, v40;
	v15 =	vadd.f32 v16, v15  }
0x2d9: {  	v48 =	vld [tilespmem:s19+$0xFFFFFFC0];
	v3 =	vadd.f32 v3, v4;
	v6 =	vadd.f32 v10, v6;
	v10 =	vmul.f32 v49, v49  }
0x2da: {  	v57 =	vld [tilespmem:s19+$0xE0];
	v7 =	vmul.f32 v7, v7;
	v56 =	vadd.f32 $9.999999970e-07, v21;
	v9 =	vadd.f32 v9, v15  }
0x2db: {  	v11 =	vsub.f32 v46, v45;
	v6 =	vadd.f32 v10, v6;
	v10 =	vld [tilespmem:s20+$0xE0]  }
0x2dc: {  	v52 =	vld [tilespmem:s19+$0xFFFFFFD0];
	v47 =	vmul.f32 v22, v22;
	v7 =	vadd.f32 v7, v13;
	v8 =	vadd.f32 v8, v9  }
0x2dd: {  	v58 =	vld [tilespmem:s20+$0xFFFFFFD0];
	v9 =	vmul.f32 v56, v56;
	v4 =	vadd.f32 $9.999999970e-07, v11;
	v11 =	vsub.f32 v54, v53  }
0x2de: {  	v50 =	vld [tilespmem:s20+$0xFFFFFFC0];
	v5 =	vmul.f32 v5, v5;
	v13 =	vsub.f32 v44, v43;
	v7 =	vadd.f32 v47, v7  }
0x2df: {  	v60 =	vld [tilespmem:s19+$0xF0];
	v3 =	vadd.f32 v9, v3;
	v4 =	vmul.f32 v4, v4;
	v9 =	vadd.f32 $9.999999970e-07, v11  }
0x2e0: {  	v59 =	vld [tilespmem:s20+$0xF0];
	(xrf2) =	vadd.scan.msk.f32 $0xffff, v6;
	v6 =	vadd.f32 v5, v7;
	v5 =	vsub.f32 v10, v57  }
0x2e1: {  	v61 =	vld [tilespmem:s20+$0xFFFFFFE0];
	v13 =	vadd.f32 $9.999999970e-07, v13;
	v3 =	vadd.f32 v4, v3  }
0x2e2: {  	v7 =	vld [tilespmem:s19+$0xFFFFFFE0];
	v4 =	vmul.f32 v9, v9;
	v10 =	vsub.f32 v58, v52;
	v5 =	vadd.f32 $9.999999970e-07, v5  }
0x2e3: {  	v1 =	vadd.f32 $9.999999970e-07, v1;
	v13 =	vmul.f32 v13, v13;
	v11 =	vsub.f32 v50, v48  }
0x2e4: {  	v3 =	vadd.f32 v4, v3;
	v9 =	vadd.f32 $9.999999970e-07, v10;
	v4 =	vmul.f32 v5, v5  }
0x2e5: {  	v10 =	vsub.f32 v59, v60;
	v5 =	vadd.f32 $9.999999970e-07, v11  }
0x2e6: {  	v2 =	vmul.f32 v2, v2;
	v8 =	vadd.f32 v13, v8;
	v11 =	vadd.f32 v4, v3;
	v3 =	vld [tilespmem:s20+$0xFFFFFFF0]  }
0x2e7: {  	v7 =	vsub.f32 v61, v7;
	v10 =	vadd.f32 $9.999999970e-07, v10;
	v62 =	vmul.f32 v5, v5;
	v5 =	vld [tilespmem:s19+$0xFFFFFFF0]  }
0x2e8: {  	v2 =	vadd.f32 v2, v8;
	v8 =	vmul.f32 v1, v1  }
0x2e9: {  	v63 =	vmul.f32 v10, v10  }
0x2ea: {  	s22 =	simm.s32 $0x4;
	v1 =	vimm.f32 $0.0e+00;
	v8 =	vadd.f32 v8, v2;
	v10 =	vadd.f32 $9.999999970e-07, v7  }
0x2eb: {  	s23 =	sadd.s32 $0x200, s19;
	s24 =	sadd.s32 $0x200, s20;
	s21 =	simm.s32 $0x0;
	v4 =	vmul.f32 v9, v9;
	v7, _, _ =	vpop (xrf2);
	v9 =	vadd.f32 v62, v6;
	v6 =	vadd.f32 v63, v11  }
.LBB2_16:
0x2ec: {  	v2 =	vld [tilespmem:s24+$0xFFFFFF70];
	p1 =	sne.s32 s22, $0xC;
	v10 =	vmul.f32 v10, v10;
	v5 =	vsub.f32 v3, v5;
	s25 =	smov.u32 s22;
	s22 =	sadd.s32 $0x4, s22  }
0x2ed: {  	v3 =	vld [tilespmem:s23+$0xFFFFFF60];
	v9 =	vadd.f32 v4, v9;
	(xrf2) =	vadd.scan.msk.f32 $0xffff, v6  }
0x2ee: {  	v4 =	vld [tilespmem:s23+$0xA0];
	v11 =	vadd.f32 $9.999999970e-07, v5  }
0x2ef: {  	v5 =	vld [tilespmem:s23+$0x80];
	v9 =	vadd.f32 v10, v9  }
0x2f0: {  	v6 =	vld [tilespmem:s23+$0xFFFFFFB0];
	v10 =	vmul.f32 v11, v11;
	(xrf2) =	vadd.scan.msk.f32 $0xffff, v8  }
0x2f1: {  	v8 =	vld [tilespmem:s23+$0x90]  }
0x2f2: {  	v11 =	vld [tilespmem:s24+$0x90];
	v9 =	vadd.f32 v10, v9;
	v10 =	vbroadcast v7, $0xF  }
0x2f3: {  	v12 =	vld [tilespmem:s23+$0xFFFFFF40]  }
0x2f4: {  	v13 =	vld [tilespmem:s23+$0xFFFFFF30];
	(xrf2) =	vadd.scan.msk.f32 $0xffff, v9  }
0x2f5: {  	v9 =	vld [tilespmem:s23+$0x60]  }
0x2f6: {  	v14 =	vld [tilespmem:s24+$0x60]  }
0x2f7: {  	v15 =	vld [tilespmem:s23+$0x50];
	v7 =	vsub.f32 v11, v8;
	v8, _, _ =	vpop (xrf2)  }
0x2f8: {  	v11 =	vld [tilespmem:s24+$0x50]  }
0x2f9: {  	v16 =	vld [tilespmem:s23+$0x40];
	v7 =	vadd.f32 $9.999999970e-07, v7  }
0x2fa: {  	v17 =	vld [tilespmem:s24+$0x40];
	v18, _, _ =	vpop (xrf2)  }
0x2fb: {  	v19 =	vld [tilespmem:s23+$0x30];
	v9 =	vsub.f32 v14, v9;
	v14 =	vbroadcast v18, $0xF  }
0x2fc: {  	v22 =	vmov s21;
	v18 =	vld [tilespmem:s24+$0x30]  }
0x2fd: {  	s26 =	sadd.s32 $0x1, s21;
	vm0 =	veq.s32 v22, v0;
	v21 =	vld [tilespmem:s23+$0x20];
	v11 =	vsub.f32 v11, v15;
	v9 =	vadd.f32 $9.999999970e-07, v9  }
0x2fe: {  	v1 =	vsel vm0, v14, v1;
	v14 =	vmov s26;
	v15 =	vld [tilespmem:s24+$0x20];
	v20, _, _ =	vpop (xrf2)  }
0x2ff: {  	s26 =	sadd.s32 $0x2, s21;
	vm0 =	veq.s32 v14, v0;
	v22 =	vld [tilespmem:s23+$0x10];
	v16 =	vsub.f32 v17, v16;
	v11 =	vadd.f32 $9.999999970e-07, v11  }
0x300: {  	v8 =	vbroadcast v8, $0xF;
	v17 =	vbroadcast v20, $0xF;
	v20 =	vmov s26;
	s26 =	sadd.s32 $0x3, s21;
	s21 =	smov.u32 s25;
	v14 =	vld [tilespmem:s24+$0x10]  }
0x301: {  	v23 =	vld [tilespmem:s23+$0x0];
	v18 =	vsub.f32 v18, v19;
	v16 =	vadd.f32 $9.999999970e-07, v16;
	v19 =	vmov s26  }
0x302: {  	v1 =	vsel vm0, v17, v1;
	vm0 =	veq.s32 v20, v0;
	v24 =	vld [tilespmem:s24+$0x0];
	vm1 =	veq.s32 v19, v0  }
0x303: {  	v1 =	vsel vm0, v10, v1;
	v17 =	vld [tilespmem:s23+$0xFFFFFFA0];
	v15 =	vsub.f32 v15, v21;
	v18 =	vadd.f32 $9.999999970e-07, v18  }
0x304: {  	v1 =	vsel vm1, v8, v1;
	v10 =	vld [tilespmem:s23+$0xFFFFFF20]  }
0x305: {  	v8 =	vld [tilespmem:s23+$0xFFFFFF90];
	v14 =	vsub.f32 v14, v22;
	v15 =	vadd.f32 $9.999999970e-07, v15  }
0x306: {  	v19 =	vld [tilespmem:s24+$0xFFFFFF90]  }
0x307: {  	v20 =	vld [tilespmem:s23+$0xFFFFFF80];
	v21 =	vsub.f32 v24, v23;
	v14 =	vadd.f32 $9.999999970e-07, v14  }
0x308: {  	v22 =	vld [tilespmem:s24+$0xFFFFFF00]  }
0x309: {  	v23 =	vld [tilespmem:s23+$0xFFFFFF10];
	v21 =	vadd.f32 $9.999999970e-07, v21  }
0x30a: {  	v24 =	vld [tilespmem:s24+$0xFFFFFF10]  }
0x30b: {  	v25 =	vld [tilespmem:s23+$0xFFFFFF00];
	v8 =	vsub.f32 v19, v8;
	v19 =	vmul.f32 v21, v21  }
0x30c: {  	v14 =	vmul.f32 v14, v14;
	v21 =	vld [tilespmem:s24+$0xFFFFFF80]  }
0x30d: {  	v26 =	vld [tilespmem:s24+$0xFFFFFF20];
	v8 =	vadd.f32 $9.999999970e-07, v8  }
0x30e: {  	v15 =	vmul.f32 v15, v15;
	v14 =	vadd.f32 v14, v19;
	v27 =	vld [tilespmem:s24+$0xFFFFFFA0]  }
0x30f: {  	v19 =	vsub.f32 v24, v23;
	v23 =	vld [tilespmem:s24+$0xFFFFFF30]  }
0x310: {  	v14 =	vadd.f32 v15, v14;
	v22 =	vsub.f32 v22, v25;
	v24 =	vld [tilespmem:s24+$0xFFFFFF40]  }
0x311: {  	v18 =	vmul.f32 v18, v18;
	v15 =	vadd.f32 $9.999999970e-07, v19;
	v19 =	vsub.f32 v21, v20;
	v20 =	vld [tilespmem:s23+$0x70]  }
0x312: {  	v11 =	vmul.f32 v11, v11;
	v21 =	vadd.f32 $9.999999970e-07, v22;
	v10 =	vsub.f32 v26, v10;
	v22 =	vld [tilespmem:s24+$0x70]  }
0x313: {  	v16 =	vmul.f32 v16, v16;
	v14 =	vadd.f32 v18, v14;
	v19 =	vadd.f32 $9.999999970e-07, v19;
	v18 =	vld [tilespmem:s24+$0x80]  }
0x314: {  	v15 =	vmul.f32 v15, v15;
	v21 =	vmul.f32 v21, v21;
	v13 =	vsub.f32 v23, v13;
	v23 =	vld [tilespmem:s24+$0xFFFFFFB0]  }
0x315: {  	v8 =	vmul.f32 v8, v8;
	v12 =	vsub.f32 v24, v12;
	v19 =	vmul.f32 v19, v19;
	v24 =	vld [tilespmem:s24+$0xA0]  }
0x316: {  	v10 =	vadd.f32 $9.999999970e-07, v10;
	v15 =	vadd.f32 v15, v21;
	v21 =	vld [tilespmem:s23+$0xC0]  }
0x317: {  	v9 =	vmul.f32 v9, v9;
	v12 =	vadd.f32 $9.999999970e-07, v12;
	v8 =	vadd.f32 v8, v19;
	v19 =	vld [tilespmem:s23+$0xB0]  }
0x318: {  	v17 =	vsub.f32 v27, v17;
	v10 =	vmul.f32 v10, v10;
	v13 =	vadd.f32 $9.999999970e-07, v13;
	v25 =	vld [tilespmem:s24+$0xB0]  }
0x319: {  	v5 =	vsub.f32 v18, v5;
	v26 =	vld [tilespmem:s23+$0xFFFFFF50];
	v6 =	vsub.f32 v23, v6  }
0x31a: {  	v17 =	vadd.f32 $9.999999970e-07, v17;
	v13 =	vmul.f32 v13, v13;
	v18 =	vld [tilespmem:s24+$0xFFFFFF50];
	v4 =	vsub.f32 v24, v4  }
0x31b: {  	v7 =	vmul.f32 v7, v7;
	v20 =	vsub.f32 v22, v20;
	v5 =	vadd.f32 $9.999999970e-07, v5;
	v22 =	vld [tilespmem:s24+$0xC0]  }
0x31c: {  	v14 =	vadd.f32 v16, v14;
	v17 =	vmul.f32 v17, v17;
	v12 =	vmul.f32 v12, v12;
	v23 =	vld [tilespmem:s23+$0xFFFFFFC0]  }
0x31d: {  	v20 =	vadd.f32 $9.999999970e-07, v20;
	v5 =	vmul.f32 v5, v5;
	v16 =	vld [tilespmem:s24+$0xFFFFFFC0];
	v19 =	vsub.f32 v25, v19  }
0x31e: {  	v8 =	vadd.f32 v17, v8;
	v4 =	vadd.f32 $9.999999970e-07, v4;
	v24 =	vld [tilespmem:s24+$0xFFFFFF60]  }
0x31f: {  	v5 =	vadd.f32 v7, v5;
	v17 =	vsub.f32 v18, v26;
	v18 =	vld [tilespmem:s23+$0xFFFFFFD0]  }
0x320: {  	v7 =	vadd.f32 v11, v14;
	v11 =	vmul.f32 v20, v20;
	v14 =	vsub.f32 v22, v21;
	v20 =	vld [tilespmem:s23+$0xD0]  }
0x321: {  	v10 =	vadd.f32 v10, v15;
	v4 =	vmul.f32 v4, v4;
	v15 =	vadd.f32 $9.999999970e-07, v17;
	v17 =	vld [tilespmem:s24+$0xD0]  }
0x322: {  	v7 =	vadd.f32 v9, v7;
	v9 =	vadd.f32 $9.999999970e-07, v19;
	v21 =	vld [tilespmem:s23+$0xFFFFFF70]  }
0x323: {  	v10 =	vadd.f32 v13, v10;
	v13 =	vmul.f32 v15, v15;
	v3 =	vsub.f32 v24, v3;
	v15 =	vld [tilespmem:s23+$0xE0]  }
0x324: {  	v6 =	vadd.f32 $9.999999970e-07, v6;
	v7 =	vadd.f32 v11, v7;
	v9 =	vmul.f32 v9, v9;
	v11 =	vld [tilespmem:s24+$0xE0]  }
0x325: {  	v10 =	vadd.f32 v12, v10;
	v4 =	vadd.f32 v4, v5;
	v12 =	vld [tilespmem:s24+$0xFFFFFFD0]  }
0x326: {  	v5 =	vmul.f32 v6, v6;
	v6 =	vadd.f32 $9.999999970e-07, v14;
	v14 =	vsub.f32 v17, v20;
	(xrf2) =	vadd.scan.msk.f32 $0xffff, v7  }
0x327: {  	v7 =	vadd.f32 v13, v10;
	v2 =	vsub.f32 v2, v21;
	v10 =	vld [tilespmem:s24+$0xF0]  }
0x328: {  	v3 =	vadd.f32 $9.999999970e-07, v3;
	v13 =	vadd.f32 v5, v8;
	v5 =	vmul.f32 v6, v6;
	v6 =	vld [tilespmem:s23+$0xF0]  }
0x329: {  	v4 =	vadd.f32 v9, v4;
	v8 =	vsub.f32 v11, v15  }
0x32a: {  	v3 =	vmul.f32 v3, v3;
	v9 =	vsub.f32 v12, v18;
	v11 =	vld [tilespmem:s23+$0xFFFFFFE0];
	v12 =	vadd.f32 $9.999999970e-07, v14  }
0x32b: {  	v14 =	vsub.f32 v16, v23;
	v15 =	vld [tilespmem:s24+$0xFFFFFFE0];
	v8 =	vadd.f32 $9.999999970e-07, v8  }
0x32c: {  	v16 =	vadd.f32 v5, v4;
	v9 =	vadd.f32 $9.999999970e-07, v9;
	v12 =	vmul.f32 v12, v12  }
0x32d: {  	v17 =	vadd.f32 v3, v7;
	v3 =	vld [tilespmem:s24+$0xFFFFFFF0];
	v18 =	vmul.f32 v8, v8;
	v6 =	vsub.f32 v10, v6  }
0x32e: {  	v2 =	vadd.f32 $9.999999970e-07, v2;
	v4 =	vmul.f32 v9, v9;
	v5 =	vld [tilespmem:s23+$0xFFFFFFF0];
	v8 =	vadd.f32 v12, v16  }
.Ltmp6:
0x32f: {  	v9 =	vadd.f32 $9.999999970e-07, v14;
	v6 =	vadd.f32 $9.999999970e-07, v6;
	(pc) =	sbr.rel @p1 .LBB2_16-.Ltmp6, $4  }
0x330: {  	v2 =	vmul.f32 v2, v2;
	v10 =	vsub.f32 v15, v11;
	v11 =	vadd.f32 v18, v8;
	v7, _, _ =	vpop (xrf2)  }
0x331: {  	v9 =	vmul.f32 v9, v9;
	v6 =	vmul.f32 v6, v6  }
0x332: {  	v8 =	vadd.f32 v2, v17;
	v10 =	vadd.f32 $9.999999970e-07, v10  }
0x333: {  	s24 =	sadd.s32 $0x200, s24;
	s23 =	sadd.s32 $0x200, s23;
	v9 =	vadd.f32 v9, v13;
	v6 =	vadd.f32 v6, v11  }
0x334: {  	v2 =	vsub.f32 v3, v5;
	_ =	sdelay $0x1  }
0x335: {  	v3 =	vmul.f32 v10, v10;
	v4 =	vadd.f32 v4, v9;
	v2 =	vadd.f32 $9.999999970e-07, v2;
	_ =	sdelay $0x1  }
0x336: {  	v3 =	vadd.f32 v3, v4;
	v2 =	vmul.f32 v2, v2  }
0x337: {  	(xrf2) =	vadd.scan.msk.f32 $0xffff, v6  }
0x338: {  	(xrf2) =	vadd.scan.msk.f32 $0xffff, v8;
	v2 =	vadd.f32 v2, v3;
	_ =	sdelay $0x1  }
0x339: {  	(xrf2) =	vadd.scan.msk.f32 $0xffff, v2;
	_ =	sdelay $0x6  }
0x33a: {  	v2, _, _ =	vpop (xrf2)  }
0x33b: {  	v3, _, _ =	vpop (xrf2)  }
0x33c: {  	v59 =	vmov s21;
	v3 =	vbroadcast v3, $0xF  }
0x33d: {  	v60 =	vbroadcast v7, $0xF;
	s22 =	sadd.s32 $0x1, s21;
	vm0 =	veq.s32 v59, v0;
	v61, _, _ =	vpop (xrf2)  }
0x33e: {  	s24 =	sadd.s32 $0x2, s21;
	s25 =	sadd.s32 $0x3, s21;
	v1 =	vsel vm0, v3, v1;
	v3 =	vmov s22;
	v4 =	vbroadcast v61, $0xF  }
0x33f: {  	v62 =	vmov s25;
	vm14 =	veq.s32 v3, v0;
	v3 =	vmov s24  }
0x340: {  	v2 =	vbroadcast v2, $0xF;
	vm15 =	veq.s32 v3, v0;
	v1 =	vsel vm14, v4, v1  }
0x341: {  	vm1 =	veq.s32 v62, v0;
	v1 =	vsel vm15, v60, v1  }
0x342: {  	v1 =	vsel vm1, v2, v1  }
0x343: {  	v2 =	vshra.s32 v1, $0x1;
	v3 =	vmul.f32 $5.000000000e-01, v1  }
0x344: {  	v2 =	vsub.s32 $0x5F3759DF, v2  }
0x345: {  	v63 =	vmul.f32 v2, v3;
	_ =	sdelay $0x1  }
0x346: {  	v4 =	vmul.f32 v2, v63;
	_ =	sdelay $0x1  }
0x347: {  	v4 =	vsub.f32 $1.500000000e+00, v4;
	_ =	sdelay $0x1  }
0x348: {  	v2 =	vmul.f32 v2, v4;
	_ =	sdelay $0x1  }
0x349: {  	v4 =	vmul.f32 v2, v3;
	_ =	sdelay $0x1  }
0x34a: {  	v4 =	vmul.f32 v4, v2;
	_ =	sdelay $0x1  }
0x34b: {  	v4 =	vsub.f32 $1.500000000e+00, v4;
	_ =	sdelay $0x1  }
0x34c: {  	v2 =	vmul.f32 v4, v2;
	_ =	sdelay $0x1  }
0x34d: {  	v3 =	vmul.f32 v2, v3;
	_ =	sdelay $0x1  }
0x34e: {  	v3 =	vmul.f32 v3, v2;
	_ =	sdelay $0x1  }
0x34f: {  	v3 =	vsub.f32 $1.500000000e+00, v3;
	_ =	sdelay $0x1  }
0x350: {  	v2 =	vmul.f32 v3, v2;
	_ =	sdelay $0x1  }
0x351: {  	v1 =	vmul.f32 v2, v1;
	_ =	sdelay $0x1  }
0x352: {  	v1 =	vadd.f32 $-1.000000000e+00, v1;
	_ =	sdelay $0x1  }
0x353: {  	v1 =	vmul.f32 $1.442695020e+00, v1;
	_ =	sdelay $0x1  }
0x354: {  	(erf) = vpow2.f32 v1;
	_ =	sdelay $0x8  }
0x355: {  	v1 =	vpop (erf)  }
0x356: {  	v1 =	vadd.f32 $1.000000000e+00, v1;
	_ =	sdelay $0x1  }
0x357: {  	(erf) = vrcp.f32 v1;
	_ =	sdelay $0x3  }
0x358: {  	s26 =	sshll.u32 s18, $0x4;
	s18 =	sadd.s32 $0x1, s18  }
0x359: {  	p1 =	sne.s32 s18, $0x5  }
.Ltmp7:
0x35a: {  	_ = 	snop;
	(pc) =	sbr.rel @p1 .LBB2_15-.Ltmp7, $3  }
0x35b: {  	_ =	sdelay $0x1  }
0x35c: {  	s21 =	sand.u32 $0x3FFFFFF0, s26;
	v1 =	vpop (erf)  }
0x35d: {  	s19 =	sadd.s32 $0x800, s19;
	s20 =	sadd.s32 $0x800, s20;
	[tilespmem:s21+$0x1DFF0] =	vst v1  }
0x35e: {  	s18 =	sadd.s32 @!p0 $0x280, s17;
	s19 =	simm.s32 @!p0 $0x50;
	s20 =	simm.s32 @!p0 $0xC700  }
0x35f: {  	[tilespmem:s20], [sflag:$0x4] =	stream.indirect.gather @!p0 [hbm4b:s5+s19], $0x80, s18, s19, $0xb8;
	[tilespmem:$0x1E100] =	vst v63  }
0x360: {  	s18 =	sadd.s32 @!p0 $0x2A00, s17;
	s20 =	simm.s32 @!p0 $0x18F00  }
0x361: {  	[tilespmem:s20], [sflag:$0x4] =	stream.indirect.gather @!p0 [hbm4b:s5+s19], $0x80, s18, s19, $0xb8;
	[tilespmem:$0x1E100] =	vst v63  }
0x362: {  	_ =	swait.ge [sflag:s12], $0x2800  }
0x363: {  	[sflag:s12] =	ssyncset.done $0x0  }
0x364: {  	[sflag:s12] =	ssyncadd.s32 $0xFFFFD800  }
0x365: {  	_ =	swait.ge [sflag:s12], $0x2800  }
0x366: {  	s18 =	simm.s32 $0x0;
	[sflag:s12] =	ssyncset.done $0x0  }
0x367: {  	s19 =	simm.s32 $0x1B800;
	s20 =	simm.s32 $0xF000;
	[sflag:s12] =	ssyncadd.s32 $0xFFFFD800  }
.LBB2_19:
0x368: {  	v1 =	vld [tilespmem:s20+$0xFFFFFF70]  }
0x369: {  	v2 =	vld [tilespmem:s19+$0xFFFFFF60]  }
0x36a: {  	v3 =	vld [tilespmem:s19+$0xA0]  }
0x36b: {  	v4 =	vld [tilespmem:s19+$0x80]  }
0x36c: {  	v5 =	vld [tilespmem:s19+$0xFFFFFFB0]  }
0x36d: {  	v6 =	vld [tilespmem:s19+$0x90]  }
0x36e: {  	v7 =	vld [tilespmem:s20+$0x90]  }
0x36f: {  	v8 =	vld [tilespmem:s19+$0xFFFFFF40]  }
0x370: {  	v9 =	vld [tilespmem:s19+$0xFFFFFF30]  }
0x371: {  	v10 =	vld [tilespmem:s19+$0x60]  }
0x372: {  	v11 =	vld [tilespmem:s20+$0x60]  }
0x373: {  	v12 =	vld [tilespmem:s19+$0x50]  }
0x374: {  	v13 =	vld [tilespmem:s20+$0x50]  }
0x375: {  	v14 =	vld [tilespmem:s19+$0x40]  }
0x376: {  	v15 =	vld [tilespmem:s20+$0x40]  }
0x377: {  	v16 =	vld [tilespmem:s19+$0x30]  }
0x378: {  	v17 =	vld [tilespmem:s20+$0x30]  }
0x379: {  	v18 =	vld [tilespmem:s19+$0x20]  }
0x37a: {  	v19 =	vld [tilespmem:s20+$0x20]  }
0x37b: {  	v20 =	vld [tilespmem:s19+$0x10]  }
0x37c: {  	v21 =	vld [tilespmem:s20+$0x10]  }
0x37d: {  	v22 =	vld [tilespmem:s19+$0x0]  }
0x37e: {  	v23 =	vld [tilespmem:s20+$0x0]  }
0x37f: {  	v24 =	vld [tilespmem:s19+$0xFFFFFFA0]  }
0x380: {  	v57 =	vld [tilespmem:s19+$0xFFFFFF80]  }
0x381: {  	v58 =	vld [tilespmem:s20+$0xFFFFFF00]  }
0x382: {  	v60 =	vld [tilespmem:s19+$0xFFFFFF10]  }
0x383: {  	v61 =	vld [tilespmem:s20+$0xFFFFFF10]  }
0x384: {  	v62 =	vld [tilespmem:s19+$0xFFFFFF00]  }
0x385: {  	v28 =	vld [tilespmem:s20+$0xFFFFFF80]  }
0x386: {  	v26 =	vld [tilespmem:s20+$0xFFFFFFA0]  }
0x387: {  	v30 =	vld [tilespmem:s20+$0xFFFFFF30]  }
0x388: {  	v31 =	vld [tilespmem:s20+$0xFFFFFF40]  }
0x389: {  	v35 =	vld [tilespmem:s20+$0x80];
	v6 =	vsub.f32 v7, v6  }
0x38a: {  	v37 =	vld [tilespmem:s20+$0xFFFFFFB0];
	v10 =	vsub.f32 v11, v10;
	v12 =	vsub.f32 v13, v12  }
0x38b: {  	v38 =	vld [tilespmem:s20+$0xA0];
	v14 =	vsub.f32 v15, v14;
	v20 =	vsub.f32 v21, v20  }
0x38c: {  	v51 =	vld [tilespmem:s20+$0xFFFFFF60];
	v59 =	vsub.f32 v23, v22;
	v18 =	vsub.f32 v19, v18  }
0x38d: {  	v55 =	vld [tilespmem:s19+$0xFFFFFF70];
	v16 =	vsub.f32 v17, v16;
	v19 =	vsub.f32 v61, v60  }
0x38e: {  	v15 =	vsub.f32 v58, v62;
	v13 =	vsub.f32 v28, v57  }
0x38f: {  	v9 =	vsub.f32 v30, v9;
	v8 =	vsub.f32 v31, v8  }
0x390: {  	v41 =	vsub.f32 v26, v24;
	v4 =	vsub.f32 v35, v4  }
0x391: {  	v5 =	vsub.f32 v37, v5;
	v3 =	vsub.f32 v38, v3  }
0x392: {  	v2 =	vsub.f32 v51, v2;
	v1 =	vsub.f32 v1, v55  }
0x393: {  	v6 =	vadd.f32 $9.999999970e-07, v6;
	v10 =	vadd.f32 $9.999999970e-07, v10  }
0x394: {  	v7 =	vld [tilespmem:s19+$0xFFFFFF90];
	v12 =	vadd.f32 $9.999999970e-07, v12;
	v20 =	vadd.f32 $9.999999970e-07, v20  }
0x395: {  	v11 =	vld [tilespmem:s20+$0xFFFFFF90];
	v21 =	vadd.f32 $9.999999970e-07, v59;
	v63 =	vadd.f32 $9.999999970e-07, v18  }
0x396: {  	v14 =	vadd.f32 $9.999999970e-07, v14;
	v16 =	vadd.f32 $9.999999970e-07, v16  }
0x397: {  	v33 =	vadd.f32 $9.999999970e-07, v19;
	v15 =	vadd.f32 $9.999999970e-07, v15  }
0x398: {  	v13 =	vadd.f32 $9.999999970e-07, v13;
	v8 =	vadd.f32 $9.999999970e-07, v8  }
0x399: {  	v25 =	vld [tilespmem:s19+$0xFFFFFF20];
	v9 =	vadd.f32 $9.999999970e-07, v9;
	v22 =	vadd.f32 $9.999999970e-07, v41  }
0x39a: {  	v29 =	vld [tilespmem:s20+$0xFFFFFF20];
	v20 =	vmul.f32 v20, v20;
	v7 =	vsub.f32 v11, v7;
	v11 =	vmul.f32 v21, v21  }
0x39b: {  	v4 =	vadd.f32 $9.999999970e-07, v4;
	v3 =	vadd.f32 $9.999999970e-07, v3  }
0x39c: {  	v32 =	vld [tilespmem:s19+$0x70];
	v5 =	vadd.f32 $9.999999970e-07, v5;
	v17 =	vmul.f32 v63, v63;
	v11 =	vadd.f32 v20, v11  }
0x39d: {  	v34 =	vld [tilespmem:s20+$0x70];
	v2 =	vadd.f32 $9.999999970e-07, v2;
	v16 =	vmul.f32 v16, v16;
	v15 =	vmul.f32 v15, v15  }
0x39e: {  	v40 =	vld [tilespmem:s19+$0xB0];
	v36 =	vmul.f32 v33, v33;
	v13 =	vmul.f32 v13, v13;
	v11 =	vadd.f32 v17, v11  }
0x39f: {  	v42 =	vld [tilespmem:s20+$0xB0];
	v12 =	vmul.f32 v12, v12;
	v14 =	vmul.f32 v14, v14;
	v21 =	vsub.f32 v29, v25  }
0x3a0: {  	v43 =	vld [tilespmem:s19+$0xFFFFFF50];
	v6 =	vmul.f32 v6, v6;
	v4 =	vmul.f32 v4, v4;
	v11 =	vadd.f32 v16, v11  }
0x3a1: {  	v44 =	vld [tilespmem:s20+$0xFFFFFF50];
	v10 =	vmul.f32 v10, v10;
	v15 =	vadd.f32 v36, v15;
	v39 =	vadd.f32 $9.999999970e-07, v21  }
0x3a2: {  	v45 =	vld [tilespmem:s19+$0xC0];
	v9 =	vmul.f32 v9, v9;
	v17 =	vsub.f32 v34, v32;
	v11 =	vadd.f32 v14, v11  }
0x3a3: {  	v46 =	vld [tilespmem:s20+$0xC0];
	v4 =	vadd.f32 v6, v4;
	v7 =	vadd.f32 $9.999999970e-07, v7;
	v16 =	vmul.f32 v39, v39  }
0x3a4: {  	v53 =	vld [tilespmem:s19+$0xD0];
	v3 =	vmul.f32 v3, v3;
	v49 =	vadd.f32 $9.999999970e-07, v17;
	v6 =	vadd.f32 v12, v11  }
0x3a5: {  	v54 =	vld [tilespmem:s20+$0xD0];
	v8 =	vmul.f32 v8, v8;
	v21 =	vsub.f32 v42, v40;
	v15 =	vadd.f32 v16, v15  }
0x3a6: {  	v48 =	vld [tilespmem:s19+$0xFFFFFFC0];
	v3 =	vadd.f32 v3, v4;
	v6 =	vadd.f32 v10, v6;
	v10 =	vmul.f32 v49, v49  }
0x3a7: {  	v57 =	vld [tilespmem:s19+$0xE0];
	v7 =	vmul.f32 v7, v7;
	v56 =	vadd.f32 $9.999999970e-07, v21;
	v9 =	vadd.f32 v9, v15  }
0x3a8: {  	v11 =	vsub.f32 v46, v45;
	v6 =	vadd.f32 v10, v6;
	v10 =	vld [tilespmem:s20+$0xE0]  }
0x3a9: {  	v52 =	vld [tilespmem:s19+$0xFFFFFFD0];
	v47 =	vmul.f32 v22, v22;
	v7 =	vadd.f32 v7, v13;
	v8 =	vadd.f32 v8, v9  }
0x3aa: {  	v58 =	vld [tilespmem:s20+$0xFFFFFFD0];
	v9 =	vmul.f32 v56, v56;
	v4 =	vadd.f32 $9.999999970e-07, v11;
	v11 =	vsub.f32 v54, v53  }
0x3ab: {  	v50 =	vld [tilespmem:s20+$0xFFFFFFC0];
	v5 =	vmul.f32 v5, v5;
	v13 =	vsub.f32 v44, v43;
	v7 =	vadd.f32 v47, v7  }
0x3ac: {  	v60 =	vld [tilespmem:s19+$0xF0];
	v3 =	vadd.f32 v9, v3;
	v4 =	vmul.f32 v4, v4;
	v9 =	vadd.f32 $9.999999970e-07, v11  }
0x3ad: {  	v59 =	vld [tilespmem:s20+$0xF0];
	(xrf2) =	vadd.scan.msk.f32 $0xffff, v6;
	v6 =	vadd.f32 v5, v7;
	v5 =	vsub.f32 v10, v57  }
0x3ae: {  	v61 =	vld [tilespmem:s20+$0xFFFFFFE0];
	v13 =	vadd.f32 $9.999999970e-07, v13;
	v3 =	vadd.f32 v4, v3  }
0x3af: {  	v7 =	vld [tilespmem:s19+$0xFFFFFFE0];
	v4 =	vmul.f32 v9, v9;
	v10 =	vsub.f32 v58, v52;
	v5 =	vadd.f32 $9.999999970e-07, v5  }
0x3b0: {  	v1 =	vadd.f32 $9.999999970e-07, v1;
	v13 =	vmul.f32 v13, v13;
	v11 =	vsub.f32 v50, v48  }
0x3b1: {  	v3 =	vadd.f32 v4, v3;
	v9 =	vadd.f32 $9.999999970e-07, v10;
	v4 =	vmul.f32 v5, v5  }
0x3b2: {  	v10 =	vsub.f32 v59, v60;
	v5 =	vadd.f32 $9.999999970e-07, v11  }
0x3b3: {  	v2 =	vmul.f32 v2, v2;
	v8 =	vadd.f32 v13, v8;
	v11 =	vadd.f32 v4, v3;
	v3 =	vld [tilespmem:s20+$0xFFFFFFF0]  }
0x3b4: {  	v7 =	vsub.f32 v61, v7;
	v10 =	vadd.f32 $9.999999970e-07, v10;
	v62 =	vmul.f32 v5, v5;
	v5 =	vld [tilespmem:s19+$0xFFFFFFF0]  }
0x3b5: {  	v2 =	vadd.f32 v2, v8;
	v8 =	vmul.f32 v1, v1  }
0x3b6: {  	v63 =	vmul.f32 v10, v10  }
0x3b7: {  	s22 =	simm.s32 $0x4;
	v1 =	vimm.f32 $0.0e+00;
	v8 =	vadd.f32 v8, v2;
	v10 =	vadd.f32 $9.999999970e-07, v7  }
0x3b8: {  	s23 =	sadd.s32 $0x200, s19;
	s24 =	sadd.s32 $0x200, s20;
	s21 =	simm.s32 $0x0;
	v4 =	vmul.f32 v9, v9;
	v7, _, _ =	vpop (xrf2);
	v9 =	vadd.f32 v62, v6;
	v6 =	vadd.f32 v63, v11  }
.LBB2_20:
0x3b9: {  	v2 =	vld [tilespmem:s24+$0xFFFFFF70];
	p1 =	sne.s32 s22, $0xC;
	v10 =	vmul.f32 v10, v10;
	v5 =	vsub.f32 v3, v5;
	s25 =	smov.u32 s22;
	s22 =	sadd.s32 $0x4, s22  }
0x3ba: {  	v3 =	vld [tilespmem:s23+$0xFFFFFF60];
	v9 =	vadd.f32 v4, v9;
	(xrf2) =	vadd.scan.msk.f32 $0xffff, v6  }
0x3bb: {  	v4 =	vld [tilespmem:s23+$0xA0];
	v11 =	vadd.f32 $9.999999970e-07, v5  }
0x3bc: {  	v5 =	vld [tilespmem:s23+$0x80];
	v9 =	vadd.f32 v10, v9  }
0x3bd: {  	v6 =	vld [tilespmem:s23+$0xFFFFFFB0];
	v10 =	vmul.f32 v11, v11;
	(xrf2) =	vadd.scan.msk.f32 $0xffff, v8  }
0x3be: {  	v8 =	vld [tilespmem:s23+$0x90]  }
0x3bf: {  	v11 =	vld [tilespmem:s24+$0x90];
	v9 =	vadd.f32 v10, v9;
	v10 =	vbroadcast v7, $0xF  }
0x3c0: {  	v12 =	vld [tilespmem:s23+$0xFFFFFF40]  }
0x3c1: {  	v13 =	vld [tilespmem:s23+$0xFFFFFF30];
	(xrf2) =	vadd.scan.msk.f32 $0xffff, v9  }
0x3c2: {  	v9 =	vld [tilespmem:s23+$0x60]  }
0x3c3: {  	v14 =	vld [tilespmem:s24+$0x60]  }
0x3c4: {  	v15 =	vld [tilespmem:s23+$0x50];
	v7 =	vsub.f32 v11, v8;
	v8, _, _ =	vpop (xrf2)  }
0x3c5: {  	v11 =	vld [tilespmem:s24+$0x50]  }
0x3c6: {  	v16 =	vld [tilespmem:s23+$0x40];
	v7 =	vadd.f32 $9.999999970e-07, v7  }
0x3c7: {  	v17 =	vld [tilespmem:s24+$0x40];
	v18, _, _ =	vpop (xrf2)  }
0x3c8: {  	v19 =	vld [tilespmem:s23+$0x30];
	v9 =	vsub.f32 v14, v9;
	v14 =	vbroadcast v18, $0xF  }
0x3c9: {  	v22 =	vmov s21;
	v18 =	vld [tilespmem:s24+$0x30]  }
0x3ca: {  	s26 =	sadd.s32 $0x1, s21;
	vm0 =	veq.s32 v22, v0;
	v21 =	vld [tilespmem:s23+$0x20];
	v11 =	vsub.f32 v11, v15;
	v9 =	vadd.f32 $9.999999970e-07, v9  }
0x3cb: {  	v1 =	vsel vm0, v14, v1;
	v14 =	vmov s26;
	v15 =	vld [tilespmem:s24+$0x20];
	v20, _, _ =	vpop (xrf2)  }
0x3cc: {  	s26 =	sadd.s32 $0x2, s21;
	vm0 =	veq.s32 v14, v0;
	v22 =	vld [tilespmem:s23+$0x10];
	v16 =	vsub.f32 v17, v16;
	v11 =	vadd.f32 $9.999999970e-07, v11  }
0x3cd: {  	v8 =	vbroadcast v8, $0xF;
	v17 =	vbroadcast v20, $0xF;
	v20 =	vmov s26;
	s26 =	sadd.s32 $0x3, s21;
	s21 =	smov.u32 s25;
	v14 =	vld [tilespmem:s24+$0x10]  }
0x3ce: {  	v23 =	vld [tilespmem:s23+$0x0];
	v18 =	vsub.f32 v18, v19;
	v16 =	vadd.f32 $9.999999970e-07, v16;
	v19 =	vmov s26  }
0x3cf: {  	v1 =	vsel vm0, v17, v1;
	vm0 =	veq.s32 v20, v0;
	v24 =	vld [tilespmem:s24+$0x0];
	vm1 =	veq.s32 v19, v0  }
0x3d0: {  	v1 =	vsel vm0, v10, v1;
	v17 =	vld [tilespmem:s23+$0xFFFFFFA0];
	v15 =	vsub.f32 v15, v21;
	v18 =	vadd.f32 $9.999999970e-07, v18  }
0x3d1: {  	v1 =	vsel vm1, v8, v1;
	v10 =	vld [tilespmem:s23+$0xFFFFFF20]  }
0x3d2: {  	v8 =	vld [tilespmem:s23+$0xFFFFFF90];
	v14 =	vsub.f32 v14, v22;
	v15 =	vadd.f32 $9.999999970e-07, v15  }
0x3d3: {  	v19 =	vld [tilespmem:s24+$0xFFFFFF90]  }
0x3d4: {  	v20 =	vld [tilespmem:s23+$0xFFFFFF80];
	v21 =	vsub.f32 v24, v23;
	v14 =	vadd.f32 $9.999999970e-07, v14  }
0x3d5: {  	v22 =	vld [tilespmem:s24+$0xFFFFFF00]  }
0x3d6: {  	v23 =	vld [tilespmem:s23+$0xFFFFFF10];
	v21 =	vadd.f32 $9.999999970e-07, v21  }
0x3d7: {  	v24 =	vld [tilespmem:s24+$0xFFFFFF10]  }
0x3d8: {  	v25 =	vld [tilespmem:s23+$0xFFFFFF00];
	v8 =	vsub.f32 v19, v8;
	v19 =	vmul.f32 v21, v21  }
0x3d9: {  	v14 =	vmul.f32 v14, v14;
	v21 =	vld [tilespmem:s24+$0xFFFFFF80]  }
0x3da: {  	v26 =	vld [tilespmem:s24+$0xFFFFFF20];
	v8 =	vadd.f32 $9.999999970e-07, v8  }
0x3db: {  	v15 =	vmul.f32 v15, v15;
	v14 =	vadd.f32 v14, v19;
	v27 =	vld [tilespmem:s24+$0xFFFFFFA0]  }
0x3dc: {  	v19 =	vsub.f32 v24, v23;
	v23 =	vld [tilespmem:s24+$0xFFFFFF30]  }
0x3dd: {  	v14 =	vadd.f32 v15, v14;
	v22 =	vsub.f32 v22, v25;
	v24 =	vld [tilespmem:s24+$0xFFFFFF40]  }
0x3de: {  	v18 =	vmul.f32 v18, v18;
	v15 =	vadd.f32 $9.999999970e-07, v19;
	v19 =	vsub.f32 v21, v20;
	v20 =	vld [tilespmem:s23+$0x70]  }
0x3df: {  	v11 =	vmul.f32 v11, v11;
	v21 =	vadd.f32 $9.999999970e-07, v22;
	v10 =	vsub.f32 v26, v10;
	v22 =	vld [tilespmem:s24+$0x70]  }
0x3e0: {  	v16 =	vmul.f32 v16, v16;
	v14 =	vadd.f32 v18, v14;
	v19 =	vadd.f32 $9.999999970e-07, v19;
	v18 =	vld [tilespmem:s24+$0x80]  }
0x3e1: {  	v15 =	vmul.f32 v15, v15;
	v21 =	vmul.f32 v21, v21;
	v13 =	vsub.f32 v23, v13;
	v23 =	vld [tilespmem:s24+$0xFFFFFFB0]  }
0x3e2: {  	v8 =	vmul.f32 v8, v8;
	v12 =	vsub.f32 v24, v12;
	v19 =	vmul.f32 v19, v19;
	v24 =	vld [tilespmem:s24+$0xA0]  }
0x3e3: {  	v10 =	vadd.f32 $9.999999970e-07, v10;
	v15 =	vadd.f32 v15, v21;
	v21 =	vld [tilespmem:s23+$0xC0]  }
0x3e4: {  	v9 =	vmul.f32 v9, v9;
	v12 =	vadd.f32 $9.999999970e-07, v12;
	v8 =	vadd.f32 v8, v19;
	v19 =	vld [tilespmem:s23+$0xB0]  }
0x3e5: {  	v17 =	vsub.f32 v27, v17;
	v10 =	vmul.f32 v10, v10;
	v13 =	vadd.f32 $9.999999970e-07, v13;
	v25 =	vld [tilespmem:s24+$0xB0]  }
0x3e6: {  	v5 =	vsub.f32 v18, v5;
	v26 =	vld [tilespmem:s23+$0xFFFFFF50];
	v6 =	vsub.f32 v23, v6  }
0x3e7: {  	v17 =	vadd.f32 $9.999999970e-07, v17;
	v13 =	vmul.f32 v13, v13;
	v18 =	vld [tilespmem:s24+$0xFFFFFF50];
	v4 =	vsub.f32 v24, v4  }
0x3e8: {  	v7 =	vmul.f32 v7, v7;
	v20 =	vsub.f32 v22, v20;
	v5 =	vadd.f32 $9.999999970e-07, v5;
	v22 =	vld [tilespmem:s24+$0xC0]  }
0x3e9: {  	v14 =	vadd.f32 v16, v14;
	v17 =	vmul.f32 v17, v17;
	v12 =	vmul.f32 v12, v12;
	v23 =	vld [tilespmem:s23+$0xFFFFFFC0]  }
0x3ea: {  	v20 =	vadd.f32 $9.999999970e-07, v20;
	v5 =	vmul.f32 v5, v5;
	v16 =	vld [tilespmem:s24+$0xFFFFFFC0];
	v19 =	vsub.f32 v25, v19  }
0x3eb: {  	v8 =	vadd.f32 v17, v8;
	v4 =	vadd.f32 $9.999999970e-07, v4;
	v24 =	vld [tilespmem:s24+$0xFFFFFF60]  }
0x3ec: {  	v5 =	vadd.f32 v7, v5;
	v17 =	vsub.f32 v18, v26;
	v18 =	vld [tilespmem:s23+$0xFFFFFFD0]  }
0x3ed: {  	v7 =	vadd.f32 v11, v14;
	v11 =	vmul.f32 v20, v20;
	v14 =	vsub.f32 v22, v21;
	v20 =	vld [tilespmem:s23+$0xD0]  }
0x3ee: {  	v10 =	vadd.f32 v10, v15;
	v4 =	vmul.f32 v4, v4;
	v15 =	vadd.f32 $9.999999970e-07, v17;
	v17 =	vld [tilespmem:s24+$0xD0]  }
0x3ef: {  	v7 =	vadd.f32 v9, v7;
	v9 =	vadd.f32 $9.999999970e-07, v19;
	v21 =	vld [tilespmem:s23+$0xFFFFFF70]  }
0x3f0: {  	v10 =	vadd.f32 v13, v10;
	v13 =	vmul.f32 v15, v15;
	v3 =	vsub.f32 v24, v3;
	v15 =	vld [tilespmem:s23+$0xE0]  }
0x3f1: {  	v6 =	vadd.f32 $9.999999970e-07, v6;
	v7 =	vadd.f32 v11, v7;
	v9 =	vmul.f32 v9, v9;
	v11 =	vld [tilespmem:s24+$0xE0]  }
0x3f2: {  	v10 =	vadd.f32 v12, v10;
	v4 =	vadd.f32 v4, v5;
	v12 =	vld [tilespmem:s24+$0xFFFFFFD0]  }
0x3f3: {  	v5 =	vmul.f32 v6, v6;
	v6 =	vadd.f32 $9.999999970e-07, v14;
	v14 =	vsub.f32 v17, v20;
	(xrf2) =	vadd.scan.msk.f32 $0xffff, v7  }
0x3f4: {  	v7 =	vadd.f32 v13, v10;
	v2 =	vsub.f32 v2, v21;
	v10 =	vld [tilespmem:s24+$0xF0]  }
0x3f5: {  	v3 =	vadd.f32 $9.999999970e-07, v3;
	v13 =	vadd.f32 v5, v8;
	v5 =	vmul.f32 v6, v6;
	v6 =	vld [tilespmem:s23+$0xF0]  }
0x3f6: {  	v4 =	vadd.f32 v9, v4;
	v8 =	vsub.f32 v11, v15  }
0x3f7: {  	v3 =	vmul.f32 v3, v3;
	v9 =	vsub.f32 v12, v18;
	v11 =	vld [tilespmem:s23+$0xFFFFFFE0];
	v12 =	vadd.f32 $9.999999970e-07, v14  }
0x3f8: {  	v14 =	vsub.f32 v16, v23;
	v15 =	vld [tilespmem:s24+$0xFFFFFFE0];
	v8 =	vadd.f32 $9.999999970e-07, v8  }
0x3f9: {  	v16 =	vadd.f32 v5, v4;
	v9 =	vadd.f32 $9.999999970e-07, v9;
	v12 =	vmul.f32 v12, v12  }
0x3fa: {  	v17 =	vadd.f32 v3, v7;
	v3 =	vld [tilespmem:s24+$0xFFFFFFF0];
	v18 =	vmul.f32 v8, v8;
	v6 =	vsub.f32 v10, v6  }
0x3fb: {  	v2 =	vadd.f32 $9.999999970e-07, v2;
	v4 =	vmul.f32 v9, v9;
	v5 =	vld [tilespmem:s23+$0xFFFFFFF0];
	v8 =	vadd.f32 v12, v16  }
.Ltmp8:
0x3fc: {  	v9 =	vadd.f32 $9.999999970e-07, v14;
	v6 =	vadd.f32 $9.999999970e-07, v6;
	(pc) =	sbr.rel @p1 .LBB2_20-.Ltmp8, $4  }
0x3fd: {  	v2 =	vmul.f32 v2, v2;
	v10 =	vsub.f32 v15, v11;
	v11 =	vadd.f32 v18, v8;
	v7, _, _ =	vpop (xrf2)  }
0x3fe: {  	v9 =	vmul.f32 v9, v9;
	v6 =	vmul.f32 v6, v6  }
0x3ff: {  	v8 =	vadd.f32 v2, v17;
	v10 =	vadd.f32 $9.999999970e-07, v10  }
0x400: {  	s24 =	sadd.s32 $0x200, s24;
	s23 =	sadd.s32 $0x200, s23;
	v9 =	vadd.f32 v9, v13;
	v6 =	vadd.f32 v6, v11  }
0x401: {  	v2 =	vsub.f32 v3, v5;
	_ =	sdelay $0x1  }
0x402: {  	v3 =	vmul.f32 v10, v10;
	v4 =	vadd.f32 v4, v9;
	v2 =	vadd.f32 $9.999999970e-07, v2;
	_ =	sdelay $0x1  }
0x403: {  	v3 =	vadd.f32 v3, v4;
	v2 =	vmul.f32 v2, v2  }
0x404: {  	(xrf2) =	vadd.scan.msk.f32 $0xffff, v6  }
0x405: {  	(xrf2) =	vadd.scan.msk.f32 $0xffff, v8;
	v2 =	vadd.f32 v2, v3;
	_ =	sdelay $0x1  }
0x406: {  	(xrf2) =	vadd.scan.msk.f32 $0xffff, v2;
	_ =	sdelay $0x6  }
0x407: {  	v2, _, _ =	vpop (xrf2)  }
0x408: {  	v3, _, _ =	vpop (xrf2)  }
0x409: {  	v59 =	vmov s21;
	v3 =	vbroadcast v3, $0xF  }
0x40a: {  	v60 =	vbroadcast v7, $0xF;
	s22 =	sadd.s32 $0x1, s21;
	vm0 =	veq.s32 v59, v0;
	v61, _, _ =	vpop (xrf2)  }
0x40b: {  	s24 =	sadd.s32 $0x2, s21;
	s25 =	sadd.s32 $0x3, s21;
	v1 =	vsel vm0, v3, v1;
	v3 =	vmov s22;
	v4 =	vbroadcast v61, $0xF  }
0x40c: {  	v62 =	vmov s25;
	vm14 =	veq.s32 v3, v0;
	v3 =	vmov s24  }
0x40d: {  	v2 =	vbroadcast v2, $0xF;
	vm15 =	veq.s32 v3, v0;
	v1 =	vsel vm14, v4, v1  }
0x40e: {  	vm1 =	veq.s32 v62, v0;
	v1 =	vsel vm15, v60, v1  }
0x40f: {  	v1 =	vsel vm1, v2, v1  }
0x410: {  	v2 =	vshra.s32 v1, $0x1;
	v3 =	vmul.f32 $5.000000000e-01, v1  }
0x411: {  	v2 =	vsub.s32 $0x5F3759DF, v2  }
0x412: {  	v63 =	vmul.f32 v2, v3;
	_ =	sdelay $0x1  }
0x413: {  	v4 =	vmul.f32 v2, v63;
	_ =	sdelay $0x1  }
0x414: {  	v4 =	vsub.f32 $1.500000000e+00, v4;
	_ =	sdelay $0x1  }
0x415: {  	v2 =	vmul.f32 v2, v4;
	_ =	sdelay $0x1  }
0x416: {  	v4 =	vmul.f32 v2, v3;
	_ =	sdelay $0x1  }
0x417: {  	v4 =	vmul.f32 v4, v2;
	_ =	sdelay $0x1  }
0x418: {  	v4 =	vsub.f32 $1.500000000e+00, v4;
	_ =	sdelay $0x1  }
0x419: {  	v2 =	vmul.f32 v4, v2;
	_ =	sdelay $0x1  }
0x41a: {  	v3 =	vmul.f32 v2, v3;
	_ =	sdelay $0x1  }
0x41b: {  	v3 =	vmul.f32 v3, v2;
	_ =	sdelay $0x1  }
0x41c: {  	v3 =	vsub.f32 $1.500000000e+00, v3;
	_ =	sdelay $0x1  }
0x41d: {  	v2 =	vmul.f32 v3, v2;
	_ =	sdelay $0x1  }
0x41e: {  	v1 =	vmul.f32 v2, v1;
	_ =	sdelay $0x1  }
0x41f: {  	v1 =	vadd.f32 $-1.000000000e+00, v1;
	_ =	sdelay $0x1  }
0x420: {  	v1 =	vmul.f32 $1.442695020e+00, v1;
	_ =	sdelay $0x1  }
0x421: {  	(erf) = vpow2.f32 v1;
	_ =	sdelay $0x8  }
0x422: {  	v1 =	vpop (erf)  }
0x423: {  	v1 =	vadd.f32 $1.000000000e+00, v1;
	_ =	sdelay $0x1  }
0x424: {  	(erf) = vrcp.f32 v1;
	_ =	sdelay $0x3  }
0x425: {  	s26 =	sshll.u32 s18, $0x4;
	s18 =	sadd.s32 $0x1, s18  }
0x426: {  	p1 =	sne.s32 s18, $0x5  }
.Ltmp9:
0x427: {  	_ = 	snop;
	(pc) =	sbr.rel @p1 .LBB2_19-.Ltmp9, $3  }
0x428: {  	_ =	sdelay $0x1  }
0x429: {  	s21 =	sand.u32 $0x3FFFFFF0, s26;
	v1 =	vpop (erf)  }
0x42a: {  	s19 =	sadd.s32 $0x800, s19;
	s20 =	sadd.s32 $0x800, s20;
	[tilespmem:s21+$0x1E040] =	vst v1  }
0x42b: {  	s18 =	sadd.s32 @!p0 $0x2D0, s17;
	s19 =	simm.s32 @!p0 $0x50;
	s20 =	simm.s32 @!p0 $0xEF00  }
0x42c: {  	[tilespmem:s20], [sflag:$0x5] =	stream.indirect.gather @!p0 [hbm4b:s5+s19], $0x80, s18, s19, $0xb8;
	[tilespmem:$0x1E100] =	vst v63  }
0x42d: {  	s16 =	sadd.s32 $0x1, s16;
	s18 =	sadd.s32 @!p0 $0x2A50, s17;
	s20 =	simm.s32 @!p0 $0x1B700  }
0x42e: {  	[tilespmem:s20], [sflag:$0x5] =	stream.indirect.gather @!p0 [hbm4b:s5+s19], $0x80, s18, s19, $0xb8;
	[tilespmem:$0x1E100] =	vst v63  }
0x42f: {  	s17 =	simm.s32 @p0 $0x2580;
	p0 =	sne.s32 s16, $0x19  }
.Ltmp10:
0x430: {  	_ = 	snop;
	(pc) =	sbr.rel @p0 .LBB2_2-.Ltmp10, $4  }
0x431: {  	s17 =	sadd.s32 s4, s17  }
0x432: {  	s17 =	sshrl.u32 s17, $0x3  }
0x433: {  	s17 =	sadd.s32 s2, s17  }
0x434: {  	[hbm4b:s17+s3] =	stream.linear.scatter [tilespmem:s13], [sflag:$0x6], $0x190, $0x38;
	[tilespmem:$0x1E100] =	vst v63  }
0x435: {  	s15 =	sadd.s32 $0x1, s15  }
0x436: {  	p0 =	sne.s32 s15, s8  }
.Ltmp11:
0x437: {  	_ = 	snop;
	(pc) =	sbr.rel @p0 .LBB2_1-.Ltmp11, $4  }
0x438: {  	_ = 	snop  }
0x439: {  	_ =	swait.ge [sflag:s14], $0x190  }
0x43a: {  	[sflag:s14] =	ssyncset.done $0x0  }
0x43b: {  	[sflag:s14] =	ssyncadd.s32 $0xFFFFFE70  }
0x43c: {  	_ =	sfence.sel $0x180000  }
0x43d: {  	[bflag:$0x0] =	sbarrier.arrive $0xFFFF  }
0x43e: {  	_ =	strace $0x90000047  }
0x43f: {  	s0 =	stileid.u32;
	[bflag:$0x2] =	sbarrier.arrive $0xFFFF  }
0x440: {  	p0 =	sne.s32 s0, $0x0;
	s0 =	rddreg [dreg:$0x2]  }
0x441: {  	s0 =	sadd.s32 @!p0 $0x100000, s0  }
0x442: {  	[sflag:s0] =	ssyncadd.tile.s32 @!p0 $0x1;
	_ =	shalt  }
.Lfunc_end2:
_tile_overlayer_lowered:
.L_overlay_start_2:
0x443: {  	(tag) =	ssettag $0x2  }
0x444: {  	s0 =	rddreg [dreg:$0x0];
	s2 =	stileid.u32  }
0x445: {  	s1 =	rddreg [dreg:$0x1];
	p0 =	sne.s32 s2, $0x0  }
0x446: {  	s3 =	rddreg [dreg:$0x2];
	[bflag:$0x3] =	sbarrier.arrive $0xFFFF;
	s2 =	simm.s32 @!p0 $0x1C07  }
0x447: {  	[timem:s3], [sflag:s2] =	dma.local @!p0 [hbm:s0], s1  }
0x448: {  	s0 =	simm.s32 @!p0 $0x7  }
0x449: {  	_ =	swait.ge @!p0 [sflag:s0], s1  }
0x44a: {  	s1 =	ssub.s32 @!p0 $0x0, s1;
	[sflag:s0] =	ssyncset.done @!p0 $0x0  }
0x44b: {  	[sflag:s0] =	ssyncadd.s32 @!p0 s1  }
0x44c: {  	[bflag:$0x3] =	sbarrier.arrive $0xFFFF  }
0x44d: {  	_ =	shalt  }

</sc_bundles>
